<compile_context>
chip_gen: v7x
topology: tpu7x:2x2x1
jax: 0.10.2.dev20260603
libtpu: 0.0.44.dev20260713+nightly
codegen_flags: <defaults>
</compile_context>

<pallas_src>
import jax
import jax.numpy as jnp
from jax import lax
from jax.experimental import pallas as pl
from jax.experimental.pallas import tpu as pltpu
from jax.experimental.pallas import tpu_sc as plsc

_NC = 2
_NS = 16
_L = 16
_NW = _NC * _NS
_B = 16384
_F = 32
_BPW = _B // _NW
_G = 4
_GR = 8
_TC = 128
_W = 4


def _body(user_hbm, item_hbm, uemb_hbm, iemb_hbm, out_hbm,
          vidx_u, vidx_i, tiles_u, tiles_v, out_v, sem):
    wid = lax.axis_index("s") * _NC + lax.axis_index("c")
    base = wid * _BPW
    lanes = lax.iota(jnp.int32, _L)

    pltpu.sync_copy(user_hbm.at[pl.ds(base, _BPW)], vidx_u.at[pl.ds(0, _BPW)])
    pltpu.sync_copy(item_hbm.at[pl.ds(base, _BPW)], vidx_i.at[pl.ds(0, _BPW)])
    vidx_u[pl.ds(_BPW, _L)] = jnp.zeros((_L,), jnp.int32)
    vidx_i[pl.ds(_BPW, _L)] = jnp.zeros((_L,), jnp.int32)

    nq = _BPW // _W
    ring = 3
    gq = _L // _W

    def fire(q, s):
        cu = vidx_u[pl.ds(q * _W, _L)]
        ci = vidx_i[pl.ds(q * _W, _L)]
        for r in range(_W):
            tu = jnp.right_shift(cu[r], 7)
            ti = jnp.right_shift(ci[r], 7)
            for g in range(_G):
                pltpu.async_copy(
                    uemb_hbm.at[g, :, pl.ds(tu * _TC, _TC)],
                    tiles_u.at[(s * _W + r) * _G + g], sem)
                pltpu.async_copy(
                    iemb_hbm.at[g, :, pl.ds(ti * _TC, _TC)],
                    tiles_v.at[(s * _W + r) * _G + g], sem)

    for q in range(ring - 1):
        fire(q, q % ring)

    def quarter(q, acc):
        @pl.when(q + ring - 1 < nq)
        def _():
            fire(q + ring - 1, (q + ring - 1) % ring)
        for _ in range(2 * _W * _G // 4):
            pltpu.make_async_copy(
                uemb_hbm.at[pl.ds(0, _G), :, pl.ds(0, _TC)],
                tiles_u.at[pl.ds(0, _G)], sem).wait()
        s = q % ring
        qq = jnp.bitwise_and(q, gq - 1)
        g16 = jnp.right_shift(q, 2)
        craw_u = vidx_u[pl.ds(g16 * _L, _L)]
        craw_i = vidx_i[pl.ds(g16 * _L, _L)]
        ccol_u = jnp.bitwise_and(craw_u, _TC - 1)
        ccol_i = jnp.bitwise_and(craw_i, _TC - 1)
        valid = (jnp.right_shift(lanes, 2) == qq)
        slot0 = (s * _W + jnp.clip(lanes - qq * _W, 0, _W - 1)) * _G
        wacc = jnp.zeros((_L,), jnp.float32)
        for f in range(_F):
            rsub = jnp.full((_L,), f % _GR, jnp.int32)
            gu = plsc.load_gather(tiles_u, [slot0 + f // _GR, rsub, ccol_u])
            gv = plsc.load_gather(tiles_v, [slot0 + f // _GR, rsub, ccol_i])
            wacc = wacc + gu * gv
        res = jnp.where(valid, wacc, acc)

        @pl.when(qq == gq - 1)
        def _():
            out_v[pl.ds(g16 * _L, _L)] = 1.0 / (1.0 + jnp.exp(-res))
        return res

    lax.fori_loop(0, nq, quarter, jnp.zeros((_L,), jnp.float32))

    pltpu.sync_copy(out_v, out_hbm.at[pl.ds(base, _BPW)])


def kernel(user, item, user_emb, item_emb):
    uemb3 = user_emb.T.reshape(_G, _GR, user_emb.shape[0])
    iemb3 = item_emb.T.reshape(_G, _GR, item_emb.shape[0])
    run = pl.kernel(
        _body,
        out_type=jax.ShapeDtypeStruct((_B,), jnp.float32),
        mesh=plsc.VectorSubcoreMesh(
            core_axis_name="c", subcore_axis_name="s",
            num_cores=_NC, num_subcores=_NS),
        scratch_types=[
            pltpu.VMEM((_BPW + _L,), jnp.int32),
            pltpu.VMEM((_BPW + _L,), jnp.int32),
            pltpu.VMEM((3 * _W * _G, _GR, _TC), jnp.float32),
            pltpu.VMEM((3 * _W * _G, _GR, _TC), jnp.float32),
            pltpu.VMEM((_BPW,), jnp.float32),
            pltpu.SemaphoreType.DMA,
        ],
        compiler_params=pltpu.CompilerParams(
            needs_layout_passes=False, use_tc_tiling_on_sc=True),
    )
    return run(user.astype(jnp.int32), item.astype(jnp.int32), uemb3, iemb3)

# --- scband reference (transcript-rebuilt; emitter-appended) ---
"""Pipeline reference for scband-so-rec-90649579749925 (READ-ONLY COPY).

The authoritative reference and input builder live on the scoring server;
editing this copy changes nothing except your own understanding.
"""

import jax, jax.numpy as jnp
import numpy as np

NUM_USERS = 1000000
NUM_ITEMS = 1000000
NUM_FACTORS = 32
BATCH = 16384


def setup_inputs(seed: int = 0) -> dict:
    key = jax.random.key(seed)
    k1, k2, k3, k4 = jax.random.split(key, 4)
    user = jax.random.randint(k1, (BATCH,), 0, NUM_USERS, dtype=jnp.int64 if jax.config.jax_enable_x64 else jnp.int32)
    item = jax.random.randint(k2, (BATCH,), 0, NUM_ITEMS, dtype=jnp.int64 if jax.config.jax_enable_x64 else jnp.int32)
    user_emb = jax.random.normal(k3, (NUM_USERS, NUM_FACTORS), dtype=jnp.float32)
    item_emb = jax.random.normal(k4, (NUM_ITEMS, NUM_FACTORS), dtype=jnp.float32)
    return {"user": user, "item": item, "user_emb": user_emb, "item_emb": item_emb}


def reference(user, item, user_emb, item_emb):
    # SoRec.rating: gather user and item embeddings, dot-product per row, sigmoid
    u = jnp.take(user_emb, user, axis=0)  # [B, F]
    v = jnp.take(item_emb, item, axis=0)  # [B, F]
    return jax.nn.sigmoid(jnp.sum(u * v, axis=1))  # [B]

if __name__ == "__main__":
    import jax
    _d = setup_inputs()
    print(jax.jit(kernel)(*tuple(_d.values())))

</pallas_src>

<mosaic_0001>
#map = affine_map<(d0, d1) -> (0)>
#map1 = affine_map<(d0, d1) -> (0, 0, 0)>
module attributes {stable_mosaic.version = 14 : i64} {
  func.func @_body(%arg0: i32, %arg1: i32, %arg2: memref<16384xi32, #tpu.memory_space<hbm>>, %arg3: memref<16384xi32, #tpu.memory_space<hbm>>, %arg4: memref<4x8x1000000xf32, #tpu.memory_space<hbm>>, %arg5: memref<4x8x1000000xf32, #tpu.memory_space<hbm>>, %arg6: memref<16384xf32, #tpu.memory_space<hbm>>, %arg7: memref<528xi32, #tpu.memory_space<vmem>>, %arg8: memref<528xi32, #tpu.memory_space<vmem>>, %arg9: memref<48x8x128xf32, #tpu.memory_space<vmem>>, %arg10: memref<48x8x128xf32, #tpu.memory_space<vmem>>, %arg11: memref<512xf32, #tpu.memory_space<vmem>>, %arg12: memref<!tpu.dma_semaphore, #tpu.memory_space<semaphore_mem>>) attributes {dimension_semantics = [#tpu.dimension_semantics<core_parallel>, #tpu.dimension_semantics<subcore_parallel>], iteration_bounds = array<i64: 2, 16>, scalar_prefetch = 0 : i64, scratch_operands = 6 : i64, tpu.core_type = #tpu.core_type<sc_vector_subcore>, window_params = [{transform_indices = #map}, {transform_indices = #map}, {transform_indices = #map1}, {transform_indices = #map1}, {transform_indices = #map}]} {
    %mul3A = arith.constant 2 : i32
    %mul3A_0 = arith.muli %arg1, %mul3A : i32
    %add3A = arith.addi %mul3A_0, %arg0 : i32
    %mul3A_1 = arith.constant 512 : i32
    %mul3A_2 = arith.muli %add3A, %mul3A_1 : i32
    %iota3A = tpu.iota {dimensions = array<i32: 0>} : vector<16xi32>
    "tpu.region"() ({
      %run_scoped3A = tpu.sem_alloc : memref<!tpu.dma_semaphore, #tpu.memory_space<semaphore_mem>>
      %dma_start3A_1235 = arith.constant 0 : i32
      %dma_start3A_1236 = tpu.memref_slice %arg7[%dma_start3A_1235] : memref<528xi32, #tpu.memory_space<vmem>> -> memref<512xi32, #tpu.memory_space<vmem>>
      %dma_start3A_1237 = tpu.memref_slice %arg2[%mul3A_2] : memref<16384xi32, #tpu.memory_space<hbm>> -> memref<512xi32, #tpu.memory_space<hbm>>
      %dma_start3A_1238 = arith.constant 0 : i32
      %dma_start3A_1239 = tpu.memref_slice %arg7[%dma_start3A_1238] : memref<528xi32, #tpu.memory_space<vmem>> -> memref<512xi32, #tpu.memory_space<vmem>>
      %dma_start3A_1240 = tpu.memref_slice %arg2[%mul3A_2] : memref<16384xi32, #tpu.memory_space<hbm>> -> memref<512xi32, #tpu.memory_space<hbm>>
      tpu.enqueue_dma source(%dma_start3A_1240 : memref<512xi32, #tpu.memory_space<hbm>>) target(%dma_start3A_1239 : memref<512xi32, #tpu.memory_space<vmem>>) target_semaphore(%run_scoped3A : memref<!tpu.dma_semaphore, #tpu.memory_space<semaphore_mem>>)
      %dma_wait3A = arith.constant 0 : i32
      %dma_wait3A_1241 = tpu.memref_slice %arg7[%dma_wait3A] : memref<528xi32, #tpu.memory_space<vmem>> -> memref<512xi32, #tpu.memory_space<vmem>>
      %dma_wait3A_1242 = tpu.memref_slice %arg2[%mul3A_2] : memref<16384xi32, #tpu.memory_space<hbm>> -> memref<512xi32, #tpu.memory_space<hbm>>
      %dma_wait3A_1243 = arith.constant 0 : i32
      %dma_wait3A_1244 = tpu.memref_slice %arg7[%dma_wait3A_1243] : memref<528xi32, #tpu.memory_space<vmem>> -> memref<512xi32, #tpu.memory_space<vmem>>
      %dma_wait3A_1245 = tpu.memref_slice %arg2[%mul3A_2] : memref<16384xi32, #tpu.memory_space<hbm>> -> memref<512xi32, #tpu.memory_space<hbm>>
      tpu.wait_dma2 semaphore(%run_scoped3A : memref<!tpu.dma_semaphore, #tpu.memory_space<semaphore_mem>>) src(%dma_wait3A_1245 : memref<512xi32, #tpu.memory_space<hbm>>) dst(%dma_wait3A_1244 : memref<512xi32, #tpu.memory_space<vmem>>)
      tpu.yield
    }) : () -> ()
    "tpu.region"() ({
      %run_scoped3A = tpu.sem_alloc : memref<!tpu.dma_semaphore, #tpu.memory_space<semaphore_mem>>
      %dma_start3A_1235 = arith.constant 0 : i32
      %dma_start3A_1236 = tpu.memref_slice %arg8[%dma_start3A_1235] : memref<528xi32, #tpu.memory_space<vmem>> -> memref<512xi32, #tpu.memory_space<vmem>>
      %dma_start3A_1237 = tpu.memref_slice %arg3[%mul3A_2] : memref<16384xi32, #tpu.memory_space<hbm>> -> memref<512xi32, #tpu.memory_space<hbm>>
      %dma_start3A_1238 = arith.constant 0 : i32
      %dma_start3A_1239 = tpu.memref_slice %arg8[%dma_start3A_1238] : memref<528xi32, #tpu.memory_space<vmem>> -> memref<512xi32, #tpu.memory_space<vmem>>
      %dma_start3A_1240 = tpu.memref_slice %arg3[%mul3A_2] : memref<16384xi32, #tpu.memory_space<hbm>> -> memref<512xi32, #tpu.memory_space<hbm>>
      tpu.enqueue_dma source(%dma_start3A_1240 : memref<512xi32, #tpu.memory_space<hbm>>) target(%dma_start3A_1239 : memref<512xi32, #tpu.memory_space<vmem>>) target_semaphore(%run_scoped3A : memref<!tpu.dma_semaphore, #tpu.memory_space<semaphore_mem>>)
      %dma_wait3A = arith.constant 0 : i32
      %dma_wait3A_1241 = tpu.memref_slice %arg8[%dma_wait3A] : memref<528xi32, #tpu.memory_space<vmem>> -> memref<512xi32, #tpu.memory_space<vmem>>
      %dma_wait3A_1242 = tpu.memref_slice %arg3[%mul3A_2] : memref<16384xi32, #tpu.memory_space<hbm>> -> memref<512xi32, #tpu.memory_space<hbm>>
      %dma_wait3A_1243 = arith.constant 0 : i32
      %dma_wait3A_1244 = tpu.memref_slice %arg8[%dma_wait3A_1243] : memref<528xi32, #tpu.memory_space<vmem>> -> memref<512xi32, #tpu.memory_space<vmem>>
      %dma_wait3A_1245 = tpu.memref_slice %arg3[%mul3A_2] : memref<16384xi32, #tpu.memory_space<hbm>> -> memref<512xi32, #tpu.memory_space<hbm>>
      tpu.wait_dma2 semaphore(%run_scoped3A : memref<!tpu.dma_semaphore, #tpu.memory_space<semaphore_mem>>) src(%dma_wait3A_1245 : memref<512xi32, #tpu.memory_space<hbm>>) dst(%dma_wait3A_1244 : memref<512xi32, #tpu.memory_space<vmem>>)
      tpu.yield
    }) : () -> ()
    %broadcast_in_dim3A = arith.constant 0 : i32
    %broadcast_in_dim3A_3 = vector.broadcast %broadcast_in_dim3A : i32 to vector<16xi32>
    %swap3A = arith.constant 512 : index
    %swap3A_4 = tpu.vector_load %arg7[%swap3A] {strides = array<i32>} : memref<528xi32, #tpu.memory_space<vmem>>, vector<16xi32>,
    tpu.vector_store %arg7[%swap3A], %broadcast_in_dim3A_3 {strides = array<i32>} : memref<528xi32, #tpu.memory_space<vmem>>, vector<16xi32>,
    %broadcast_in_dim3A_5 = arith.constant 0 : i32
    %broadcast_in_dim3A_6 = vector.broadcast %broadcast_in_dim3A_5 : i32 to vector<16xi32>
    %swap3A_7 = arith.constant 512 : index
    %swap3A_8 = tpu.vector_load %arg8[%swap3A_7] {strides = array<i32>} : memref<528xi32, #tpu.memory_space<vmem>>, vector<16xi32>,
    tpu.vector_store %arg8[%swap3A_7], %broadcast_in_dim3A_6 {strides = array<i32>} : memref<528xi32, #tpu.memory_space<vmem>>, vector<16xi32>,
    %get3A = arith.constant 0 : index
    %get3A_9 = tpu.vector_load %arg7[%get3A] {strides = array<i32>} : memref<528xi32, #tpu.memory_space<vmem>>, vector<16xi32>,
    %get3A_10 = arith.constant 0 : index
    %get3A_11 = tpu.vector_load %arg8[%get3A_10] {strides = array<i32>} : memref<528xi32, #tpu.memory_space<vmem>>, vector<16xi32>,
    %slice3A = vector.extract_strided_slice %get3A_9 {offsets = [0], sizes = [1], strides = [1]} : vector<16xi32> to vector<1xi32>
    %squeeze3A = vector.extract %slice3A[0] : i32 from vector<1xi32>
    %shift_right_arithmetic3A = arith.constant 7 : i32
    %shift_right_arithmetic3A_12 = arith.shrsi %squeeze3A, %shift_right_arithmetic3A : i32
    %slice3A_13 = vector.extract_strided_slice %get3A_11 {offsets = [0], sizes = [1], strides = [1]} : vector<16xi32> to vector<1xi32>
    %squeeze3A_14 = vector.extract %slice3A_13[0] : i32 from vector<1xi32>
    %shift_right_arithmetic3A_15 = arith.constant 7 : i32
    %shift_right_arithmetic3A_16 = arith.shrsi %squeeze3A_14, %shift_right_arithmetic3A_15 : i32
    %mul3A_17 = arith.constant 128 : i32
    %mul3A_18 = arith.muli %shift_right_arithmetic3A_12, %mul3A_17 : i32
    %dma_start3A = arith.constant 0 : i32
    %dma_start3A_19 = arith.constant 0 : i32
    %dma_start3A_20 = arith.constant 0 : i32
    %dma_start3A_21 = arith.constant 0 : i32
    %dma_start3A_22 = tpu.memref_slice %arg9[%dma_start3A_19, %dma_start3A_20, %dma_start3A_21] : memref<48x8x128xf32, #tpu.memory_space<vmem>> -> memref<1x8x128xf32, #tpu.memory_space<vmem>>
    %dma_start3A_23 = tpu.memref_squeeze %dma_start3A_22 : memref<1x8x128xf32, #tpu.memory_space<vmem>> -> memref<8x128xf32, #tpu.memory_space<vmem>>
    %dma_start3A_24 = arith.constant 0 : i32
    %dma_start3A_25 = tpu.memref_slice %arg4[%dma_start3A, %dma_start3A_24, %mul3A_18] : memref<4x8x1000000xf32, #tpu.memory_space<hbm>> -> memref<1x8x128xf32, #tpu.memory_space<hbm>>
    %dma_start3A_26 = tpu.memref_squeeze %dma_start3A_25 : memref<1x8x128xf32, #tpu.memory_space<hbm>> -> memref<8x128xf32, #tpu.memory_space<hbm>>
    %dma_start3A_27 = arith.constant 0 : i32
    %dma_start3A_28 = arith.constant 0 : i32
    %dma_start3A_29 = tpu.memref_slice %arg9[%dma_start3A_19, %dma_start3A_27, %dma_start3A_28] : memref<48x8x128xf32, #tpu.memory_space<vmem>> -> memref<1x8x128xf32, #tpu.memory_space<vmem>>
    %dma_start3A_30 = tpu.memref_squeeze %dma_start3A_29 : memref<1x8x128xf32, #tpu.memory_space<vmem>> -> memref<8x128xf32, #tpu.memory_space<vmem>>
    %dma_start3A_31 = arith.constant 0 : i32
    %dma_start3A_32 = tpu.memref_slice %arg4[%dma_start3A, %dma_start3A_31, %mul3A_18] : memref<4x8x1000000xf32, #tpu.memory_space<hbm>> -> memref<1x8x128xf32, #tpu.memory_space<hbm>>
    %dma_start3A_33 = tpu.memref_squeeze %dma_start3A_32 : memref<1x8x128xf32, #tpu.memory_space<hbm>> -> memref<8x128xf32, #tpu.memory_space<hbm>>
    tpu.enqueue_dma source(%dma_start3A_33 : memref<8x128xf32, #tpu.memory_space<hbm>>) target(%dma_start3A_30 : memref<8x128xf32, #tpu.memory_space<vmem>>) target_semaphore(%arg12 : memref<!tpu.dma_semaphore, #tpu.memory_space<semaphore_mem>>)
    %mul3A_34 = arith.constant 128 : i32
    %mul3A_35 = arith.muli %shift_right_arithmetic3A_16, %mul3A_34 : i32
    %dma_start3A_36 = arith.constant 0 : i32
    %dma_start3A_37 = arith.constant 0 : i32
    %dma_start3A_38 = arith.constant 0 : i32
    %dma_start3A_39 = arith.constant 0 : i32
    %dma_start3A_40 = tpu.memref_slice %arg10[%dma_start3A_37, %dma_start3A_38, %dma_start3A_39] : memref<48x8x128xf32, #tpu.memory_space<vmem>> -> memref<1x8x128xf32, #tpu.memory_space<vmem>>
    %dma_start3A_41 = tpu.memref_squeeze %dma_start3A_40 : memref<1x8x128xf32, #tpu.memory_space<vmem>> -> memref<8x128xf32, #tpu.memory_space<vmem>>
    %dma_start3A_42 = arith.constant 0 : i32
    %dma_start3A_43 = tpu.memref_slice %arg5[%dma_start3A_36, %dma_start3A_42, %mul3A_35] : memref<4x8x1000000xf32, #tpu.memory_space<hbm>> -> memref<1x8x128xf32, #tpu.memory_space<hbm>>
    %dma_start3A_44 = tpu.memref_squeeze %dma_start3A_43 : memref<1x8x128xf32, #tpu.memory_space<hbm>> -> memref<8x128xf32, #tpu.memory_space<hbm>>
    %dma_start3A_45 = arith.constant 0 : i32
    %dma_start3A_46 = arith.constant 0 : i32
    %dma_start3A_47 = tpu.memref_slice %arg10[%dma_start3A_37, %dma_start3A_45, %dma_start3A_46] : memref<48x8x128xf32, #tpu.memory_space<vmem>> -> memref<1x8x128xf32, #tpu.memory_space<vmem>>
    %dma_start3A_48 = tpu.memref_squeeze %dma_start3A_47 : memref<1x8x128xf32, #tpu.memory_space<vmem>> -> memref<8x128xf32, #tpu.memory_space<vmem>>
    %dma_start3A_49 = arith.constant 0 : i32
    %dma_start3A_50 = tpu.memref_slice %arg5[%dma_start3A_36, %dma_start3A_49, %mul3A_35] : memref<4x8x1000000xf32, #tpu.memory_space<hbm>> -> memref<1x8x128xf32, #tpu.memory_space<hbm>>
    %dma_start3A_51 = tpu.memref_squeeze %dma_start3A_50 : memref<1x8x128xf32, #tpu.memory_space<hbm>> -> memref<8x128xf32, #tpu.memory_space<hbm>>
    tpu.enqueue_dma source(%dma_start3A_51 : memref<8x128xf32, #tpu.memory_space<hbm>>) target(%dma_start3A_48 : memref<8x128xf32, #tpu.memory_space<vmem>>) target_semaphore(%arg12 : memref<!tpu.dma_semaphore, #tpu.memory_space<semaphore_mem>>)
    %mul3A_52 = arith.constant 128 : i32
    %mul3A_53 = arith.muli %shift_right_arithmetic3A_12, %mul3A_52 : i32
    %dma_start3A_54 = arith.constant 1 : i32
    %dma_start3A_55 = arith.constant 1 : i32
    %dma_start3A_56 = arith.constant 0 : i32
    %dma_start3A_57 = arith.constant 0 : i32
    %dma_start3A_58 = tpu.memref_slice %arg9[%dma_start3A_55, %dma_start3A_56, %dma_start3A_57] : memref<48x8x128xf32, #tpu.memory_space<vmem>> -> memref<1x8x128xf32, #tpu.memory_space<vmem>>
    %dma_start3A_59 = tpu.memref_squeeze %dma_start3A_58 : memref<1x8x128xf32, #tpu.memory_space<vmem>> -> memref<8x128xf32, #tpu.memory_space<vmem>>
    %dma_start3A_60 = arith.constant 0 : i32
    %dma_start3A_61 = tpu.memref_slice %arg4[%dma_start3A_54, %dma_start3A_60, %mul3A_53] : memref<4x8x1000000xf32, #tpu.memory_space<hbm>> -> memref<1x8x128xf32, #tpu.memory_space<hbm>>
    %dma_start3A_62 = tpu.memref_squeeze %dma_start3A_61 : memref<1x8x128xf32, #tpu.memory_space<hbm>> -> memref<8x128xf32, #tpu.memory_space<hbm>>
    %dma_start3A_63 = arith.constant 0 : i32
    %dma_start3A_64 = arith.constant 0 : i32
    %dma_start3A_65 = tpu.memref_slice %arg9[%dma_start3A_55, %dma_start3A_63, %dma_start3A_64] : memref<48x8x128xf32, #tpu.memory_space<vmem>> -> memref<1x8x128xf32, #tpu.memory_space<vmem>>
    %dma_start3A_66 = tpu.memref_squeeze %dma_start3A_65 : memref<1x8x128xf32, #tpu.memory_space<vmem>> -> memref<8x128xf32, #tpu.memory_space<vmem>>
    %dma_start3A_67 = arith.constant 0 : i32
    %dma_start3A_68 = tpu.memref_slice %arg4[%dma_start3A_54, %dma_start3A_67, %mul3A_53] : memref<4x8x1000000xf32, #tpu.memory_space<hbm>> -> memref<1x8x128xf32, #tpu.memory_space<hbm>>
    %dma_start3A_69 = tpu.memref_squeeze %dma_start3A_68 : memref<1x8x128xf32, #tpu.memory_space<hbm>> -> memref<8x128xf32, #tpu.memory_space<hbm>>
    tpu.enqueue_dma source(%dma_start3A_69 : memref<8x128xf32, #tpu.memory_space<hbm>>) target(%dma_start3A_66 : memref<8x128xf32, #tpu.memory_space<vmem>>) target_semaphore(%arg12 : memref<!tpu.dma_semaphore, #tpu.memory_space<semaphore_mem>>)
    %mul3A_70 = arith.constant 128 : i32
    %mul3A_71 = arith.muli %shift_right_arithmetic3A_16, %mul3A_70 : i32
    %dma_start3A_72 = arith.constant 1 : i32
    %dma_start3A_73 = arith.constant 1 : i32
    %dma_start3A_74 = arith.constant 0 : i32
    %dma_start3A_75 = arith.constant 0 : i32
    %dma_start3A_76 = tpu.memref_slice %arg10[%dma_start3A_73, %dma_start3A_74, %dma_start3A_75] : memref<48x8x128xf32, #tpu.memory_space<vmem>> -> memref<1x8x128xf32, #tpu.memory_space<vmem>>
    %dma_start3A_77 = tpu.memref_squeeze %dma_start3A_76 : memref<1x8x128xf32, #tpu.memory_space<vmem>> -> memref<8x128xf32, #tpu.memory_space<vmem>>
    %dma_start3A_78 = arith.constant 0 : i32
    %dma_start3A_79 = tpu.memref_slice %arg5[%dma_start3A_72, %dma_start3A_78, %mul3A_71] : memref<4x8x1000000xf32, #tpu.memory_space<hbm>> -> memref<1x8x128xf32, #tpu.memory_space<hbm>>
    %dma_start3A_80 = tpu.memref_squeeze %dma_start3A_79 : memref<1x8x128xf32, #tpu.memory_space<hbm>> -> memref<8x128xf32, #tpu.memory_space<hbm>>
    %dma_start3A_81 = arith.constant 0 : i32
    %dma_start3A_82 = arith.constant 0 : i32
    %dma_start3A_83 = tpu.memref_slice %arg10[%dma_start3A_73, %dma_start3A_81, %dma_start3A_82] : memref<48x8x128xf32, #tpu.memory_space<vmem>> -> memref<1x8x128xf32, #tpu.memory_space<vmem>>
    %dma_start3A_84 = tpu.memref_squeeze %dma_start3A_83 : memref<1x8x128xf32, #tpu.memory_space<vmem>> -> memref<8x128xf32, #tpu.memory_space<vmem>>
    %dma_start3A_85 = arith.constant 0 : i32
    %dma_start3A_86 = tpu.memref_slice %arg5[%dma_start3A_72, %dma_start3A_85, %mul3A_71] : memref<4x8x1000000xf32, #tpu.memory_space<hbm>> -> memref<1x8x128xf32, #tpu.memory_space<hbm>>
    %dma_start3A_87 = tpu.memref_squeeze %dma_start3A_86 : memref<1x8x128xf32, #tpu.memory_space<hbm>> -> memref<8x128xf32, #tpu.memory_space<hbm>>
    tpu.enqueue_dma source(%dma_start3A_87 : memref<8x128xf32, #tpu.memory_space<hbm>>) target(%dma_start3A_84 : memref<8x128xf32, #tpu.memory_space<vmem>>) target_semaphore(%arg12 : memref<!tpu.dma_semaphore, #tpu.memory_space<semaphore_mem>>)
    %mul3A_88 = arith.constant 128 : i32
    %mul3A_89 = arith.muli %shift_right_arithmetic3A_12, %mul3A_88 : i32
    %dma_start3A_90 = arith.constant 2 : i32
    %dma_start3A_91 = arith.constant 2 : i32
    %dma_start3A_92 = arith.constant 0 : i32
    %dma_start3A_93 = arith.constant 0 : i32
    %dma_start3A_94 = tpu.memref_slice %arg9[%dma_start3A_91, %dma_start3A_92, %dma_start3A_93] : memref<48x8x128xf32, #tpu.memory_space<vmem>> -> memref<1x8x128xf32, #tpu.memory_space<vmem>>
    %dma_start3A_95 = tpu.memref_squeeze %dma_start3A_94 : memref<1x8x128xf32, #tpu.memory_space<vmem>> -> memref<8x128xf32, #tpu.memory_space<vmem>>
    %dma_start3A_96 = arith.constant 0 : i32
    %dma_start3A_97 = tpu.memref_slice %arg4[%dma_start3A_90, %dma_start3A_96, %mul3A_89] : memref<4x8x1000000xf32, #tpu.memory_space<hbm>> -> memref<1x8x128xf32, #tpu.memory_space<hbm>>
    %dma_start3A_98 = tpu.memref_squeeze %dma_start3A_97 : memref<1x8x128xf32, #tpu.memory_space<hbm>> -> memref<8x128xf32, #tpu.memory_space<hbm>>
    %dma_start3A_99 = arith.constant 0 : i32
    %dma_start3A_100 = arith.constant 0 : i32
    %dma_start3A_101 = tpu.memref_slice %arg9[%dma_start3A_91, %dma_start3A_99, %dma_start3A_100] : memref<48x8x128xf32, #tpu.memory_space<vmem>> -> memref<1x8x128xf32, #tpu.memory_space<vmem>>
    %dma_start3A_102 = tpu.memref_squeeze %dma_start3A_101 : memref<1x8x128xf32, #tpu.memory_space<vmem>> -> memref<8x128xf32, #tpu.memory_space<vmem>>
    %dma_start3A_103 = arith.constant 0 : i32
    %dma_start3A_104 = tpu.memref_slice %arg4[%dma_start3A_90, %dma_start3A_103, %mul3A_89] : memref<4x8x1000000xf32, #tpu.memory_space<hbm>> -> memref<1x8x128xf32, #tpu.memory_space<hbm>>
    %dma_start3A_105 = tpu.memref_squeeze %dma_start3A_104 : memref<1x8x128xf32, #tpu.memory_space<hbm>> -> memref<8x128xf32, #tpu.memory_space<hbm>>
    tpu.enqueue_dma source(%dma_start3A_105 : memref<8x128xf32, #tpu.memory_space<hbm>>) target(%dma_start3A_102 : memref<8x128xf32, #tpu.memory_space<vmem>>) target_semaphore(%arg12 : memref<!tpu.dma_semaphore, #tpu.memory_space<semaphore_mem>>)
    %mul3A_106 = arith.constant 128 : i32
    %mul3A_107 = arith.muli %shift_right_arithmetic3A_16, %mul3A_106 : i32
    %dma_start3A_108 = arith.constant 2 : i32
    %dma_start3A_109 = arith.constant 2 : i32
    %dma_start3A_110 = arith.constant 0 : i32
    %dma_start3A_111 = arith.constant 0 : i32
    %dma_start3A_112 = tpu.memref_slice %arg10[%dma_start3A_109, %dma_start3A_110, %dma_start3A_111] : memref<48x8x128xf32, #tpu.memory_space<vmem>> -> memref<1x8x128xf32, #tpu.memory_space<vmem>>
    %dma_start3A_113 = tpu.memref_squeeze %dma_start3A_112 : memref<1x8x128xf32, #tpu.memory_space<vmem>> -> memref<8x128xf32, #tpu.memory_space<vmem>>
    %dma_start3A_114 = arith.constant 0 : i32
    %dma_start3A_115 = tpu.memref_slice %arg5[%dma_start3A_108, %dma_start3A_114, %mul3A_107] : memref<4x8x1000000xf32, #tpu.memory_space<hbm>> -> memref<1x8x128xf32, #tpu.memory_space<hbm>>
    %dma_start3A_116 = tpu.memref_squeeze %dma_start3A_115 : memref<1x8x128xf32, #tpu.memory_space<hbm>> -> memref<8x128xf32, #tpu.memory_space<hbm>>
    %dma_start3A_117 = arith.constant 0 : i32
    %dma_start3A_118 = arith.constant 0 : i32
    %dma_start3A_119 = tpu.memref_slice %arg10[%dma_start3A_109, %dma_start3A_117, %dma_start3A_118] : memref<48x8x128xf32, #tpu.memory_space<vmem>> -> memref<1x8x128xf32, #tpu.memory_space<vmem>>
    %dma_start3A_120 = tpu.memref_squeeze %dma_start3A_119 : memref<1x8x128xf32, #tpu.memory_space<vmem>> -> memref<8x128xf32, #tpu.memory_space<vmem>>
    %dma_start3A_121 = arith.constant 0 : i32
    %dma_start3A_122 = tpu.memref_slice %arg5[%dma_start3A_108, %dma_start3A_121, %mul3A_107] : memref<4x8x1000000xf32, #tpu.memory_space<hbm>> -> memref<1x8x128xf32, #tpu.memory_space<hbm>>
    %dma_start3A_123 = tpu.memref_squeeze %dma_start3A_122 : memref<1x8x128xf32, #tpu.memory_space<hbm>> -> memref<8x128xf32, #tpu.memory_space<hbm>>
    tpu.enqueue_dma source(%dma_start3A_123 : memref<8x128xf32, #tpu.memory_space<hbm>>) target(%dma_start3A_120 : memref<8x128xf32, #tpu.memory_space<vmem>>) target_semaphore(%arg12 : memref<!tpu.dma_semaphore, #tpu.memory_space<semaphore_mem>>)
    %mul3A_124 = arith.constant 128 : i32
    %mul3A_125 = arith.muli %shift_right_arithmetic3A_12, %mul3A_124 : i32
    %dma_start3A_126 = arith.constant 3 : i32
    %dma_start3A_127 = arith.constant 3 : i32
    %dma_start3A_128 = arith.constant 0 : i32
    %dma_start3A_129 = arith.constant 0 : i32
    %dma_start3A_130 = tpu.memref_slice %arg9[%dma_start3A_127, %dma_start3A_128, %dma_start3A_129] : memref<48x8x128xf32, #tpu.memory_space<vmem>> -> memref<1x8x128xf32, #tpu.memory_space<vmem>>
    %dma_start3A_131 = tpu.memref_squeeze %dma_start3A_130 : memref<1x8x128xf32, #tpu.memory_space<vmem>> -> memref<8x128xf32, #tpu.memory_space<vmem>>
    %dma_start3A_132 = arith.constant 0 : i32
    %dma_start3A_133 = tpu.memref_slice %arg4[%dma_start3A_126, %dma_start3A_132, %mul3A_125] : memref<4x8x1000000xf32, #tpu.memory_space<hbm>> -> memref<1x8x128xf32, #tpu.memory_space<hbm>>
    %dma_start3A_134 = tpu.memref_squeeze %dma_start3A_133 : memref<1x8x128xf32, #tpu.memory_space<hbm>> -> memref<8x128xf32, #tpu.memory_space<hbm>>
    %dma_start3A_135 = arith.constant 0 : i32
    %dma_start3A_136 = arith.constant 0 : i32
    %dma_start3A_137 = tpu.memref_slice %arg9[%dma_start3A_127, %dma_start3A_135, %dma_start3A_136] : memref<48x8x128xf32, #tpu.memory_space<vmem>> -> memref<1x8x128xf32, #tpu.memory_space<vmem>>
    %dma_start3A_138 = tpu.memref_squeeze %dma_start3A_137 : memref<1x8x128xf32, #tpu.memory_space<vmem>> -> memref<8x128xf32, #tpu.memory_space<vmem>>
    %dma_start3A_139 = arith.constant 0 : i32
    %dma_start3A_140 = tpu.memref_slice %arg4[%dma_start3A_126, %dma_start3A_139, %mul3A_125] : memref<4x8x1000000xf32, #tpu.memory_space<hbm>> -> memref<1x8x128xf32, #tpu.memory_space<hbm>>
    %dma_start3A_141 = tpu.memref_squeeze %dma_start3A_140 : memref<1x8x128xf32, #tpu.memory_space<hbm>> -> memref<8x128xf32, #tpu.memory_space<hbm>>
    tpu.enqueue_dma source(%dma_start3A_141 : memref<8x128xf32, #tpu.memory_space<hbm>>) target(%dma_start3A_138 : memref<8x128xf32, #tpu.memory_space<vmem>>) target_semaphore(%arg12 : memref<!tpu.dma_semaphore, #tpu.memory_space<semaphore_mem>>)
    %mul3A_142 = arith.constant 128 : i32
    %mul3A_143 = arith.muli %shift_right_arithmetic3A_16, %mul3A_142 : i32
    %dma_start3A_144 = arith.constant 3 : i32
    %dma_start3A_145 = arith.constant 3 : i32
    %dma_start3A_146 = arith.constant 0 : i32
    %dma_start3A_147 = arith.constant 0 : i32
    %dma_start3A_148 = tpu.memref_slice %arg10[%dma_start3A_145, %dma_start3A_146, %dma_start3A_147] : memref<48x8x128xf32, #tpu.memory_space<vmem>> -> memref<1x8x128xf32, #tpu.memory_space<vmem>>
    %dma_start3A_149 = tpu.memref_squeeze %dma_start3A_148 : memref<1x8x128xf32, #tpu.memory_space<vmem>> -> memref<8x128xf32, #tpu.memory_space<vmem>>
    %dma_start3A_150 = arith.constant 0 : i32
    %dma_start3A_151 = tpu.memref_slice %arg5[%dma_start3A_144, %dma_start3A_150, %mul3A_143] : memref<4x8x1000000xf32, #tpu.memory_space<hbm>> -> memref<1x8x128xf32, #tpu.memory_space<hbm>>
    %dma_start3A_152 = tpu.memref_squeeze %dma_start3A_151 : memref<1x8x128xf32, #tpu.memory_space<hbm>> -> memref<8x128xf32, #tpu.memory_space<hbm>>
    %dma_start3A_153 = arith.constant 0 : i32
    %dma_start3A_154 = arith.constant 0 : i32
    %dma_start3A_155 = tpu.memref_slice %arg10[%dma_start3A_145, %dma_start3A_153, %dma_start3A_154] : memref<48x8x128xf32, #tpu.memory_space<vmem>> -> memref<1x8x128xf32, #tpu.memory_space<vmem>>
    %dma_start3A_156 = tpu.memref_squeeze %dma_start3A_155 : memref<1x8x128xf32, #tpu.memory_space<vmem>> -> memref<8x128xf32, #tpu.memory_space<vmem>>
    %dma_start3A_157 = arith.constant 0 : i32
    %dma_start3A_158 = tpu.memref_slice %arg5[%dma_start3A_144, %dma_start3A_157, %mul3A_143] : memref<4x8x1000000xf32, #tpu.memory_space<hbm>> -> memref<1x8x128xf32, #tpu.memory_space<hbm>>
    %dma_start3A_159 = tpu.memref_squeeze %dma_start3A_158 : memref<1x8x128xf32, #tpu.memory_space<hbm>> -> memref<8x128xf32, #tpu.memory_space<hbm>>
    tpu.enqueue_dma source(%dma_start3A_159 : memref<8x128xf32, #tpu.memory_space<hbm>>) target(%dma_start3A_156 : memref<8x128xf32, #tpu.memory_space<vmem>>) target_semaphore(%arg12 : memref<!tpu.dma_semaphore, #tpu.memory_space<semaphore_mem>>)
    %slice3A_160 = vector.extract_strided_slice %get3A_9 {offsets = [1], sizes = [1], strides = [1]} : vector<16xi32> to vector<1xi32>
    %squeeze3A_161 = vector.extract %slice3A_160[0] : i32 from vector<1xi32>
    %shift_right_arithmetic3A_162 = arith.constant 7 : i32
    %shift_right_arithmetic3A_163 = arith.shrsi %squeeze3A_161, %shift_right_arithmetic3A_162 : i32
    %slice3A_164 = vector.extract_strided_slice %get3A_11 {offsets = [1], sizes = [1], strides = [1]} : vector<16xi32> to vector<1xi32>
    %squeeze3A_165 = vector.extract %slice3A_164[0] : i32 from vector<1xi32>
    %shift_right_arithmetic3A_166 = arith.constant 7 : i32
    %shift_right_arithmetic3A_167 = arith.shrsi %squeeze3A_165, %shift_right_arithmetic3A_166 : i32
    %mul3A_168 = arith.constant 128 : i32
    %mul3A_169 = arith.muli %shift_right_arithmetic3A_163, %mul3A_168 : i32
    %dma_start3A_170 = arith.constant 0 : i32
    %dma_start3A_171 = arith.constant 4 : i32
    %dma_start3A_172 = arith.constant 0 : i32
    %dma_start3A_173 = arith.constant 0 : i32
    %dma_start3A_174 = tpu.memref_slice %arg9[%dma_start3A_171, %dma_start3A_172, %dma_start3A_173] : memref<48x8x128xf32, #tpu.memory_space<vmem>> -> memref<1x8x128xf32, #tpu.memory_space<vmem>>
    %dma_start3A_175 = tpu.memref_squeeze %dma_start3A_174 : memref<1x8x128xf32, #tpu.memory_space<vmem>> -> memref<8x128xf32, #tpu.memory_space<vmem>>
    %dma_start3A_176 = arith.constant 0 : i32
    %dma_start3A_177 = tpu.memref_slice %arg4[%dma_start3A_170, %dma_start3A_176, %mul3A_169] : memref<4x8x1000000xf32, #tpu.memory_space<hbm>> -> memref<1x8x128xf32, #tpu.memory_space<hbm>>
    %dma_start3A_178 = tpu.memref_squeeze %dma_start3A_177 : memref<1x8x128xf32, #tpu.memory_space<hbm>> -> memref<8x128xf32, #tpu.memory_space<hbm>>
    %dma_start3A_179 = arith.constant 0 : i32
    %dma_start3A_180 = arith.constant 0 : i32
    %dma_start3A_181 = tpu.memref_slice %arg9[%dma_start3A_171, %dma_start3A_179, %dma_start3A_180] : memref<48x8x128xf32, #tpu.memory_space<vmem>> -> memref<1x8x128xf32, #tpu.memory_space<vmem>>
    %dma_start3A_182 = tpu.memref_squeeze %dma_start3A_181 : memref<1x8x128xf32, #tpu.memory_space<vmem>> -> memref<8x128xf32, #tpu.memory_space<vmem>>
    %dma_start3A_183 = arith.constant 0 : i32
    %dma_start3A_184 = tpu.memref_slice %arg4[%dma_start3A_170, %dma_start3A_183, %mul3A_169] : memref<4x8x1000000xf32, #tpu.memory_space<hbm>> -> memref<1x8x128xf32, #tpu.memory_space<hbm>>
    %dma_start3A_185 = tpu.memref_squeeze %dma_start3A_184 : memref<1x8x128xf32, #tpu.memory_space<hbm>> -> memref<8x128xf32, #tpu.memory_space<hbm>>
    tpu.enqueue_dma source(%dma_start3A_185 : memref<8x128xf32, #tpu.memory_space<hbm>>) target(%dma_start3A_182 : memref<8x128xf32, #tpu.memory_space<vmem>>) target_semaphore(%arg12 : memref<!tpu.dma_semaphore, #tpu.memory_space<semaphore_mem>>)
    %mul3A_186 = arith.constant 128 : i32
    %mul3A_187 = arith.muli %shift_right_arithmetic3A_167, %mul3A_186 : i32
    %dma_start3A_188 = arith.constant 0 : i32
    %dma_start3A_189 = arith.constant 4 : i32
    %dma_start3A_190 = arith.constant 0 : i32
    %dma_start3A_191 = arith.constant 0 : i32
    %dma_start3A_192 = tpu.memref_slice %arg10[%dma_start3A_189, %dma_start3A_190, %dma_start3A_191] : memref<48x8x128xf32, #tpu.memory_space<vmem>> -> memref<1x8x128xf32, #tpu.memory_space<vmem>>
    %dma_start3A_193 = tpu.memref_squeeze %dma_start3A_192 : memref<1x8x128xf32, #tpu.memory_space<vmem>> -> memref<8x128xf32, #tpu.memory_space<vmem>>
    %dma_start3A_194 = arith.constant 0 : i32
    %dma_start3A_195 = tpu.memref_slice %arg5[%dma_start3A_188, %dma_start3A_194, %mul3A_187] : memref<4x8x1000000xf32, #tpu.memory_space<hbm>> -> memref<1x8x128xf32, #tpu.memory_space<hbm>>
    %dma_start3A_196 = tpu.memref_squeeze %dma_start3A_195 : memref<1x8x128xf32, #tpu.memory_space<hbm>> -> memref<8x128xf32, #tpu.memory_space<hbm>>
    %dma_start3A_197 = arith.constant 0 : i32
    %dma_start3A_198 = arith.constant 0 : i32
    %dma_start3A_199 = tpu.memref_slice %arg10[%dma_start3A_189, %dma_start3A_197, %dma_start3A_198] : memref<48x8x128xf32, #tpu.memory_space<vmem>> -> memref<1x8x128xf32, #tpu.memory_space<vmem>>
    %dma_start3A_200 = tpu.memref_squeeze %dma_start3A_199 : memref<1x8x128xf32, #tpu.memory_space<vmem>> -> memref<8x128xf32, #tpu.memory_space<vmem>>
    %dma_start3A_201 = arith.constant 0 : i32
    %dma_start3A_202 = tpu.memref_slice %arg5[%dma_start3A_188, %dma_start3A_201, %mul3A_187] : memref<4x8x1000000xf32, #tpu.memory_space<hbm>> -> memref<1x8x128xf32, #tpu.memory_space<hbm>>
    %dma_start3A_203 = tpu.memref_squeeze %dma_start3A_202 : memref<1x8x128xf32, #tpu.memory_space<hbm>> -> memref<8x128xf32, #tpu.memory_space<hbm>>
    tpu.enqueue_dma source(%dma_start3A_203 : memref<8x128xf32, #tpu.memory_space<hbm>>) target(%dma_start3A_200 : memref<8x128xf32, #tpu.memory_space<vmem>>) target_semaphore(%arg12 : memref<!tpu.dma_semaphore, #tpu.memory_space<semaphore_mem>>)
    %mul3A_204 = arith.constant 128 : i32
    %mul3A_205 = arith.muli %shift_right_arithmetic3A_163, %mul3A_204 : i32
    %dma_start3A_206 = arith.constant 1 : i32
    %dma_start3A_207 = arith.constant 5 : i32
    %dma_start3A_208 = arith.constant 0 : i32
    %dma_start3A_209 = arith.constant 0 : i32
    %dma_start3A_210 = tpu.memref_slice %arg9[%dma_start3A_207, %dma_start3A_208, %dma_start3A_209] : memref<48x8x128xf32, #tpu.memory_space<vmem>> -> memref<1x8x128xf32, #tpu.memory_space<vmem>>
    %dma_start3A_211 = tpu.memref_squeeze %dma_start3A_210 : memref<1x8x128xf32, #tpu.memory_space<vmem>> -> memref<8x128xf32, #tpu.memory_space<vmem>>
    %dma_start3A_212 = arith.constant 0 : i32
    %dma_start3A_213 = tpu.memref_slice %arg4[%dma_start3A_206, %dma_start3A_212, %mul3A_205] : memref<4x8x1000000xf32, #tpu.memory_space<hbm>> -> memref<1x8x128xf32, #tpu.memory_space<hbm>>
    %dma_start3A_214 = tpu.memref_squeeze %dma_start3A_213 : memref<1x8x128xf32, #tpu.memory_space<hbm>> -> memref<8x128xf32, #tpu.memory_space<hbm>>
    %dma_start3A_215 = arith.constant 0 : i32
    %dma_start3A_216 = arith.constant 0 : i32
    %dma_start3A_217 = tpu.memref_slice %arg9[%dma_start3A_207, %dma_start3A_215, %dma_start3A_216] : memref<48x8x128xf32, #tpu.memory_space<vmem>> -> memref<1x8x128xf32, #tpu.memory_space<vmem>>
    %dma_start3A_218 = tpu.memref_squeeze %dma_start3A_217 : memref<1x8x128xf32, #tpu.memory_space<vmem>> -> memref<8x128xf32, #tpu.memory_space<vmem>>
    %dma_start3A_219 = arith.constant 0 : i32
    %dma_start3A_220 = tpu.memref_slice %arg4[%dma_start3A_206, %dma_start3A_219, %mul3A_205] : memref<4x8x1000000xf32, #tpu.memory_space<hbm>> -> memref<1x8x128xf32, #tpu.memory_space<hbm>>
    %dma_start3A_221 = tpu.memref_squeeze %dma_start3A_220 : memref<1x8x128xf32, #tpu.memory_space<hbm>> -> memref<8x128xf32, #tpu.memory_space<hbm>>
    tpu.enqueue_dma source(%dma_start3A_221 : memref<8x128xf32, #tpu.memory_space<hbm>>) target(%dma_start3A_218 : memref<8x128xf32, #tpu.memory_space<vmem>>) target_semaphore(%arg12 : memref<!tpu.dma_semaphore, #tpu.memory_space<semaphore_mem>>)
    %mul3A_222 = arith.constant 128 : i32
    %mul3A_223 = arith.muli %shift_right_arithmetic3A_167, %mul3A_222 : i32
    %dma_start3A_224 = arith.constant 1 : i32
    %dma_start3A_225 = arith.constant 5 : i32
    %dma_start3A_226 = arith.constant 0 : i32
    %dma_start3A_227 = arith.constant 0 : i32
    %dma_start3A_228 = tpu.memref_slice %arg10[%dma_start3A_225, %dma_start3A_226, %dma_start3A_227] : memref<48x8x128xf32, #tpu.memory_space<vmem>> -> memref<1x8x128xf32, #tpu.memory_space<vmem>>
    %dma_start3A_229 = tpu.memref_squeeze %dma_start3A_228 : memref<1x8x128xf32, #tpu.memory_space<vmem>> -> memref<8x128xf32, #tpu.memory_space<vmem>>
    %dma_start3A_230 = arith.constant 0 : i32
    %dma_start3A_231 = tpu.memref_slice %arg5[%dma_start3A_224, %dma_start3A_230, %mul3A_223] : memref<4x8x1000000xf32, #tpu.memory_space<hbm>> -> memref<1x8x128xf32, #tpu.memory_space<hbm>>
    %dma_start3A_232 = tpu.memref_squeeze %dma_start3A_231 : memref<1x8x128xf32, #tpu.memory_space<hbm>> -> memref<8x128xf32, #tpu.memory_space<hbm>>
    %dma_start3A_233 = arith.constant 0 : i32
    %dma_start3A_234 = arith.constant 0 : i32
    %dma_start3A_235 = tpu.memref_slice %arg10[%dma_start3A_225, %dma_start3A_233, %dma_start3A_234] : memref<48x8x128xf32, #tpu.memory_space<vmem>> -> memref<1x8x128xf32, #tpu.memory_space<vmem>>
    %dma_start3A_236 = tpu.memref_squeeze %dma_start3A_235 : memref<1x8x128xf32, #tpu.memory_space<vmem>> -> memref<8x128xf32, #tpu.memory_space<vmem>>
    %dma_start3A_237 = arith.constant 0 : i32
    %dma_start3A_238 = tpu.memref_slice %arg5[%dma_start3A_224, %dma_start3A_237, %mul3A_223] : memref<4x8x1000000xf32, #tpu.memory_space<hbm>> -> memref<1x8x128xf32, #tpu.memory_space<hbm>>
    %dma_start3A_239 = tpu.memref_squeeze %dma_start3A_238 : memref<1x8x128xf32, #tpu.memory_space<hbm>> -> memref<8x128xf32, #tpu.memory_space<hbm>>
    tpu.enqueue_dma source(%dma_start3A_239 : memref<8x128xf32, #tpu.memory_space<hbm>>) target(%dma_start3A_236 : memref<8x128xf32, #tpu.memory_space<vmem>>) target_semaphore(%arg12 : memref<!tpu.dma_semaphore, #tpu.memory_space<semaphore_mem>>)
    %mul3A_240 = arith.constant 128 : i32
    %mul3A_241 = arith.muli %shift_right_arithmetic3A_163, %mul3A_240 : i32
    %dma_start3A_242 = arith.constant 2 : i32
    %dma_start3A_243 = arith.constant 6 : i32
    %dma_start3A_244 = arith.constant 0 : i32
    %dma_start3A_245 = arith.constant 0 : i32
    %dma_start3A_246 = tpu.memref_slice %arg9[%dma_start3A_243, %dma_start3A_244, %dma_start3A_245] : memref<48x8x128xf32, #tpu.memory_space<vmem>> -> memref<1x8x128xf32, #tpu.memory_space<vmem>>
    %dma_start3A_247 = tpu.memref_squeeze %dma_start3A_246 : memref<1x8x128xf32, #tpu.memory_space<vmem>> -> memref<8x128xf32, #tpu.memory_space<vmem>>
    %dma_start3A_248 = arith.constant 0 : i32
    %dma_start3A_249 = tpu.memref_slice %arg4[%dma_start3A_242, %dma_start3A_248, %mul3A_241] : memref<4x8x1000000xf32, #tpu.memory_space<hbm>> -> memref<1x8x128xf32, #tpu.memory_space<hbm>>
    %dma_start3A_250 = tpu.memref_squeeze %dma_start3A_249 : memref<1x8x128xf32, #tpu.memory_space<hbm>> -> memref<8x128xf32, #tpu.memory_space<hbm>>
    %dma_start3A_251 = arith.constant 0 : i32
    %dma_start3A_252 = arith.constant 0 : i32
    %dma_start3A_253 = tpu.memref_slice %arg9[%dma_start3A_243, %dma_start3A_251, %dma_start3A_252] : memref<48x8x128xf32, #tpu.memory_space<vmem>> -> memref<1x8x128xf32, #tpu.memory_space<vmem>>
    %dma_start3A_254 = tpu.memref_squeeze %dma_start3A_253 : memref<1x8x128xf32, #tpu.memory_space<vmem>> -> memref<8x128xf32, #tpu.memory_space<vmem>>
    %dma_start3A_255 = arith.constant 0 : i32
    %dma_start3A_256 = tpu.memref_slice %arg4[%dma_start3A_242, %dma_start3A_255, %mul3A_241] : memref<4x8x1000000xf32, #tpu.memory_space<hbm>> -> memref<1x8x128xf32, #tpu.memory_space<hbm>>
    %dma_start3A_257 = tpu.memref_squeeze %dma_start3A_256 : memref<1x8x128xf32, #tpu.memory_space<hbm>> -> memref<8x128xf32, #tpu.memory_space<hbm>>
    tpu.enqueue_dma source(%dma_start3A_257 : memref<8x128xf32, #tpu.memory_space<hbm>>) target(%dma_start3A_254 : memref<8x128xf32, #tpu.memory_space<vmem>>) target_semaphore(%arg12 : memref<!tpu.dma_semaphore, #tpu.memory_space<semaphore_mem>>)
    %mul3A_258 = arith.constant 128 : i32
    %mul3A_259 = arith.muli %shift_right_arithmetic3A_167, %mul3A_258 : i32
    %dma_start3A_260 = arith.constant 2 : i32
    %dma_start3A_261 = arith.constant 6 : i32
    %dma_start3A_262 = arith.constant 0 : i32
    %dma_start3A_263 = arith.constant 0 : i32
    %dma_start3A_264 = tpu.memref_slice %arg10[%dma_start3A_261, %dma_start3A_262, %dma_start3A_263] : memref<48x8x128xf32, #tpu.memory_space<vmem>> -> memref<1x8x128xf32, #tpu.memory_space<vmem>>
    %dma_start3A_265 = tpu.memref_squeeze %dma_start3A_264 : memref<1x8x128xf32, #tpu.memory_space<vmem>> -> memref<8x128xf32, #tpu.memory_space<vmem>>
    %dma_start3A_266 = arith.constant 0 : i32
    %dma_start3A_267 = tpu.memref_slice %arg5[%dma_start3A_260, %dma_start3A_266, %mul3A_259] : memref<4x8x1000000xf32, #tpu.memory_space<hbm>> -> memref<1x8x128xf32, #tpu.memory_space<hbm>>
    %dma_start3A_268 = tpu.memref_squeeze %dma_start3A_267 : memref<1x8x128xf32, #tpu.memory_space<hbm>> -> memref<8x128xf32, #tpu.memory_space<hbm>>
    %dma_start3A_269 = arith.constant 0 : i32
    %dma_start3A_270 = arith.constant 0 : i32
    %dma_start3A_271 = tpu.memref_slice %arg10[%dma_start3A_261, %dma_start3A_269, %dma_start3A_270] : memref<48x8x128xf32, #tpu.memory_space<vmem>> -> memref<1x8x128xf32, #tpu.memory_space<vmem>>
    %dma_start3A_272 = tpu.memref_squeeze %dma_start3A_271 : memref<1x8x128xf32, #tpu.memory_space<vmem>> -> memref<8x128xf32, #tpu.memory_space<vmem>>
    %dma_start3A_273 = arith.constant 0 : i32
    %dma_start3A_274 = tpu.memref_slice %arg5[%dma_start3A_260, %dma_start3A_273, %mul3A_259] : memref<4x8x1000000xf32, #tpu.memory_space<hbm>> -> memref<1x8x128xf32, #tpu.memory_space<hbm>>
    %dma_start3A_275 = tpu.memref_squeeze %dma_start3A_274 : memref<1x8x128xf32, #tpu.memory_space<hbm>> -> memref<8x128xf32, #tpu.memory_space<hbm>>
    tpu.enqueue_dma source(%dma_start3A_275 : memref<8x128xf32, #tpu.memory_space<hbm>>) target(%dma_start3A_272 : memref<8x128xf32, #tpu.memory_space<vmem>>) target_semaphore(%arg12 : memref<!tpu.dma_semaphore, #tpu.memory_space<semaphore_mem>>)
    %mul3A_276 = arith.constant 128 : i32
    %mul3A_277 = arith.muli %shift_right_arithmetic3A_163, %mul3A_276 : i32
    %dma_start3A_278 = arith.constant 3 : i32
    %dma_start3A_279 = arith.constant 7 : i32
    %dma_start3A_280 = arith.constant 0 : i32
    %dma_start3A_281 = arith.constant 0 : i32
    %dma_start3A_282 = tpu.memref_slice %arg9[%dma_start3A_279, %dma_start3A_280, %dma_start3A_281] : memref<48x8x128xf32, #tpu.memory_space<vmem>> -> memref<1x8x128xf32, #tpu.memory_space<vmem>>
    %dma_start3A_283 = tpu.memref_squeeze %dma_start3A_282 : memref<1x8x128xf32, #tpu.memory_space<vmem>> -> memref<8x128xf32, #tpu.memory_space<vmem>>
    %dma_start3A_284 = arith.constant 0 : i32
    %dma_start3A_285 = tpu.memref_slice %arg4[%dma_start3A_278, %dma_start3A_284, %mul3A_277] : memref<4x8x1000000xf32, #tpu.memory_space<hbm>> -> memref<1x8x128xf32, #tpu.memory_space<hbm>>
    %dma_start3A_286 = tpu.memref_squeeze %dma_start3A_285 : memref<1x8x128xf32, #tpu.memory_space<hbm>> -> memref<8x128xf32, #tpu.memory_space<hbm>>
    %dma_start3A_287 = arith.constant 0 : i32
    %dma_start3A_288 = arith.constant 0 : i32
    %dma_start3A_289 = tpu.memref_slice %arg9[%dma_start3A_279, %dma_start3A_287, %dma_start3A_288] : memref<48x8x128xf32, #tpu.memory_space<vmem>> -> memref<1x8x128xf32, #tpu.memory_space<vmem>>
    %dma_start3A_290 = tpu.memref_squeeze %dma_start3A_289 : memref<1x8x128xf32, #tpu.memory_space<vmem>> -> memref<8x128xf32, #tpu.memory_space<vmem>>
    %dma_start3A_291 = arith.constant 0 : i32
    %dma_start3A_292 = tpu.memref_slice %arg4[%dma_start3A_278, %dma_start3A_291, %mul3A_277] : memref<4x8x1000000xf32, #tpu.memory_space<hbm>> -> memref<1x8x128xf32, #tpu.memory_space<hbm>>
    %dma_start3A_293 = tpu.memref_squeeze %dma_start3A_292 : memref<1x8x128xf32, #tpu.memory_space<hbm>> -> memref<8x128xf32, #tpu.memory_space<hbm>>
    tpu.enqueue_dma source(%dma_start3A_293 : memref<8x128xf32, #tpu.memory_space<hbm>>) target(%dma_start3A_290 : memref<8x128xf32, #tpu.memory_space<vmem>>) target_semaphore(%arg12 : memref<!tpu.dma_semaphore, #tpu.memory_space<semaphore_mem>>)
    %mul3A_294 = arith.constant 128 : i32
    %mul3A_295 = arith.muli %shift_right_arithmetic3A_167, %mul3A_294 : i32
    %dma_start3A_296 = arith.constant 3 : i32
    %dma_start3A_297 = arith.constant 7 : i32
    %dma_start3A_298 = arith.constant 0 : i32
    %dma_start3A_299 = arith.constant 0 : i32
    %dma_start3A_300 = tpu.memref_slice %arg10[%dma_start3A_297, %dma_start3A_298, %dma_start3A_299] : memref<48x8x128xf32, #tpu.memory_space<vmem>> -> memref<1x8x128xf32, #tpu.memory_space<vmem>>
    %dma_start3A_301 = tpu.memref_squeeze %dma_start3A_300 : memref<1x8x128xf32, #tpu.memory_space<vmem>> -> memref<8x128xf32, #tpu.memory_space<vmem>>
    %dma_start3A_302 = arith.constant 0 : i32
    %dma_start3A_303 = tpu.memref_slice %arg5[%dma_start3A_296, %dma_start3A_302, %mul3A_295] : memref<4x8x1000000xf32, #tpu.memory_space<hbm>> -> memref<1x8x128xf32, #tpu.memory_space<hbm>>
    %dma_start3A_304 = tpu.memref_squeeze %dma_start3A_303 : memref<1x8x128xf32, #tpu.memory_space<hbm>> -> memref<8x128xf32, #tpu.memory_space<hbm>>
    %dma_start3A_305 = arith.constant 0 : i32
    %dma_start3A_306 = arith.constant 0 : i32
    %dma_start3A_307 = tpu.memref_slice %arg10[%dma_start3A_297, %dma_start3A_305, %dma_start3A_306] : memref<48x8x128xf32, #tpu.memory_space<vmem>> -> memref<1x8x128xf32, #tpu.memory_space<vmem>>
    %dma_start3A_308 = tpu.memref_squeeze %dma_start3A_307 : memref<1x8x128xf32, #tpu.memory_space<vmem>> -> memref<8x128xf32, #tpu.memory_space<vmem>>
    %dma_start3A_309 = arith.constant 0 : i32
    %dma_start3A_310 = tpu.memref_slice %arg5[%dma_start3A_296, %dma_start3A_309, %mul3A_295] : memref<4x8x1000000xf32, #tpu.memory_space<hbm>> -> memref<1x8x128xf32, #tpu.memory_space<hbm>>
    %dma_start3A_311 = tpu.memref_squeeze %dma_start3A_310 : memref<1x8x128xf32, #tpu.memory_space<hbm>> -> memref<8x128xf32, #tpu.memory_space<hbm>>
    tpu.enqueue_dma source(%dma_start3A_311 : memref<8x128xf32, #tpu.memory_space<hbm>>) target(%dma_start3A_308 : memref<8x128xf32, #tpu.memory_space<vmem>>) target_semaphore(%arg12 : memref<!tpu.dma_semaphore, #tpu.memory_space<semaphore_mem>>)
    %slice3A_312 = vector.extract_strided_slice %get3A_9 {offsets = [2], sizes = [1], strides = [1]} : vector<16xi32> to vector<1xi32>
    %squeeze3A_313 = vector.extract %slice3A_312[0] : i32 from vector<1xi32>
    %shift_right_arithmetic3A_314 = arith.constant 7 : i32
    %shift_right_arithmetic3A_315 = arith.shrsi %squeeze3A_313, %shift_right_arithmetic3A_314 : i32
    %slice3A_316 = vector.extract_strided_slice %get3A_11 {offsets = [2], sizes = [1], strides = [1]} : vector<16xi32> to vector<1xi32>
    %squeeze3A_317 = vector.extract %slice3A_316[0] : i32 from vector<1xi32>
    %shift_right_arithmetic3A_318 = arith.constant 7 : i32
    %shift_right_arithmetic3A_319 = arith.shrsi %squeeze3A_317, %shift_right_arithmetic3A_318 : i32
    %mul3A_320 = arith.constant 128 : i32
    %mul3A_321 = arith.muli %shift_right_arithmetic3A_315, %mul3A_320 : i32
    %dma_start3A_322 = arith.constant 0 : i32
    %dma_start3A_323 = arith.constant 8 : i32
    %dma_start3A_324 = arith.constant 0 : i32
    %dma_start3A_325 = arith.constant 0 : i32
    %dma_start3A_326 = tpu.memref_slice %arg9[%dma_start3A_323, %dma_start3A_324, %dma_start3A_325] : memref<48x8x128xf32, #tpu.memory_space<vmem>> -> memref<1x8x128xf32, #tpu.memory_space<vmem>>
    %dma_start3A_327 = tpu.memref_squeeze %dma_start3A_326 : memref<1x8x128xf32, #tpu.memory_space<vmem>> -> memref<8x128xf32, #tpu.memory_space<vmem>>
    %dma_start3A_328 = arith.constant 0 : i32
    %dma_start3A_329 = tpu.memref_slice %arg4[%dma_start3A_322, %dma_start3A_328, %mul3A_321] : memref<4x8x1000000xf32, #tpu.memory_space<hbm>> -> memref<1x8x128xf32, #tpu.memory_space<hbm>>
    %dma_start3A_330 = tpu.memref_squeeze %dma_start3A_329 : memref<1x8x128xf32, #tpu.memory_space<hbm>> -> memref<8x128xf32, #tpu.memory_space<hbm>>
    %dma_start3A_331 = arith.constant 0 : i32
    %dma_start3A_332 = arith.constant 0 : i32
    %dma_start3A_333 = tpu.memref_slice %arg9[%dma_start3A_323, %dma_start3A_331, %dma_start3A_332] : memref<48x8x128xf32, #tpu.memory_space<vmem>> -> memref<1x8x128xf32, #tpu.memory_space<vmem>>
    %dma_start3A_334 = tpu.memref_squeeze %dma_start3A_333 : memref<1x8x128xf32, #tpu.memory_space<vmem>> -> memref<8x128xf32, #tpu.memory_space<vmem>>
    %dma_start3A_335 = arith.constant 0 : i32
    %dma_start3A_336 = tpu.memref_slice %arg4[%dma_start3A_322, %dma_start3A_335, %mul3A_321] : memref<4x8x1000000xf32, #tpu.memory_space<hbm>> -> memref<1x8x128xf32, #tpu.memory_space<hbm>>
    %dma_start3A_337 = tpu.memref_squeeze %dma_start3A_336 : memref<1x8x128xf32, #tpu.memory_space<hbm>> -> memref<8x128xf32, #tpu.memory_space<hbm>>
    tpu.enqueue_dma source(%dma_start3A_337 : memref<8x128xf32, #tpu.memory_space<hbm>>) target(%dma_start3A_334 : memref<8x128xf32, #tpu.memory_space<vmem>>) target_semaphore(%arg12 : memref<!tpu.dma_semaphore, #tpu.memory_space<semaphore_mem>>)
    %mul3A_338 = arith.constant 128 : i32
    %mul3A_339 = arith.muli %shift_right_arithmetic3A_319, %mul3A_338 : i32
    %dma_start3A_340 = arith.constant 0 : i32
    %dma_start3A_341 = arith.constant 8 : i32
    %dma_start3A_342 = arith.constant 0 : i32
    %dma_start3A_343 = arith.constant 0 : i32
    %dma_start3A_344 = tpu.memref_slice %arg10[%dma_start3A_341, %dma_start3A_342, %dma_start3A_343] : memref<48x8x128xf32, #tpu.memory_space<vmem>> -> memref<1x8x128xf32, #tpu.memory_space<vmem>>
    %dma_start3A_345 = tpu.memref_squeeze %dma_start3A_344 : memref<1x8x128xf32, #tpu.memory_space<vmem>> -> memref<8x128xf32, #tpu.memory_space<vmem>>
    %dma_start3A_346 = arith.constant 0 : i32
    %dma_start3A_347 = tpu.memref_slice %arg5[%dma_start3A_340, %dma_start3A_346, %mul3A_339] : memref<4x8x1000000xf32, #tpu.memory_space<hbm>> -> memref<1x8x128xf32, #tpu.memory_space<hbm>>
    %dma_start3A_348 = tpu.memref_squeeze %dma_start3A_347 : memref<1x8x128xf32, #tpu.memory_space<hbm>> -> memref<8x128xf32, #tpu.memory_space<hbm>>
    %dma_start3A_349 = arith.constant 0 : i32
    %dma_start3A_350 = arith.constant 0 : i32
    %dma_start3A_351 = tpu.memref_slice %arg10[%dma_start3A_341, %dma_start3A_349, %dma_start3A_350] : memref<48x8x128xf32, #tpu.memory_space<vmem>> -> memref<1x8x128xf32, #tpu.memory_space<vmem>>
    %dma_start3A_352 = tpu.memref_squeeze %dma_start3A_351 : memref<1x8x128xf32, #tpu.memory_space<vmem>> -> memref<8x128xf32, #tpu.memory_space<vmem>>
    %dma_start3A_353 = arith.constant 0 : i32
    %dma_start3A_354 = tpu.memref_slice %arg5[%dma_start3A_340, %dma_start3A_353, %mul3A_339] : memref<4x8x1000000xf32, #tpu.memory_space<hbm>> -> memref<1x8x128xf32, #tpu.memory_space<hbm>>
    %dma_start3A_355 = tpu.memref_squeeze %dma_start3A_354 : memref<1x8x128xf32, #tpu.memory_space<hbm>> -> memref<8x128xf32, #tpu.memory_space<hbm>>
    tpu.enqueue_dma source(%dma_start3A_355 : memref<8x128xf32, #tpu.memory_space<hbm>>) target(%dma_start3A_352 : memref<8x128xf32, #tpu.memory_space<vmem>>) target_semaphore(%arg12 : memref<!tpu.dma_semaphore, #tpu.memory_space<semaphore_mem>>)
    %mul3A_356 = arith.constant 128 : i32
    %mul3A_357 = arith.muli %shift_right_arithmetic3A_315, %mul3A_356 : i32
    %dma_start3A_358 = arith.constant 1 : i32
    %dma_start3A_359 = arith.constant 9 : i32
    %dma_start3A_360 = arith.constant 0 : i32
    %dma_start3A_361 = arith.constant 0 : i32
    %dma_start3A_362 = tpu.memref_slice %arg9[%dma_start3A_359, %dma_start3A_360, %dma_start3A_361] : memref<48x8x128xf32, #tpu.memory_space<vmem>> -> memref<1x8x128xf32, #tpu.memory_space<vmem>>
    %dma_start3A_363 = tpu.memref_squeeze %dma_start3A_362 : memref<1x8x128xf32, #tpu.memory_space<vmem>> -> memref<8x128xf32, #tpu.memory_space<vmem>>
    %dma_start3A_364 = arith.constant 0 : i32
    %dma_start3A_365 = tpu.memref_slice %arg4[%dma_start3A_358, %dma_start3A_364, %mul3A_357] : memref<4x8x1000000xf32, #tpu.memory_space<hbm>> -> memref<1x8x128xf32, #tpu.memory_space<hbm>>
    %dma_start3A_366 = tpu.memref_squeeze %dma_start3A_365 : memref<1x8x128xf32, #tpu.memory_space<hbm>> -> memref<8x128xf32, #tpu.memory_space<hbm>>
    %dma_start3A_367 = arith.constant 0 : i32
    %dma_start3A_368 = arith.constant 0 : i32
    %dma_start3A_369 = tpu.memref_slice %arg9[%dma_start3A_359, %dma_start3A_367, %dma_start3A_368] : memref<48x8x128xf32, #tpu.memory_space<vmem>> -> memref<1x8x128xf32, #tpu.memory_space<vmem>>
    %dma_start3A_370 = tpu.memref_squeeze %dma_start3A_369 : memref<1x8x128xf32, #tpu.memory_space<vmem>> -> memref<8x128xf32, #tpu.memory_space<vmem>>
    %dma_start3A_371 = arith.constant 0 : i32
    %dma_start3A_372 = tpu.memref_slice %arg4[%dma_start3A_358, %dma_start3A_371, %mul3A_357] : memref<4x8x1000000xf32, #tpu.memory_space<hbm>> -> memref<1x8x128xf32, #tpu.memory_space<hbm>>
    %dma_start3A_373 = tpu.memref_squeeze %dma_start3A_372 : memref<1x8x128xf32, #tpu.memory_space<hbm>> -> memref<8x128xf32, #tpu.memory_space<hbm>>
    tpu.enqueue_dma source(%dma_start3A_373 : memref<8x128xf32, #tpu.memory_space<hbm>>) target(%dma_start3A_370 : memref<8x128xf32, #tpu.memory_space<vmem>>) target_semaphore(%arg12 : memref<!tpu.dma_semaphore, #tpu.memory_space<semaphore_mem>>)
    %mul3A_374 = arith.constant 128 : i32
    %mul3A_375 = arith.muli %shift_right_arithmetic3A_319, %mul3A_374 : i32
    %dma_start3A_376 = arith.constant 1 : i32
    %dma_start3A_377 = arith.constant 9 : i32
    %dma_start3A_378 = arith.constant 0 : i32
    %dma_start3A_379 = arith.constant 0 : i32
    %dma_start3A_380 = tpu.memref_slice %arg10[%dma_start3A_377, %dma_start3A_378, %dma_start3A_379] : memref<48x8x128xf32, #tpu.memory_space<vmem>> -> memref<1x8x128xf32, #tpu.memory_space<vmem>>
    %dma_start3A_381 = tpu.memref_squeeze %dma_start3A_380 : memref<1x8x128xf32, #tpu.memory_space<vmem>> -> memref<8x128xf32, #tpu.memory_space<vmem>>
    %dma_start3A_382 = arith.constant 0 : i32
    %dma_start3A_383 = tpu.memref_slice %arg5[%dma_start3A_376, %dma_start3A_382, %mul3A_375] : memref<4x8x1000000xf32, #tpu.memory_space<hbm>> -> memref<1x8x128xf32, #tpu.memory_space<hbm>>
    %dma_start3A_384 = tpu.memref_squeeze %dma_start3A_383 : memref<1x8x128xf32, #tpu.memory_space<hbm>> -> memref<8x128xf32, #tpu.memory_space<hbm>>
    %dma_start3A_385 = arith.constant 0 : i32
    %dma_start3A_386 = arith.constant 0 : i32
    %dma_start3A_387 = tpu.memref_slice %arg10[%dma_start3A_377, %dma_start3A_385, %dma_start3A_386] : memref<48x8x128xf32, #tpu.memory_space<vmem>> -> memref<1x8x128xf32, #tpu.memory_space<vmem>>
    %dma_start3A_388 = tpu.memref_squeeze %dma_start3A_387 : memref<1x8x128xf32, #tpu.memory_space<vmem>> -> memref<8x128xf32, #tpu.memory_space<vmem>>
    %dma_start3A_389 = arith.constant 0 : i32
    %dma_start3A_390 = tpu.memref_slice %arg5[%dma_start3A_376, %dma_start3A_389, %mul3A_375] : memref<4x8x1000000xf32, #tpu.memory_space<hbm>> -> memref<1x8x128xf32, #tpu.memory_space<hbm>>
    %dma_start3A_391 = tpu.memref_squeeze %dma_start3A_390 : memref<1x8x128xf32, #tpu.memory_space<hbm>> -> memref<8x128xf32, #tpu.memory_space<hbm>>
    tpu.enqueue_dma source(%dma_start3A_391 : memref<8x128xf32, #tpu.memory_space<hbm>>) target(%dma_start3A_388 : memref<8x128xf32, #tpu.memory_space<vmem>>) target_semaphore(%arg12 : memref<!tpu.dma_semaphore, #tpu.memory_space<semaphore_mem>>)
    %mul3A_392 = arith.constant 128 : i32
    %mul3A_393 = arith.muli %shift_right_arithmetic3A_315, %mul3A_392 : i32
    %dma_start3A_394 = arith.constant 2 : i32
    %dma_start3A_395 = arith.constant 10 : i32
    %dma_start3A_396 = arith.constant 0 : i32
    %dma_start3A_397 = arith.constant 0 : i32
    %dma_start3A_398 = tpu.memref_slice %arg9[%dma_start3A_395, %dma_start3A_396, %dma_start3A_397] : memref<48x8x128xf32, #tpu.memory_space<vmem>> -> memref<1x8x128xf32, #tpu.memory_space<vmem>>
    %dma_start3A_399 = tpu.memref_squeeze %dma_start3A_398 : memref<1x8x128xf32, #tpu.memory_space<vmem>> -> memref<8x128xf32, #tpu.memory_space<vmem>>
    %dma_start3A_400 = arith.constant 0 : i32
    %dma_start3A_401 = tpu.memref_slice %arg4[%dma_start3A_394, %dma_start3A_400, %mul3A_393] : memref<4x8x1000000xf32, #tpu.memory_space<hbm>> -> memref<1x8x128xf32, #tpu.memory_space<hbm>>
    %dma_start3A_402 = tpu.memref_squeeze %dma_start3A_401 : memref<1x8x128xf32, #tpu.memory_space<hbm>> -> memref<8x128xf32, #tpu.memory_space<hbm>>
    %dma_start3A_403 = arith.constant 0 : i32
    %dma_start3A_404 = arith.constant 0 : i32
    %dma_start3A_405 = tpu.memref_slice %arg9[%dma_start3A_395, %dma_start3A_403, %dma_start3A_404] : memref<48x8x128xf32, #tpu.memory_space<vmem>> -> memref<1x8x128xf32, #tpu.memory_space<vmem>>
    %dma_start3A_406 = tpu.memref_squeeze %dma_start3A_405 : memref<1x8x128xf32, #tpu.memory_space<vmem>> -> memref<8x128xf32, #tpu.memory_space<vmem>>
    %dma_start3A_407 = arith.constant 0 : i32
    %dma_start3A_408 = tpu.memref_slice %arg4[%dma_start3A_394, %dma_start3A_407, %mul3A_393] : memref<4x8x1000000xf32, #tpu.memory_space<hbm>> -> memref<1x8x128xf32, #tpu.memory_space<hbm>>
    %dma_start3A_409 = tpu.memref_squeeze %dma_start3A_408 : memref<1x8x128xf32, #tpu.memory_space<hbm>> -> memref<8x128xf32, #tpu.memory_space<hbm>>
    tpu.enqueue_dma source(%dma_start3A_409 : memref<8x128xf32, #tpu.memory_space<hbm>>) target(%dma_start3A_406 : memref<8x128xf32, #tpu.memory_space<vmem>>) target_semaphore(%arg12 : memref<!tpu.dma_semaphore, #tpu.memory_space<semaphore_mem>>)
    %mul3A_410 = arith.constant 128 : i32
    %mul3A_411 = arith.muli %shift_right_arithmetic3A_319, %mul3A_410 : i32
    %dma_start3A_412 = arith.constant 2 : i32
    %dma_start3A_413 = arith.constant 10 : i32
    %dma_start3A_414 = arith.constant 0 : i32
    %dma_start3A_415 = arith.constant 0 : i32
    %dma_start3A_416 = tpu.memref_slice %arg10[%dma_start3A_413, %dma_start3A_414, %dma_start3A_415] : memref<48x8x128xf32, #tpu.memory_space<vmem>> -> memref<1x8x128xf32, #tpu.memory_space<vmem>>
    %dma_start3A_417 = tpu.memref_squeeze %dma_start3A_416 : memref<1x8x128xf32, #tpu.memory_space<vmem>> -> memref<8x128xf32, #tpu.memory_space<vmem>>
    %dma_start3A_418 = arith.constant 0 : i32
    %dma_start3A_419 = tpu.memref_slice %arg5[%dma_start3A_412, %dma_start3A_418, %mul3A_411] : memref<4x8x1000000xf32, #tpu.memory_space<hbm>> -> memref<1x8x128xf32, #tpu.memory_space<hbm>>
    %dma_start3A_420 = tpu.memref_squeeze %dma_start3A_419 : memref<1x8x128xf32, #tpu.memory_space<hbm>> -> memref<8x128xf32, #tpu.memory_space<hbm>>
    %dma_start3A_421 = arith.constant 0 : i32
    %dma_start3A_422 = arith.constant 0 : i32
    %dma_start3A_423 = tpu.memref_slice %arg10[%dma_start3A_413, %dma_start3A_421, %dma_start3A_422] : memref<48x8x128xf32, #tpu.memory_space<vmem>> -> memref<1x8x128xf32, #tpu.memory_space<vmem>>
    %dma_start3A_424 = tpu.memref_squeeze %dma_start3A_423 : memref<1x8x128xf32, #tpu.memory_space<vmem>> -> memref<8x128xf32, #tpu.memory_space<vmem>>
    %dma_start3A_425 = arith.constant 0 : i32
    %dma_start3A_426 = tpu.memref_slice %arg5[%dma_start3A_412, %dma_start3A_425, %mul3A_411] : memref<4x8x1000000xf32, #tpu.memory_space<hbm>> -> memref<1x8x128xf32, #tpu.memory_space<hbm>>
    %dma_start3A_427 = tpu.memref_squeeze %dma_start3A_426 : memref<1x8x128xf32, #tpu.memory_space<hbm>> -> memref<8x128xf32, #tpu.memory_space<hbm>>
    tpu.enqueue_dma source(%dma_start3A_427 : memref<8x128xf32, #tpu.memory_space<hbm>>) target(%dma_start3A_424 : memref<8x128xf32, #tpu.memory_space<vmem>>) target_semaphore(%arg12 : memref<!tpu.dma_semaphore, #tpu.memory_space<semaphore_mem>>)
    %mul3A_428 = arith.constant 128 : i32
    %mul3A_429 = arith.muli %shift_right_arithmetic3A_315, %mul3A_428 : i32
    %dma_start3A_430 = arith.constant 3 : i32
    %dma_start3A_431 = arith.constant 11 : i32
    %dma_start3A_432 = arith.constant 0 : i32
    %dma_start3A_433 = arith.constant 0 : i32
    %dma_start3A_434 = tpu.memref_slice %arg9[%dma_start3A_431, %dma_start3A_432, %dma_start3A_433] : memref<48x8x128xf32, #tpu.memory_space<vmem>> -> memref<1x8x128xf32, #tpu.memory_space<vmem>>
    %dma_start3A_435 = tpu.memref_squeeze %dma_start3A_434 : memref<1x8x128xf32, #tpu.memory_space<vmem>> -> memref<8x128xf32, #tpu.memory_space<vmem>>
    %dma_start3A_436 = arith.constant 0 : i32
    %dma_start3A_437 = tpu.memref_slice %arg4[%dma_start3A_430, %dma_start3A_436, %mul3A_429] : memref<4x8x1000000xf32, #tpu.memory_space<hbm>> -> memref<1x8x128xf32, #tpu.memory_space<hbm>>
    %dma_start3A_438 = tpu.memref_squeeze %dma_start3A_437 : memref<1x8x128xf32, #tpu.memory_space<hbm>> -> memref<8x128xf32, #tpu.memory_space<hbm>>
    %dma_start3A_439 = arith.constant 0 : i32
    %dma_start3A_440 = arith.constant 0 : i32
    %dma_start3A_441 = tpu.memref_slice %arg9[%dma_start3A_431, %dma_start3A_439, %dma_start3A_440] : memref<48x8x128xf32, #tpu.memory_space<vmem>> -> memref<1x8x128xf32, #tpu.memory_space<vmem>>
    %dma_start3A_442 = tpu.memref_squeeze %dma_start3A_441 : memref<1x8x128xf32, #tpu.memory_space<vmem>> -> memref<8x128xf32, #tpu.memory_space<vmem>>
    %dma_start3A_443 = arith.constant 0 : i32
    %dma_start3A_444 = tpu.memref_slice %arg4[%dma_start3A_430, %dma_start3A_443, %mul3A_429] : memref<4x8x1000000xf32, #tpu.memory_space<hbm>> -> memref<1x8x128xf32, #tpu.memory_space<hbm>>
    %dma_start3A_445 = tpu.memref_squeeze %dma_start3A_444 : memref<1x8x128xf32, #tpu.memory_space<hbm>> -> memref<8x128xf32, #tpu.memory_space<hbm>>
    tpu.enqueue_dma source(%dma_start3A_445 : memref<8x128xf32, #tpu.memory_space<hbm>>) target(%dma_start3A_442 : memref<8x128xf32, #tpu.memory_space<vmem>>) target_semaphore(%arg12 : memref<!tpu.dma_semaphore, #tpu.memory_space<semaphore_mem>>)
    %mul3A_446 = arith.constant 128 : i32
    %mul3A_447 = arith.muli %shift_right_arithmetic3A_319, %mul3A_446 : i32
    %dma_start3A_448 = arith.constant 3 : i32
    %dma_start3A_449 = arith.constant 11 : i32
    %dma_start3A_450 = arith.constant 0 : i32
    %dma_start3A_451 = arith.constant 0 : i32
    %dma_start3A_452 = tpu.memref_slice %arg10[%dma_start3A_449, %dma_start3A_450, %dma_start3A_451] : memref<48x8x128xf32, #tpu.memory_space<vmem>> -> memref<1x8x128xf32, #tpu.memory_space<vmem>>
    %dma_start3A_453 = tpu.memref_squeeze %dma_start3A_452 : memref<1x8x128xf32, #tpu.memory_space<vmem>> -> memref<8x128xf32, #tpu.memory_space<vmem>>
    %dma_start3A_454 = arith.constant 0 : i32
    %dma_start3A_455 = tpu.memref_slice %arg5[%dma_start3A_448, %dma_start3A_454, %mul3A_447] : memref<4x8x1000000xf32, #tpu.memory_space<hbm>> -> memref<1x8x128xf32, #tpu.memory_space<hbm>>
    %dma_start3A_456 = tpu.memref_squeeze %dma_start3A_455 : memref<1x8x128xf32, #tpu.memory_space<hbm>> -> memref<8x128xf32, #tpu.memory_space<hbm>>
    %dma_start3A_457 = arith.constant 0 : i32
    %dma_start3A_458 = arith.constant 0 : i32
    %dma_start3A_459 = tpu.memref_slice %arg10[%dma_start3A_449, %dma_start3A_457, %dma_start3A_458] : memref<48x8x128xf32, #tpu.memory_space<vmem>> -> memref<1x8x128xf32, #tpu.memory_space<vmem>>
    %dma_start3A_460 = tpu.memref_squeeze %dma_start3A_459 : memref<1x8x128xf32, #tpu.memory_space<vmem>> -> memref<8x128xf32, #tpu.memory_space<vmem>>
    %dma_start3A_461 = arith.constant 0 : i32
    %dma_start3A_462 = tpu.memref_slice %arg5[%dma_start3A_448, %dma_start3A_461, %mul3A_447] : memref<4x8x1000000xf32, #tpu.memory_space<hbm>> -> memref<1x8x128xf32, #tpu.memory_space<hbm>>
    %dma_start3A_463 = tpu.memref_squeeze %dma_start3A_462 : memref<1x8x128xf32, #tpu.memory_space<hbm>> -> memref<8x128xf32, #tpu.memory_space<hbm>>
    tpu.enqueue_dma source(%dma_start3A_463 : memref<8x128xf32, #tpu.memory_space<hbm>>) target(%dma_start3A_460 : memref<8x128xf32, #tpu.memory_space<vmem>>) target_semaphore(%arg12 : memref<!tpu.dma_semaphore, #tpu.memory_space<semaphore_mem>>)
    %slice3A_464 = vector.extract_strided_slice %get3A_9 {offsets = [3], sizes = [1], strides = [1]} : vector<16xi32> to vector<1xi32>
    %squeeze3A_465 = vector.extract %slice3A_464[0] : i32 from vector<1xi32>
    %shift_right_arithmetic3A_466 = arith.constant 7 : i32
    %shift_right_arithmetic3A_467 = arith.shrsi %squeeze3A_465, %shift_right_arithmetic3A_466 : i32
    %slice3A_468 = vector.extract_strided_slice %get3A_11 {offsets = [3], sizes = [1], strides = [1]} : vector<16xi32> to vector<1xi32>
    %squeeze3A_469 = vector.extract %slice3A_468[0] : i32 from vector<1xi32>
    %shift_right_arithmetic3A_470 = arith.constant 7 : i32
    %shift_right_arithmetic3A_471 = arith.shrsi %squeeze3A_469, %shift_right_arithmetic3A_470 : i32
    %mul3A_472 = arith.constant 128 : i32
    %mul3A_473 = arith.muli %shift_right_arithmetic3A_467, %mul3A_472 : i32
    %dma_start3A_474 = arith.constant 0 : i32
    %dma_start3A_475 = arith.constant 12 : i32
    %dma_start3A_476 = arith.constant 0 : i32
    %dma_start3A_477 = arith.constant 0 : i32
    %dma_start3A_478 = tpu.memref_slice %arg9[%dma_start3A_475, %dma_start3A_476, %dma_start3A_477] : memref<48x8x128xf32, #tpu.memory_space<vmem>> -> memref<1x8x128xf32, #tpu.memory_space<vmem>>
    %dma_start3A_479 = tpu.memref_squeeze %dma_start3A_478 : memref<1x8x128xf32, #tpu.memory_space<vmem>> -> memref<8x128xf32, #tpu.memory_space<vmem>>
    %dma_start3A_480 = arith.constant 0 : i32
    %dma_start3A_481 = tpu.memref_slice %arg4[%dma_start3A_474, %dma_start3A_480, %mul3A_473] : memref<4x8x1000000xf32, #tpu.memory_space<hbm>> -> memref<1x8x128xf32, #tpu.memory_space<hbm>>
    %dma_start3A_482 = tpu.memref_squeeze %dma_start3A_481 : memref<1x8x128xf32, #tpu.memory_space<hbm>> -> memref<8x128xf32, #tpu.memory_space<hbm>>
    %dma_start3A_483 = arith.constant 0 : i32
    %dma_start3A_484 = arith.constant 0 : i32
    %dma_start3A_485 = tpu.memref_slice %arg9[%dma_start3A_475, %dma_start3A_483, %dma_start3A_484] : memref<48x8x128xf32, #tpu.memory_space<vmem>> -> memref<1x8x128xf32, #tpu.memory_space<vmem>>
    %dma_start3A_486 = tpu.memref_squeeze %dma_start3A_485 : memref<1x8x128xf32, #tpu.memory_space<vmem>> -> memref<8x128xf32, #tpu.memory_space<vmem>>
    %dma_start3A_487 = arith.constant 0 : i32
    %dma_start3A_488 = tpu.memref_slice %arg4[%dma_start3A_474, %dma_start3A_487, %mul3A_473] : memref<4x8x1000000xf32, #tpu.memory_space<hbm>> -> memref<1x8x128xf32, #tpu.memory_space<hbm>>
    %dma_start3A_489 = tpu.memref_squeeze %dma_start3A_488 : memref<1x8x128xf32, #tpu.memory_space<hbm>> -> memref<8x128xf32, #tpu.memory_space<hbm>>
    tpu.enqueue_dma source(%dma_start3A_489 : memref<8x128xf32, #tpu.memory_space<hbm>>) target(%dma_start3A_486 : memref<8x128xf32, #tpu.memory_space<vmem>>) target_semaphore(%arg12 : memref<!tpu.dma_semaphore, #tpu.memory_space<semaphore_mem>>)
    %mul3A_490 = arith.constant 128 : i32
    %mul3A_491 = arith.muli %shift_right_arithmetic3A_471, %mul3A_490 : i32
    %dma_start3A_492 = arith.constant 0 : i32
    %dma_start3A_493 = arith.constant 12 : i32
    %dma_start3A_494 = arith.constant 0 : i32
    %dma_start3A_495 = arith.constant 0 : i32
    %dma_start3A_496 = tpu.memref_slice %arg10[%dma_start3A_493, %dma_start3A_494, %dma_start3A_495] : memref<48x8x128xf32, #tpu.memory_space<vmem>> -> memref<1x8x128xf32, #tpu.memory_space<vmem>>
    %dma_start3A_497 = tpu.memref_squeeze %dma_start3A_496 : memref<1x8x128xf32, #tpu.memory_space<vmem>> -> memref<8x128xf32, #tpu.memory_space<vmem>>
    %dma_start3A_498 = arith.constant 0 : i32
    %dma_start3A_499 = tpu.memref_slice %arg5[%dma_start3A_492, %dma_start3A_498, %mul3A_491] : memref<4x8x1000000xf32, #tpu.memory_space<hbm>> -> memref<1x8x128xf32, #tpu.memory_space<hbm>>
    %dma_start3A_500 = tpu.memref_squeeze %dma_start3A_499 : memref<1x8x128xf32, #tpu.memory_space<hbm>> -> memref<8x128xf32, #tpu.memory_space<hbm>>
    %dma_start3A_501 = arith.constant 0 : i32
    %dma_start3A_502 = arith.constant 0 : i32
    %dma_start3A_503 = tpu.memref_slice %arg10[%dma_start3A_493, %dma_start3A_501, %dma_start3A_502] : memref<48x8x128xf32, #tpu.memory_space<vmem>> -> memref<1x8x128xf32, #tpu.memory_space<vmem>>
    %dma_start3A_504 = tpu.memref_squeeze %dma_start3A_503 : memref<1x8x128xf32, #tpu.memory_space<vmem>> -> memref<8x128xf32, #tpu.memory_space<vmem>>
    %dma_start3A_505 = arith.constant 0 : i32
    %dma_start3A_506 = tpu.memref_slice %arg5[%dma_start3A_492, %dma_start3A_505, %mul3A_491] : memref<4x8x1000000xf32, #tpu.memory_space<hbm>> -> memref<1x8x128xf32, #tpu.memory_space<hbm>>
    %dma_start3A_507 = tpu.memref_squeeze %dma_start3A_506 : memref<1x8x128xf32, #tpu.memory_space<hbm>> -> memref<8x128xf32, #tpu.memory_space<hbm>>
    tpu.enqueue_dma source(%dma_start3A_507 : memref<8x128xf32, #tpu.memory_space<hbm>>) target(%dma_start3A_504 : memref<8x128xf32, #tpu.memory_space<vmem>>) target_semaphore(%arg12 : memref<!tpu.dma_semaphore, #tpu.memory_space<semaphore_mem>>)
    %mul3A_508 = arith.constant 128 : i32
    %mul3A_509 = arith.muli %shift_right_arithmetic3A_467, %mul3A_508 : i32
    %dma_start3A_510 = arith.constant 1 : i32
    %dma_start3A_511 = arith.constant 13 : i32
    %dma_start3A_512 = arith.constant 0 : i32
    %dma_start3A_513 = arith.constant 0 : i32
    %dma_start3A_514 = tpu.memref_slice %arg9[%dma_start3A_511, %dma_start3A_512, %dma_start3A_513] : memref<48x8x128xf32, #tpu.memory_space<vmem>> -> memref<1x8x128xf32, #tpu.memory_space<vmem>>
    %dma_start3A_515 = tpu.memref_squeeze %dma_start3A_514 : memref<1x8x128xf32, #tpu.memory_space<vmem>> -> memref<8x128xf32, #tpu.memory_space<vmem>>
    %dma_start3A_516 = arith.constant 0 : i32
    %dma_start3A_517 = tpu.memref_slice %arg4[%dma_start3A_510, %dma_start3A_516, %mul3A_509] : memref<4x8x1000000xf32, #tpu.memory_space<hbm>> -> memref<1x8x128xf32, #tpu.memory_space<hbm>>
    %dma_start3A_518 = tpu.memref_squeeze %dma_start3A_517 : memref<1x8x128xf32, #tpu.memory_space<hbm>> -> memref<8x128xf32, #tpu.memory_space<hbm>>
    %dma_start3A_519 = arith.constant 0 : i32
    %dma_start3A_520 = arith.constant 0 : i32
    %dma_start3A_521 = tpu.memref_slice %arg9[%dma_start3A_511, %dma_start3A_519, %dma_start3A_520] : memref<48x8x128xf32, #tpu.memory_space<vmem>> -> memref<1x8x128xf32, #tpu.memory_space<vmem>>
    %dma_start3A_522 = tpu.memref_squeeze %dma_start3A_521 : memref<1x8x128xf32, #tpu.memory_space<vmem>> -> memref<8x128xf32, #tpu.memory_space<vmem>>
    %dma_start3A_523 = arith.constant 0 : i32
    %dma_start3A_524 = tpu.memref_slice %arg4[%dma_start3A_510, %dma_start3A_523, %mul3A_509] : memref<4x8x1000000xf32, #tpu.memory_space<hbm>> -> memref<1x8x128xf32, #tpu.memory_space<hbm>>
    %dma_start3A_525 = tpu.memref_squeeze %dma_start3A_524 : memref<1x8x128xf32, #tpu.memory_space<hbm>> -> memref<8x128xf32, #tpu.memory_space<hbm>>
    tpu.enqueue_dma source(%dma_start3A_525 : memref<8x128xf32, #tpu.memory_space<hbm>>) target(%dma_start3A_522 : memref<8x128xf32, #tpu.memory_space<vmem>>) target_semaphore(%arg12 : memref<!tpu.dma_semaphore, #tpu.memory_space<semaphore_mem>>)
    %mul3A_526 = arith.constant 128 : i32
    %mul3A_527 = arith.muli %shift_right_arithmetic3A_471, %mul3A_526 : i32
    %dma_start3A_528 = arith.constant 1 : i32
    %dma_start3A_529 = arith.constant 13 : i32
    %dma_start3A_530 = arith.constant 0 : i32
    %dma_start3A_531 = arith.constant 0 : i32
    %dma_start3A_532 = tpu.memref_slice %arg10[%dma_start3A_529, %dma_start3A_530, %dma_start3A_531] : memref<48x8x128xf32, #tpu.memory_space<vmem>> -> memref<1x8x128xf32, #tpu.memory_space<vmem>>
    %dma_start3A_533 = tpu.memref_squeeze %dma_start3A_532 : memref<1x8x128xf32, #tpu.memory_space<vmem>> -> memref<8x128xf32, #tpu.memory_space<vmem>>
    %dma_start3A_534 = arith.constant 0 : i32
    %dma_start3A_535 = tpu.memref_slice %arg5[%dma_start3A_528, %dma_start3A_534, %mul3A_527] : memref<4x8x1000000xf32, #tpu.memory_space<hbm>> -> memref<1x8x128xf32, #tpu.memory_space<hbm>>
    %dma_start3A_536 = tpu.memref_squeeze %dma_start3A_535 : memref<1x8x128xf32, #tpu.memory_space<hbm>> -> memref<8x128xf32, #tpu.memory_space<hbm>>
    %dma_start3A_537 = arith.constant 0 : i32
    %dma_start3A_538 = arith.constant 0 : i32
    %dma_start3A_539 = tpu.memref_slice %arg10[%dma_start3A_529, %dma_start3A_537, %dma_start3A_538] : memref<48x8x128xf32, #tpu.memory_space<vmem>> -> memref<1x8x128xf32, #tpu.memory_space<vmem>>
    %dma_start3A_540 = tpu.memref_squeeze %dma_start3A_539 : memref<1x8x128xf32, #tpu.memory_space<vmem>> -> memref<8x128xf32, #tpu.memory_space<vmem>>
    %dma_start3A_541 = arith.constant 0 : i32
    %dma_start3A_542 = tpu.memref_slice %arg5[%dma_start3A_528, %dma_start3A_541, %mul3A_527] : memref<4x8x1000000xf32, #tpu.memory_space<hbm>> -> memref<1x8x128xf32, #tpu.memory_space<hbm>>
    %dma_start3A_543 = tpu.memref_squeeze %dma_start3A_542 : memref<1x8x128xf32, #tpu.memory_space<hbm>> -> memref<8x128xf32, #tpu.memory_space<hbm>>
    tpu.enqueue_dma source(%dma_start3A_543 : memref<8x128xf32, #tpu.memory_space<hbm>>) target(%dma_start3A_540 : memref<8x128xf32, #tpu.memory_space<vmem>>) target_semaphore(%arg12 : memref<!tpu.dma_semaphore, #tpu.memory_space<semaphore_mem>>)
    %mul3A_544 = arith.constant 128 : i32
    %mul3A_545 = arith.muli %shift_right_arithmetic3A_467, %mul3A_544 : i32
    %dma_start3A_546 = arith.constant 2 : i32
    %dma_start3A_547 = arith.constant 14 : i32
    %dma_start3A_548 = arith.constant 0 : i32
    %dma_start3A_549 = arith.constant 0 : i32
    %dma_start3A_550 = tpu.memref_slice %arg9[%dma_start3A_547, %dma_start3A_548, %dma_start3A_549] : memref<48x8x128xf32, #tpu.memory_space<vmem>> -> memref<1x8x128xf32, #tpu.memory_space<vmem>>
    %dma_start3A_551 = tpu.memref_squeeze %dma_start3A_550 : memref<1x8x128xf32, #tpu.memory_space<vmem>> -> memref<8x128xf32, #tpu.memory_space<vmem>>
    %dma_start3A_552 = arith.constant 0 : i32
    %dma_start3A_553 = tpu.memref_slice %arg4[%dma_start3A_546, %dma_start3A_552, %mul3A_545] : memref<4x8x1000000xf32, #tpu.memory_space<hbm>> -> memref<1x8x128xf32, #tpu.memory_space<hbm>>
    %dma_start3A_554 = tpu.memref_squeeze %dma_start3A_553 : memref<1x8x128xf32, #tpu.memory_space<hbm>> -> memref<8x128xf32, #tpu.memory_space<hbm>>
    %dma_start3A_555 = arith.constant 0 : i32
    %dma_start3A_556 = arith.constant 0 : i32
    %dma_start3A_557 = tpu.memref_slice %arg9[%dma_start3A_547, %dma_start3A_555, %dma_start3A_556] : memref<48x8x128xf32, #tpu.memory_space<vmem>> -> memref<1x8x128xf32, #tpu.memory_space<vmem>>
    %dma_start3A_558 = tpu.memref_squeeze %dma_start3A_557 : memref<1x8x128xf32, #tpu.memory_space<vmem>> -> memref<8x128xf32, #tpu.memory_space<vmem>>
    %dma_start3A_559 = arith.constant 0 : i32
    %dma_start3A_560 = tpu.memref_slice %arg4[%dma_start3A_546, %dma_start3A_559, %mul3A_545] : memref<4x8x1000000xf32, #tpu.memory_space<hbm>> -> memref<1x8x128xf32, #tpu.memory_space<hbm>>
    %dma_start3A_561 = tpu.memref_squeeze %dma_start3A_560 : memref<1x8x128xf32, #tpu.memory_space<hbm>> -> memref<8x128xf32, #tpu.memory_space<hbm>>
    tpu.enqueue_dma source(%dma_start3A_561 : memref<8x128xf32, #tpu.memory_space<hbm>>) target(%dma_start3A_558 : memref<8x128xf32, #tpu.memory_space<vmem>>) target_semaphore(%arg12 : memref<!tpu.dma_semaphore, #tpu.memory_space<semaphore_mem>>)
    %mul3A_562 = arith.constant 128 : i32
    %mul3A_563 = arith.muli %shift_right_arithmetic3A_471, %mul3A_562 : i32
    %dma_start3A_564 = arith.constant 2 : i32
    %dma_start3A_565 = arith.constant 14 : i32
    %dma_start3A_566 = arith.constant 0 : i32
    %dma_start3A_567 = arith.constant 0 : i32
    %dma_start3A_568 = tpu.memref_slice %arg10[%dma_start3A_565, %dma_start3A_566, %dma_start3A_567] : memref<48x8x128xf32, #tpu.memory_space<vmem>> -> memref<1x8x128xf32, #tpu.memory_space<vmem>>
    %dma_start3A_569 = tpu.memref_squeeze %dma_start3A_568 : memref<1x8x128xf32, #tpu.memory_space<vmem>> -> memref<8x128xf32, #tpu.memory_space<vmem>>
    %dma_start3A_570 = arith.constant 0 : i32
    %dma_start3A_571 = tpu.memref_slice %arg5[%dma_start3A_564, %dma_start3A_570, %mul3A_563] : memref<4x8x1000000xf32, #tpu.memory_space<hbm>> -> memref<1x8x128xf32, #tpu.memory_space<hbm>>
    %dma_start3A_572 = tpu.memref_squeeze %dma_start3A_571 : memref<1x8x128xf32, #tpu.memory_space<hbm>> -> memref<8x128xf32, #tpu.memory_space<hbm>>
    %dma_start3A_573 = arith.constant 0 : i32
    %dma_start3A_574 = arith.constant 0 : i32
    %dma_start3A_575 = tpu.memref_slice %arg10[%dma_start3A_565, %dma_start3A_573, %dma_start3A_574] : memref<48x8x128xf32, #tpu.memory_space<vmem>> -> memref<1x8x128xf32, #tpu.memory_space<vmem>>
    %dma_start3A_576 = tpu.memref_squeeze %dma_start3A_575 : memref<1x8x128xf32, #tpu.memory_space<vmem>> -> memref<8x128xf32, #tpu.memory_space<vmem>>
    %dma_start3A_577 = arith.constant 0 : i32
    %dma_start3A_578 = tpu.memref_slice %arg5[%dma_start3A_564, %dma_start3A_577, %mul3A_563] : memref<4x8x1000000xf32, #tpu.memory_space<hbm>> -> memref<1x8x128xf32, #tpu.memory_space<hbm>>
    %dma_start3A_579 = tpu.memref_squeeze %dma_start3A_578 : memref<1x8x128xf32, #tpu.memory_space<hbm>> -> memref<8x128xf32, #tpu.memory_space<hbm>>
    tpu.enqueue_dma source(%dma_start3A_579 : memref<8x128xf32, #tpu.memory_space<hbm>>) target(%dma_start3A_576 : memref<8x128xf32, #tpu.memory_space<vmem>>) target_semaphore(%arg12 : memref<!tpu.dma_semaphore, #tpu.memory_space<semaphore_mem>>)
    %mul3A_580 = arith.constant 128 : i32
    %mul3A_581 = arith.muli %shift_right_arithmetic3A_467, %mul3A_580 : i32
    %dma_start3A_582 = arith.constant 3 : i32
    %dma_start3A_583 = arith.constant 15 : i32
    %dma_start3A_584 = arith.constant 0 : i32
    %dma_start3A_585 = arith.constant 0 : i32
    %dma_start3A_586 = tpu.memref_slice %arg9[%dma_start3A_583, %dma_start3A_584, %dma_start3A_585] : memref<48x8x128xf32, #tpu.memory_space<vmem>> -> memref<1x8x128xf32, #tpu.memory_space<vmem>>
    %dma_start3A_587 = tpu.memref_squeeze %dma_start3A_586 : memref<1x8x128xf32, #tpu.memory_space<vmem>> -> memref<8x128xf32, #tpu.memory_space<vmem>>
    %dma_start3A_588 = arith.constant 0 : i32
    %dma_start3A_589 = tpu.memref_slice %arg4[%dma_start3A_582, %dma_start3A_588, %mul3A_581] : memref<4x8x1000000xf32, #tpu.memory_space<hbm>> -> memref<1x8x128xf32, #tpu.memory_space<hbm>>
    %dma_start3A_590 = tpu.memref_squeeze %dma_start3A_589 : memref<1x8x128xf32, #tpu.memory_space<hbm>> -> memref<8x128xf32, #tpu.memory_space<hbm>>
    %dma_start3A_591 = arith.constant 0 : i32
    %dma_start3A_592 = arith.constant 0 : i32
    %dma_start3A_593 = tpu.memref_slice %arg9[%dma_start3A_583, %dma_start3A_591, %dma_start3A_592] : memref<48x8x128xf32, #tpu.memory_space<vmem>> -> memref<1x8x128xf32, #tpu.memory_space<vmem>>
    %dma_start3A_594 = tpu.memref_squeeze %dma_start3A_593 : memref<1x8x128xf32, #tpu.memory_space<vmem>> -> memref<8x128xf32, #tpu.memory_space<vmem>>
    %dma_start3A_595 = arith.constant 0 : i32
    %dma_start3A_596 = tpu.memref_slice %arg4[%dma_start3A_582, %dma_start3A_595, %mul3A_581] : memref<4x8x1000000xf32, #tpu.memory_space<hbm>> -> memref<1x8x128xf32, #tpu.memory_space<hbm>>
    %dma_start3A_597 = tpu.memref_squeeze %dma_start3A_596 : memref<1x8x128xf32, #tpu.memory_space<hbm>> -> memref<8x128xf32, #tpu.memory_space<hbm>>
    tpu.enqueue_dma source(%dma_start3A_597 : memref<8x128xf32, #tpu.memory_space<hbm>>) target(%dma_start3A_594 : memref<8x128xf32, #tpu.memory_space<vmem>>) target_semaphore(%arg12 : memref<!tpu.dma_semaphore, #tpu.memory_space<semaphore_mem>>)
    %mul3A_598 = arith.constant 128 : i32
    %mul3A_599 = arith.muli %shift_right_arithmetic3A_471, %mul3A_598 : i32
    %dma_start3A_600 = arith.constant 3 : i32
    %dma_start3A_601 = arith.constant 15 : i32
    %dma_start3A_602 = arith.constant 0 : i32
    %dma_start3A_603 = arith.constant 0 : i32
    %dma_start3A_604 = tpu.memref_slice %arg10[%dma_start3A_601, %dma_start3A_602, %dma_start3A_603] : memref<48x8x128xf32, #tpu.memory_space<vmem>> -> memref<1x8x128xf32, #tpu.memory_space<vmem>>
    %dma_start3A_605 = tpu.memref_squeeze %dma_start3A_604 : memref<1x8x128xf32, #tpu.memory_space<vmem>> -> memref<8x128xf32, #tpu.memory_space<vmem>>
    %dma_start3A_606 = arith.constant 0 : i32
    %dma_start3A_607 = tpu.memref_slice %arg5[%dma_start3A_600, %dma_start3A_606, %mul3A_599] : memref<4x8x1000000xf32, #tpu.memory_space<hbm>> -> memref<1x8x128xf32, #tpu.memory_space<hbm>>
    %dma_start3A_608 = tpu.memref_squeeze %dma_start3A_607 : memref<1x8x128xf32, #tpu.memory_space<hbm>> -> memref<8x128xf32, #tpu.memory_space<hbm>>
    %dma_start3A_609 = arith.constant 0 : i32
    %dma_start3A_610 = arith.constant 0 : i32
    %dma_start3A_611 = tpu.memref_slice %arg10[%dma_start3A_601, %dma_start3A_609, %dma_start3A_610] : memref<48x8x128xf32, #tpu.memory_space<vmem>> -> memref<1x8x128xf32, #tpu.memory_space<vmem>>
    %dma_start3A_612 = tpu.memref_squeeze %dma_start3A_611 : memref<1x8x128xf32, #tpu.memory_space<vmem>> -> memref<8x128xf32, #tpu.memory_space<vmem>>
    %dma_start3A_613 = arith.constant 0 : i32
    %dma_start3A_614 = tpu.memref_slice %arg5[%dma_start3A_600, %dma_start3A_613, %mul3A_599] : memref<4x8x1000000xf32, #tpu.memory_space<hbm>> -> memref<1x8x128xf32, #tpu.memory_space<hbm>>
    %dma_start3A_615 = tpu.memref_squeeze %dma_start3A_614 : memref<1x8x128xf32, #tpu.memory_space<hbm>> -> memref<8x128xf32, #tpu.memory_space<hbm>>
    tpu.enqueue_dma source(%dma_start3A_615 : memref<8x128xf32, #tpu.memory_space<hbm>>) target(%dma_start3A_612 : memref<8x128xf32, #tpu.memory_space<vmem>>) target_semaphore(%arg12 : memref<!tpu.dma_semaphore, #tpu.memory_space<semaphore_mem>>)
    %get3A_616 = arith.constant 4 : index
    %get3A_617 = tpu.vector_load %arg7[%get3A_616] {strides = array<i32>} : memref<528xi32, #tpu.memory_space<vmem>>, vector<16xi32>,
    %get3A_618 = arith.constant 4 : index
    %get3A_619 = tpu.vector_load %arg8[%get3A_618] {strides = array<i32>} : memref<528xi32, #tpu.memory_space<vmem>>, vector<16xi32>,
    %slice3A_620 = vector.extract_strided_slice %get3A_617 {offsets = [0], sizes = [1], strides = [1]} : vector<16xi32> to vector<1xi32>
    %squeeze3A_621 = vector.extract %slice3A_620[0] : i32 from vector<1xi32>
    %shift_right_arithmetic3A_622 = arith.constant 7 : i32
    %shift_right_arithmetic3A_623 = arith.shrsi %squeeze3A_621, %shift_right_arithmetic3A_622 : i32
    %slice3A_624 = vector.extract_strided_slice %get3A_619 {offsets = [0], sizes = [1], strides = [1]} : vector<16xi32> to vector<1xi32>
    %squeeze3A_625 = vector.extract %slice3A_624[0] : i32 from vector<1xi32>
    %shift_right_arithmetic3A_626 = arith.constant 7 : i32
    %shift_right_arithmetic3A_627 = arith.shrsi %squeeze3A_625, %shift_right_arithmetic3A_626 : i32
    %mul3A_628 = arith.constant 128 : i32
    %mul3A_629 = arith.muli %shift_right_arithmetic3A_623, %mul3A_628 : i32
    %dma_start3A_630 = arith.constant 0 : i32
    %dma_start3A_631 = arith.constant 16 : i32
    %dma_start3A_632 = arith.constant 0 : i32
    %dma_start3A_633 = arith.constant 0 : i32
    %dma_start3A_634 = tpu.memref_slice %arg9[%dma_start3A_631, %dma_start3A_632, %dma_start3A_633] : memref<48x8x128xf32, #tpu.memory_space<vmem>> -> memref<1x8x128xf32, #tpu.memory_space<vmem>>
    %dma_start3A_635 = tpu.memref_squeeze %dma_start3A_634 : memref<1x8x128xf32, #tpu.memory_space<vmem>> -> memref<8x128xf32, #tpu.memory_space<vmem>>
    %dma_start3A_636 = arith.constant 0 : i32
    %dma_start3A_637 = tpu.memref_slice %arg4[%dma_start3A_630, %dma_start3A_636, %mul3A_629] : memref<4x8x1000000xf32, #tpu.memory_space<hbm>> -> memref<1x8x128xf32, #tpu.memory_space<hbm>>
    %dma_start3A_638 = tpu.memref_squeeze %dma_start3A_637 : memref<1x8x128xf32, #tpu.memory_space<hbm>> -> memref<8x128xf32, #tpu.memory_space<hbm>>
    %dma_start3A_639 = arith.constant 0 : i32
    %dma_start3A_640 = arith.constant 0 : i32
    %dma_start3A_641 = tpu.memref_slice %arg9[%dma_start3A_631, %dma_start3A_639, %dma_start3A_640] : memref<48x8x128xf32, #tpu.memory_space<vmem>> -> memref<1x8x128xf32, #tpu.memory_space<vmem>>
    %dma_start3A_642 = tpu.memref_squeeze %dma_start3A_641 : memref<1x8x128xf32, #tpu.memory_space<vmem>> -> memref<8x128xf32, #tpu.memory_space<vmem>>
    %dma_start3A_643 = arith.constant 0 : i32
    %dma_start3A_644 = tpu.memref_slice %arg4[%dma_start3A_630, %dma_start3A_643, %mul3A_629] : memref<4x8x1000000xf32, #tpu.memory_space<hbm>> -> memref<1x8x128xf32, #tpu.memory_space<hbm>>
    %dma_start3A_645 = tpu.memref_squeeze %dma_start3A_644 : memref<1x8x128xf32, #tpu.memory_space<hbm>> -> memref<8x128xf32, #tpu.memory_space<hbm>>
    tpu.enqueue_dma source(%dma_start3A_645 : memref<8x128xf32, #tpu.memory_space<hbm>>) target(%dma_start3A_642 : memref<8x128xf32, #tpu.memory_space<vmem>>) target_semaphore(%arg12 : memref<!tpu.dma_semaphore, #tpu.memory_space<semaphore_mem>>)
    %mul3A_646 = arith.constant 128 : i32
    %mul3A_647 = arith.muli %shift_right_arithmetic3A_627, %mul3A_646 : i32
    %dma_start3A_648 = arith.constant 0 : i32
    %dma_start3A_649 = arith.constant 16 : i32
    %dma_start3A_650 = arith.constant 0 : i32
    %dma_start3A_651 = arith.constant 0 : i32
    %dma_start3A_652 = tpu.memref_slice %arg10[%dma_start3A_649, %dma_start3A_650, %dma_start3A_651] : memref<48x8x128xf32, #tpu.memory_space<vmem>> -> memref<1x8x128xf32, #tpu.memory_space<vmem>>
    %dma_start3A_653 = tpu.memref_squeeze %dma_start3A_652 : memref<1x8x128xf32, #tpu.memory_space<vmem>> -> memref<8x128xf32, #tpu.memory_space<vmem>>
    %dma_start3A_654 = arith.constant 0 : i32
    %dma_start3A_655 = tpu.memref_slice %arg5[%dma_start3A_648, %dma_start3A_654, %mul3A_647] : memref<4x8x1000000xf32, #tpu.memory_space<hbm>> -> memref<1x8x128xf32, #tpu.memory_space<hbm>>
    %dma_start3A_656 = tpu.memref_squeeze %dma_start3A_655 : memref<1x8x128xf32, #tpu.memory_space<hbm>> -> memref<8x128xf32, #tpu.memory_space<hbm>>
    %dma_start3A_657 = arith.constant 0 : i32
    %dma_start3A_658 = arith.constant 0 : i32
    %dma_start3A_659 = tpu.memref_slice %arg10[%dma_start3A_649, %dma_start3A_657, %dma_start3A_658] : memref<48x8x128xf32, #tpu.memory_space<vmem>> -> memref<1x8x128xf32, #tpu.memory_space<vmem>>
    %dma_start3A_660 = tpu.memref_squeeze %dma_start3A_659 : memref<1x8x128xf32, #tpu.memory_space<vmem>> -> memref<8x128xf32, #tpu.memory_space<vmem>>
    %dma_start3A_661 = arith.constant 0 : i32
    %dma_start3A_662 = tpu.memref_slice %arg5[%dma_start3A_648, %dma_start3A_661, %mul3A_647] : memref<4x8x1000000xf32, #tpu.memory_space<hbm>> -> memref<1x8x128xf32, #tpu.memory_space<hbm>>
    %dma_start3A_663 = tpu.memref_squeeze %dma_start3A_662 : memref<1x8x128xf32, #tpu.memory_space<hbm>> -> memref<8x128xf32, #tpu.memory_space<hbm>>
    tpu.enqueue_dma source(%dma_start3A_663 : memref<8x128xf32, #tpu.memory_space<hbm>>) target(%dma_start3A_660 : memref<8x128xf32, #tpu.memory_space<vmem>>) target_semaphore(%arg12 : memref<!tpu.dma_semaphore, #tpu.memory_space<semaphore_mem>>)
    %mul3A_664 = arith.constant 128 : i32
    %mul3A_665 = arith.muli %shift_right_arithmetic3A_623, %mul3A_664 : i32
    %dma_start3A_666 = arith.constant 1 : i32
    %dma_start3A_667 = arith.constant 17 : i32
    %dma_start3A_668 = arith.constant 0 : i32
    %dma_start3A_669 = arith.constant 0 : i32
    %dma_start3A_670 = tpu.memref_slice %arg9[%dma_start3A_667, %dma_start3A_668, %dma_start3A_669] : memref<48x8x128xf32, #tpu.memory_space<vmem>> -> memref<1x8x128xf32, #tpu.memory_space<vmem>>
    %dma_start3A_671 = tpu.memref_squeeze %dma_start3A_670 : memref<1x8x128xf32, #tpu.memory_space<vmem>> -> memref<8x128xf32, #tpu.memory_space<vmem>>
    %dma_start3A_672 = arith.constant 0 : i32
    %dma_start3A_673 = tpu.memref_slice %arg4[%dma_start3A_666, %dma_start3A_672, %mul3A_665] : memref<4x8x1000000xf32, #tpu.memory_space<hbm>> -> memref<1x8x128xf32, #tpu.memory_space<hbm>>
    %dma_start3A_674 = tpu.memref_squeeze %dma_start3A_673 : memref<1x8x128xf32, #tpu.memory_space<hbm>> -> memref<8x128xf32, #tpu.memory_space<hbm>>
    %dma_start3A_675 = arith.constant 0 : i32
    %dma_start3A_676 = arith.constant 0 : i32
    %dma_start3A_677 = tpu.memref_slice %arg9[%dma_start3A_667, %dma_start3A_675, %dma_start3A_676] : memref<48x8x128xf32, #tpu.memory_space<vmem>> -> memref<1x8x128xf32, #tpu.memory_space<vmem>>
    %dma_start3A_678 = tpu.memref_squeeze %dma_start3A_677 : memref<1x8x128xf32, #tpu.memory_space<vmem>> -> memref<8x128xf32, #tpu.memory_space<vmem>>
    %dma_start3A_679 = arith.constant 0 : i32
    %dma_start3A_680 = tpu.memref_slice %arg4[%dma_start3A_666, %dma_start3A_679, %mul3A_665] : memref<4x8x1000000xf32, #tpu.memory_space<hbm>> -> memref<1x8x128xf32, #tpu.memory_space<hbm>>
    %dma_start3A_681 = tpu.memref_squeeze %dma_start3A_680 : memref<1x8x128xf32, #tpu.memory_space<hbm>> -> memref<8x128xf32, #tpu.memory_space<hbm>>
    tpu.enqueue_dma source(%dma_start3A_681 : memref<8x128xf32, #tpu.memory_space<hbm>>) target(%dma_start3A_678 : memref<8x128xf32, #tpu.memory_space<vmem>>) target_semaphore(%arg12 : memref<!tpu.dma_semaphore, #tpu.memory_space<semaphore_mem>>)
    %mul3A_682 = arith.constant 128 : i32
    %mul3A_683 = arith.muli %shift_right_arithmetic3A_627, %mul3A_682 : i32
    %dma_start3A_684 = arith.constant 1 : i32
    %dma_start3A_685 = arith.constant 17 : i32
    %dma_start3A_686 = arith.constant 0 : i32
    %dma_start3A_687 = arith.constant 0 : i32
    %dma_start3A_688 = tpu.memref_slice %arg10[%dma_start3A_685, %dma_start3A_686, %dma_start3A_687] : memref<48x8x128xf32, #tpu.memory_space<vmem>> -> memref<1x8x128xf32, #tpu.memory_space<vmem>>
    %dma_start3A_689 = tpu.memref_squeeze %dma_start3A_688 : memref<1x8x128xf32, #tpu.memory_space<vmem>> -> memref<8x128xf32, #tpu.memory_space<vmem>>
    %dma_start3A_690 = arith.constant 0 : i32
    %dma_start3A_691 = tpu.memref_slice %arg5[%dma_start3A_684, %dma_start3A_690, %mul3A_683] : memref<4x8x1000000xf32, #tpu.memory_space<hbm>> -> memref<1x8x128xf32, #tpu.memory_space<hbm>>
    %dma_start3A_692 = tpu.memref_squeeze %dma_start3A_691 : memref<1x8x128xf32, #tpu.memory_space<hbm>> -> memref<8x128xf32, #tpu.memory_space<hbm>>
    %dma_start3A_693 = arith.constant 0 : i32
    %dma_start3A_694 = arith.constant 0 : i32
    %dma_start3A_695 = tpu.memref_slice %arg10[%dma_start3A_685, %dma_start3A_693, %dma_start3A_694] : memref<48x8x128xf32, #tpu.memory_space<vmem>> -> memref<1x8x128xf32, #tpu.memory_space<vmem>>
    %dma_start3A_696 = tpu.memref_squeeze %dma_start3A_695 : memref<1x8x128xf32, #tpu.memory_space<vmem>> -> memref<8x128xf32, #tpu.memory_space<vmem>>
    %dma_start3A_697 = arith.constant 0 : i32
    %dma_start3A_698 = tpu.memref_slice %arg5[%dma_start3A_684, %dma_start3A_697, %mul3A_683] : memref<4x8x1000000xf32, #tpu.memory_space<hbm>> -> memref<1x8x128xf32, #tpu.memory_space<hbm>>
    %dma_start3A_699 = tpu.memref_squeeze %dma_start3A_698 : memref<1x8x128xf32, #tpu.memory_space<hbm>> -> memref<8x128xf32, #tpu.memory_space<hbm>>
    tpu.enqueue_dma source(%dma_start3A_699 : memref<8x128xf32, #tpu.memory_space<hbm>>) target(%dma_start3A_696 : memref<8x128xf32, #tpu.memory_space<vmem>>) target_semaphore(%arg12 : memref<!tpu.dma_semaphore, #tpu.memory_space<semaphore_mem>>)
    %mul3A_700 = arith.constant 128 : i32
    %mul3A_701 = arith.muli %shift_right_arithmetic3A_623, %mul3A_700 : i32
    %dma_start3A_702 = arith.constant 2 : i32
    %dma_start3A_703 = arith.constant 18 : i32
    %dma_start3A_704 = arith.constant 0 : i32
    %dma_start3A_705 = arith.constant 0 : i32
    %dma_start3A_706 = tpu.memref_slice %arg9[%dma_start3A_703, %dma_start3A_704, %dma_start3A_705] : memref<48x8x128xf32, #tpu.memory_space<vmem>> -> memref<1x8x128xf32, #tpu.memory_space<vmem>>
    %dma_start3A_707 = tpu.memref_squeeze %dma_start3A_706 : memref<1x8x128xf32, #tpu.memory_space<vmem>> -> memref<8x128xf32, #tpu.memory_space<vmem>>
    %dma_start3A_708 = arith.constant 0 : i32
    %dma_start3A_709 = tpu.memref_slice %arg4[%dma_start3A_702, %dma_start3A_708, %mul3A_701] : memref<4x8x1000000xf32, #tpu.memory_space<hbm>> -> memref<1x8x128xf32, #tpu.memory_space<hbm>>
    %dma_start3A_710 = tpu.memref_squeeze %dma_start3A_709 : memref<1x8x128xf32, #tpu.memory_space<hbm>> -> memref<8x128xf32, #tpu.memory_space<hbm>>
    %dma_start3A_711 = arith.constant 0 : i32
    %dma_start3A_712 = arith.constant 0 : i32
    %dma_start3A_713 = tpu.memref_slice %arg9[%dma_start3A_703, %dma_start3A_711, %dma_start3A_712] : memref<48x8x128xf32, #tpu.memory_space<vmem>> -> memref<1x8x128xf32, #tpu.memory_space<vmem>>
    %dma_start3A_714 = tpu.memref_squeeze %dma_start3A_713 : memref<1x8x128xf32, #tpu.memory_space<vmem>> -> memref<8x128xf32, #tpu.memory_space<vmem>>
    %dma_start3A_715 = arith.constant 0 : i32
    %dma_start3A_716 = tpu.memref_slice %arg4[%dma_start3A_702, %dma_start3A_715, %mul3A_701] : memref<4x8x1000000xf32, #tpu.memory_space<hbm>> -> memref<1x8x128xf32, #tpu.memory_space<hbm>>
    %dma_start3A_717 = tpu.memref_squeeze %dma_start3A_716 : memref<1x8x128xf32, #tpu.memory_space<hbm>> -> memref<8x128xf32, #tpu.memory_space<hbm>>
    tpu.enqueue_dma source(%dma_start3A_717 : memref<8x128xf32, #tpu.memory_space<hbm>>) target(%dma_start3A_714 : memref<8x128xf32, #tpu.memory_space<vmem>>) target_semaphore(%arg12 : memref<!tpu.dma_semaphore, #tpu.memory_space<semaphore_mem>>)
    %mul3A_718 = arith.constant 128 : i32
    %mul3A_719 = arith.muli %shift_right_arithmetic3A_627, %mul3A_718 : i32
    %dma_start3A_720 = arith.constant 2 : i32
    %dma_start3A_721 = arith.constant 18 : i32
    %dma_start3A_722 = arith.constant 0 : i32
    %dma_start3A_723 = arith.constant 0 : i32
    %dma_start3A_724 = tpu.memref_slice %arg10[%dma_start3A_721, %dma_start3A_722, %dma_start3A_723] : memref<48x8x128xf32, #tpu.memory_space<vmem>> -> memref<1x8x128xf32, #tpu.memory_space<vmem>>
    %dma_start3A_725 = tpu.memref_squeeze %dma_start3A_724 : memref<1x8x128xf32, #tpu.memory_space<vmem>> -> memref<8x128xf32, #tpu.memory_space<vmem>>
    %dma_start3A_726 = arith.constant 0 : i32
    %dma_start3A_727 = tpu.memref_slice %arg5[%dma_start3A_720, %dma_start3A_726, %mul3A_719] : memref<4x8x1000000xf32, #tpu.memory_space<hbm>> -> memref<1x8x128xf32, #tpu.memory_space<hbm>>
    %dma_start3A_728 = tpu.memref_squeeze %dma_start3A_727 : memref<1x8x128xf32, #tpu.memory_space<hbm>> -> memref<8x128xf32, #tpu.memory_space<hbm>>
    %dma_start3A_729 = arith.constant 0 : i32
    %dma_start3A_730 = arith.constant 0 : i32
    %dma_start3A_731 = tpu.memref_slice %arg10[%dma_start3A_721, %dma_start3A_729, %dma_start3A_730] : memref<48x8x128xf32, #tpu.memory_space<vmem>> -> memref<1x8x128xf32, #tpu.memory_space<vmem>>
    %dma_start3A_732 = tpu.memref_squeeze %dma_start3A_731 : memref<1x8x128xf32, #tpu.memory_space<vmem>> -> memref<8x128xf32, #tpu.memory_space<vmem>>
    %dma_start3A_733 = arith.constant 0 : i32
    %dma_start3A_734 = tpu.memref_slice %arg5[%dma_start3A_720, %dma_start3A_733, %mul3A_719] : memref<4x8x1000000xf32, #tpu.memory_space<hbm>> -> memref<1x8x128xf32, #tpu.memory_space<hbm>>
    %dma_start3A_735 = tpu.memref_squeeze %dma_start3A_734 : memref<1x8x128xf32, #tpu.memory_space<hbm>> -> memref<8x128xf32, #tpu.memory_space<hbm>>
    tpu.enqueue_dma source(%dma_start3A_735 : memref<8x128xf32, #tpu.memory_space<hbm>>) target(%dma_start3A_732 : memref<8x128xf32, #tpu.memory_space<vmem>>) target_semaphore(%arg12 : memref<!tpu.dma_semaphore, #tpu.memory_space<semaphore_mem>>)
    %mul3A_736 = arith.constant 128 : i32
    %mul3A_737 = arith.muli %shift_right_arithmetic3A_623, %mul3A_736 : i32
    %dma_start3A_738 = arith.constant 3 : i32
    %dma_start3A_739 = arith.constant 19 : i32
    %dma_start3A_740 = arith.constant 0 : i32
    %dma_start3A_741 = arith.constant 0 : i32
    %dma_start3A_742 = tpu.memref_slice %arg9[%dma_start3A_739, %dma_start3A_740, %dma_start3A_741] : memref<48x8x128xf32, #tpu.memory_space<vmem>> -> memref<1x8x128xf32, #tpu.memory_space<vmem>>
    %dma_start3A_743 = tpu.memref_squeeze %dma_start3A_742 : memref<1x8x128xf32, #tpu.memory_space<vmem>> -> memref<8x128xf32, #tpu.memory_space<vmem>>
    %dma_start3A_744 = arith.constant 0 : i32
    %dma_start3A_745 = tpu.memref_slice %arg4[%dma_start3A_738, %dma_start3A_744, %mul3A_737] : memref<4x8x1000000xf32, #tpu.memory_space<hbm>> -> memref<1x8x128xf32, #tpu.memory_space<hbm>>
    %dma_start3A_746 = tpu.memref_squeeze %dma_start3A_745 : memref<1x8x128xf32, #tpu.memory_space<hbm>> -> memref<8x128xf32, #tpu.memory_space<hbm>>
    %dma_start3A_747 = arith.constant 0 : i32
    %dma_start3A_748 = arith.constant 0 : i32
    %dma_start3A_749 = tpu.memref_slice %arg9[%dma_start3A_739, %dma_start3A_747, %dma_start3A_748] : memref<48x8x128xf32, #tpu.memory_space<vmem>> -> memref<1x8x128xf32, #tpu.memory_space<vmem>>
    %dma_start3A_750 = tpu.memref_squeeze %dma_start3A_749 : memref<1x8x128xf32, #tpu.memory_space<vmem>> -> memref<8x128xf32, #tpu.memory_space<vmem>>
    %dma_start3A_751 = arith.constant 0 : i32
    %dma_start3A_752 = tpu.memref_slice %arg4[%dma_start3A_738, %dma_start3A_751, %mul3A_737] : memref<4x8x1000000xf32, #tpu.memory_space<hbm>> -> memref<1x8x128xf32, #tpu.memory_space<hbm>>
    %dma_start3A_753 = tpu.memref_squeeze %dma_start3A_752 : memref<1x8x128xf32, #tpu.memory_space<hbm>> -> memref<8x128xf32, #tpu.memory_space<hbm>>
    tpu.enqueue_dma source(%dma_start3A_753 : memref<8x128xf32, #tpu.memory_space<hbm>>) target(%dma_start3A_750 : memref<8x128xf32, #tpu.memory_space<vmem>>) target_semaphore(%arg12 : memref<!tpu.dma_semaphore, #tpu.memory_space<semaphore_mem>>)
    %mul3A_754 = arith.constant 128 : i32
    %mul3A_755 = arith.muli %shift_right_arithmetic3A_627, %mul3A_754 : i32
    %dma_start3A_756 = arith.constant 3 : i32
    %dma_start3A_757 = arith.constant 19 : i32
    %dma_start3A_758 = arith.constant 0 : i32
    %dma_start3A_759 = arith.constant 0 : i32
    %dma_start3A_760 = tpu.memref_slice %arg10[%dma_start3A_757, %dma_start3A_758, %dma_start3A_759] : memref<48x8x128xf32, #tpu.memory_space<vmem>> -> memref<1x8x128xf32, #tpu.memory_space<vmem>>
    %dma_start3A_761 = tpu.memref_squeeze %dma_start3A_760 : memref<1x8x128xf32, #tpu.memory_space<vmem>> -> memref<8x128xf32, #tpu.memory_space<vmem>>
    %dma_start3A_762 = arith.constant 0 : i32
    %dma_start3A_763 = tpu.memref_slice %arg5[%dma_start3A_756, %dma_start3A_762, %mul3A_755] : memref<4x8x1000000xf32, #tpu.memory_space<hbm>> -> memref<1x8x128xf32, #tpu.memory_space<hbm>>
    %dma_start3A_764 = tpu.memref_squeeze %dma_start3A_763 : memref<1x8x128xf32, #tpu.memory_space<hbm>> -> memref<8x128xf32, #tpu.memory_space<hbm>>
    %dma_start3A_765 = arith.constant 0 : i32
    %dma_start3A_766 = arith.constant 0 : i32
    %dma_start3A_767 = tpu.memref_slice %arg10[%dma_start3A_757, %dma_start3A_765, %dma_start3A_766] : memref<48x8x128xf32, #tpu.memory_space<vmem>> -> memref<1x8x128xf32, #tpu.memory_space<vmem>>
    %dma_start3A_768 = tpu.memref_squeeze %dma_start3A_767 : memref<1x8x128xf32, #tpu.memory_space<vmem>> -> memref<8x128xf32, #tpu.memory_space<vmem>>
    %dma_start3A_769 = arith.constant 0 : i32
    %dma_start3A_770 = tpu.memref_slice %arg5[%dma_start3A_756, %dma_start3A_769, %mul3A_755] : memref<4x8x1000000xf32, #tpu.memory_space<hbm>> -> memref<1x8x128xf32, #tpu.memory_space<hbm>>
    %dma_start3A_771 = tpu.memref_squeeze %dma_start3A_770 : memref<1x8x128xf32, #tpu.memory_space<hbm>> -> memref<8x128xf32, #tpu.memory_space<hbm>>
    tpu.enqueue_dma source(%dma_start3A_771 : memref<8x128xf32, #tpu.memory_space<hbm>>) target(%dma_start3A_768 : memref<8x128xf32, #tpu.memory_space<vmem>>) target_semaphore(%arg12 : memref<!tpu.dma_semaphore, #tpu.memory_space<semaphore_mem>>)
    %slice3A_772 = vector.extract_strided_slice %get3A_617 {offsets = [1], sizes = [1], strides = [1]} : vector<16xi32> to vector<1xi32>
    %squeeze3A_773 = vector.extract %slice3A_772[0] : i32 from vector<1xi32>
    %shift_right_arithmetic3A_774 = arith.constant 7 : i32
    %shift_right_arithmetic3A_775 = arith.shrsi %squeeze3A_773, %shift_right_arithmetic3A_774 : i32
    %slice3A_776 = vector.extract_strided_slice %get3A_619 {offsets = [1], sizes = [1], strides = [1]} : vector<16xi32> to vector<1xi32>
    %squeeze3A_777 = vector.extract %slice3A_776[0] : i32 from vector<1xi32>
    %shift_right_arithmetic3A_778 = arith.constant 7 : i32
    %shift_right_arithmetic3A_779 = arith.shrsi %squeeze3A_777, %shift_right_arithmetic3A_778 : i32
    %mul3A_780 = arith.constant 128 : i32
    %mul3A_781 = arith.muli %shift_right_arithmetic3A_775, %mul3A_780 : i32
    %dma_start3A_782 = arith.constant 0 : i32
    %dma_start3A_783 = arith.constant 20 : i32
    %dma_start3A_784 = arith.constant 0 : i32
    %dma_start3A_785 = arith.constant 0 : i32
    %dma_start3A_786 = tpu.memref_slice %arg9[%dma_start3A_783, %dma_start3A_784, %dma_start3A_785] : memref<48x8x128xf32, #tpu.memory_space<vmem>> -> memref<1x8x128xf32, #tpu.memory_space<vmem>>
    %dma_start3A_787 = tpu.memref_squeeze %dma_start3A_786 : memref<1x8x128xf32, #tpu.memory_space<vmem>> -> memref<8x128xf32, #tpu.memory_space<vmem>>
    %dma_start3A_788 = arith.constant 0 : i32
    %dma_start3A_789 = tpu.memref_slice %arg4[%dma_start3A_782, %dma_start3A_788, %mul3A_781] : memref<4x8x1000000xf32, #tpu.memory_space<hbm>> -> memref<1x8x128xf32, #tpu.memory_space<hbm>>
    %dma_start3A_790 = tpu.memref_squeeze %dma_start3A_789 : memref<1x8x128xf32, #tpu.memory_space<hbm>> -> memref<8x128xf32, #tpu.memory_space<hbm>>
    %dma_start3A_791 = arith.constant 0 : i32
    %dma_start3A_792 = arith.constant 0 : i32
    %dma_start3A_793 = tpu.memref_slice %arg9[%dma_start3A_783, %dma_start3A_791, %dma_start3A_792] : memref<48x8x128xf32, #tpu.memory_space<vmem>> -> memref<1x8x128xf32, #tpu.memory_space<vmem>>
    %dma_start3A_794 = tpu.memref_squeeze %dma_start3A_793 : memref<1x8x128xf32, #tpu.memory_space<vmem>> -> memref<8x128xf32, #tpu.memory_space<vmem>>
    %dma_start3A_795 = arith.constant 0 : i32
    %dma_start3A_796 = tpu.memref_slice %arg4[%dma_start3A_782, %dma_start3A_795, %mul3A_781] : memref<4x8x1000000xf32, #tpu.memory_space<hbm>> -> memref<1x8x128xf32, #tpu.memory_space<hbm>>
    %dma_start3A_797 = tpu.memref_squeeze %dma_start3A_796 : memref<1x8x128xf32, #tpu.memory_space<hbm>> -> memref<8x128xf32, #tpu.memory_space<hbm>>
    tpu.enqueue_dma source(%dma_start3A_797 : memref<8x128xf32, #tpu.memory_space<hbm>>) target(%dma_start3A_794 : memref<8x128xf32, #tpu.memory_space<vmem>>) target_semaphore(%arg12 : memref<!tpu.dma_semaphore, #tpu.memory_space<semaphore_mem>>)
    %mul3A_798 = arith.constant 128 : i32
    %mul3A_799 = arith.muli %shift_right_arithmetic3A_779, %mul3A_798 : i32
    %dma_start3A_800 = arith.constant 0 : i32
    %dma_start3A_801 = arith.constant 20 : i32
    %dma_start3A_802 = arith.constant 0 : i32
    %dma_start3A_803 = arith.constant 0 : i32
    %dma_start3A_804 = tpu.memref_slice %arg10[%dma_start3A_801, %dma_start3A_802, %dma_start3A_803] : memref<48x8x128xf32, #tpu.memory_space<vmem>> -> memref<1x8x128xf32, #tpu.memory_space<vmem>>
    %dma_start3A_805 = tpu.memref_squeeze %dma_start3A_804 : memref<1x8x128xf32, #tpu.memory_space<vmem>> -> memref<8x128xf32, #tpu.memory_space<vmem>>
    %dma_start3A_806 = arith.constant 0 : i32
    %dma_start3A_807 = tpu.memref_slice %arg5[%dma_start3A_800, %dma_start3A_806, %mul3A_799] : memref<4x8x1000000xf32, #tpu.memory_space<hbm>> -> memref<1x8x128xf32, #tpu.memory_space<hbm>>
    %dma_start3A_808 = tpu.memref_squeeze %dma_start3A_807 : memref<1x8x128xf32, #tpu.memory_space<hbm>> -> memref<8x128xf32, #tpu.memory_space<hbm>>
    %dma_start3A_809 = arith.constant 0 : i32
    %dma_start3A_810 = arith.constant 0 : i32
    %dma_start3A_811 = tpu.memref_slice %arg10[%dma_start3A_801, %dma_start3A_809, %dma_start3A_810] : memref<48x8x128xf32, #tpu.memory_space<vmem>> -> memref<1x8x128xf32, #tpu.memory_space<vmem>>
    %dma_start3A_812 = tpu.memref_squeeze %dma_start3A_811 : memref<1x8x128xf32, #tpu.memory_space<vmem>> -> memref<8x128xf32, #tpu.memory_space<vmem>>
    %dma_start3A_813 = arith.constant 0 : i32
    %dma_start3A_814 = tpu.memref_slice %arg5[%dma_start3A_800, %dma_start3A_813, %mul3A_799] : memref<4x8x1000000xf32, #tpu.memory_space<hbm>> -> memref<1x8x128xf32, #tpu.memory_space<hbm>>
    %dma_start3A_815 = tpu.memref_squeeze %dma_start3A_814 : memref<1x8x128xf32, #tpu.memory_space<hbm>> -> memref<8x128xf32, #tpu.memory_space<hbm>>
    tpu.enqueue_dma source(%dma_start3A_815 : memref<8x128xf32, #tpu.memory_space<hbm>>) target(%dma_start3A_812 : memref<8x128xf32, #tpu.memory_space<vmem>>) target_semaphore(%arg12 : memref<!tpu.dma_semaphore, #tpu.memory_space<semaphore_mem>>)
    %mul3A_816 = arith.constant 128 : i32
    %mul3A_817 = arith.muli %shift_right_arithmetic3A_775, %mul3A_816 : i32
    %dma_start3A_818 = arith.constant 1 : i32
    %dma_start3A_819 = arith.constant 21 : i32
    %dma_start3A_820 = arith.constant 0 : i32
    %dma_start3A_821 = arith.constant 0 : i32
    %dma_start3A_822 = tpu.memref_slice %arg9[%dma_start3A_819, %dma_start3A_820, %dma_start3A_821] : memref<48x8x128xf32, #tpu.memory_space<vmem>> -> memref<1x8x128xf32, #tpu.memory_space<vmem>>
    %dma_start3A_823 = tpu.memref_squeeze %dma_start3A_822 : memref<1x8x128xf32, #tpu.memory_space<vmem>> -> memref<8x128xf32, #tpu.memory_space<vmem>>
    %dma_start3A_824 = arith.constant 0 : i32
    %dma_start3A_825 = tpu.memref_slice %arg4[%dma_start3A_818, %dma_start3A_824, %mul3A_817] : memref<4x8x1000000xf32, #tpu.memory_space<hbm>> -> memref<1x8x128xf32, #tpu.memory_space<hbm>>
    %dma_start3A_826 = tpu.memref_squeeze %dma_start3A_825 : memref<1x8x128xf32, #tpu.memory_space<hbm>> -> memref<8x128xf32, #tpu.memory_space<hbm>>
    %dma_start3A_827 = arith.constant 0 : i32
    %dma_start3A_828 = arith.constant 0 : i32
    %dma_start3A_829 = tpu.memref_slice %arg9[%dma_start3A_819, %dma_start3A_827, %dma_start3A_828] : memref<48x8x128xf32, #tpu.memory_space<vmem>> -> memref<1x8x128xf32, #tpu.memory_space<vmem>>
    %dma_start3A_830 = tpu.memref_squeeze %dma_start3A_829 : memref<1x8x128xf32, #tpu.memory_space<vmem>> -> memref<8x128xf32, #tpu.memory_space<vmem>>
    %dma_start3A_831 = arith.constant 0 : i32
    %dma_start3A_832 = tpu.memref_slice %arg4[%dma_start3A_818, %dma_start3A_831, %mul3A_817] : memref<4x8x1000000xf32, #tpu.memory_space<hbm>> -> memref<1x8x128xf32, #tpu.memory_space<hbm>>
    %dma_start3A_833 = tpu.memref_squeeze %dma_start3A_832 : memref<1x8x128xf32, #tpu.memory_space<hbm>> -> memref<8x128xf32, #tpu.memory_space<hbm>>
    tpu.enqueue_dma source(%dma_start3A_833 : memref<8x128xf32, #tpu.memory_space<hbm>>) target(%dma_start3A_830 : memref<8x128xf32, #tpu.memory_space<vmem>>) target_semaphore(%arg12 : memref<!tpu.dma_semaphore, #tpu.memory_space<semaphore_mem>>)
    %mul3A_834 = arith.constant 128 : i32
    %mul3A_835 = arith.muli %shift_right_arithmetic3A_779, %mul3A_834 : i32
    %dma_start3A_836 = arith.constant 1 : i32
    %dma_start3A_837 = arith.constant 21 : i32
    %dma_start3A_838 = arith.constant 0 : i32
    %dma_start3A_839 = arith.constant 0 : i32
    %dma_start3A_840 = tpu.memref_slice %arg10[%dma_start3A_837, %dma_start3A_838, %dma_start3A_839] : memref<48x8x128xf32, #tpu.memory_space<vmem>> -> memref<1x8x128xf32, #tpu.memory_space<vmem>>
    %dma_start3A_841 = tpu.memref_squeeze %dma_start3A_840 : memref<1x8x128xf32, #tpu.memory_space<vmem>> -> memref<8x128xf32, #tpu.memory_space<vmem>>
    %dma_start3A_842 = arith.constant 0 : i32
    %dma_start3A_843 = tpu.memref_slice %arg5[%dma_start3A_836, %dma_start3A_842, %mul3A_835] : memref<4x8x1000000xf32, #tpu.memory_space<hbm>> -> memref<1x8x128xf32, #tpu.memory_space<hbm>>
    %dma_start3A_844 = tpu.memref_squeeze %dma_start3A_843 : memref<1x8x128xf32, #tpu.memory_space<hbm>> -> memref<8x128xf32, #tpu.memory_space<hbm>>
    %dma_start3A_845 = arith.constant 0 : i32
    %dma_start3A_846 = arith.constant 0 : i32
    %dma_start3A_847 = tpu.memref_slice %arg10[%dma_start3A_837, %dma_start3A_845, %dma_start3A_846] : memref<48x8x128xf32, #tpu.memory_space<vmem>> -> memref<1x8x128xf32, #tpu.memory_space<vmem>>
    %dma_start3A_848 = tpu.memref_squeeze %dma_start3A_847 : memref<1x8x128xf32, #tpu.memory_space<vmem>> -> memref<8x128xf32, #tpu.memory_space<vmem>>
    %dma_start3A_849 = arith.constant 0 : i32
    %dma_start3A_850 = tpu.memref_slice %arg5[%dma_start3A_836, %dma_start3A_849, %mul3A_835] : memref<4x8x1000000xf32, #tpu.memory_space<hbm>> -> memref<1x8x128xf32, #tpu.memory_space<hbm>>
    %dma_start3A_851 = tpu.memref_squeeze %dma_start3A_850 : memref<1x8x128xf32, #tpu.memory_space<hbm>> -> memref<8x128xf32, #tpu.memory_space<hbm>>
    tpu.enqueue_dma source(%dma_start3A_851 : memref<8x128xf32, #tpu.memory_space<hbm>>) target(%dma_start3A_848 : memref<8x128xf32, #tpu.memory_space<vmem>>) target_semaphore(%arg12 : memref<!tpu.dma_semaphore, #tpu.memory_space<semaphore_mem>>)
    %mul3A_852 = arith.constant 128 : i32
    %mul3A_853 = arith.muli %shift_right_arithmetic3A_775, %mul3A_852 : i32
    %dma_start3A_854 = arith.constant 2 : i32
    %dma_start3A_855 = arith.constant 22 : i32
    %dma_start3A_856 = arith.constant 0 : i32
    %dma_start3A_857 = arith.constant 0 : i32
    %dma_start3A_858 = tpu.memref_slice %arg9[%dma_start3A_855, %dma_start3A_856, %dma_start3A_857] : memref<48x8x128xf32, #tpu.memory_space<vmem>> -> memref<1x8x128xf32, #tpu.memory_space<vmem>>
    %dma_start3A_859 = tpu.memref_squeeze %dma_start3A_858 : memref<1x8x128xf32, #tpu.memory_space<vmem>> -> memref<8x128xf32, #tpu.memory_space<vmem>>
    %dma_start3A_860 = arith.constant 0 : i32
    %dma_start3A_861 = tpu.memref_slice %arg4[%dma_start3A_854, %dma_start3A_860, %mul3A_853] : memref<4x8x1000000xf32, #tpu.memory_space<hbm>> -> memref<1x8x128xf32, #tpu.memory_space<hbm>>
    %dma_start3A_862 = tpu.memref_squeeze %dma_start3A_861 : memref<1x8x128xf32, #tpu.memory_space<hbm>> -> memref<8x128xf32, #tpu.memory_space<hbm>>
    %dma_start3A_863 = arith.constant 0 : i32
    %dma_start3A_864 = arith.constant 0 : i32
    %dma_start3A_865 = tpu.memref_slice %arg9[%dma_start3A_855, %dma_start3A_863, %dma_start3A_864] : memref<48x8x128xf32, #tpu.memory_space<vmem>> -> memref<1x8x128xf32, #tpu.memory_space<vmem>>
    %dma_start3A_866 = tpu.memref_squeeze %dma_start3A_865 : memref<1x8x128xf32, #tpu.memory_space<vmem>> -> memref<8x128xf32, #tpu.memory_space<vmem>>
    %dma_start3A_867 = arith.constant 0 : i32
    %dma_start3A_868 = tpu.memref_slice %arg4[%dma_start3A_854, %dma_start3A_867, %mul3A_853] : memref<4x8x1000000xf32, #tpu.memory_space<hbm>> -> memref<1x8x128xf32, #tpu.memory_space<hbm>>
    %dma_start3A_869 = tpu.memref_squeeze %dma_start3A_868 : memref<1x8x128xf32, #tpu.memory_space<hbm>> -> memref<8x128xf32, #tpu.memory_space<hbm>>
    tpu.enqueue_dma source(%dma_start3A_869 : memref<8x128xf32, #tpu.memory_space<hbm>>) target(%dma_start3A_866 : memref<8x128xf32, #tpu.memory_space<vmem>>) target_semaphore(%arg12 : memref<!tpu.dma_semaphore, #tpu.memory_space<semaphore_mem>>)
    %mul3A_870 = arith.constant 128 : i32
    %mul3A_871 = arith.muli %shift_right_arithmetic3A_779, %mul3A_870 : i32
    %dma_start3A_872 = arith.constant 2 : i32
    %dma_start3A_873 = arith.constant 22 : i32
    %dma_start3A_874 = arith.constant 0 : i32
    %dma_start3A_875 = arith.constant 0 : i32
    %dma_start3A_876 = tpu.memref_slice %arg10[%dma_start3A_873, %dma_start3A_874, %dma_start3A_875] : memref<48x8x128xf32, #tpu.memory_space<vmem>> -> memref<1x8x128xf32, #tpu.memory_space<vmem>>
    %dma_start3A_877 = tpu.memref_squeeze %dma_start3A_876 : memref<1x8x128xf32, #tpu.memory_space<vmem>> -> memref<8x128xf32, #tpu.memory_space<vmem>>
    %dma_start3A_878 = arith.constant 0 : i32
    %dma_start3A_879 = tpu.memref_slice %arg5[%dma_start3A_872, %dma_start3A_878, %mul3A_871] : memref<4x8x1000000xf32, #tpu.memory_space<hbm>> -> memref<1x8x128xf32, #tpu.memory_space<hbm>>
    %dma_start3A_880 = tpu.memref_squeeze %dma_start3A_879 : memref<1x8x128xf32, #tpu.memory_space<hbm>> -> memref<8x128xf32, #tpu.memory_space<hbm>>
    %dma_start3A_881 = arith.constant 0 : i32
    %dma_start3A_882 = arith.constant 0 : i32
    %dma_start3A_883 = tpu.memref_slice %arg10[%dma_start3A_873, %dma_start3A_881, %dma_start3A_882] : memref<48x8x128xf32, #tpu.memory_space<vmem>> -> memref<1x8x128xf32, #tpu.memory_space<vmem>>
    %dma_start3A_884 = tpu.memref_squeeze %dma_start3A_883 : memref<1x8x128xf32, #tpu.memory_space<vmem>> -> memref<8x128xf32, #tpu.memory_space<vmem>>
    %dma_start3A_885 = arith.constant 0 : i32
    %dma_start3A_886 = tpu.memref_slice %arg5[%dma_start3A_872, %dma_start3A_885, %mul3A_871] : memref<4x8x1000000xf32, #tpu.memory_space<hbm>> -> memref<1x8x128xf32, #tpu.memory_space<hbm>>
    %dma_start3A_887 = tpu.memref_squeeze %dma_start3A_886 : memref<1x8x128xf32, #tpu.memory_space<hbm>> -> memref<8x128xf32, #tpu.memory_space<hbm>>
    tpu.enqueue_dma source(%dma_start3A_887 : memref<8x128xf32, #tpu.memory_space<hbm>>) target(%dma_start3A_884 : memref<8x128xf32, #tpu.memory_space<vmem>>) target_semaphore(%arg12 : memref<!tpu.dma_semaphore, #tpu.memory_space<semaphore_mem>>)
    %mul3A_888 = arith.constant 128 : i32
    %mul3A_889 = arith.muli %shift_right_arithmetic3A_775, %mul3A_888 : i32
    %dma_start3A_890 = arith.constant 3 : i32
    %dma_start3A_891 = arith.constant 23 : i32
    %dma_start3A_892 = arith.constant 0 : i32
    %dma_start3A_893 = arith.constant 0 : i32
    %dma_start3A_894 = tpu.memref_slice %arg9[%dma_start3A_891, %dma_start3A_892, %dma_start3A_893] : memref<48x8x128xf32, #tpu.memory_space<vmem>> -> memref<1x8x128xf32, #tpu.memory_space<vmem>>
    %dma_start3A_895 = tpu.memref_squeeze %dma_start3A_894 : memref<1x8x128xf32, #tpu.memory_space<vmem>> -> memref<8x128xf32, #tpu.memory_space<vmem>>
    %dma_start3A_896 = arith.constant 0 : i32
    %dma_start3A_897 = tpu.memref_slice %arg4[%dma_start3A_890, %dma_start3A_896, %mul3A_889] : memref<4x8x1000000xf32, #tpu.memory_space<hbm>> -> memref<1x8x128xf32, #tpu.memory_space<hbm>>
    %dma_start3A_898 = tpu.memref_squeeze %dma_start3A_897 : memref<1x8x128xf32, #tpu.memory_space<hbm>> -> memref<8x128xf32, #tpu.memory_space<hbm>>
    %dma_start3A_899 = arith.constant 0 : i32
    %dma_start3A_900 = arith.constant 0 : i32
    %dma_start3A_901 = tpu.memref_slice %arg9[%dma_start3A_891, %dma_start3A_899, %dma_start3A_900] : memref<48x8x128xf32, #tpu.memory_space<vmem>> -> memref<1x8x128xf32, #tpu.memory_space<vmem>>
    %dma_start3A_902 = tpu.memref_squeeze %dma_start3A_901 : memref<1x8x128xf32, #tpu.memory_space<vmem>> -> memref<8x128xf32, #tpu.memory_space<vmem>>
    %dma_start3A_903 = arith.constant 0 : i32
    %dma_start3A_904 = tpu.memref_slice %arg4[%dma_start3A_890, %dma_start3A_903, %mul3A_889] : memref<4x8x1000000xf32, #tpu.memory_space<hbm>> -> memref<1x8x128xf32, #tpu.memory_space<hbm>>
    %dma_start3A_905 = tpu.memref_squeeze %dma_start3A_904 : memref<1x8x128xf32, #tpu.memory_space<hbm>> -> memref<8x128xf32, #tpu.memory_space<hbm>>
    tpu.enqueue_dma source(%dma_start3A_905 : memref<8x128xf32, #tpu.memory_space<hbm>>) target(%dma_start3A_902 : memref<8x128xf32, #tpu.memory_space<vmem>>) target_semaphore(%arg12 : memref<!tpu.dma_semaphore, #tpu.memory_space<semaphore_mem>>)
    %mul3A_906 = arith.constant 128 : i32
    %mul3A_907 = arith.muli %shift_right_arithmetic3A_779, %mul3A_906 : i32
    %dma_start3A_908 = arith.constant 3 : i32
    %dma_start3A_909 = arith.constant 23 : i32
    %dma_start3A_910 = arith.constant 0 : i32
    %dma_start3A_911 = arith.constant 0 : i32
    %dma_start3A_912 = tpu.memref_slice %arg10[%dma_start3A_909, %dma_start3A_910, %dma_start3A_911] : memref<48x8x128xf32, #tpu.memory_space<vmem>> -> memref<1x8x128xf32, #tpu.memory_space<vmem>>
    %dma_start3A_913 = tpu.memref_squeeze %dma_start3A_912 : memref<1x8x128xf32, #tpu.memory_space<vmem>> -> memref<8x128xf32, #tpu.memory_space<vmem>>
    %dma_start3A_914 = arith.constant 0 : i32
    %dma_start3A_915 = tpu.memref_slice %arg5[%dma_start3A_908, %dma_start3A_914, %mul3A_907] : memref<4x8x1000000xf32, #tpu.memory_space<hbm>> -> memref<1x8x128xf32, #tpu.memory_space<hbm>>
    %dma_start3A_916 = tpu.memref_squeeze %dma_start3A_915 : memref<1x8x128xf32, #tpu.memory_space<hbm>> -> memref<8x128xf32, #tpu.memory_space<hbm>>
    %dma_start3A_917 = arith.constant 0 : i32
    %dma_start3A_918 = arith.constant 0 : i32
    %dma_start3A_919 = tpu.memref_slice %arg10[%dma_start3A_909, %dma_start3A_917, %dma_start3A_918] : memref<48x8x128xf32, #tpu.memory_space<vmem>> -> memref<1x8x128xf32, #tpu.memory_space<vmem>>
    %dma_start3A_920 = tpu.memref_squeeze %dma_start3A_919 : memref<1x8x128xf32, #tpu.memory_space<vmem>> -> memref<8x128xf32, #tpu.memory_space<vmem>>
    %dma_start3A_921 = arith.constant 0 : i32
    %dma_start3A_922 = tpu.memref_slice %arg5[%dma_start3A_908, %dma_start3A_921, %mul3A_907] : memref<4x8x1000000xf32, #tpu.memory_space<hbm>> -> memref<1x8x128xf32, #tpu.memory_space<hbm>>
    %dma_start3A_923 = tpu.memref_squeeze %dma_start3A_922 : memref<1x8x128xf32, #tpu.memory_space<hbm>> -> memref<8x128xf32, #tpu.memory_space<hbm>>
    tpu.enqueue_dma source(%dma_start3A_923 : memref<8x128xf32, #tpu.memory_space<hbm>>) target(%dma_start3A_920 : memref<8x128xf32, #tpu.memory_space<vmem>>) target_semaphore(%arg12 : memref<!tpu.dma_semaphore, #tpu.memory_space<semaphore_mem>>)
    %slice3A_924 = vector.extract_strided_slice %get3A_617 {offsets = [2], sizes = [1], strides = [1]} : vector<16xi32> to vector<1xi32>
    %squeeze3A_925 = vector.extract %slice3A_924[0] : i32 from vector<1xi32>
    %shift_right_arithmetic3A_926 = arith.constant 7 : i32
    %shift_right_arithmetic3A_927 = arith.shrsi %squeeze3A_925, %shift_right_arithmetic3A_926 : i32
    %slice3A_928 = vector.extract_strided_slice %get3A_619 {offsets = [2], sizes = [1], strides = [1]} : vector<16xi32> to vector<1xi32>
    %squeeze3A_929 = vector.extract %slice3A_928[0] : i32 from vector<1xi32>
    %shift_right_arithmetic3A_930 = arith.constant 7 : i32
    %shift_right_arithmetic3A_931 = arith.shrsi %squeeze3A_929, %shift_right_arithmetic3A_930 : i32
    %mul3A_932 = arith.constant 128 : i32
    %mul3A_933 = arith.muli %shift_right_arithmetic3A_927, %mul3A_932 : i32
    %dma_start3A_934 = arith.constant 0 : i32
    %dma_start3A_935 = arith.constant 24 : i32
    %dma_start3A_936 = arith.constant 0 : i32
    %dma_start3A_937 = arith.constant 0 : i32
    %dma_start3A_938 = tpu.memref_slice %arg9[%dma_start3A_935, %dma_start3A_936, %dma_start3A_937] : memref<48x8x128xf32, #tpu.memory_space<vmem>> -> memref<1x8x128xf32, #tpu.memory_space<vmem>>
    %dma_start3A_939 = tpu.memref_squeeze %dma_start3A_938 : memref<1x8x128xf32, #tpu.memory_space<vmem>> -> memref<8x128xf32, #tpu.memory_space<vmem>>
    %dma_start3A_940 = arith.constant 0 : i32
    %dma_start3A_941 = tpu.memref_slice %arg4[%dma_start3A_934, %dma_start3A_940, %mul3A_933] : memref<4x8x1000000xf32, #tpu.memory_space<hbm>> -> memref<1x8x128xf32, #tpu.memory_space<hbm>>
    %dma_start3A_942 = tpu.memref_squeeze %dma_start3A_941 : memref<1x8x128xf32, #tpu.memory_space<hbm>> -> memref<8x128xf32, #tpu.memory_space<hbm>>
    %dma_start3A_943 = arith.constant 0 : i32
    %dma_start3A_944 = arith.constant 0 : i32
    %dma_start3A_945 = tpu.memref_slice %arg9[%dma_start3A_935, %dma_start3A_943, %dma_start3A_944] : memref<48x8x128xf32, #tpu.memory_space<vmem>> -> memref<1x8x128xf32, #tpu.memory_space<vmem>>
    %dma_start3A_946 = tpu.memref_squeeze %dma_start3A_945 : memref<1x8x128xf32, #tpu.memory_space<vmem>> -> memref<8x128xf32, #tpu.memory_space<vmem>>
    %dma_start3A_947 = arith.constant 0 : i32
    %dma_start3A_948 = tpu.memref_slice %arg4[%dma_start3A_934, %dma_start3A_947, %mul3A_933] : memref<4x8x1000000xf32, #tpu.memory_space<hbm>> -> memref<1x8x128xf32, #tpu.memory_space<hbm>>
    %dma_start3A_949 = tpu.memref_squeeze %dma_start3A_948 : memref<1x8x128xf32, #tpu.memory_space<hbm>> -> memref<8x128xf32, #tpu.memory_space<hbm>>
    tpu.enqueue_dma source(%dma_start3A_949 : memref<8x128xf32, #tpu.memory_space<hbm>>) target(%dma_start3A_946 : memref<8x128xf32, #tpu.memory_space<vmem>>) target_semaphore(%arg12 : memref<!tpu.dma_semaphore, #tpu.memory_space<semaphore_mem>>)
    %mul3A_950 = arith.constant 128 : i32
    %mul3A_951 = arith.muli %shift_right_arithmetic3A_931, %mul3A_950 : i32
    %dma_start3A_952 = arith.constant 0 : i32
    %dma_start3A_953 = arith.constant 24 : i32
    %dma_start3A_954 = arith.constant 0 : i32
    %dma_start3A_955 = arith.constant 0 : i32
    %dma_start3A_956 = tpu.memref_slice %arg10[%dma_start3A_953, %dma_start3A_954, %dma_start3A_955] : memref<48x8x128xf32, #tpu.memory_space<vmem>> -> memref<1x8x128xf32, #tpu.memory_space<vmem>>
    %dma_start3A_957 = tpu.memref_squeeze %dma_start3A_956 : memref<1x8x128xf32, #tpu.memory_space<vmem>> -> memref<8x128xf32, #tpu.memory_space<vmem>>
    %dma_start3A_958 = arith.constant 0 : i32
    %dma_start3A_959 = tpu.memref_slice %arg5[%dma_start3A_952, %dma_start3A_958, %mul3A_951] : memref<4x8x1000000xf32, #tpu.memory_space<hbm>> -> memref<1x8x128xf32, #tpu.memory_space<hbm>>
    %dma_start3A_960 = tpu.memref_squeeze %dma_start3A_959 : memref<1x8x128xf32, #tpu.memory_space<hbm>> -> memref<8x128xf32, #tpu.memory_space<hbm>>
    %dma_start3A_961 = arith.constant 0 : i32
    %dma_start3A_962 = arith.constant 0 : i32
    %dma_start3A_963 = tpu.memref_slice %arg10[%dma_start3A_953, %dma_start3A_961, %dma_start3A_962] : memref<48x8x128xf32, #tpu.memory_space<vmem>> -> memref<1x8x128xf32, #tpu.memory_space<vmem>>
    %dma_start3A_964 = tpu.memref_squeeze %dma_start3A_963 : memref<1x8x128xf32, #tpu.memory_space<vmem>> -> memref<8x128xf32, #tpu.memory_space<vmem>>
    %dma_start3A_965 = arith.constant 0 : i32
    %dma_start3A_966 = tpu.memref_slice %arg5[%dma_start3A_952, %dma_start3A_965, %mul3A_951] : memref<4x8x1000000xf32, #tpu.memory_space<hbm>> -> memref<1x8x128xf32, #tpu.memory_space<hbm>>
    %dma_start3A_967 = tpu.memref_squeeze %dma_start3A_966 : memref<1x8x128xf32, #tpu.memory_space<hbm>> -> memref<8x128xf32, #tpu.memory_space<hbm>>
    tpu.enqueue_dma source(%dma_start3A_967 : memref<8x128xf32, #tpu.memory_space<hbm>>) target(%dma_start3A_964 : memref<8x128xf32, #tpu.memory_space<vmem>>) target_semaphore(%arg12 : memref<!tpu.dma_semaphore, #tpu.memory_space<semaphore_mem>>)
    %mul3A_968 = arith.constant 128 : i32
    %mul3A_969 = arith.muli %shift_right_arithmetic3A_927, %mul3A_968 : i32
    %dma_start3A_970 = arith.constant 1 : i32
    %dma_start3A_971 = arith.constant 25 : i32
    %dma_start3A_972 = arith.constant 0 : i32
    %dma_start3A_973 = arith.constant 0 : i32
    %dma_start3A_974 = tpu.memref_slice %arg9[%dma_start3A_971, %dma_start3A_972, %dma_start3A_973] : memref<48x8x128xf32, #tpu.memory_space<vmem>> -> memref<1x8x128xf32, #tpu.memory_space<vmem>>
    %dma_start3A_975 = tpu.memref_squeeze %dma_start3A_974 : memref<1x8x128xf32, #tpu.memory_space<vmem>> -> memref<8x128xf32, #tpu.memory_space<vmem>>
    %dma_start3A_976 = arith.constant 0 : i32
    %dma_start3A_977 = tpu.memref_slice %arg4[%dma_start3A_970, %dma_start3A_976, %mul3A_969] : memref<4x8x1000000xf32, #tpu.memory_space<hbm>> -> memref<1x8x128xf32, #tpu.memory_space<hbm>>
    %dma_start3A_978 = tpu.memref_squeeze %dma_start3A_977 : memref<1x8x128xf32, #tpu.memory_space<hbm>> -> memref<8x128xf32, #tpu.memory_space<hbm>>
    %dma_start3A_979 = arith.constant 0 : i32
    %dma_start3A_980 = arith.constant 0 : i32
    %dma_start3A_981 = tpu.memref_slice %arg9[%dma_start3A_971, %dma_start3A_979, %dma_start3A_980] : memref<48x8x128xf32, #tpu.memory_space<vmem>> -> memref<1x8x128xf32, #tpu.memory_space<vmem>>
    %dma_start3A_982 = tpu.memref_squeeze %dma_start3A_981 : memref<1x8x128xf32, #tpu.memory_space<vmem>> -> memref<8x128xf32, #tpu.memory_space<vmem>>
    %dma_start3A_983 = arith.constant 0 : i32
    %dma_start3A_984 = tpu.memref_slice %arg4[%dma_start3A_970, %dma_start3A_983, %mul3A_969] : memref<4x8x1000000xf32, #tpu.memory_space<hbm>> -> memref<1x8x128xf32, #tpu.memory_space<hbm>>
    %dma_start3A_985 = tpu.memref_squeeze %dma_start3A_984 : memref<1x8x128xf32, #tpu.memory_space<hbm>> -> memref<8x128xf32, #tpu.memory_space<hbm>>
    tpu.enqueue_dma source(%dma_start3A_985 : memref<8x128xf32, #tpu.memory_space<hbm>>) target(%dma_start3A_982 : memref<8x128xf32, #tpu.memory_space<vmem>>) target_semaphore(%arg12 : memref<!tpu.dma_semaphore, #tpu.memory_space<semaphore_mem>>)
    %mul3A_986 = arith.constant 128 : i32
    %mul3A_987 = arith.muli %shift_right_arithmetic3A_931, %mul3A_986 : i32
    %dma_start3A_988 = arith.constant 1 : i32
    %dma_start3A_989 = arith.constant 25 : i32
    %dma_start3A_990 = arith.constant 0 : i32
    %dma_start3A_991 = arith.constant 0 : i32
    %dma_start3A_992 = tpu.memref_slice %arg10[%dma_start3A_989, %dma_start3A_990, %dma_start3A_991] : memref<48x8x128xf32, #tpu.memory_space<vmem>> -> memref<1x8x128xf32, #tpu.memory_space<vmem>>
    %dma_start3A_993 = tpu.memref_squeeze %dma_start3A_992 : memref<1x8x128xf32, #tpu.memory_space<vmem>> -> memref<8x128xf32, #tpu.memory_space<vmem>>
    %dma_start3A_994 = arith.constant 0 : i32
    %dma_start3A_995 = tpu.memref_slice %arg5[%dma_start3A_988, %dma_start3A_994, %mul3A_987] : memref<4x8x1000000xf32, #tpu.memory_space<hbm>> -> memref<1x8x128xf32, #tpu.memory_space<hbm>>
    %dma_start3A_996 = tpu.memref_squeeze %dma_start3A_995 : memref<1x8x128xf32, #tpu.memory_space<hbm>> -> memref<8x128xf32, #tpu.memory_space<hbm>>
    %dma_start3A_997 = arith.constant 0 : i32
    %dma_start3A_998 = arith.constant 0 : i32
    %dma_start3A_999 = tpu.memref_slice %arg10[%dma_start3A_989, %dma_start3A_997, %dma_start3A_998] : memref<48x8x128xf32, #tpu.memory_space<vmem>> -> memref<1x8x128xf32, #tpu.memory_space<vmem>>
    %dma_start3A_1000 = tpu.memref_squeeze %dma_start3A_999 : memref<1x8x128xf32, #tpu.memory_space<vmem>> -> memref<8x128xf32, #tpu.memory_space<vmem>>
    %dma_start3A_1001 = arith.constant 0 : i32
    %dma_start3A_1002 = tpu.memref_slice %arg5[%dma_start3A_988, %dma_start3A_1001, %mul3A_987] : memref<4x8x1000000xf32, #tpu.memory_space<hbm>> -> memref<1x8x128xf32, #tpu.memory_space<hbm>>
    %dma_start3A_1003 = tpu.memref_squeeze %dma_start3A_1002 : memref<1x8x128xf32, #tpu.memory_space<hbm>> -> memref<8x128xf32, #tpu.memory_space<hbm>>
    tpu.enqueue_dma source(%dma_start3A_1003 : memref<8x128xf32, #tpu.memory_space<hbm>>) target(%dma_start3A_1000 : memref<8x128xf32, #tpu.memory_space<vmem>>) target_semaphore(%arg12 : memref<!tpu.dma_semaphore, #tpu.memory_space<semaphore_mem>>)
    %mul3A_1004 = arith.constant 128 : i32
    %mul3A_1005 = arith.muli %shift_right_arithmetic3A_927, %mul3A_1004 : i32
    %dma_start3A_1006 = arith.constant 2 : i32
    %dma_start3A_1007 = arith.constant 26 : i32
    %dma_start3A_1008 = arith.constant 0 : i32
    %dma_start3A_1009 = arith.constant 0 : i32
    %dma_start3A_1010 = tpu.memref_slice %arg9[%dma_start3A_1007, %dma_start3A_1008, %dma_start3A_1009] : memref<48x8x128xf32, #tpu.memory_space<vmem>> -> memref<1x8x128xf32, #tpu.memory_space<vmem>>
    %dma_start3A_1011 = tpu.memref_squeeze %dma_start3A_1010 : memref<1x8x128xf32, #tpu.memory_space<vmem>> -> memref<8x128xf32, #tpu.memory_space<vmem>>
    %dma_start3A_1012 = arith.constant 0 : i32
    %dma_start3A_1013 = tpu.memref_slice %arg4[%dma_start3A_1006, %dma_start3A_1012, %mul3A_1005] : memref<4x8x1000000xf32, #tpu.memory_space<hbm>> -> memref<1x8x128xf32, #tpu.memory_space<hbm>>
    %dma_start3A_1014 = tpu.memref_squeeze %dma_start3A_1013 : memref<1x8x128xf32, #tpu.memory_space<hbm>> -> memref<8x128xf32, #tpu.memory_space<hbm>>
    %dma_start3A_1015 = arith.constant 0 : i32
    %dma_start3A_1016 = arith.constant 0 : i32
    %dma_start3A_1017 = tpu.memref_slice %arg9[%dma_start3A_1007, %dma_start3A_1015, %dma_start3A_1016] : memref<48x8x128xf32, #tpu.memory_space<vmem>> -> memref<1x8x128xf32, #tpu.memory_space<vmem>>
    %dma_start3A_1018 = tpu.memref_squeeze %dma_start3A_1017 : memref<1x8x128xf32, #tpu.memory_space<vmem>> -> memref<8x128xf32, #tpu.memory_space<vmem>>
    %dma_start3A_1019 = arith.constant 0 : i32
    %dma_start3A_1020 = tpu.memref_slice %arg4[%dma_start3A_1006, %dma_start3A_1019, %mul3A_1005] : memref<4x8x1000000xf32, #tpu.memory_space<hbm>> -> memref<1x8x128xf32, #tpu.memory_space<hbm>>
    %dma_start3A_1021 = tpu.memref_squeeze %dma_start3A_1020 : memref<1x8x128xf32, #tpu.memory_space<hbm>> -> memref<8x128xf32, #tpu.memory_space<hbm>>
    tpu.enqueue_dma source(%dma_start3A_1021 : memref<8x128xf32, #tpu.memory_space<hbm>>) target(%dma_start3A_1018 : memref<8x128xf32, #tpu.memory_space<vmem>>) target_semaphore(%arg12 : memref<!tpu.dma_semaphore, #tpu.memory_space<semaphore_mem>>)
    %mul3A_1022 = arith.constant 128 : i32
    %mul3A_1023 = arith.muli %shift_right_arithmetic3A_931, %mul3A_1022 : i32
    %dma_start3A_1024 = arith.constant 2 : i32
    %dma_start3A_1025 = arith.constant 26 : i32
    %dma_start3A_1026 = arith.constant 0 : i32
    %dma_start3A_1027 = arith.constant 0 : i32
    %dma_start3A_1028 = tpu.memref_slice %arg10[%dma_start3A_1025, %dma_start3A_1026, %dma_start3A_1027] : memref<48x8x128xf32, #tpu.memory_space<vmem>> -> memref<1x8x128xf32, #tpu.memory_space<vmem>>
    %dma_start3A_1029 = tpu.memref_squeeze %dma_start3A_1028 : memref<1x8x128xf32, #tpu.memory_space<vmem>> -> memref<8x128xf32, #tpu.memory_space<vmem>>
    %dma_start3A_1030 = arith.constant 0 : i32
    %dma_start3A_1031 = tpu.memref_slice %arg5[%dma_start3A_1024, %dma_start3A_1030, %mul3A_1023] : memref<4x8x1000000xf32, #tpu.memory_space<hbm>> -> memref<1x8x128xf32, #tpu.memory_space<hbm>>
    %dma_start3A_1032 = tpu.memref_squeeze %dma_start3A_1031 : memref<1x8x128xf32, #tpu.memory_space<hbm>> -> memref<8x128xf32, #tpu.memory_space<hbm>>
    %dma_start3A_1033 = arith.constant 0 : i32
    %dma_start3A_1034 = arith.constant 0 : i32
    %dma_start3A_1035 = tpu.memref_slice %arg10[%dma_start3A_1025, %dma_start3A_1033, %dma_start3A_1034] : memref<48x8x128xf32, #tpu.memory_space<vmem>> -> memref<1x8x128xf32, #tpu.memory_space<vmem>>
    %dma_start3A_1036 = tpu.memref_squeeze %dma_start3A_1035 : memref<1x8x128xf32, #tpu.memory_space<vmem>> -> memref<8x128xf32, #tpu.memory_space<vmem>>
    %dma_start3A_1037 = arith.constant 0 : i32
    %dma_start3A_1038 = tpu.memref_slice %arg5[%dma_start3A_1024, %dma_start3A_1037, %mul3A_1023] : memref<4x8x1000000xf32, #tpu.memory_space<hbm>> -> memref<1x8x128xf32, #tpu.memory_space<hbm>>
    %dma_start3A_1039 = tpu.memref_squeeze %dma_start3A_1038 : memref<1x8x128xf32, #tpu.memory_space<hbm>> -> memref<8x128xf32, #tpu.memory_space<hbm>>
    tpu.enqueue_dma source(%dma_start3A_1039 : memref<8x128xf32, #tpu.memory_space<hbm>>) target(%dma_start3A_1036 : memref<8x128xf32, #tpu.memory_space<vmem>>) target_semaphore(%arg12 : memref<!tpu.dma_semaphore, #tpu.memory_space<semaphore_mem>>)
    %mul3A_1040 = arith.constant 128 : i32
    %mul3A_1041 = arith.muli %shift_right_arithmetic3A_927, %mul3A_1040 : i32
    %dma_start3A_1042 = arith.constant 3 : i32
    %dma_start3A_1043 = arith.constant 27 : i32
    %dma_start3A_1044 = arith.constant 0 : i32
    %dma_start3A_1045 = arith.constant 0 : i32
    %dma_start3A_1046 = tpu.memref_slice %arg9[%dma_start3A_1043, %dma_start3A_1044, %dma_start3A_1045] : memref<48x8x128xf32, #tpu.memory_space<vmem>> -> memref<1x8x128xf32, #tpu.memory_space<vmem>>
    %dma_start3A_1047 = tpu.memref_squeeze %dma_start3A_1046 : memref<1x8x128xf32, #tpu.memory_space<vmem>> -> memref<8x128xf32, #tpu.memory_space<vmem>>
    %dma_start3A_1048 = arith.constant 0 : i32
    %dma_start3A_1049 = tpu.memref_slice %arg4[%dma_start3A_1042, %dma_start3A_1048, %mul3A_1041] : memref<4x8x1000000xf32, #tpu.memory_space<hbm>> -> memref<1x8x128xf32, #tpu.memory_space<hbm>>
    %dma_start3A_1050 = tpu.memref_squeeze %dma_start3A_1049 : memref<1x8x128xf32, #tpu.memory_space<hbm>> -> memref<8x128xf32, #tpu.memory_space<hbm>>
    %dma_start3A_1051 = arith.constant 0 : i32
    %dma_start3A_1052 = arith.constant 0 : i32
    %dma_start3A_1053 = tpu.memref_slice %arg9[%dma_start3A_1043, %dma_start3A_1051, %dma_start3A_1052] : memref<48x8x128xf32, #tpu.memory_space<vmem>> -> memref<1x8x128xf32, #tpu.memory_space<vmem>>
    %dma_start3A_1054 = tpu.memref_squeeze %dma_start3A_1053 : memref<1x8x128xf32, #tpu.memory_space<vmem>> -> memref<8x128xf32, #tpu.memory_space<vmem>>
    %dma_start3A_1055 = arith.constant 0 : i32
    %dma_start3A_1056 = tpu.memref_slice %arg4[%dma_start3A_1042, %dma_start3A_1055, %mul3A_1041] : memref<4x8x1000000xf32, #tpu.memory_space<hbm>> -> memref<1x8x128xf32, #tpu.memory_space<hbm>>
    %dma_start3A_1057 = tpu.memref_squeeze %dma_start3A_1056 : memref<1x8x128xf32, #tpu.memory_space<hbm>> -> memref<8x128xf32, #tpu.memory_space<hbm>>
    tpu.enqueue_dma source(%dma_start3A_1057 : memref<8x128xf32, #tpu.memory_space<hbm>>) target(%dma_start3A_1054 : memref<8x128xf32, #tpu.memory_space<vmem>>) target_semaphore(%arg12 : memref<!tpu.dma_semaphore, #tpu.memory_space<semaphore_mem>>)
    %mul3A_1058 = arith.constant 128 : i32
    %mul3A_1059 = arith.muli %shift_right_arithmetic3A_931, %mul3A_1058 : i32
    %dma_start3A_1060 = arith.constant 3 : i32
    %dma_start3A_1061 = arith.constant 27 : i32
    %dma_start3A_1062 = arith.constant 0 : i32
    %dma_start3A_1063 = arith.constant 0 : i32
    %dma_start3A_1064 = tpu.memref_slice %arg10[%dma_start3A_1061, %dma_start3A_1062, %dma_start3A_1063] : memref<48x8x128xf32, #tpu.memory_space<vmem>> -> memref<1x8x128xf32, #tpu.memory_space<vmem>>
    %dma_start3A_1065 = tpu.memref_squeeze %dma_start3A_1064 : memref<1x8x128xf32, #tpu.memory_space<vmem>> -> memref<8x128xf32, #tpu.memory_space<vmem>>
    %dma_start3A_1066 = arith.constant 0 : i32
    %dma_start3A_1067 = tpu.memref_slice %arg5[%dma_start3A_1060, %dma_start3A_1066, %mul3A_1059] : memref<4x8x1000000xf32, #tpu.memory_space<hbm>> -> memref<1x8x128xf32, #tpu.memory_space<hbm>>
    %dma_start3A_1068 = tpu.memref_squeeze %dma_start3A_1067 : memref<1x8x128xf32, #tpu.memory_space<hbm>> -> memref<8x128xf32, #tpu.memory_space<hbm>>
    %dma_start3A_1069 = arith.constant 0 : i32
    %dma_start3A_1070 = arith.constant 0 : i32
    %dma_start3A_1071 = tpu.memref_slice %arg10[%dma_start3A_1061, %dma_start3A_1069, %dma_start3A_1070] : memref<48x8x128xf32, #tpu.memory_space<vmem>> -> memref<1x8x128xf32, #tpu.memory_space<vmem>>
    %dma_start3A_1072 = tpu.memref_squeeze %dma_start3A_1071 : memref<1x8x128xf32, #tpu.memory_space<vmem>> -> memref<8x128xf32, #tpu.memory_space<vmem>>
    %dma_start3A_1073 = arith.constant 0 : i32
    %dma_start3A_1074 = tpu.memref_slice %arg5[%dma_start3A_1060, %dma_start3A_1073, %mul3A_1059] : memref<4x8x1000000xf32, #tpu.memory_space<hbm>> -> memref<1x8x128xf32, #tpu.memory_space<hbm>>
    %dma_start3A_1075 = tpu.memref_squeeze %dma_start3A_1074 : memref<1x8x128xf32, #tpu.memory_space<hbm>> -> memref<8x128xf32, #tpu.memory_space<hbm>>
    tpu.enqueue_dma source(%dma_start3A_1075 : memref<8x128xf32, #tpu.memory_space<hbm>>) target(%dma_start3A_1072 : memref<8x128xf32, #tpu.memory_space<vmem>>) target_semaphore(%arg12 : memref<!tpu.dma_semaphore, #tpu.memory_space<semaphore_mem>>)
    %slice3A_1076 = vector.extract_strided_slice %get3A_617 {offsets = [3], sizes = [1], strides = [1]} : vector<16xi32> to vector<1xi32>
    %squeeze3A_1077 = vector.extract %slice3A_1076[0] : i32 from vector<1xi32>
    %shift_right_arithmetic3A_1078 = arith.constant 7 : i32
    %shift_right_arithmetic3A_1079 = arith.shrsi %squeeze3A_1077, %shift_right_arithmetic3A_1078 : i32
    %slice3A_1080 = vector.extract_strided_slice %get3A_619 {offsets = [3], sizes = [1], strides = [1]} : vector<16xi32> to vector<1xi32>
    %squeeze3A_1081 = vector.extract %slice3A_1080[0] : i32 from vector<1xi32>
    %shift_right_arithmetic3A_1082 = arith.constant 7 : i32
    %shift_right_arithmetic3A_1083 = arith.shrsi %squeeze3A_1081, %shift_right_arithmetic3A_1082 : i32
    %mul3A_1084 = arith.constant 128 : i32
    %mul3A_1085 = arith.muli %shift_right_arithmetic3A_1079, %mul3A_1084 : i32
    %dma_start3A_1086 = arith.constant 0 : i32
    %dma_start3A_1087 = arith.constant 28 : i32
    %dma_start3A_1088 = arith.constant 0 : i32
    %dma_start3A_1089 = arith.constant 0 : i32
    %dma_start3A_1090 = tpu.memref_slice %arg9[%dma_start3A_1087, %dma_start3A_1088, %dma_start3A_1089] : memref<48x8x128xf32, #tpu.memory_space<vmem>> -> memref<1x8x128xf32, #tpu.memory_space<vmem>>
    %dma_start3A_1091 = tpu.memref_squeeze %dma_start3A_1090 : memref<1x8x128xf32, #tpu.memory_space<vmem>> -> memref<8x128xf32, #tpu.memory_space<vmem>>
    %dma_start3A_1092 = arith.constant 0 : i32
    %dma_start3A_1093 = tpu.memref_slice %arg4[%dma_start3A_1086, %dma_start3A_1092, %mul3A_1085] : memref<4x8x1000000xf32, #tpu.memory_space<hbm>> -> memref<1x8x128xf32, #tpu.memory_space<hbm>>
    %dma_start3A_1094 = tpu.memref_squeeze %dma_start3A_1093 : memref<1x8x128xf32, #tpu.memory_space<hbm>> -> memref<8x128xf32, #tpu.memory_space<hbm>>
    %dma_start3A_1095 = arith.constant 0 : i32
    %dma_start3A_1096 = arith.constant 0 : i32
    %dma_start3A_1097 = tpu.memref_slice %arg9[%dma_start3A_1087, %dma_start3A_1095, %dma_start3A_1096] : memref<48x8x128xf32, #tpu.memory_space<vmem>> -> memref<1x8x128xf32, #tpu.memory_space<vmem>>
    %dma_start3A_1098 = tpu.memref_squeeze %dma_start3A_1097 : memref<1x8x128xf32, #tpu.memory_space<vmem>> -> memref<8x128xf32, #tpu.memory_space<vmem>>
    %dma_start3A_1099 = arith.constant 0 : i32
    %dma_start3A_1100 = tpu.memref_slice %arg4[%dma_start3A_1086, %dma_start3A_1099, %mul3A_1085] : memref<4x8x1000000xf32, #tpu.memory_space<hbm>> -> memref<1x8x128xf32, #tpu.memory_space<hbm>>
    %dma_start3A_1101 = tpu.memref_squeeze %dma_start3A_1100 : memref<1x8x128xf32, #tpu.memory_space<hbm>> -> memref<8x128xf32, #tpu.memory_space<hbm>>
    tpu.enqueue_dma source(%dma_start3A_1101 : memref<8x128xf32, #tpu.memory_space<hbm>>) target(%dma_start3A_1098 : memref<8x128xf32, #tpu.memory_space<vmem>>) target_semaphore(%arg12 : memref<!tpu.dma_semaphore, #tpu.memory_space<semaphore_mem>>)
    %mul3A_1102 = arith.constant 128 : i32
    %mul3A_1103 = arith.muli %shift_right_arithmetic3A_1083, %mul3A_1102 : i32
    %dma_start3A_1104 = arith.constant 0 : i32
    %dma_start3A_1105 = arith.constant 28 : i32
    %dma_start3A_1106 = arith.constant 0 : i32
    %dma_start3A_1107 = arith.constant 0 : i32
    %dma_start3A_1108 = tpu.memref_slice %arg10[%dma_start3A_1105, %dma_start3A_1106, %dma_start3A_1107] : memref<48x8x128xf32, #tpu.memory_space<vmem>> -> memref<1x8x128xf32, #tpu.memory_space<vmem>>
    %dma_start3A_1109 = tpu.memref_squeeze %dma_start3A_1108 : memref<1x8x128xf32, #tpu.memory_space<vmem>> -> memref<8x128xf32, #tpu.memory_space<vmem>>
    %dma_start3A_1110 = arith.constant 0 : i32
    %dma_start3A_1111 = tpu.memref_slice %arg5[%dma_start3A_1104, %dma_start3A_1110, %mul3A_1103] : memref<4x8x1000000xf32, #tpu.memory_space<hbm>> -> memref<1x8x128xf32, #tpu.memory_space<hbm>>
    %dma_start3A_1112 = tpu.memref_squeeze %dma_start3A_1111 : memref<1x8x128xf32, #tpu.memory_space<hbm>> -> memref<8x128xf32, #tpu.memory_space<hbm>>
    %dma_start3A_1113 = arith.constant 0 : i32
    %dma_start3A_1114 = arith.constant 0 : i32
    %dma_start3A_1115 = tpu.memref_slice %arg10[%dma_start3A_1105, %dma_start3A_1113, %dma_start3A_1114] : memref<48x8x128xf32, #tpu.memory_space<vmem>> -> memref<1x8x128xf32, #tpu.memory_space<vmem>>
    %dma_start3A_1116 = tpu.memref_squeeze %dma_start3A_1115 : memref<1x8x128xf32, #tpu.memory_space<vmem>> -> memref<8x128xf32, #tpu.memory_space<vmem>>
    %dma_start3A_1117 = arith.constant 0 : i32
    %dma_start3A_1118 = tpu.memref_slice %arg5[%dma_start3A_1104, %dma_start3A_1117, %mul3A_1103] : memref<4x8x1000000xf32, #tpu.memory_space<hbm>> -> memref<1x8x128xf32, #tpu.memory_space<hbm>>
    %dma_start3A_1119 = tpu.memref_squeeze %dma_start3A_1118 : memref<1x8x128xf32, #tpu.memory_space<hbm>> -> memref<8x128xf32, #tpu.memory_space<hbm>>
    tpu.enqueue_dma source(%dma_start3A_1119 : memref<8x128xf32, #tpu.memory_space<hbm>>) target(%dma_start3A_1116 : memref<8x128xf32, #tpu.memory_space<vmem>>) target_semaphore(%arg12 : memref<!tpu.dma_semaphore, #tpu.memory_space<semaphore_mem>>)
    %mul3A_1120 = arith.constant 128 : i32
    %mul3A_1121 = arith.muli %shift_right_arithmetic3A_1079, %mul3A_1120 : i32
    %dma_start3A_1122 = arith.constant 1 : i32
    %dma_start3A_1123 = arith.constant 29 : i32
    %dma_start3A_1124 = arith.constant 0 : i32
    %dma_start3A_1125 = arith.constant 0 : i32
    %dma_start3A_1126 = tpu.memref_slice %arg9[%dma_start3A_1123, %dma_start3A_1124, %dma_start3A_1125] : memref<48x8x128xf32, #tpu.memory_space<vmem>> -> memref<1x8x128xf32, #tpu.memory_space<vmem>>
    %dma_start3A_1127 = tpu.memref_squeeze %dma_start3A_1126 : memref<1x8x128xf32, #tpu.memory_space<vmem>> -> memref<8x128xf32, #tpu.memory_space<vmem>>
    %dma_start3A_1128 = arith.constant 0 : i32
    %dma_start3A_1129 = tpu.memref_slice %arg4[%dma_start3A_1122, %dma_start3A_1128, %mul3A_1121] : memref<4x8x1000000xf32, #tpu.memory_space<hbm>> -> memref<1x8x128xf32, #tpu.memory_space<hbm>>
    %dma_start3A_1130 = tpu.memref_squeeze %dma_start3A_1129 : memref<1x8x128xf32, #tpu.memory_space<hbm>> -> memref<8x128xf32, #tpu.memory_space<hbm>>
    %dma_start3A_1131 = arith.constant 0 : i32
    %dma_start3A_1132 = arith.constant 0 : i32
    %dma_start3A_1133 = tpu.memref_slice %arg9[%dma_start3A_1123, %dma_start3A_1131, %dma_start3A_1132] : memref<48x8x128xf32, #tpu.memory_space<vmem>> -> memref<1x8x128xf32, #tpu.memory_space<vmem>>
    %dma_start3A_1134 = tpu.memref_squeeze %dma_start3A_1133 : memref<1x8x128xf32, #tpu.memory_space<vmem>> -> memref<8x128xf32, #tpu.memory_space<vmem>>
    %dma_start3A_1135 = arith.constant 0 : i32
    %dma_start3A_1136 = tpu.memref_slice %arg4[%dma_start3A_1122, %dma_start3A_1135, %mul3A_1121] : memref<4x8x1000000xf32, #tpu.memory_space<hbm>> -> memref<1x8x128xf32, #tpu.memory_space<hbm>>
    %dma_start3A_1137 = tpu.memref_squeeze %dma_start3A_1136 : memref<1x8x128xf32, #tpu.memory_space<hbm>> -> memref<8x128xf32, #tpu.memory_space<hbm>>
    tpu.enqueue_dma source(%dma_start3A_1137 : memref<8x128xf32, #tpu.memory_space<hbm>>) target(%dma_start3A_1134 : memref<8x128xf32, #tpu.memory_space<vmem>>) target_semaphore(%arg12 : memref<!tpu.dma_semaphore, #tpu.memory_space<semaphore_mem>>)
    %mul3A_1138 = arith.constant 128 : i32
    %mul3A_1139 = arith.muli %shift_right_arithmetic3A_1083, %mul3A_1138 : i32
    %dma_start3A_1140 = arith.constant 1 : i32
    %dma_start3A_1141 = arith.constant 29 : i32
    %dma_start3A_1142 = arith.constant 0 : i32
    %dma_start3A_1143 = arith.constant 0 : i32
    %dma_start3A_1144 = tpu.memref_slice %arg10[%dma_start3A_1141, %dma_start3A_1142, %dma_start3A_1143] : memref<48x8x128xf32, #tpu.memory_space<vmem>> -> memref<1x8x128xf32, #tpu.memory_space<vmem>>
    %dma_start3A_1145 = tpu.memref_squeeze %dma_start3A_1144 : memref<1x8x128xf32, #tpu.memory_space<vmem>> -> memref<8x128xf32, #tpu.memory_space<vmem>>
    %dma_start3A_1146 = arith.constant 0 : i32
    %dma_start3A_1147 = tpu.memref_slice %arg5[%dma_start3A_1140, %dma_start3A_1146, %mul3A_1139] : memref<4x8x1000000xf32, #tpu.memory_space<hbm>> -> memref<1x8x128xf32, #tpu.memory_space<hbm>>
    %dma_start3A_1148 = tpu.memref_squeeze %dma_start3A_1147 : memref<1x8x128xf32, #tpu.memory_space<hbm>> -> memref<8x128xf32, #tpu.memory_space<hbm>>
    %dma_start3A_1149 = arith.constant 0 : i32
    %dma_start3A_1150 = arith.constant 0 : i32
    %dma_start3A_1151 = tpu.memref_slice %arg10[%dma_start3A_1141, %dma_start3A_1149, %dma_start3A_1150] : memref<48x8x128xf32, #tpu.memory_space<vmem>> -> memref<1x8x128xf32, #tpu.memory_space<vmem>>
    %dma_start3A_1152 = tpu.memref_squeeze %dma_start3A_1151 : memref<1x8x128xf32, #tpu.memory_space<vmem>> -> memref<8x128xf32, #tpu.memory_space<vmem>>
    %dma_start3A_1153 = arith.constant 0 : i32
    %dma_start3A_1154 = tpu.memref_slice %arg5[%dma_start3A_1140, %dma_start3A_1153, %mul3A_1139] : memref<4x8x1000000xf32, #tpu.memory_space<hbm>> -> memref<1x8x128xf32, #tpu.memory_space<hbm>>
    %dma_start3A_1155 = tpu.memref_squeeze %dma_start3A_1154 : memref<1x8x128xf32, #tpu.memory_space<hbm>> -> memref<8x128xf32, #tpu.memory_space<hbm>>
    tpu.enqueue_dma source(%dma_start3A_1155 : memref<8x128xf32, #tpu.memory_space<hbm>>) target(%dma_start3A_1152 : memref<8x128xf32, #tpu.memory_space<vmem>>) target_semaphore(%arg12 : memref<!tpu.dma_semaphore, #tpu.memory_space<semaphore_mem>>)
    %mul3A_1156 = arith.constant 128 : i32
    %mul3A_1157 = arith.muli %shift_right_arithmetic3A_1079, %mul3A_1156 : i32
    %dma_start3A_1158 = arith.constant 2 : i32
    %dma_start3A_1159 = arith.constant 30 : i32
    %dma_start3A_1160 = arith.constant 0 : i32
    %dma_start3A_1161 = arith.constant 0 : i32
    %dma_start3A_1162 = tpu.memref_slice %arg9[%dma_start3A_1159, %dma_start3A_1160, %dma_start3A_1161] : memref<48x8x128xf32, #tpu.memory_space<vmem>> -> memref<1x8x128xf32, #tpu.memory_space<vmem>>
    %dma_start3A_1163 = tpu.memref_squeeze %dma_start3A_1162 : memref<1x8x128xf32, #tpu.memory_space<vmem>> -> memref<8x128xf32, #tpu.memory_space<vmem>>
    %dma_start3A_1164 = arith.constant 0 : i32
    %dma_start3A_1165 = tpu.memref_slice %arg4[%dma_start3A_1158, %dma_start3A_1164, %mul3A_1157] : memref<4x8x1000000xf32, #tpu.memory_space<hbm>> -> memref<1x8x128xf32, #tpu.memory_space<hbm>>
    %dma_start3A_1166 = tpu.memref_squeeze %dma_start3A_1165 : memref<1x8x128xf32, #tpu.memory_space<hbm>> -> memref<8x128xf32, #tpu.memory_space<hbm>>
    %dma_start3A_1167 = arith.constant 0 : i32
    %dma_start3A_1168 = arith.constant 0 : i32
    %dma_start3A_1169 = tpu.memref_slice %arg9[%dma_start3A_1159, %dma_start3A_1167, %dma_start3A_1168] : memref<48x8x128xf32, #tpu.memory_space<vmem>> -> memref<1x8x128xf32, #tpu.memory_space<vmem>>
    %dma_start3A_1170 = tpu.memref_squeeze %dma_start3A_1169 : memref<1x8x128xf32, #tpu.memory_space<vmem>> -> memref<8x128xf32, #tpu.memory_space<vmem>>
    %dma_start3A_1171 = arith.constant 0 : i32
    %dma_start3A_1172 = tpu.memref_slice %arg4[%dma_start3A_1158, %dma_start3A_1171, %mul3A_1157] : memref<4x8x1000000xf32, #tpu.memory_space<hbm>> -> memref<1x8x128xf32, #tpu.memory_space<hbm>>
    %dma_start3A_1173 = tpu.memref_squeeze %dma_start3A_1172 : memref<1x8x128xf32, #tpu.memory_space<hbm>> -> memref<8x128xf32, #tpu.memory_space<hbm>>
    tpu.enqueue_dma source(%dma_start3A_1173 : memref<8x128xf32, #tpu.memory_space<hbm>>) target(%dma_start3A_1170 : memref<8x128xf32, #tpu.memory_space<vmem>>) target_semaphore(%arg12 : memref<!tpu.dma_semaphore, #tpu.memory_space<semaphore_mem>>)
    %mul3A_1174 = arith.constant 128 : i32
    %mul3A_1175 = arith.muli %shift_right_arithmetic3A_1083, %mul3A_1174 : i32
    %dma_start3A_1176 = arith.constant 2 : i32
    %dma_start3A_1177 = arith.constant 30 : i32
    %dma_start3A_1178 = arith.constant 0 : i32
    %dma_start3A_1179 = arith.constant 0 : i32
    %dma_start3A_1180 = tpu.memref_slice %arg10[%dma_start3A_1177, %dma_start3A_1178, %dma_start3A_1179] : memref<48x8x128xf32, #tpu.memory_space<vmem>> -> memref<1x8x128xf32, #tpu.memory_space<vmem>>
    %dma_start3A_1181 = tpu.memref_squeeze %dma_start3A_1180 : memref<1x8x128xf32, #tpu.memory_space<vmem>> -> memref<8x128xf32, #tpu.memory_space<vmem>>
    %dma_start3A_1182 = arith.constant 0 : i32
    %dma_start3A_1183 = tpu.memref_slice %arg5[%dma_start3A_1176, %dma_start3A_1182, %mul3A_1175] : memref<4x8x1000000xf32, #tpu.memory_space<hbm>> -> memref<1x8x128xf32, #tpu.memory_space<hbm>>
    %dma_start3A_1184 = tpu.memref_squeeze %dma_start3A_1183 : memref<1x8x128xf32, #tpu.memory_space<hbm>> -> memref<8x128xf32, #tpu.memory_space<hbm>>
    %dma_start3A_1185 = arith.constant 0 : i32
    %dma_start3A_1186 = arith.constant 0 : i32
    %dma_start3A_1187 = tpu.memref_slice %arg10[%dma_start3A_1177, %dma_start3A_1185, %dma_start3A_1186] : memref<48x8x128xf32, #tpu.memory_space<vmem>> -> memref<1x8x128xf32, #tpu.memory_space<vmem>>
    %dma_start3A_1188 = tpu.memref_squeeze %dma_start3A_1187 : memref<1x8x128xf32, #tpu.memory_space<vmem>> -> memref<8x128xf32, #tpu.memory_space<vmem>>
    %dma_start3A_1189 = arith.constant 0 : i32
    %dma_start3A_1190 = tpu.memref_slice %arg5[%dma_start3A_1176, %dma_start3A_1189, %mul3A_1175] : memref<4x8x1000000xf32, #tpu.memory_space<hbm>> -> memref<1x8x128xf32, #tpu.memory_space<hbm>>
    %dma_start3A_1191 = tpu.memref_squeeze %dma_start3A_1190 : memref<1x8x128xf32, #tpu.memory_space<hbm>> -> memref<8x128xf32, #tpu.memory_space<hbm>>
    tpu.enqueue_dma source(%dma_start3A_1191 : memref<8x128xf32, #tpu.memory_space<hbm>>) target(%dma_start3A_1188 : memref<8x128xf32, #tpu.memory_space<vmem>>) target_semaphore(%arg12 : memref<!tpu.dma_semaphore, #tpu.memory_space<semaphore_mem>>)
    %mul3A_1192 = arith.constant 128 : i32
    %mul3A_1193 = arith.muli %shift_right_arithmetic3A_1079, %mul3A_1192 : i32
    %dma_start3A_1194 = arith.constant 3 : i32
    %dma_start3A_1195 = arith.constant 31 : i32
    %dma_start3A_1196 = arith.constant 0 : i32
    %dma_start3A_1197 = arith.constant 0 : i32
    %dma_start3A_1198 = tpu.memref_slice %arg9[%dma_start3A_1195, %dma_start3A_1196, %dma_start3A_1197] : memref<48x8x128xf32, #tpu.memory_space<vmem>> -> memref<1x8x128xf32, #tpu.memory_space<vmem>>
    %dma_start3A_1199 = tpu.memref_squeeze %dma_start3A_1198 : memref<1x8x128xf32, #tpu.memory_space<vmem>> -> memref<8x128xf32, #tpu.memory_space<vmem>>
    %dma_start3A_1200 = arith.constant 0 : i32
    %dma_start3A_1201 = tpu.memref_slice %arg4[%dma_start3A_1194, %dma_start3A_1200, %mul3A_1193] : memref<4x8x1000000xf32, #tpu.memory_space<hbm>> -> memref<1x8x128xf32, #tpu.memory_space<hbm>>
    %dma_start3A_1202 = tpu.memref_squeeze %dma_start3A_1201 : memref<1x8x128xf32, #tpu.memory_space<hbm>> -> memref<8x128xf32, #tpu.memory_space<hbm>>
    %dma_start3A_1203 = arith.constant 0 : i32
    %dma_start3A_1204 = arith.constant 0 : i32
    %dma_start3A_1205 = tpu.memref_slice %arg9[%dma_start3A_1195, %dma_start3A_1203, %dma_start3A_1204] : memref<48x8x128xf32, #tpu.memory_space<vmem>> -> memref<1x8x128xf32, #tpu.memory_space<vmem>>
    %dma_start3A_1206 = tpu.memref_squeeze %dma_start3A_1205 : memref<1x8x128xf32, #tpu.memory_space<vmem>> -> memref<8x128xf32, #tpu.memory_space<vmem>>
    %dma_start3A_1207 = arith.constant 0 : i32
    %dma_start3A_1208 = tpu.memref_slice %arg4[%dma_start3A_1194, %dma_start3A_1207, %mul3A_1193] : memref<4x8x1000000xf32, #tpu.memory_space<hbm>> -> memref<1x8x128xf32, #tpu.memory_space<hbm>>
    %dma_start3A_1209 = tpu.memref_squeeze %dma_start3A_1208 : memref<1x8x128xf32, #tpu.memory_space<hbm>> -> memref<8x128xf32, #tpu.memory_space<hbm>>
    tpu.enqueue_dma source(%dma_start3A_1209 : memref<8x128xf32, #tpu.memory_space<hbm>>) target(%dma_start3A_1206 : memref<8x128xf32, #tpu.memory_space<vmem>>) target_semaphore(%arg12 : memref<!tpu.dma_semaphore, #tpu.memory_space<semaphore_mem>>)
    %mul3A_1210 = arith.constant 128 : i32
    %mul3A_1211 = arith.muli %shift_right_arithmetic3A_1083, %mul3A_1210 : i32
    %dma_start3A_1212 = arith.constant 3 : i32
    %dma_start3A_1213 = arith.constant 31 : i32
    %dma_start3A_1214 = arith.constant 0 : i32
    %dma_start3A_1215 = arith.constant 0 : i32
    %dma_start3A_1216 = tpu.memref_slice %arg10[%dma_start3A_1213, %dma_start3A_1214, %dma_start3A_1215] : memref<48x8x128xf32, #tpu.memory_space<vmem>> -> memref<1x8x128xf32, #tpu.memory_space<vmem>>
    %dma_start3A_1217 = tpu.memref_squeeze %dma_start3A_1216 : memref<1x8x128xf32, #tpu.memory_space<vmem>> -> memref<8x128xf32, #tpu.memory_space<vmem>>
    %dma_start3A_1218 = arith.constant 0 : i32
    %dma_start3A_1219 = tpu.memref_slice %arg5[%dma_start3A_1212, %dma_start3A_1218, %mul3A_1211] : memref<4x8x1000000xf32, #tpu.memory_space<hbm>> -> memref<1x8x128xf32, #tpu.memory_space<hbm>>
    %dma_start3A_1220 = tpu.memref_squeeze %dma_start3A_1219 : memref<1x8x128xf32, #tpu.memory_space<hbm>> -> memref<8x128xf32, #tpu.memory_space<hbm>>
    %dma_start3A_1221 = arith.constant 0 : i32
    %dma_start3A_1222 = arith.constant 0 : i32
    %dma_start3A_1223 = tpu.memref_slice %arg10[%dma_start3A_1213, %dma_start3A_1221, %dma_start3A_1222] : memref<48x8x128xf32, #tpu.memory_space<vmem>> -> memref<1x8x128xf32, #tpu.memory_space<vmem>>
    %dma_start3A_1224 = tpu.memref_squeeze %dma_start3A_1223 : memref<1x8x128xf32, #tpu.memory_space<vmem>> -> memref<8x128xf32, #tpu.memory_space<vmem>>
    %dma_start3A_1225 = arith.constant 0 : i32
    %dma_start3A_1226 = tpu.memref_slice %arg5[%dma_start3A_1212, %dma_start3A_1225, %mul3A_1211] : memref<4x8x1000000xf32, #tpu.memory_space<hbm>> -> memref<1x8x128xf32, #tpu.memory_space<hbm>>
    %dma_start3A_1227 = tpu.memref_squeeze %dma_start3A_1226 : memref<1x8x128xf32, #tpu.memory_space<hbm>> -> memref<8x128xf32, #tpu.memory_space<hbm>>
    tpu.enqueue_dma source(%dma_start3A_1227 : memref<8x128xf32, #tpu.memory_space<hbm>>) target(%dma_start3A_1224 : memref<8x128xf32, #tpu.memory_space<vmem>>) target_semaphore(%arg12 : memref<!tpu.dma_semaphore, #tpu.memory_space<semaphore_mem>>)
    %broadcast_in_dim3A_1228 = arith.constant 0.000000e+00 : f32
    %broadcast_in_dim3A_1229 = vector.broadcast %broadcast_in_dim3A_1228 : f32 to vector<16xf32>
    %scan3A = arith.constant 0 : i32
    %scan3A_1230 = arith.constant 128 : i32
    %scan3A_1231 = arith.addi %scan3A, %scan3A_1230 : i32
    %scan3A_1232 = arith.constant 1 : i32
    %scan3A_1233 = scf.for %scan3A_1235 = %scan3A to %scan3A_1231 step %scan3A_1232 iter_args(%scan3A_1236 = %broadcast_in_dim3A_1229) -> (vector<16xf32>)  : i32 {
      %add3A_1237 = arith.constant 3 : i32
      %add3A_1238 = arith.addi %scan3A_1235, %add3A_1237 : i32
      %sub3A = arith.constant 1 : i32
      %sub3A_1239 = arith.subi %add3A_1238, %sub3A : i32
      %lt3A = arith.constant 128 : i32
      %lt3A_1240 = arith.cmpi slt, %sub3A_1239, %lt3A : i32
      %convert_element_type3A = arith.extui %lt3A_1240 : i1 to i32
      %cond3A = arith.constant 0 : i32
      %cond3A_1241 = arith.cmpi ne, %convert_element_type3A, %cond3A : i32
      scf.if %cond3A_1241 {
        %add3A_1808 = arith.constant 3 : i32
        %add3A_1809 = arith.addi %scan3A_1235, %add3A_1808 : i32
        %sub3A_1810 = arith.constant 1 : i32
        %sub3A_1811 = arith.subi %add3A_1809, %sub3A_1810 : i32
        %add3A_1812 = arith.constant 3 : i32
        %add3A_1813 = arith.addi %scan3A_1235, %add3A_1812 : i32
        %sub3A_1814 = arith.constant 1 : i32
        %sub3A_1815 = arith.subi %add3A_1813, %sub3A_1814 : i32
        %jit3A_1816 = arith.constant 3 : i32
        %eq3A_1817 = arith.constant 0 : i32
        %eq3A_1818 = arith.cmpi eq, %jit3A_1816, %eq3A_1817 : i32
        %jit3A_1819 = arith.constant 1 : i32
        %select_n3A_1820 = arith.select %eq3A_1818, %jit3A_1819, %jit3A_1816 : i32
        %rem3A_1821 = arith.remsi %sub3A_1815, %select_n3A_1820 : i32
        %ne3A_1822 = arith.constant 0 : i32
        %ne3A_1823 = arith.cmpi ne, %rem3A_1821, %ne3A_1822 : i32
        %lt3A_1824 = arith.constant 0 : i32
        %lt3A_1825 = arith.cmpi slt, %rem3A_1821, %lt3A_1824 : i32
        %lt3A_1826 = arith.constant 0 : i32
        %lt3A_1827 = arith.cmpi slt, %select_n3A_1820, %lt3A_1826 : i32
        %ne3A_1828 = arith.xori %lt3A_1825, %lt3A_1827 : i1
        %and3A_1829 = arith.andi %ne3A_1828, %ne3A_1823 : i1
        %add3A_1830 = arith.addi %rem3A_1821, %select_n3A_1820 : i32
        %select_n3A_1831 = arith.select %and3A_1829, %add3A_1830, %rem3A_1821 : i32
        %mul3A_1832 = arith.constant 4 : i32
        %mul3A_1833 = arith.muli %sub3A_1811, %mul3A_1832 : i32
        %get3A_1834 = arith.index_cast %mul3A_1833 : i32 to index
        %get3A_1835 = tpu.vector_load %arg7[%get3A_1834] {strides = array<i32>} : memref<528xi32, #tpu.memory_space<vmem>>, vector<16xi32>,
        %mul3A_1836 = arith.constant 4 : i32
        %mul3A_1837 = arith.muli %sub3A_1811, %mul3A_1836 : i32
        %get3A_1838 = arith.index_cast %mul3A_1837 : i32 to index
        %get3A_1839 = tpu.vector_load %arg8[%get3A_1838] {strides = array<i32>} : memref<528xi32, #tpu.memory_space<vmem>>, vector<16xi32>,
        %slice3A_1840 = vector.extract_strided_slice %get3A_1835 {offsets = [0], sizes = [1], strides = [1]} : vector<16xi32> to vector<1xi32>
        %squeeze3A_1841 = vector.extract %slice3A_1840[0] : i32 from vector<1xi32>
        %shift_right_arithmetic3A_1842 = arith.constant 7 : i32
        %shift_right_arithmetic3A_1843 = arith.shrsi %squeeze3A_1841, %shift_right_arithmetic3A_1842 : i32
        %slice3A_1844 = vector.extract_strided_slice %get3A_1839 {offsets = [0], sizes = [1], strides = [1]} : vector<16xi32> to vector<1xi32>
        %squeeze3A_1845 = vector.extract %slice3A_1844[0] : i32 from vector<1xi32>
        %shift_right_arithmetic3A_1846 = arith.constant 7 : i32
        %shift_right_arithmetic3A_1847 = arith.shrsi %squeeze3A_1845, %shift_right_arithmetic3A_1846 : i32
        %mul3A_1848 = arith.constant 128 : i32
        %mul3A_1849 = arith.muli %shift_right_arithmetic3A_1843, %mul3A_1848 : i32
        %mul3A_1850 = arith.constant 4 : i32
        %mul3A_1851 = arith.muli %select_n3A_1831, %mul3A_1850 : i32
        %add3A_1852 = arith.constant 0 : i32
        %add3A_1853 = arith.addi %mul3A_1851, %add3A_1852 : i32
        %mul3A_1854 = arith.constant 4 : i32
        %mul3A_1855 = arith.muli %add3A_1853, %mul3A_1854 : i32
        %add3A_1856 = arith.constant 0 : i32
        %add3A_1857 = arith.addi %mul3A_1855, %add3A_1856 : i32
        %dma_start3A_1858 = arith.constant 0 : i32
        %dma_start3A_1859 = arith.constant 0 : i32
        %dma_start3A_1860 = arith.constant 0 : i32
        %dma_start3A_1861 = tpu.memref_slice %arg9[%add3A_1857, %dma_start3A_1859, %dma_start3A_1860] : memref<48x8x128xf32, #tpu.memory_space<vmem>> -> memref<1x8x128xf32, #tpu.memory_space<vmem>>
        %dma_start3A_1862 = tpu.memref_squeeze %dma_start3A_1861 : memref<1x8x128xf32, #tpu.memory_space<vmem>> -> memref<8x128xf32, #tpu.memory_space<vmem>>
        %dma_start3A_1863 = arith.constant 0 : i32
        %dma_start3A_1864 = tpu.memref_slice %arg4[%dma_start3A_1858, %dma_start3A_1863, %mul3A_1849] : memref<4x8x1000000xf32, #tpu.memory_space<hbm>> -> memref<1x8x128xf32, #tpu.memory_space<hbm>>
        %dma_start3A_1865 = tpu.memref_squeeze %dma_start3A_1864 : memref<1x8x128xf32, #tpu.memory_space<hbm>> -> memref<8x128xf32, #tpu.memory_space<hbm>>
        %dma_start3A_1866 = arith.constant 0 : i32
        %dma_start3A_1867 = arith.constant 0 : i32
        %dma_start3A_1868 = tpu.memref_slice %arg9[%add3A_1857, %dma_start3A_1866, %dma_start3A_1867] : memref<48x8x128xf32, #tpu.memory_space<vmem>> -> memref<1x8x128xf32, #tpu.memory_space<vmem>>
        %dma_start3A_1869 = tpu.memref_squeeze %dma_start3A_1868 : memref<1x8x128xf32, #tpu.memory_space<vmem>> -> memref<8x128xf32, #tpu.memory_space<vmem>>
        %dma_start3A_1870 = arith.constant 0 : i32
        %dma_start3A_1871 = tpu.memref_slice %arg4[%dma_start3A_1858, %dma_start3A_1870, %mul3A_1849] : memref<4x8x1000000xf32, #tpu.memory_space<hbm>> -> memref<1x8x128xf32, #tpu.memory_space<hbm>>
        %dma_start3A_1872 = tpu.memref_squeeze %dma_start3A_1871 : memref<1x8x128xf32, #tpu.memory_space<hbm>> -> memref<8x128xf32, #tpu.memory_space<hbm>>
        tpu.enqueue_dma source(%dma_start3A_1872 : memref<8x128xf32, #tpu.memory_space<hbm>>) target(%dma_start3A_1869 : memref<8x128xf32, #tpu.memory_space<vmem>>) target_semaphore(%arg12 : memref<!tpu.dma_semaphore, #tpu.memory_space<semaphore_mem>>)
        %mul3A_1873 = arith.constant 128 : i32
        %mul3A_1874 = arith.muli %shift_right_arithmetic3A_1847, %mul3A_1873 : i32
        %mul3A_1875 = arith.constant 4 : i32
        %mul3A_1876 = arith.muli %select_n3A_1831, %mul3A_1875 : i32
        %add3A_1877 = arith.constant 0 : i32
        %add3A_1878 = arith.addi %mul3A_1876, %add3A_1877 : i32
        %mul3A_1879 = arith.constant 4 : i32
        %mul3A_1880 = arith.muli %add3A_1878, %mul3A_1879 : i32
        %add3A_1881 = arith.constant 0 : i32
        %add3A_1882 = arith.addi %mul3A_1880, %add3A_1881 : i32
        %dma_start3A_1883 = arith.constant 0 : i32
        %dma_start3A_1884 = arith.constant 0 : i32
        %dma_start3A_1885 = arith.constant 0 : i32
        %dma_start3A_1886 = tpu.memref_slice %arg10[%add3A_1882, %dma_start3A_1884, %dma_start3A_1885] : memref<48x8x128xf32, #tpu.memory_space<vmem>> -> memref<1x8x128xf32, #tpu.memory_space<vmem>>
        %dma_start3A_1887 = tpu.memref_squeeze %dma_start3A_1886 : memref<1x8x128xf32, #tpu.memory_space<vmem>> -> memref<8x128xf32, #tpu.memory_space<vmem>>
        %dma_start3A_1888 = arith.constant 0 : i32
        %dma_start3A_1889 = tpu.memref_slice %arg5[%dma_start3A_1883, %dma_start3A_1888, %mul3A_1874] : memref<4x8x1000000xf32, #tpu.memory_space<hbm>> -> memref<1x8x128xf32, #tpu.memory_space<hbm>>
        %dma_start3A_1890 = tpu.memref_squeeze %dma_start3A_1889 : memref<1x8x128xf32, #tpu.memory_space<hbm>> -> memref<8x128xf32, #tpu.memory_space<hbm>>
        %dma_start3A_1891 = arith.constant 0 : i32
        %dma_start3A_1892 = arith.constant 0 : i32
        %dma_start3A_1893 = tpu.memref_slice %arg10[%add3A_1882, %dma_start3A_1891, %dma_start3A_1892] : memref<48x8x128xf32, #tpu.memory_space<vmem>> -> memref<1x8x128xf32, #tpu.memory_space<vmem>>
        %dma_start3A_1894 = tpu.memref_squeeze %dma_start3A_1893 : memref<1x8x128xf32, #tpu.memory_space<vmem>> -> memref<8x128xf32, #tpu.memory_space<vmem>>
        %dma_start3A_1895 = arith.constant 0 : i32
        %dma_start3A_1896 = tpu.memref_slice %arg5[%dma_start3A_1883, %dma_start3A_1895, %mul3A_1874] : memref<4x8x1000000xf32, #tpu.memory_space<hbm>> -> memref<1x8x128xf32, #tpu.memory_space<hbm>>
        %dma_start3A_1897 = tpu.memref_squeeze %dma_start3A_1896 : memref<1x8x128xf32, #tpu.memory_space<hbm>> -> memref<8x128xf32, #tpu.memory_space<hbm>>
        tpu.enqueue_dma source(%dma_start3A_1897 : memref<8x128xf32, #tpu.memory_space<hbm>>) target(%dma_start3A_1894 : memref<8x128xf32, #tpu.memory_space<vmem>>) target_semaphore(%arg12 : memref<!tpu.dma_semaphore, #tpu.memory_space<semaphore_mem>>)
        %mul3A_1898 = arith.constant 128 : i32
        %mul3A_1899 = arith.muli %shift_right_arithmetic3A_1843, %mul3A_1898 : i32
        %mul3A_1900 = arith.constant 4 : i32
        %mul3A_1901 = arith.muli %select_n3A_1831, %mul3A_1900 : i32
        %add3A_1902 = arith.constant 0 : i32
        %add3A_1903 = arith.addi %mul3A_1901, %add3A_1902 : i32
        %mul3A_1904 = arith.constant 4 : i32
        %mul3A_1905 = arith.muli %add3A_1903, %mul3A_1904 : i32
        %add3A_1906 = arith.constant 1 : i32
        %add3A_1907 = arith.addi %mul3A_1905, %add3A_1906 : i32
        %dma_start3A_1908 = arith.constant 1 : i32
        %dma_start3A_1909 = arith.constant 0 : i32
        %dma_start3A_1910 = arith.constant 0 : i32
        %dma_start3A_1911 = tpu.memref_slice %arg9[%add3A_1907, %dma_start3A_1909, %dma_start3A_1910] : memref<48x8x128xf32, #tpu.memory_space<vmem>> -> memref<1x8x128xf32, #tpu.memory_space<vmem>>
        %dma_start3A_1912 = tpu.memref_squeeze %dma_start3A_1911 : memref<1x8x128xf32, #tpu.memory_space<vmem>> -> memref<8x128xf32, #tpu.memory_space<vmem>>
        %dma_start3A_1913 = arith.constant 0 : i32
        %dma_start3A_1914 = tpu.memref_slice %arg4[%dma_start3A_1908, %dma_start3A_1913, %mul3A_1899] : memref<4x8x1000000xf32, #tpu.memory_space<hbm>> -> memref<1x8x128xf32, #tpu.memory_space<hbm>>
        %dma_start3A_1915 = tpu.memref_squeeze %dma_start3A_1914 : memref<1x8x128xf32, #tpu.memory_space<hbm>> -> memref<8x128xf32, #tpu.memory_space<hbm>>
        %dma_start3A_1916 = arith.constant 0 : i32
        %dma_start3A_1917 = arith.constant 0 : i32
        %dma_start3A_1918 = tpu.memref_slice %arg9[%add3A_1907, %dma_start3A_1916, %dma_start3A_1917] : memref<48x8x128xf32, #tpu.memory_space<vmem>> -> memref<1x8x128xf32, #tpu.memory_space<vmem>>
        %dma_start3A_1919 = tpu.memref_squeeze %dma_start3A_1918 : memref<1x8x128xf32, #tpu.memory_space<vmem>> -> memref<8x128xf32, #tpu.memory_space<vmem>>
        %dma_start3A_1920 = arith.constant 0 : i32
        %dma_start3A_1921 = tpu.memref_slice %arg4[%dma_start3A_1908, %dma_start3A_1920, %mul3A_1899] : memref<4x8x1000000xf32, #tpu.memory_space<hbm>> -> memref<1x8x128xf32, #tpu.memory_space<hbm>>
        %dma_start3A_1922 = tpu.memref_squeeze %dma_start3A_1921 : memref<1x8x128xf32, #tpu.memory_space<hbm>> -> memref<8x128xf32, #tpu.memory_space<hbm>>
        tpu.enqueue_dma source(%dma_start3A_1922 : memref<8x128xf32, #tpu.memory_space<hbm>>) target(%dma_start3A_1919 : memref<8x128xf32, #tpu.memory_space<vmem>>) target_semaphore(%arg12 : memref<!tpu.dma_semaphore, #tpu.memory_space<semaphore_mem>>)
        %mul3A_1923 = arith.constant 128 : i32
        %mul3A_1924 = arith.muli %shift_right_arithmetic3A_1847, %mul3A_1923 : i32
        %mul3A_1925 = arith.constant 4 : i32
        %mul3A_1926 = arith.muli %select_n3A_1831, %mul3A_1925 : i32
        %add3A_1927 = arith.constant 0 : i32
        %add3A_1928 = arith.addi %mul3A_1926, %add3A_1927 : i32
        %mul3A_1929 = arith.constant 4 : i32
        %mul3A_1930 = arith.muli %add3A_1928, %mul3A_1929 : i32
        %add3A_1931 = arith.constant 1 : i32
        %add3A_1932 = arith.addi %mul3A_1930, %add3A_1931 : i32
        %dma_start3A_1933 = arith.constant 1 : i32
        %dma_start3A_1934 = arith.constant 0 : i32
        %dma_start3A_1935 = arith.constant 0 : i32
        %dma_start3A_1936 = tpu.memref_slice %arg10[%add3A_1932, %dma_start3A_1934, %dma_start3A_1935] : memref<48x8x128xf32, #tpu.memory_space<vmem>> -> memref<1x8x128xf32, #tpu.memory_space<vmem>>
        %dma_start3A_1937 = tpu.memref_squeeze %dma_start3A_1936 : memref<1x8x128xf32, #tpu.memory_space<vmem>> -> memref<8x128xf32, #tpu.memory_space<vmem>>
        %dma_start3A_1938 = arith.constant 0 : i32
        %dma_start3A_1939 = tpu.memref_slice %arg5[%dma_start3A_1933, %dma_start3A_1938, %mul3A_1924] : memref<4x8x1000000xf32, #tpu.memory_space<hbm>> -> memref<1x8x128xf32, #tpu.memory_space<hbm>>
        %dma_start3A_1940 = tpu.memref_squeeze %dma_start3A_1939 : memref<1x8x128xf32, #tpu.memory_space<hbm>> -> memref<8x128xf32, #tpu.memory_space<hbm>>
        %dma_start3A_1941 = arith.constant 0 : i32
        %dma_start3A_1942 = arith.constant 0 : i32
        %dma_start3A_1943 = tpu.memref_slice %arg10[%add3A_1932, %dma_start3A_1941, %dma_start3A_1942] : memref<48x8x128xf32, #tpu.memory_space<vmem>> -> memref<1x8x128xf32, #tpu.memory_space<vmem>>
        %dma_start3A_1944 = tpu.memref_squeeze %dma_start3A_1943 : memref<1x8x128xf32, #tpu.memory_space<vmem>> -> memref<8x128xf32, #tpu.memory_space<vmem>>
        %dma_start3A_1945 = arith.constant 0 : i32
        %dma_start3A_1946 = tpu.memref_slice %arg5[%dma_start3A_1933, %dma_start3A_1945, %mul3A_1924] : memref<4x8x1000000xf32, #tpu.memory_space<hbm>> -> memref<1x8x128xf32, #tpu.memory_space<hbm>>
        %dma_start3A_1947 = tpu.memref_squeeze %dma_start3A_1946 : memref<1x8x128xf32, #tpu.memory_space<hbm>> -> memref<8x128xf32, #tpu.memory_space<hbm>>
        tpu.enqueue_dma source(%dma_start3A_1947 : memref<8x128xf32, #tpu.memory_space<hbm>>) target(%dma_start3A_1944 : memref<8x128xf32, #tpu.memory_space<vmem>>) target_semaphore(%arg12 : memref<!tpu.dma_semaphore, #tpu.memory_space<semaphore_mem>>)
        %mul3A_1948 = arith.constant 128 : i32
        %mul3A_1949 = arith.muli %shift_right_arithmetic3A_1843, %mul3A_1948 : i32
        %mul3A_1950 = arith.constant 4 : i32
        %mul3A_1951 = arith.muli %select_n3A_1831, %mul3A_1950 : i32
        %add3A_1952 = arith.constant 0 : i32
        %add3A_1953 = arith.addi %mul3A_1951, %add3A_1952 : i32
        %mul3A_1954 = arith.constant 4 : i32
        %mul3A_1955 = arith.muli %add3A_1953, %mul3A_1954 : i32
        %add3A_1956 = arith.constant 2 : i32
        %add3A_1957 = arith.addi %mul3A_1955, %add3A_1956 : i32
        %dma_start3A_1958 = arith.constant 2 : i32
        %dma_start3A_1959 = arith.constant 0 : i32
        %dma_start3A_1960 = arith.constant 0 : i32
        %dma_start3A_1961 = tpu.memref_slice %arg9[%add3A_1957, %dma_start3A_1959, %dma_start3A_1960] : memref<48x8x128xf32, #tpu.memory_space<vmem>> -> memref<1x8x128xf32, #tpu.memory_space<vmem>>
        %dma_start3A_1962 = tpu.memref_squeeze %dma_start3A_1961 : memref<1x8x128xf32, #tpu.memory_space<vmem>> -> memref<8x128xf32, #tpu.memory_space<vmem>>
        %dma_start3A_1963 = arith.constant 0 : i32
        %dma_start3A_1964 = tpu.memref_slice %arg4[%dma_start3A_1958, %dma_start3A_1963, %mul3A_1949] : memref<4x8x1000000xf32, #tpu.memory_space<hbm>> -> memref<1x8x128xf32, #tpu.memory_space<hbm>>
        %dma_start3A_1965 = tpu.memref_squeeze %dma_start3A_1964 : memref<1x8x128xf32, #tpu.memory_space<hbm>> -> memref<8x128xf32, #tpu.memory_space<hbm>>
        %dma_start3A_1966 = arith.constant 0 : i32
        %dma_start3A_1967 = arith.constant 0 : i32
        %dma_start3A_1968 = tpu.memref_slice %arg9[%add3A_1957, %dma_start3A_1966, %dma_start3A_1967] : memref<48x8x128xf32, #tpu.memory_space<vmem>> -> memref<1x8x128xf32, #tpu.memory_space<vmem>>
        %dma_start3A_1969 = tpu.memref_squeeze %dma_start3A_1968 : memref<1x8x128xf32, #tpu.memory_space<vmem>> -> memref<8x128xf32, #tpu.memory_space<vmem>>
        %dma_start3A_1970 = arith.constant 0 : i32
        %dma_start3A_1971 = tpu.memref_slice %arg4[%dma_start3A_1958, %dma_start3A_1970, %mul3A_1949] : memref<4x8x1000000xf32, #tpu.memory_space<hbm>> -> memref<1x8x128xf32, #tpu.memory_space<hbm>>
        %dma_start3A_1972 = tpu.memref_squeeze %dma_start3A_1971 : memref<1x8x128xf32, #tpu.memory_space<hbm>> -> memref<8x128xf32, #tpu.memory_space<hbm>>
        tpu.enqueue_dma source(%dma_start3A_1972 : memref<8x128xf32, #tpu.memory_space<hbm>>) target(%dma_start3A_1969 : memref<8x128xf32, #tpu.memory_space<vmem>>) target_semaphore(%arg12 : memref<!tpu.dma_semaphore, #tpu.memory_space<semaphore_mem>>)
        %mul3A_1973 = arith.constant 128 : i32
        %mul3A_1974 = arith.muli %shift_right_arithmetic3A_1847, %mul3A_1973 : i32
        %mul3A_1975 = arith.constant 4 : i32
        %mul3A_1976 = arith.muli %select_n3A_1831, %mul3A_1975 : i32
        %add3A_1977 = arith.constant 0 : i32
        %add3A_1978 = arith.addi %mul3A_1976, %add3A_1977 : i32
        %mul3A_1979 = arith.constant 4 : i32
        %mul3A_1980 = arith.muli %add3A_1978, %mul3A_1979 : i32
        %add3A_1981 = arith.constant 2 : i32
        %add3A_1982 = arith.addi %mul3A_1980, %add3A_1981 : i32
        %dma_start3A_1983 = arith.constant 2 : i32
        %dma_start3A_1984 = arith.constant 0 : i32
        %dma_start3A_1985 = arith.constant 0 : i32
        %dma_start3A_1986 = tpu.memref_slice %arg10[%add3A_1982, %dma_start3A_1984, %dma_start3A_1985] : memref<48x8x128xf32, #tpu.memory_space<vmem>> -> memref<1x8x128xf32, #tpu.memory_space<vmem>>
        %dma_start3A_1987 = tpu.memref_squeeze %dma_start3A_1986 : memref<1x8x128xf32, #tpu.memory_space<vmem>> -> memref<8x128xf32, #tpu.memory_space<vmem>>
        %dma_start3A_1988 = arith.constant 0 : i32
        %dma_start3A_1989 = tpu.memref_slice %arg5[%dma_start3A_1983, %dma_start3A_1988, %mul3A_1974] : memref<4x8x1000000xf32, #tpu.memory_space<hbm>> -> memref<1x8x128xf32, #tpu.memory_space<hbm>>
        %dma_start3A_1990 = tpu.memref_squeeze %dma_start3A_1989 : memref<1x8x128xf32, #tpu.memory_space<hbm>> -> memref<8x128xf32, #tpu.memory_space<hbm>>
        %dma_start3A_1991 = arith.constant 0 : i32
        %dma_start3A_1992 = arith.constant 0 : i32
        %dma_start3A_1993 = tpu.memref_slice %arg10[%add3A_1982, %dma_start3A_1991, %dma_start3A_1992] : memref<48x8x128xf32, #tpu.memory_space<vmem>> -> memref<1x8x128xf32, #tpu.memory_space<vmem>>
        %dma_start3A_1994 = tpu.memref_squeeze %dma_start3A_1993 : memref<1x8x128xf32, #tpu.memory_space<vmem>> -> memref<8x128xf32, #tpu.memory_space<vmem>>
        %dma_start3A_1995 = arith.constant 0 : i32
        %dma_start3A_1996 = tpu.memref_slice %arg5[%dma_start3A_1983, %dma_start3A_1995, %mul3A_1974] : memref<4x8x1000000xf32, #tpu.memory_space<hbm>> -> memref<1x8x128xf32, #tpu.memory_space<hbm>>
        %dma_start3A_1997 = tpu.memref_squeeze %dma_start3A_1996 : memref<1x8x128xf32, #tpu.memory_space<hbm>> -> memref<8x128xf32, #tpu.memory_space<hbm>>
        tpu.enqueue_dma source(%dma_start3A_1997 : memref<8x128xf32, #tpu.memory_space<hbm>>) target(%dma_start3A_1994 : memref<8x128xf32, #tpu.memory_space<vmem>>) target_semaphore(%arg12 : memref<!tpu.dma_semaphore, #tpu.memory_space<semaphore_mem>>)
        %mul3A_1998 = arith.constant 128 : i32
        %mul3A_1999 = arith.muli %shift_right_arithmetic3A_1843, %mul3A_1998 : i32
        %mul3A_2000 = arith.constant 4 : i32
        %mul3A_2001 = arith.muli %select_n3A_1831, %mul3A_2000 : i32
        %add3A_2002 = arith.constant 0 : i32
        %add3A_2003 = arith.addi %mul3A_2001, %add3A_2002 : i32
        %mul3A_2004 = arith.constant 4 : i32
        %mul3A_2005 = arith.muli %add3A_2003, %mul3A_2004 : i32
        %add3A_2006 = arith.constant 3 : i32
        %add3A_2007 = arith.addi %mul3A_2005, %add3A_2006 : i32
        %dma_start3A_2008 = arith.constant 3 : i32
        %dma_start3A_2009 = arith.constant 0 : i32
        %dma_start3A_2010 = arith.constant 0 : i32
        %dma_start3A_2011 = tpu.memref_slice %arg9[%add3A_2007, %dma_start3A_2009, %dma_start3A_2010] : memref<48x8x128xf32, #tpu.memory_space<vmem>> -> memref<1x8x128xf32, #tpu.memory_space<vmem>>
        %dma_start3A_2012 = tpu.memref_squeeze %dma_start3A_2011 : memref<1x8x128xf32, #tpu.memory_space<vmem>> -> memref<8x128xf32, #tpu.memory_space<vmem>>
        %dma_start3A_2013 = arith.constant 0 : i32
        %dma_start3A_2014 = tpu.memref_slice %arg4[%dma_start3A_2008, %dma_start3A_2013, %mul3A_1999] : memref<4x8x1000000xf32, #tpu.memory_space<hbm>> -> memref<1x8x128xf32, #tpu.memory_space<hbm>>
        %dma_start3A_2015 = tpu.memref_squeeze %dma_start3A_2014 : memref<1x8x128xf32, #tpu.memory_space<hbm>> -> memref<8x128xf32, #tpu.memory_space<hbm>>
        %dma_start3A_2016 = arith.constant 0 : i32
        %dma_start3A_2017 = arith.constant 0 : i32
        %dma_start3A_2018 = tpu.memref_slice %arg9[%add3A_2007, %dma_start3A_2016, %dma_start3A_2017] : memref<48x8x128xf32, #tpu.memory_space<vmem>> -> memref<1x8x128xf32, #tpu.memory_space<vmem>>
        %dma_start3A_2019 = tpu.memref_squeeze %dma_start3A_2018 : memref<1x8x128xf32, #tpu.memory_space<vmem>> -> memref<8x128xf32, #tpu.memory_space<vmem>>
        %dma_start3A_2020 = arith.constant 0 : i32
        %dma_start3A_2021 = tpu.memref_slice %arg4[%dma_start3A_2008, %dma_start3A_2020, %mul3A_1999] : memref<4x8x1000000xf32, #tpu.memory_space<hbm>> -> memref<1x8x128xf32, #tpu.memory_space<hbm>>
        %dma_start3A_2022 = tpu.memref_squeeze %dma_start3A_2021 : memref<1x8x128xf32, #tpu.memory_space<hbm>> -> memref<8x128xf32, #tpu.memory_space<hbm>>
        tpu.enqueue_dma source(%dma_start3A_2022 : memref<8x128xf32, #tpu.memory_space<hbm>>) target(%dma_start3A_2019 : memref<8x128xf32, #tpu.memory_space<vmem>>) target_semaphore(%arg12 : memref<!tpu.dma_semaphore, #tpu.memory_space<semaphore_mem>>)
        %mul3A_2023 = arith.constant 128 : i32
        %mul3A_2024 = arith.muli %shift_right_arithmetic3A_1847, %mul3A_2023 : i32
        %mul3A_2025 = arith.constant 4 : i32
        %mul3A_2026 = arith.muli %select_n3A_1831, %mul3A_2025 : i32
        %add3A_2027 = arith.constant 0 : i32
        %add3A_2028 = arith.addi %mul3A_2026, %add3A_2027 : i32
        %mul3A_2029 = arith.constant 4 : i32
        %mul3A_2030 = arith.muli %add3A_2028, %mul3A_2029 : i32
        %add3A_2031 = arith.constant 3 : i32
        %add3A_2032 = arith.addi %mul3A_2030, %add3A_2031 : i32
        %dma_start3A_2033 = arith.constant 3 : i32
        %dma_start3A_2034 = arith.constant 0 : i32
        %dma_start3A_2035 = arith.constant 0 : i32
        %dma_start3A_2036 = tpu.memref_slice %arg10[%add3A_2032, %dma_start3A_2034, %dma_start3A_2035] : memref<48x8x128xf32, #tpu.memory_space<vmem>> -> memref<1x8x128xf32, #tpu.memory_space<vmem>>
        %dma_start3A_2037 = tpu.memref_squeeze %dma_start3A_2036 : memref<1x8x128xf32, #tpu.memory_space<vmem>> -> memref<8x128xf32, #tpu.memory_space<vmem>>
        %dma_start3A_2038 = arith.constant 0 : i32
        %dma_start3A_2039 = tpu.memref_slice %arg5[%dma_start3A_2033, %dma_start3A_2038, %mul3A_2024] : memref<4x8x1000000xf32, #tpu.memory_space<hbm>> -> memref<1x8x128xf32, #tpu.memory_space<hbm>>
        %dma_start3A_2040 = tpu.memref_squeeze %dma_start3A_2039 : memref<1x8x128xf32, #tpu.memory_space<hbm>> -> memref<8x128xf32, #tpu.memory_space<hbm>>
        %dma_start3A_2041 = arith.constant 0 : i32
        %dma_start3A_2042 = arith.constant 0 : i32
        %dma_start3A_2043 = tpu.memref_slice %arg10[%add3A_2032, %dma_start3A_2041, %dma_start3A_2042] : memref<48x8x128xf32, #tpu.memory_space<vmem>> -> memref<1x8x128xf32, #tpu.memory_space<vmem>>
        %dma_start3A_2044 = tpu.memref_squeeze %dma_start3A_2043 : memref<1x8x128xf32, #tpu.memory_space<vmem>> -> memref<8x128xf32, #tpu.memory_space<vmem>>
        %dma_start3A_2045 = arith.constant 0 : i32
        %dma_start3A_2046 = tpu.memref_slice %arg5[%dma_start3A_2033, %dma_start3A_2045, %mul3A_2024] : memref<4x8x1000000xf32, #tpu.memory_space<hbm>> -> memref<1x8x128xf32, #tpu.memory_space<hbm>>
        %dma_start3A_2047 = tpu.memref_squeeze %dma_start3A_2046 : memref<1x8x128xf32, #tpu.memory_space<hbm>> -> memref<8x128xf32, #tpu.memory_space<hbm>>
        tpu.enqueue_dma source(%dma_start3A_2047 : memref<8x128xf32, #tpu.memory_space<hbm>>) target(%dma_start3A_2044 : memref<8x128xf32, #tpu.memory_space<vmem>>) target_semaphore(%arg12 : memref<!tpu.dma_semaphore, #tpu.memory_space<semaphore_mem>>)
        %slice3A_2048 = vector.extract_strided_slice %get3A_1835 {offsets = [1], sizes = [1], strides = [1]} : vector<16xi32> to vector<1xi32>
        %squeeze3A_2049 = vector.extract %slice3A_2048[0] : i32 from vector<1xi32>
        %shift_right_arithmetic3A_2050 = arith.constant 7 : i32
        %shift_right_arithmetic3A_2051 = arith.shrsi %squeeze3A_2049, %shift_right_arithmetic3A_2050 : i32
        %slice3A_2052 = vector.extract_strided_slice %get3A_1839 {offsets = [1], sizes = [1], strides = [1]} : vector<16xi32> to vector<1xi32>
        %squeeze3A_2053 = vector.extract %slice3A_2052[0] : i32 from vector<1xi32>
        %shift_right_arithmetic3A_2054 = arith.constant 7 : i32
        %shift_right_arithmetic3A_2055 = arith.shrsi %squeeze3A_2053, %shift_right_arithmetic3A_2054 : i32
        %mul3A_2056 = arith.constant 128 : i32
        %mul3A_2057 = arith.muli %shift_right_arithmetic3A_2051, %mul3A_2056 : i32
        %mul3A_2058 = arith.constant 4 : i32
        %mul3A_2059 = arith.muli %select_n3A_1831, %mul3A_2058 : i32
        %add3A_2060 = arith.constant 1 : i32
        %add3A_2061 = arith.addi %mul3A_2059, %add3A_2060 : i32
        %mul3A_2062 = arith.constant 4 : i32
        %mul3A_2063 = arith.muli %add3A_2061, %mul3A_2062 : i32
        %add3A_2064 = arith.constant 0 : i32
        %add3A_2065 = arith.addi %mul3A_2063, %add3A_2064 : i32
        %dma_start3A_2066 = arith.constant 0 : i32
        %dma_start3A_2067 = arith.constant 0 : i32
        %dma_start3A_2068 = arith.constant 0 : i32
        %dma_start3A_2069 = tpu.memref_slice %arg9[%add3A_2065, %dma_start3A_2067, %dma_start3A_2068] : memref<48x8x128xf32, #tpu.memory_space<vmem>> -> memref<1x8x128xf32, #tpu.memory_space<vmem>>
        %dma_start3A_2070 = tpu.memref_squeeze %dma_start3A_2069 : memref<1x8x128xf32, #tpu.memory_space<vmem>> -> memref<8x128xf32, #tpu.memory_space<vmem>>
        %dma_start3A_2071 = arith.constant 0 : i32
        %dma_start3A_2072 = tpu.memref_slice %arg4[%dma_start3A_2066, %dma_start3A_2071, %mul3A_2057] : memref<4x8x1000000xf32, #tpu.memory_space<hbm>> -> memref<1x8x128xf32, #tpu.memory_space<hbm>>
        %dma_start3A_2073 = tpu.memref_squeeze %dma_start3A_2072 : memref<1x8x128xf32, #tpu.memory_space<hbm>> -> memref<8x128xf32, #tpu.memory_space<hbm>>
        %dma_start3A_2074 = arith.constant 0 : i32
        %dma_start3A_2075 = arith.constant 0 : i32
        %dma_start3A_2076 = tpu.memref_slice %arg9[%add3A_2065, %dma_start3A_2074, %dma_start3A_2075] : memref<48x8x128xf32, #tpu.memory_space<vmem>> -> memref<1x8x128xf32, #tpu.memory_space<vmem>>
        %dma_start3A_2077 = tpu.memref_squeeze %dma_start3A_2076 : memref<1x8x128xf32, #tpu.memory_space<vmem>> -> memref<8x128xf32, #tpu.memory_space<vmem>>
        %dma_start3A_2078 = arith.constant 0 : i32
        %dma_start3A_2079 = tpu.memref_slice %arg4[%dma_start3A_2066, %dma_start3A_2078, %mul3A_2057] : memref<4x8x1000000xf32, #tpu.memory_space<hbm>> -> memref<1x8x128xf32, #tpu.memory_space<hbm>>
        %dma_start3A_2080 = tpu.memref_squeeze %dma_start3A_2079 : memref<1x8x128xf32, #tpu.memory_space<hbm>> -> memref<8x128xf32, #tpu.memory_space<hbm>>
        tpu.enqueue_dma source(%dma_start3A_2080 : memref<8x128xf32, #tpu.memory_space<hbm>>) target(%dma_start3A_2077 : memref<8x128xf32, #tpu.memory_space<vmem>>) target_semaphore(%arg12 : memref<!tpu.dma_semaphore, #tpu.memory_space<semaphore_mem>>)
        %mul3A_2081 = arith.constant 128 : i32
        %mul3A_2082 = arith.muli %shift_right_arithmetic3A_2055, %mul3A_2081 : i32
        %mul3A_2083 = arith.constant 4 : i32
        %mul3A_2084 = arith.muli %select_n3A_1831, %mul3A_2083 : i32
        %add3A_2085 = arith.constant 1 : i32
        %add3A_2086 = arith.addi %mul3A_2084, %add3A_2085 : i32
        %mul3A_2087 = arith.constant 4 : i32
        %mul3A_2088 = arith.muli %add3A_2086, %mul3A_2087 : i32
        %add3A_2089 = arith.constant 0 : i32
        %add3A_2090 = arith.addi %mul3A_2088, %add3A_2089 : i32
        %dma_start3A_2091 = arith.constant 0 : i32
        %dma_start3A_2092 = arith.constant 0 : i32
        %dma_start3A_2093 = arith.constant 0 : i32
        %dma_start3A_2094 = tpu.memref_slice %arg10[%add3A_2090, %dma_start3A_2092, %dma_start3A_2093] : memref<48x8x128xf32, #tpu.memory_space<vmem>> -> memref<1x8x128xf32, #tpu.memory_space<vmem>>
        %dma_start3A_2095 = tpu.memref_squeeze %dma_start3A_2094 : memref<1x8x128xf32, #tpu.memory_space<vmem>> -> memref<8x128xf32, #tpu.memory_space<vmem>>
        %dma_start3A_2096 = arith.constant 0 : i32
        %dma_start3A_2097 = tpu.memref_slice %arg5[%dma_start3A_2091, %dma_start3A_2096, %mul3A_2082] : memref<4x8x1000000xf32, #tpu.memory_space<hbm>> -> memref<1x8x128xf32, #tpu.memory_space<hbm>>
        %dma_start3A_2098 = tpu.memref_squeeze %dma_start3A_2097 : memref<1x8x128xf32, #tpu.memory_space<hbm>> -> memref<8x128xf32, #tpu.memory_space<hbm>>
        %dma_start3A_2099 = arith.constant 0 : i32
        %dma_start3A_2100 = arith.constant 0 : i32
        %dma_start3A_2101 = tpu.memref_slice %arg10[%add3A_2090, %dma_start3A_2099, %dma_start3A_2100] : memref<48x8x128xf32, #tpu.memory_space<vmem>> -> memref<1x8x128xf32, #tpu.memory_space<vmem>>
        %dma_start3A_2102 = tpu.memref_squeeze %dma_start3A_2101 : memref<1x8x128xf32, #tpu.memory_space<vmem>> -> memref<8x128xf32, #tpu.memory_space<vmem>>
        %dma_start3A_2103 = arith.constant 0 : i32
        %dma_start3A_2104 = tpu.memref_slice %arg5[%dma_start3A_2091, %dma_start3A_2103, %mul3A_2082] : memref<4x8x1000000xf32, #tpu.memory_space<hbm>> -> memref<1x8x128xf32, #tpu.memory_space<hbm>>
        %dma_start3A_2105 = tpu.memref_squeeze %dma_start3A_2104 : memref<1x8x128xf32, #tpu.memory_space<hbm>> -> memref<8x128xf32, #tpu.memory_space<hbm>>
        tpu.enqueue_dma source(%dma_start3A_2105 : memref<8x128xf32, #tpu.memory_space<hbm>>) target(%dma_start3A_2102 : memref<8x128xf32, #tpu.memory_space<vmem>>) target_semaphore(%arg12 : memref<!tpu.dma_semaphore, #tpu.memory_space<semaphore_mem>>)
        %mul3A_2106 = arith.constant 128 : i32
        %mul3A_2107 = arith.muli %shift_right_arithmetic3A_2051, %mul3A_2106 : i32
        %mul3A_2108 = arith.constant 4 : i32
        %mul3A_2109 = arith.muli %select_n3A_1831, %mul3A_2108 : i32
        %add3A_2110 = arith.constant 1 : i32
        %add3A_2111 = arith.addi %mul3A_2109, %add3A_2110 : i32
        %mul3A_2112 = arith.constant 4 : i32
        %mul3A_2113 = arith.muli %add3A_2111, %mul3A_2112 : i32
        %add3A_2114 = arith.constant 1 : i32
        %add3A_2115 = arith.addi %mul3A_2113, %add3A_2114 : i32
        %dma_start3A_2116 = arith.constant 1 : i32
        %dma_start3A_2117 = arith.constant 0 : i32
        %dma_start3A_2118 = arith.constant 0 : i32
        %dma_start3A_2119 = tpu.memref_slice %arg9[%add3A_2115, %dma_start3A_2117, %dma_start3A_2118] : memref<48x8x128xf32, #tpu.memory_space<vmem>> -> memref<1x8x128xf32, #tpu.memory_space<vmem>>
        %dma_start3A_2120 = tpu.memref_squeeze %dma_start3A_2119 : memref<1x8x128xf32, #tpu.memory_space<vmem>> -> memref<8x128xf32, #tpu.memory_space<vmem>>
        %dma_start3A_2121 = arith.constant 0 : i32
        %dma_start3A_2122 = tpu.memref_slice %arg4[%dma_start3A_2116, %dma_start3A_2121, %mul3A_2107] : memref<4x8x1000000xf32, #tpu.memory_space<hbm>> -> memref<1x8x128xf32, #tpu.memory_space<hbm>>
        %dma_start3A_2123 = tpu.memref_squeeze %dma_start3A_2122 : memref<1x8x128xf32, #tpu.memory_space<hbm>> -> memref<8x128xf32, #tpu.memory_space<hbm>>
        %dma_start3A_2124 = arith.constant 0 : i32
        %dma_start3A_2125 = arith.constant 0 : i32
        %dma_start3A_2126 = tpu.memref_slice %arg9[%add3A_2115, %dma_start3A_2124, %dma_start3A_2125] : memref<48x8x128xf32, #tpu.memory_space<vmem>> -> memref<1x8x128xf32, #tpu.memory_space<vmem>>
        %dma_start3A_2127 = tpu.memref_squeeze %dma_start3A_2126 : memref<1x8x128xf32, #tpu.memory_space<vmem>> -> memref<8x128xf32, #tpu.memory_space<vmem>>
        %dma_start3A_2128 = arith.constant 0 : i32
        %dma_start3A_2129 = tpu.memref_slice %arg4[%dma_start3A_2116, %dma_start3A_2128, %mul3A_2107] : memref<4x8x1000000xf32, #tpu.memory_space<hbm>> -> memref<1x8x128xf32, #tpu.memory_space<hbm>>
        %dma_start3A_2130 = tpu.memref_squeeze %dma_start3A_2129 : memref<1x8x128xf32, #tpu.memory_space<hbm>> -> memref<8x128xf32, #tpu.memory_space<hbm>>
        tpu.enqueue_dma source(%dma_start3A_2130 : memref<8x128xf32, #tpu.memory_space<hbm>>) target(%dma_start3A_2127 : memref<8x128xf32, #tpu.memory_space<vmem>>) target_semaphore(%arg12 : memref<!tpu.dma_semaphore, #tpu.memory_space<semaphore_mem>>)
        %mul3A_2131 = arith.constant 128 : i32
        %mul3A_2132 = arith.muli %shift_right_arithmetic3A_2055, %mul3A_2131 : i32
        %mul3A_2133 = arith.constant 4 : i32
        %mul3A_2134 = arith.muli %select_n3A_1831, %mul3A_2133 : i32
        %add3A_2135 = arith.constant 1 : i32
        %add3A_2136 = arith.addi %mul3A_2134, %add3A_2135 : i32
        %mul3A_2137 = arith.constant 4 : i32
        %mul3A_2138 = arith.muli %add3A_2136, %mul3A_2137 : i32
        %add3A_2139 = arith.constant 1 : i32
        %add3A_2140 = arith.addi %mul3A_2138, %add3A_2139 : i32
        %dma_start3A_2141 = arith.constant 1 : i32
        %dma_start3A_2142 = arith.constant 0 : i32
        %dma_start3A_2143 = arith.constant 0 : i32
        %dma_start3A_2144 = tpu.memref_slice %arg10[%add3A_2140, %dma_start3A_2142, %dma_start3A_2143] : memref<48x8x128xf32, #tpu.memory_space<vmem>> -> memref<1x8x128xf32, #tpu.memory_space<vmem>>
        %dma_start3A_2145 = tpu.memref_squeeze %dma_start3A_2144 : memref<1x8x128xf32, #tpu.memory_space<vmem>> -> memref<8x128xf32, #tpu.memory_space<vmem>>
        %dma_start3A_2146 = arith.constant 0 : i32
        %dma_start3A_2147 = tpu.memref_slice %arg5[%dma_start3A_2141, %dma_start3A_2146, %mul3A_2132] : memref<4x8x1000000xf32, #tpu.memory_space<hbm>> -> memref<1x8x128xf32, #tpu.memory_space<hbm>>
        %dma_start3A_2148 = tpu.memref_squeeze %dma_start3A_2147 : memref<1x8x128xf32, #tpu.memory_space<hbm>> -> memref<8x128xf32, #tpu.memory_space<hbm>>
        %dma_start3A_2149 = arith.constant 0 : i32
        %dma_start3A_2150 = arith.constant 0 : i32
        %dma_start3A_2151 = tpu.memref_slice %arg10[%add3A_2140, %dma_start3A_2149, %dma_start3A_2150] : memref<48x8x128xf32, #tpu.memory_space<vmem>> -> memref<1x8x128xf32, #tpu.memory_space<vmem>>
        %dma_start3A_2152 = tpu.memref_squeeze %dma_start3A_2151 : memref<1x8x128xf32, #tpu.memory_space<vmem>> -> memref<8x128xf32, #tpu.memory_space<vmem>>
        %dma_start3A_2153 = arith.constant 0 : i32
        %dma_start3A_2154 = tpu.memref_slice %arg5[%dma_start3A_2141, %dma_start3A_2153, %mul3A_2132] : memref<4x8x1000000xf32, #tpu.memory_space<hbm>> -> memref<1x8x128xf32, #tpu.memory_space<hbm>>
        %dma_start3A_2155 = tpu.memref_squeeze %dma_start3A_2154 : memref<1x8x128xf32, #tpu.memory_space<hbm>> -> memref<8x128xf32, #tpu.memory_space<hbm>>
        tpu.enqueue_dma source(%dma_start3A_2155 : memref<8x128xf32, #tpu.memory_space<hbm>>) target(%dma_start3A_2152 : memref<8x128xf32, #tpu.memory_space<vmem>>) target_semaphore(%arg12 : memref<!tpu.dma_semaphore, #tpu.memory_space<semaphore_mem>>)
        %mul3A_2156 = arith.constant 128 : i32
        %mul3A_2157 = arith.muli %shift_right_arithmetic3A_2051, %mul3A_2156 : i32
        %mul3A_2158 = arith.constant 4 : i32
        %mul3A_2159 = arith.muli %select_n3A_1831, %mul3A_2158 : i32
        %add3A_2160 = arith.constant 1 : i32
        %add3A_2161 = arith.addi %mul3A_2159, %add3A_2160 : i32
        %mul3A_2162 = arith.constant 4 : i32
        %mul3A_2163 = arith.muli %add3A_2161, %mul3A_2162 : i32
        %add3A_2164 = arith.constant 2 : i32
        %add3A_2165 = arith.addi %mul3A_2163, %add3A_2164 : i32
        %dma_start3A_2166 = arith.constant 2 : i32
        %dma_start3A_2167 = arith.constant 0 : i32
        %dma_start3A_2168 = arith.constant 0 : i32
        %dma_start3A_2169 = tpu.memref_slice %arg9[%add3A_2165, %dma_start3A_2167, %dma_start3A_2168] : memref<48x8x128xf32, #tpu.memory_space<vmem>> -> memref<1x8x128xf32, #tpu.memory_space<vmem>>
        %dma_start3A_2170 = tpu.memref_squeeze %dma_start3A_2169 : memref<1x8x128xf32, #tpu.memory_space<vmem>> -> memref<8x128xf32, #tpu.memory_space<vmem>>
        %dma_start3A_2171 = arith.constant 0 : i32
        %dma_start3A_2172 = tpu.memref_slice %arg4[%dma_start3A_2166, %dma_start3A_2171, %mul3A_2157] : memref<4x8x1000000xf32, #tpu.memory_space<hbm>> -> memref<1x8x128xf32, #tpu.memory_space<hbm>>
        %dma_start3A_2173 = tpu.memref_squeeze %dma_start3A_2172 : memref<1x8x128xf32, #tpu.memory_space<hbm>> -> memref<8x128xf32, #tpu.memory_space<hbm>>
        %dma_start3A_2174 = arith.constant 0 : i32
        %dma_start3A_2175 = arith.constant 0 : i32
        %dma_start3A_2176 = tpu.memref_slice %arg9[%add3A_2165, %dma_start3A_2174, %dma_start3A_2175] : memref<48x8x128xf32, #tpu.memory_space<vmem>> -> memref<1x8x128xf32, #tpu.memory_space<vmem>>
        %dma_start3A_2177 = tpu.memref_squeeze %dma_start3A_2176 : memref<1x8x128xf32, #tpu.memory_space<vmem>> -> memref<8x128xf32, #tpu.memory_space<vmem>>
        %dma_start3A_2178 = arith.constant 0 : i32
        %dma_start3A_2179 = tpu.memref_slice %arg4[%dma_start3A_2166, %dma_start3A_2178, %mul3A_2157] : memref<4x8x1000000xf32, #tpu.memory_space<hbm>> -> memref<1x8x128xf32, #tpu.memory_space<hbm>>
        %dma_start3A_2180 = tpu.memref_squeeze %dma_start3A_2179 : memref<1x8x128xf32, #tpu.memory_space<hbm>> -> memref<8x128xf32, #tpu.memory_space<hbm>>
        tpu.enqueue_dma source(%dma_start3A_2180 : memref<8x128xf32, #tpu.memory_space<hbm>>) target(%dma_start3A_2177 : memref<8x128xf32, #tpu.memory_space<vmem>>) target_semaphore(%arg12 : memref<!tpu.dma_semaphore, #tpu.memory_space<semaphore_mem>>)
        %mul3A_2181 = arith.constant 128 : i32
        %mul3A_2182 = arith.muli %shift_right_arithmetic3A_2055, %mul3A_2181 : i32
        %mul3A_2183 = arith.constant 4 : i32
        %mul3A_2184 = arith.muli %select_n3A_1831, %mul3A_2183 : i32
        %add3A_2185 = arith.constant 1 : i32
        %add3A_2186 = arith.addi %mul3A_2184, %add3A_2185 : i32
        %mul3A_2187 = arith.constant 4 : i32
        %mul3A_2188 = arith.muli %add3A_2186, %mul3A_2187 : i32
        %add3A_2189 = arith.constant 2 : i32
        %add3A_2190 = arith.addi %mul3A_2188, %add3A_2189 : i32
        %dma_start3A_2191 = arith.constant 2 : i32
        %dma_start3A_2192 = arith.constant 0 : i32
        %dma_start3A_2193 = arith.constant 0 : i32
        %dma_start3A_2194 = tpu.memref_slice %arg10[%add3A_2190, %dma_start3A_2192, %dma_start3A_2193] : memref<48x8x128xf32, #tpu.memory_space<vmem>> -> memref<1x8x128xf32, #tpu.memory_space<vmem>>
        %dma_start3A_2195 = tpu.memref_squeeze %dma_start3A_2194 : memref<1x8x128xf32, #tpu.memory_space<vmem>> -> memref<8x128xf32, #tpu.memory_space<vmem>>
        %dma_start3A_2196 = arith.constant 0 : i32
        %dma_start3A_2197 = tpu.memref_slice %arg5[%dma_start3A_2191, %dma_start3A_2196, %mul3A_2182] : memref<4x8x1000000xf32, #tpu.memory_space<hbm>> -> memref<1x8x128xf32, #tpu.memory_space<hbm>>
        %dma_start3A_2198 = tpu.memref_squeeze %dma_start3A_2197 : memref<1x8x128xf32, #tpu.memory_space<hbm>> -> memref<8x128xf32, #tpu.memory_space<hbm>>
        %dma_start3A_2199 = arith.constant 0 : i32
        %dma_start3A_2200 = arith.constant 0 : i32
        %dma_start3A_2201 = tpu.memref_slice %arg10[%add3A_2190, %dma_start3A_2199, %dma_start3A_2200] : memref<48x8x128xf32, #tpu.memory_space<vmem>> -> memref<1x8x128xf32, #tpu.memory_space<vmem>>
        %dma_start3A_2202 = tpu.memref_squeeze %dma_start3A_2201 : memref<1x8x128xf32, #tpu.memory_space<vmem>> -> memref<8x128xf32, #tpu.memory_space<vmem>>
        %dma_start3A_2203 = arith.constant 0 : i32
        %dma_start3A_2204 = tpu.memref_slice %arg5[%dma_start3A_2191, %dma_start3A_2203, %mul3A_2182] : memref<4x8x1000000xf32, #tpu.memory_space<hbm>> -> memref<1x8x128xf32, #tpu.memory_space<hbm>>
        %dma_start3A_2205 = tpu.memref_squeeze %dma_start3A_2204 : memref<1x8x128xf32, #tpu.memory_space<hbm>> -> memref<8x128xf32, #tpu.memory_space<hbm>>
        tpu.enqueue_dma source(%dma_start3A_2205 : memref<8x128xf32, #tpu.memory_space<hbm>>) target(%dma_start3A_2202 : memref<8x128xf32, #tpu.memory_space<vmem>>) target_semaphore(%arg12 : memref<!tpu.dma_semaphore, #tpu.memory_space<semaphore_mem>>)
        %mul3A_2206 = arith.constant 128 : i32
        %mul3A_2207 = arith.muli %shift_right_arithmetic3A_2051, %mul3A_2206 : i32
        %mul3A_2208 = arith.constant 4 : i32
        %mul3A_2209 = arith.muli %select_n3A_1831, %mul3A_2208 : i32
        %add3A_2210 = arith.constant 1 : i32
        %add3A_2211 = arith.addi %mul3A_2209, %add3A_2210 : i32
        %mul3A_2212 = arith.constant 4 : i32
        %mul3A_2213 = arith.muli %add3A_2211, %mul3A_2212 : i32
        %add3A_2214 = arith.constant 3 : i32
        %add3A_2215 = arith.addi %mul3A_2213, %add3A_2214 : i32
        %dma_start3A_2216 = arith.constant 3 : i32
        %dma_start3A_2217 = arith.constant 0 : i32
        %dma_start3A_2218 = arith.constant 0 : i32
        %dma_start3A_2219 = tpu.memref_slice %arg9[%add3A_2215, %dma_start3A_2217, %dma_start3A_2218] : memref<48x8x128xf32, #tpu.memory_space<vmem>> -> memref<1x8x128xf32, #tpu.memory_space<vmem>>
        %dma_start3A_2220 = tpu.memref_squeeze %dma_start3A_2219 : memref<1x8x128xf32, #tpu.memory_space<vmem>> -> memref<8x128xf32, #tpu.memory_space<vmem>>
        %dma_start3A_2221 = arith.constant 0 : i32
        %dma_start3A_2222 = tpu.memref_slice %arg4[%dma_start3A_2216, %dma_start3A_2221, %mul3A_2207] : memref<4x8x1000000xf32, #tpu.memory_space<hbm>> -> memref<1x8x128xf32, #tpu.memory_space<hbm>>
        %dma_start3A_2223 = tpu.memref_squeeze %dma_start3A_2222 : memref<1x8x128xf32, #tpu.memory_space<hbm>> -> memref<8x128xf32, #tpu.memory_space<hbm>>
        %dma_start3A_2224 = arith.constant 0 : i32
        %dma_start3A_2225 = arith.constant 0 : i32
        %dma_start3A_2226 = tpu.memref_slice %arg9[%add3A_2215, %dma_start3A_2224, %dma_start3A_2225] : memref<48x8x128xf32, #tpu.memory_space<vmem>> -> memref<1x8x128xf32, #tpu.memory_space<vmem>>
        %dma_start3A_2227 = tpu.memref_squeeze %dma_start3A_2226 : memref<1x8x128xf32, #tpu.memory_space<vmem>> -> memref<8x128xf32, #tpu.memory_space<vmem>>
        %dma_start3A_2228 = arith.constant 0 : i32
        %dma_start3A_2229 = tpu.memref_slice %arg4[%dma_start3A_2216, %dma_start3A_2228, %mul3A_2207] : memref<4x8x1000000xf32, #tpu.memory_space<hbm>> -> memref<1x8x128xf32, #tpu.memory_space<hbm>>
        %dma_start3A_2230 = tpu.memref_squeeze %dma_start3A_2229 : memref<1x8x128xf32, #tpu.memory_space<hbm>> -> memref<8x128xf32, #tpu.memory_space<hbm>>
        tpu.enqueue_dma source(%dma_start3A_2230 : memref<8x128xf32, #tpu.memory_space<hbm>>) target(%dma_start3A_2227 : memref<8x128xf32, #tpu.memory_space<vmem>>) target_semaphore(%arg12 : memref<!tpu.dma_semaphore, #tpu.memory_space<semaphore_mem>>)
        %mul3A_2231 = arith.constant 128 : i32
        %mul3A_2232 = arith.muli %shift_right_arithmetic3A_2055, %mul3A_2231 : i32
        %mul3A_2233 = arith.constant 4 : i32
        %mul3A_2234 = arith.muli %select_n3A_1831, %mul3A_2233 : i32
        %add3A_2235 = arith.constant 1 : i32
        %add3A_2236 = arith.addi %mul3A_2234, %add3A_2235 : i32
        %mul3A_2237 = arith.constant 4 : i32
        %mul3A_2238 = arith.muli %add3A_2236, %mul3A_2237 : i32
        %add3A_2239 = arith.constant 3 : i32
        %add3A_2240 = arith.addi %mul3A_2238, %add3A_2239 : i32
        %dma_start3A_2241 = arith.constant 3 : i32
        %dma_start3A_2242 = arith.constant 0 : i32
        %dma_start3A_2243 = arith.constant 0 : i32
        %dma_start3A_2244 = tpu.memref_slice %arg10[%add3A_2240, %dma_start3A_2242, %dma_start3A_2243] : memref<48x8x128xf32, #tpu.memory_space<vmem>> -> memref<1x8x128xf32, #tpu.memory_space<vmem>>
        %dma_start3A_2245 = tpu.memref_squeeze %dma_start3A_2244 : memref<1x8x128xf32, #tpu.memory_space<vmem>> -> memref<8x128xf32, #tpu.memory_space<vmem>>
        %dma_start3A_2246 = arith.constant 0 : i32
        %dma_start3A_2247 = tpu.memref_slice %arg5[%dma_start3A_2241, %dma_start3A_2246, %mul3A_2232] : memref<4x8x1000000xf32, #tpu.memory_space<hbm>> -> memref<1x8x128xf32, #tpu.memory_space<hbm>>
        %dma_start3A_2248 = tpu.memref_squeeze %dma_start3A_2247 : memref<1x8x128xf32, #tpu.memory_space<hbm>> -> memref<8x128xf32, #tpu.memory_space<hbm>>
        %dma_start3A_2249 = arith.constant 0 : i32
        %dma_start3A_2250 = arith.constant 0 : i32
        %dma_start3A_2251 = tpu.memref_slice %arg10[%add3A_2240, %dma_start3A_2249, %dma_start3A_2250] : memref<48x8x128xf32, #tpu.memory_space<vmem>> -> memref<1x8x128xf32, #tpu.memory_space<vmem>>
        %dma_start3A_2252 = tpu.memref_squeeze %dma_start3A_2251 : memref<1x8x128xf32, #tpu.memory_space<vmem>> -> memref<8x128xf32, #tpu.memory_space<vmem>>
        %dma_start3A_2253 = arith.constant 0 : i32
        %dma_start3A_2254 = tpu.memref_slice %arg5[%dma_start3A_2241, %dma_start3A_2253, %mul3A_2232] : memref<4x8x1000000xf32, #tpu.memory_space<hbm>> -> memref<1x8x128xf32, #tpu.memory_space<hbm>>
        %dma_start3A_2255 = tpu.memref_squeeze %dma_start3A_2254 : memref<1x8x128xf32, #tpu.memory_space<hbm>> -> memref<8x128xf32, #tpu.memory_space<hbm>>
        tpu.enqueue_dma source(%dma_start3A_2255 : memref<8x128xf32, #tpu.memory_space<hbm>>) target(%dma_start3A_2252 : memref<8x128xf32, #tpu.memory_space<vmem>>) target_semaphore(%arg12 : memref<!tpu.dma_semaphore, #tpu.memory_space<semaphore_mem>>)
        %slice3A_2256 = vector.extract_strided_slice %get3A_1835 {offsets = [2], sizes = [1], strides = [1]} : vector<16xi32> to vector<1xi32>
        %squeeze3A_2257 = vector.extract %slice3A_2256[0] : i32 from vector<1xi32>
        %shift_right_arithmetic3A_2258 = arith.constant 7 : i32
        %shift_right_arithmetic3A_2259 = arith.shrsi %squeeze3A_2257, %shift_right_arithmetic3A_2258 : i32
        %slice3A_2260 = vector.extract_strided_slice %get3A_1839 {offsets = [2], sizes = [1], strides = [1]} : vector<16xi32> to vector<1xi32>
        %squeeze3A_2261 = vector.extract %slice3A_2260[0] : i32 from vector<1xi32>
        %shift_right_arithmetic3A_2262 = arith.constant 7 : i32
        %shift_right_arithmetic3A_2263 = arith.shrsi %squeeze3A_2261, %shift_right_arithmetic3A_2262 : i32
        %mul3A_2264 = arith.constant 128 : i32
        %mul3A_2265 = arith.muli %shift_right_arithmetic3A_2259, %mul3A_2264 : i32
        %mul3A_2266 = arith.constant 4 : i32
        %mul3A_2267 = arith.muli %select_n3A_1831, %mul3A_2266 : i32
        %add3A_2268 = arith.constant 2 : i32
        %add3A_2269 = arith.addi %mul3A_2267, %add3A_2268 : i32
        %mul3A_2270 = arith.constant 4 : i32
        %mul3A_2271 = arith.muli %add3A_2269, %mul3A_2270 : i32
        %add3A_2272 = arith.constant 0 : i32
        %add3A_2273 = arith.addi %mul3A_2271, %add3A_2272 : i32
        %dma_start3A_2274 = arith.constant 0 : i32
        %dma_start3A_2275 = arith.constant 0 : i32
        %dma_start3A_2276 = arith.constant 0 : i32
        %dma_start3A_2277 = tpu.memref_slice %arg9[%add3A_2273, %dma_start3A_2275, %dma_start3A_2276] : memref<48x8x128xf32, #tpu.memory_space<vmem>> -> memref<1x8x128xf32, #tpu.memory_space<vmem>>
        %dma_start3A_2278 = tpu.memref_squeeze %dma_start3A_2277 : memref<1x8x128xf32, #tpu.memory_space<vmem>> -> memref<8x128xf32, #tpu.memory_space<vmem>>
        %dma_start3A_2279 = arith.constant 0 : i32
        %dma_start3A_2280 = tpu.memref_slice %arg4[%dma_start3A_2274, %dma_start3A_2279, %mul3A_2265] : memref<4x8x1000000xf32, #tpu.memory_space<hbm>> -> memref<1x8x128xf32, #tpu.memory_space<hbm>>
        %dma_start3A_2281 = tpu.memref_squeeze %dma_start3A_2280 : memref<1x8x128xf32, #tpu.memory_space<hbm>> -> memref<8x128xf32, #tpu.memory_space<hbm>>
        %dma_start3A_2282 = arith.constant 0 : i32
        %dma_start3A_2283 = arith.constant 0 : i32
        %dma_start3A_2284 = tpu.memref_slice %arg9[%add3A_2273, %dma_start3A_2282, %dma_start3A_2283] : memref<48x8x128xf32, #tpu.memory_space<vmem>> -> memref<1x8x128xf32, #tpu.memory_space<vmem>>
        %dma_start3A_2285 = tpu.memref_squeeze %dma_start3A_2284 : memref<1x8x128xf32, #tpu.memory_space<vmem>> -> memref<8x128xf32, #tpu.memory_space<vmem>>
        %dma_start3A_2286 = arith.constant 0 : i32
        %dma_start3A_2287 = tpu.memref_slice %arg4[%dma_start3A_2274, %dma_start3A_2286, %mul3A_2265] : memref<4x8x1000000xf32, #tpu.memory_space<hbm>> -> memref<1x8x128xf32, #tpu.memory_space<hbm>>
        %dma_start3A_2288 = tpu.memref_squeeze %dma_start3A_2287 : memref<1x8x128xf32, #tpu.memory_space<hbm>> -> memref<8x128xf32, #tpu.memory_space<hbm>>
        tpu.enqueue_dma source(%dma_start3A_2288 : memref<8x128xf32, #tpu.memory_space<hbm>>) target(%dma_start3A_2285 : memref<8x128xf32, #tpu.memory_space<vmem>>) target_semaphore(%arg12 : memref<!tpu.dma_semaphore, #tpu.memory_space<semaphore_mem>>)
        %mul3A_2289 = arith.constant 128 : i32
        %mul3A_2290 = arith.muli %shift_right_arithmetic3A_2263, %mul3A_2289 : i32
        %mul3A_2291 = arith.constant 4 : i32
        %mul3A_2292 = arith.muli %select_n3A_1831, %mul3A_2291 : i32
        %add3A_2293 = arith.constant 2 : i32
        %add3A_2294 = arith.addi %mul3A_2292, %add3A_2293 : i32
        %mul3A_2295 = arith.constant 4 : i32
        %mul3A_2296 = arith.muli %add3A_2294, %mul3A_2295 : i32
        %add3A_2297 = arith.constant 0 : i32
        %add3A_2298 = arith.addi %mul3A_2296, %add3A_2297 : i32
        %dma_start3A_2299 = arith.constant 0 : i32
        %dma_start3A_2300 = arith.constant 0 : i32
        %dma_start3A_2301 = arith.constant 0 : i32
        %dma_start3A_2302 = tpu.memref_slice %arg10[%add3A_2298, %dma_start3A_2300, %dma_start3A_2301] : memref<48x8x128xf32, #tpu.memory_space<vmem>> -> memref<1x8x128xf32, #tpu.memory_space<vmem>>
        %dma_start3A_2303 = tpu.memref_squeeze %dma_start3A_2302 : memref<1x8x128xf32, #tpu.memory_space<vmem>> -> memref<8x128xf32, #tpu.memory_space<vmem>>
        %dma_start3A_2304 = arith.constant 0 : i32
        %dma_start3A_2305 = tpu.memref_slice %arg5[%dma_start3A_2299, %dma_start3A_2304, %mul3A_2290] : memref<4x8x1000000xf32, #tpu.memory_space<hbm>> -> memref<1x8x128xf32, #tpu.memory_space<hbm>>
        %dma_start3A_2306 = tpu.memref_squeeze %dma_start3A_2305 : memref<1x8x128xf32, #tpu.memory_space<hbm>> -> memref<8x128xf32, #tpu.memory_space<hbm>>
        %dma_start3A_2307 = arith.constant 0 : i32
        %dma_start3A_2308 = arith.constant 0 : i32
        %dma_start3A_2309 = tpu.memref_slice %arg10[%add3A_2298, %dma_start3A_2307, %dma_start3A_2308] : memref<48x8x128xf32, #tpu.memory_space<vmem>> -> memref<1x8x128xf32, #tpu.memory_space<vmem>>
        %dma_start3A_2310 = tpu.memref_squeeze %dma_start3A_2309 : memref<1x8x128xf32, #tpu.memory_space<vmem>> -> memref<8x128xf32, #tpu.memory_space<vmem>>
        %dma_start3A_2311 = arith.constant 0 : i32
        %dma_start3A_2312 = tpu.memref_slice %arg5[%dma_start3A_2299, %dma_start3A_2311, %mul3A_2290] : memref<4x8x1000000xf32, #tpu.memory_space<hbm>> -> memref<1x8x128xf32, #tpu.memory_space<hbm>>
        %dma_start3A_2313 = tpu.memref_squeeze %dma_start3A_2312 : memref<1x8x128xf32, #tpu.memory_space<hbm>> -> memref<8x128xf32, #tpu.memory_space<hbm>>
        tpu.enqueue_dma source(%dma_start3A_2313 : memref<8x128xf32, #tpu.memory_space<hbm>>) target(%dma_start3A_2310 : memref<8x128xf32, #tpu.memory_space<vmem>>) target_semaphore(%arg12 : memref<!tpu.dma_semaphore, #tpu.memory_space<semaphore_mem>>)
        %mul3A_2314 = arith.constant 128 : i32
        %mul3A_2315 = arith.muli %shift_right_arithmetic3A_2259, %mul3A_2314 : i32
        %mul3A_2316 = arith.constant 4 : i32
        %mul3A_2317 = arith.muli %select_n3A_1831, %mul3A_2316 : i32
        %add3A_2318 = arith.constant 2 : i32
        %add3A_2319 = arith.addi %mul3A_2317, %add3A_2318 : i32
        %mul3A_2320 = arith.constant 4 : i32
        %mul3A_2321 = arith.muli %add3A_2319, %mul3A_2320 : i32
        %add3A_2322 = arith.constant 1 : i32
        %add3A_2323 = arith.addi %mul3A_2321, %add3A_2322 : i32
        %dma_start3A_2324 = arith.constant 1 : i32
        %dma_start3A_2325 = arith.constant 0 : i32
        %dma_start3A_2326 = arith.constant 0 : i32
        %dma_start3A_2327 = tpu.memref_slice %arg9[%add3A_2323, %dma_start3A_2325, %dma_start3A_2326] : memref<48x8x128xf32, #tpu.memory_space<vmem>> -> memref<1x8x128xf32, #tpu.memory_space<vmem>>
        %dma_start3A_2328 = tpu.memref_squeeze %dma_start3A_2327 : memref<1x8x128xf32, #tpu.memory_space<vmem>> -> memref<8x128xf32, #tpu.memory_space<vmem>>
        %dma_start3A_2329 = arith.constant 0 : i32
        %dma_start3A_2330 = tpu.memref_slice %arg4[%dma_start3A_2324, %dma_start3A_2329, %mul3A_2315] : memref<4x8x1000000xf32, #tpu.memory_space<hbm>> -> memref<1x8x128xf32, #tpu.memory_space<hbm>>
        %dma_start3A_2331 = tpu.memref_squeeze %dma_start3A_2330 : memref<1x8x128xf32, #tpu.memory_space<hbm>> -> memref<8x128xf32, #tpu.memory_space<hbm>>
        %dma_start3A_2332 = arith.constant 0 : i32
        %dma_start3A_2333 = arith.constant 0 : i32
        %dma_start3A_2334 = tpu.memref_slice %arg9[%add3A_2323, %dma_start3A_2332, %dma_start3A_2333] : memref<48x8x128xf32, #tpu.memory_space<vmem>> -> memref<1x8x128xf32, #tpu.memory_space<vmem>>
        %dma_start3A_2335 = tpu.memref_squeeze %dma_start3A_2334 : memref<1x8x128xf32, #tpu.memory_space<vmem>> -> memref<8x128xf32, #tpu.memory_space<vmem>>
        %dma_start3A_2336 = arith.constant 0 : i32
        %dma_start3A_2337 = tpu.memref_slice %arg4[%dma_start3A_2324, %dma_start3A_2336, %mul3A_2315] : memref<4x8x1000000xf32, #tpu.memory_space<hbm>> -> memref<1x8x128xf32, #tpu.memory_space<hbm>>
        %dma_start3A_2338 = tpu.memref_squeeze %dma_start3A_2337 : memref<1x8x128xf32, #tpu.memory_space<hbm>> -> memref<8x128xf32, #tpu.memory_space<hbm>>
        tpu.enqueue_dma source(%dma_start3A_2338 : memref<8x128xf32, #tpu.memory_space<hbm>>) target(%dma_start3A_2335 : memref<8x128xf32, #tpu.memory_space<vmem>>) target_semaphore(%arg12 : memref<!tpu.dma_semaphore, #tpu.memory_space<semaphore_mem>>)
        %mul3A_2339 = arith.constant 128 : i32
        %mul3A_2340 = arith.muli %shift_right_arithmetic3A_2263, %mul3A_2339 : i32
        %mul3A_2341 = arith.constant 4 : i32
        %mul3A_2342 = arith.muli %select_n3A_1831, %mul3A_2341 : i32
        %add3A_2343 = arith.constant 2 : i32
        %add3A_2344 = arith.addi %mul3A_2342, %add3A_2343 : i32
        %mul3A_2345 = arith.constant 4 : i32
        %mul3A_2346 = arith.muli %add3A_2344, %mul3A_2345 : i32
        %add3A_2347 = arith.constant 1 : i32
        %add3A_2348 = arith.addi %mul3A_2346, %add3A_2347 : i32
        %dma_start3A_2349 = arith.constant 1 : i32
        %dma_start3A_2350 = arith.constant 0 : i32
        %dma_start3A_2351 = arith.constant 0 : i32
        %dma_start3A_2352 = tpu.memref_slice %arg10[%add3A_2348, %dma_start3A_2350, %dma_start3A_2351] : memref<48x8x128xf32, #tpu.memory_space<vmem>> -> memref<1x8x128xf32, #tpu.memory_space<vmem>>
        %dma_start3A_2353 = tpu.memref_squeeze %dma_start3A_2352 : memref<1x8x128xf32, #tpu.memory_space<vmem>> -> memref<8x128xf32, #tpu.memory_space<vmem>>
        %dma_start3A_2354 = arith.constant 0 : i32
        %dma_start3A_2355 = tpu.memref_slice %arg5[%dma_start3A_2349, %dma_start3A_2354, %mul3A_2340] : memref<4x8x1000000xf32, #tpu.memory_space<hbm>> -> memref<1x8x128xf32, #tpu.memory_space<hbm>>
        %dma_start3A_2356 = tpu.memref_squeeze %dma_start3A_2355 : memref<1x8x128xf32, #tpu.memory_space<hbm>> -> memref<8x128xf32, #tpu.memory_space<hbm>>
        %dma_start3A_2357 = arith.constant 0 : i32
        %dma_start3A_2358 = arith.constant 0 : i32
        %dma_start3A_2359 = tpu.memref_slice %arg10[%add3A_2348, %dma_start3A_2357, %dma_start3A_2358] : memref<48x8x128xf32, #tpu.memory_space<vmem>> -> memref<1x8x128xf32, #tpu.memory_space<vmem>>
        %dma_start3A_2360 = tpu.memref_squeeze %dma_start3A_2359 : memref<1x8x128xf32, #tpu.memory_space<vmem>> -> memref<8x128xf32, #tpu.memory_space<vmem>>
        %dma_start3A_2361 = arith.constant 0 : i32
        %dma_start3A_2362 = tpu.memref_slice %arg5[%dma_start3A_2349, %dma_start3A_2361, %mul3A_2340] : memref<4x8x1000000xf32, #tpu.memory_space<hbm>> -> memref<1x8x128xf32, #tpu.memory_space<hbm>>
        %dma_start3A_2363 = tpu.memref_squeeze %dma_start3A_2362 : memref<1x8x128xf32, #tpu.memory_space<hbm>> -> memref<8x128xf32, #tpu.memory_space<hbm>>
        tpu.enqueue_dma source(%dma_start3A_2363 : memref<8x128xf32, #tpu.memory_space<hbm>>) target(%dma_start3A_2360 : memref<8x128xf32, #tpu.memory_space<vmem>>) target_semaphore(%arg12 : memref<!tpu.dma_semaphore, #tpu.memory_space<semaphore_mem>>)
        %mul3A_2364 = arith.constant 128 : i32
        %mul3A_2365 = arith.muli %shift_right_arithmetic3A_2259, %mul3A_2364 : i32
        %mul3A_2366 = arith.constant 4 : i32
        %mul3A_2367 = arith.muli %select_n3A_1831, %mul3A_2366 : i32
        %add3A_2368 = arith.constant 2 : i32
        %add3A_2369 = arith.addi %mul3A_2367, %add3A_2368 : i32
        %mul3A_2370 = arith.constant 4 : i32
        %mul3A_2371 = arith.muli %add3A_2369, %mul3A_2370 : i32
        %add3A_2372 = arith.constant 2 : i32
        %add3A_2373 = arith.addi %mul3A_2371, %add3A_2372 : i32
        %dma_start3A_2374 = arith.constant 2 : i32
        %dma_start3A_2375 = arith.constant 0 : i32
        %dma_start3A_2376 = arith.constant 0 : i32
        %dma_start3A_2377 = tpu.memref_slice %arg9[%add3A_2373, %dma_start3A_2375, %dma_start3A_2376] : memref<48x8x128xf32, #tpu.memory_space<vmem>> -> memref<1x8x128xf32, #tpu.memory_space<vmem>>
        %dma_start3A_2378 = tpu.memref_squeeze %dma_start3A_2377 : memref<1x8x128xf32, #tpu.memory_space<vmem>> -> memref<8x128xf32, #tpu.memory_space<vmem>>
        %dma_start3A_2379 = arith.constant 0 : i32
        %dma_start3A_2380 = tpu.memref_slice %arg4[%dma_start3A_2374, %dma_start3A_2379, %mul3A_2365] : memref<4x8x1000000xf32, #tpu.memory_space<hbm>> -> memref<1x8x128xf32, #tpu.memory_space<hbm>>
        %dma_start3A_2381 = tpu.memref_squeeze %dma_start3A_2380 : memref<1x8x128xf32, #tpu.memory_space<hbm>> -> memref<8x128xf32, #tpu.memory_space<hbm>>
        %dma_start3A_2382 = arith.constant 0 : i32
        %dma_start3A_2383 = arith.constant 0 : i32
        %dma_start3A_2384 = tpu.memref_slice %arg9[%add3A_2373, %dma_start3A_2382, %dma_start3A_2383] : memref<48x8x128xf32, #tpu.memory_space<vmem>> -> memref<1x8x128xf32, #tpu.memory_space<vmem>>
        %dma_start3A_2385 = tpu.memref_squeeze %dma_start3A_2384 : memref<1x8x128xf32, #tpu.memory_space<vmem>> -> memref<8x128xf32, #tpu.memory_space<vmem>>
        %dma_start3A_2386 = arith.constant 0 : i32
        %dma_start3A_2387 = tpu.memref_slice %arg4[%dma_start3A_2374, %dma_start3A_2386, %mul3A_2365] : memref<4x8x1000000xf32, #tpu.memory_space<hbm>> -> memref<1x8x128xf32, #tpu.memory_space<hbm>>
        %dma_start3A_2388 = tpu.memref_squeeze %dma_start3A_2387 : memref<1x8x128xf32, #tpu.memory_space<hbm>> -> memref<8x128xf32, #tpu.memory_space<hbm>>
        tpu.enqueue_dma source(%dma_start3A_2388 : memref<8x128xf32, #tpu.memory_space<hbm>>) target(%dma_start3A_2385 : memref<8x128xf32, #tpu.memory_space<vmem>>) target_semaphore(%arg12 : memref<!tpu.dma_semaphore, #tpu.memory_space<semaphore_mem>>)
        %mul3A_2389 = arith.constant 128 : i32
        %mul3A_2390 = arith.muli %shift_right_arithmetic3A_2263, %mul3A_2389 : i32
        %mul3A_2391 = arith.constant 4 : i32
        %mul3A_2392 = arith.muli %select_n3A_1831, %mul3A_2391 : i32
        %add3A_2393 = arith.constant 2 : i32
        %add3A_2394 = arith.addi %mul3A_2392, %add3A_2393 : i32
        %mul3A_2395 = arith.constant 4 : i32
        %mul3A_2396 = arith.muli %add3A_2394, %mul3A_2395 : i32
        %add3A_2397 = arith.constant 2 : i32
        %add3A_2398 = arith.addi %mul3A_2396, %add3A_2397 : i32
        %dma_start3A_2399 = arith.constant 2 : i32
        %dma_start3A_2400 = arith.constant 0 : i32
        %dma_start3A_2401 = arith.constant 0 : i32
        %dma_start3A_2402 = tpu.memref_slice %arg10[%add3A_2398, %dma_start3A_2400, %dma_start3A_2401] : memref<48x8x128xf32, #tpu.memory_space<vmem>> -> memref<1x8x128xf32, #tpu.memory_space<vmem>>
        %dma_start3A_2403 = tpu.memref_squeeze %dma_start3A_2402 : memref<1x8x128xf32, #tpu.memory_space<vmem>> -> memref<8x128xf32, #tpu.memory_space<vmem>>
        %dma_start3A_2404 = arith.constant 0 : i32
        %dma_start3A_2405 = tpu.memref_slice %arg5[%dma_start3A_2399, %dma_start3A_2404, %mul3A_2390] : memref<4x8x1000000xf32, #tpu.memory_space<hbm>> -> memref<1x8x128xf32, #tpu.memory_space<hbm>>
        %dma_start3A_2406 = tpu.memref_squeeze %dma_start3A_2405 : memref<1x8x128xf32, #tpu.memory_space<hbm>> -> memref<8x128xf32, #tpu.memory_space<hbm>>
        %dma_start3A_2407 = arith.constant 0 : i32
        %dma_start3A_2408 = arith.constant 0 : i32
        %dma_start3A_2409 = tpu.memref_slice %arg10[%add3A_2398, %dma_start3A_2407, %dma_start3A_2408] : memref<48x8x128xf32, #tpu.memory_space<vmem>> -> memref<1x8x128xf32, #tpu.memory_space<vmem>>
        %dma_start3A_2410 = tpu.memref_squeeze %dma_start3A_2409 : memref<1x8x128xf32, #tpu.memory_space<vmem>> -> memref<8x128xf32, #tpu.memory_space<vmem>>
        %dma_start3A_2411 = arith.constant 0 : i32
        %dma_start3A_2412 = tpu.memref_slice %arg5[%dma_start3A_2399, %dma_start3A_2411, %mul3A_2390] : memref<4x8x1000000xf32, #tpu.memory_space<hbm>> -> memref<1x8x128xf32, #tpu.memory_space<hbm>>
        %dma_start3A_2413 = tpu.memref_squeeze %dma_start3A_2412 : memref<1x8x128xf32, #tpu.memory_space<hbm>> -> memref<8x128xf32, #tpu.memory_space<hbm>>
        tpu.enqueue_dma source(%dma_start3A_2413 : memref<8x128xf32, #tpu.memory_space<hbm>>) target(%dma_start3A_2410 : memref<8x128xf32, #tpu.memory_space<vmem>>) target_semaphore(%arg12 : memref<!tpu.dma_semaphore, #tpu.memory_space<semaphore_mem>>)
        %mul3A_2414 = arith.constant 128 : i32
        %mul3A_2415 = arith.muli %shift_right_arithmetic3A_2259, %mul3A_2414 : i32
        %mul3A_2416 = arith.constant 4 : i32
        %mul3A_2417 = arith.muli %select_n3A_1831, %mul3A_2416 : i32
        %add3A_2418 = arith.constant 2 : i32
        %add3A_2419 = arith.addi %mul3A_2417, %add3A_2418 : i32
        %mul3A_2420 = arith.constant 4 : i32
        %mul3A_2421 = arith.muli %add3A_2419, %mul3A_2420 : i32
        %add3A_2422 = arith.constant 3 : i32
        %add3A_2423 = arith.addi %mul3A_2421, %add3A_2422 : i32
        %dma_start3A_2424 = arith.constant 3 : i32
        %dma_start3A_2425 = arith.constant 0 : i32
        %dma_start3A_2426 = arith.constant 0 : i32
        %dma_start3A_2427 = tpu.memref_slice %arg9[%add3A_2423, %dma_start3A_2425, %dma_start3A_2426] : memref<48x8x128xf32, #tpu.memory_space<vmem>> -> memref<1x8x128xf32, #tpu.memory_space<vmem>>
        %dma_start3A_2428 = tpu.memref_squeeze %dma_start3A_2427 : memref<1x8x128xf32, #tpu.memory_space<vmem>> -> memref<8x128xf32, #tpu.memory_space<vmem>>
        %dma_start3A_2429 = arith.constant 0 : i32
        %dma_start3A_2430 = tpu.memref_slice %arg4[%dma_start3A_2424, %dma_start3A_2429, %mul3A_2415] : memref<4x8x1000000xf32, #tpu.memory_space<hbm>> -> memref<1x8x128xf32, #tpu.memory_space<hbm>>
        %dma_start3A_2431 = tpu.memref_squeeze %dma_start3A_2430 : memref<1x8x128xf32, #tpu.memory_space<hbm>> -> memref<8x128xf32, #tpu.memory_space<hbm>>
        %dma_start3A_2432 = arith.constant 0 : i32
        %dma_start3A_2433 = arith.constant 0 : i32
        %dma_start3A_2434 = tpu.memref_slice %arg9[%add3A_2423, %dma_start3A_2432, %dma_start3A_2433] : memref<48x8x128xf32, #tpu.memory_space<vmem>> -> memref<1x8x128xf32, #tpu.memory_space<vmem>>
        %dma_start3A_2435 = tpu.memref_squeeze %dma_start3A_2434 : memref<1x8x128xf32, #tpu.memory_space<vmem>> -> memref<8x128xf32, #tpu.memory_space<vmem>>
        %dma_start3A_2436 = arith.constant 0 : i32
        %dma_start3A_2437 = tpu.memref_slice %arg4[%dma_start3A_2424, %dma_start3A_2436, %mul3A_2415] : memref<4x8x1000000xf32, #tpu.memory_space<hbm>> -> memref<1x8x128xf32, #tpu.memory_space<hbm>>
        %dma_start3A_2438 = tpu.memref_squeeze %dma_start3A_2437 : memref<1x8x128xf32, #tpu.memory_space<hbm>> -> memref<8x128xf32, #tpu.memory_space<hbm>>
        tpu.enqueue_dma source(%dma_start3A_2438 : memref<8x128xf32, #tpu.memory_space<hbm>>) target(%dma_start3A_2435 : memref<8x128xf32, #tpu.memory_space<vmem>>) target_semaphore(%arg12 : memref<!tpu.dma_semaphore, #tpu.memory_space<semaphore_mem>>)
        %mul3A_2439 = arith.constant 128 : i32
        %mul3A_2440 = arith.muli %shift_right_arithmetic3A_2263, %mul3A_2439 : i32
        %mul3A_2441 = arith.constant 4 : i32
        %mul3A_2442 = arith.muli %select_n3A_1831, %mul3A_2441 : i32
        %add3A_2443 = arith.constant 2 : i32
        %add3A_2444 = arith.addi %mul3A_2442, %add3A_2443 : i32
        %mul3A_2445 = arith.constant 4 : i32
        %mul3A_2446 = arith.muli %add3A_2444, %mul3A_2445 : i32
        %add3A_2447 = arith.constant 3 : i32
        %add3A_2448 = arith.addi %mul3A_2446, %add3A_2447 : i32
        %dma_start3A_2449 = arith.constant 3 : i32
        %dma_start3A_2450 = arith.constant 0 : i32
        %dma_start3A_2451 = arith.constant 0 : i32
        %dma_start3A_2452 = tpu.memref_slice %arg10[%add3A_2448, %dma_start3A_2450, %dma_start3A_2451] : memref<48x8x128xf32, #tpu.memory_space<vmem>> -> memref<1x8x128xf32, #tpu.memory_space<vmem>>
        %dma_start3A_2453 = tpu.memref_squeeze %dma_start3A_2452 : memref<1x8x128xf32, #tpu.memory_space<vmem>> -> memref<8x128xf32, #tpu.memory_space<vmem>>
        %dma_start3A_2454 = arith.constant 0 : i32
        %dma_start3A_2455 = tpu.memref_slice %arg5[%dma_start3A_2449, %dma_start3A_2454, %mul3A_2440] : memref<4x8x1000000xf32, #tpu.memory_space<hbm>> -> memref<1x8x128xf32, #tpu.memory_space<hbm>>
        %dma_start3A_2456 = tpu.memref_squeeze %dma_start3A_2455 : memref<1x8x128xf32, #tpu.memory_space<hbm>> -> memref<8x128xf32, #tpu.memory_space<hbm>>
        %dma_start3A_2457 = arith.constant 0 : i32
        %dma_start3A_2458 = arith.constant 0 : i32
        %dma_start3A_2459 = tpu.memref_slice %arg10[%add3A_2448, %dma_start3A_2457, %dma_start3A_2458] : memref<48x8x128xf32, #tpu.memory_space<vmem>> -> memref<1x8x128xf32, #tpu.memory_space<vmem>>
        %dma_start3A_2460 = tpu.memref_squeeze %dma_start3A_2459 : memref<1x8x128xf32, #tpu.memory_space<vmem>> -> memref<8x128xf32, #tpu.memory_space<vmem>>
        %dma_start3A_2461 = arith.constant 0 : i32
        %dma_start3A_2462 = tpu.memref_slice %arg5[%dma_start3A_2449, %dma_start3A_2461, %mul3A_2440] : memref<4x8x1000000xf32, #tpu.memory_space<hbm>> -> memref<1x8x128xf32, #tpu.memory_space<hbm>>
        %dma_start3A_2463 = tpu.memref_squeeze %dma_start3A_2462 : memref<1x8x128xf32, #tpu.memory_space<hbm>> -> memref<8x128xf32, #tpu.memory_space<hbm>>
        tpu.enqueue_dma source(%dma_start3A_2463 : memref<8x128xf32, #tpu.memory_space<hbm>>) target(%dma_start3A_2460 : memref<8x128xf32, #tpu.memory_space<vmem>>) target_semaphore(%arg12 : memref<!tpu.dma_semaphore, #tpu.memory_space<semaphore_mem>>)
        %slice3A_2464 = vector.extract_strided_slice %get3A_1835 {offsets = [3], sizes = [1], strides = [1]} : vector<16xi32> to vector<1xi32>
        %squeeze3A_2465 = vector.extract %slice3A_2464[0] : i32 from vector<1xi32>
        %shift_right_arithmetic3A_2466 = arith.constant 7 : i32
        %shift_right_arithmetic3A_2467 = arith.shrsi %squeeze3A_2465, %shift_right_arithmetic3A_2466 : i32
        %slice3A_2468 = vector.extract_strided_slice %get3A_1839 {offsets = [3], sizes = [1], strides = [1]} : vector<16xi32> to vector<1xi32>
        %squeeze3A_2469 = vector.extract %slice3A_2468[0] : i32 from vector<1xi32>
        %shift_right_arithmetic3A_2470 = arith.constant 7 : i32
        %shift_right_arithmetic3A_2471 = arith.shrsi %squeeze3A_2469, %shift_right_arithmetic3A_2470 : i32
        %mul3A_2472 = arith.constant 128 : i32
        %mul3A_2473 = arith.muli %shift_right_arithmetic3A_2467, %mul3A_2472 : i32
        %mul3A_2474 = arith.constant 4 : i32
        %mul3A_2475 = arith.muli %select_n3A_1831, %mul3A_2474 : i32
        %add3A_2476 = arith.constant 3 : i32
        %add3A_2477 = arith.addi %mul3A_2475, %add3A_2476 : i32
        %mul3A_2478 = arith.constant 4 : i32
        %mul3A_2479 = arith.muli %add3A_2477, %mul3A_2478 : i32
        %add3A_2480 = arith.constant 0 : i32
        %add3A_2481 = arith.addi %mul3A_2479, %add3A_2480 : i32
        %dma_start3A_2482 = arith.constant 0 : i32
        %dma_start3A_2483 = arith.constant 0 : i32
        %dma_start3A_2484 = arith.constant 0 : i32
        %dma_start3A_2485 = tpu.memref_slice %arg9[%add3A_2481, %dma_start3A_2483, %dma_start3A_2484] : memref<48x8x128xf32, #tpu.memory_space<vmem>> -> memref<1x8x128xf32, #tpu.memory_space<vmem>>
        %dma_start3A_2486 = tpu.memref_squeeze %dma_start3A_2485 : memref<1x8x128xf32, #tpu.memory_space<vmem>> -> memref<8x128xf32, #tpu.memory_space<vmem>>
        %dma_start3A_2487 = arith.constant 0 : i32
        %dma_start3A_2488 = tpu.memref_slice %arg4[%dma_start3A_2482, %dma_start3A_2487, %mul3A_2473] : memref<4x8x1000000xf32, #tpu.memory_space<hbm>> -> memref<1x8x128xf32, #tpu.memory_space<hbm>>
        %dma_start3A_2489 = tpu.memref_squeeze %dma_start3A_2488 : memref<1x8x128xf32, #tpu.memory_space<hbm>> -> memref<8x128xf32, #tpu.memory_space<hbm>>
        %dma_start3A_2490 = arith.constant 0 : i32
        %dma_start3A_2491 = arith.constant 0 : i32
        %dma_start3A_2492 = tpu.memref_slice %arg9[%add3A_2481, %dma_start3A_2490, %dma_start3A_2491] : memref<48x8x128xf32, #tpu.memory_space<vmem>> -> memref<1x8x128xf32, #tpu.memory_space<vmem>>
        %dma_start3A_2493 = tpu.memref_squeeze %dma_start3A_2492 : memref<1x8x128xf32, #tpu.memory_space<vmem>> -> memref<8x128xf32, #tpu.memory_space<vmem>>
        %dma_start3A_2494 = arith.constant 0 : i32
        %dma_start3A_2495 = tpu.memref_slice %arg4[%dma_start3A_2482, %dma_start3A_2494, %mul3A_2473] : memref<4x8x1000000xf32, #tpu.memory_space<hbm>> -> memref<1x8x128xf32, #tpu.memory_space<hbm>>
        %dma_start3A_2496 = tpu.memref_squeeze %dma_start3A_2495 : memref<1x8x128xf32, #tpu.memory_space<hbm>> -> memref<8x128xf32, #tpu.memory_space<hbm>>
        tpu.enqueue_dma source(%dma_start3A_2496 : memref<8x128xf32, #tpu.memory_space<hbm>>) target(%dma_start3A_2493 : memref<8x128xf32, #tpu.memory_space<vmem>>) target_semaphore(%arg12 : memref<!tpu.dma_semaphore, #tpu.memory_space<semaphore_mem>>)
        %mul3A_2497 = arith.constant 128 : i32
        %mul3A_2498 = arith.muli %shift_right_arithmetic3A_2471, %mul3A_2497 : i32
        %mul3A_2499 = arith.constant 4 : i32
        %mul3A_2500 = arith.muli %select_n3A_1831, %mul3A_2499 : i32
        %add3A_2501 = arith.constant 3 : i32
        %add3A_2502 = arith.addi %mul3A_2500, %add3A_2501 : i32
        %mul3A_2503 = arith.constant 4 : i32
        %mul3A_2504 = arith.muli %add3A_2502, %mul3A_2503 : i32
        %add3A_2505 = arith.constant 0 : i32
        %add3A_2506 = arith.addi %mul3A_2504, %add3A_2505 : i32
        %dma_start3A_2507 = arith.constant 0 : i32
        %dma_start3A_2508 = arith.constant 0 : i32
        %dma_start3A_2509 = arith.constant 0 : i32
        %dma_start3A_2510 = tpu.memref_slice %arg10[%add3A_2506, %dma_start3A_2508, %dma_start3A_2509] : memref<48x8x128xf32, #tpu.memory_space<vmem>> -> memref<1x8x128xf32, #tpu.memory_space<vmem>>
        %dma_start3A_2511 = tpu.memref_squeeze %dma_start3A_2510 : memref<1x8x128xf32, #tpu.memory_space<vmem>> -> memref<8x128xf32, #tpu.memory_space<vmem>>
        %dma_start3A_2512 = arith.constant 0 : i32
        %dma_start3A_2513 = tpu.memref_slice %arg5[%dma_start3A_2507, %dma_start3A_2512, %mul3A_2498] : memref<4x8x1000000xf32, #tpu.memory_space<hbm>> -> memref<1x8x128xf32, #tpu.memory_space<hbm>>
        %dma_start3A_2514 = tpu.memref_squeeze %dma_start3A_2513 : memref<1x8x128xf32, #tpu.memory_space<hbm>> -> memref<8x128xf32, #tpu.memory_space<hbm>>
        %dma_start3A_2515 = arith.constant 0 : i32
        %dma_start3A_2516 = arith.constant 0 : i32
        %dma_start3A_2517 = tpu.memref_slice %arg10[%add3A_2506, %dma_start3A_2515, %dma_start3A_2516] : memref<48x8x128xf32, #tpu.memory_space<vmem>> -> memref<1x8x128xf32, #tpu.memory_space<vmem>>
        %dma_start3A_2518 = tpu.memref_squeeze %dma_start3A_2517 : memref<1x8x128xf32, #tpu.memory_space<vmem>> -> memref<8x128xf32, #tpu.memory_space<vmem>>
        %dma_start3A_2519 = arith.constant 0 : i32
        %dma_start3A_2520 = tpu.memref_slice %arg5[%dma_start3A_2507, %dma_start3A_2519, %mul3A_2498] : memref<4x8x1000000xf32, #tpu.memory_space<hbm>> -> memref<1x8x128xf32, #tpu.memory_space<hbm>>
        %dma_start3A_2521 = tpu.memref_squeeze %dma_start3A_2520 : memref<1x8x128xf32, #tpu.memory_space<hbm>> -> memref<8x128xf32, #tpu.memory_space<hbm>>
        tpu.enqueue_dma source(%dma_start3A_2521 : memref<8x128xf32, #tpu.memory_space<hbm>>) target(%dma_start3A_2518 : memref<8x128xf32, #tpu.memory_space<vmem>>) target_semaphore(%arg12 : memref<!tpu.dma_semaphore, #tpu.memory_space<semaphore_mem>>)
        %mul3A_2522 = arith.constant 128 : i32
        %mul3A_2523 = arith.muli %shift_right_arithmetic3A_2467, %mul3A_2522 : i32
        %mul3A_2524 = arith.constant 4 : i32
        %mul3A_2525 = arith.muli %select_n3A_1831, %mul3A_2524 : i32
        %add3A_2526 = arith.constant 3 : i32
        %add3A_2527 = arith.addi %mul3A_2525, %add3A_2526 : i32
        %mul3A_2528 = arith.constant 4 : i32
        %mul3A_2529 = arith.muli %add3A_2527, %mul3A_2528 : i32
        %add3A_2530 = arith.constant 1 : i32
        %add3A_2531 = arith.addi %mul3A_2529, %add3A_2530 : i32
        %dma_start3A_2532 = arith.constant 1 : i32
        %dma_start3A_2533 = arith.constant 0 : i32
        %dma_start3A_2534 = arith.constant 0 : i32
        %dma_start3A_2535 = tpu.memref_slice %arg9[%add3A_2531, %dma_start3A_2533, %dma_start3A_2534] : memref<48x8x128xf32, #tpu.memory_space<vmem>> -> memref<1x8x128xf32, #tpu.memory_space<vmem>>
        %dma_start3A_2536 = tpu.memref_squeeze %dma_start3A_2535 : memref<1x8x128xf32, #tpu.memory_space<vmem>> -> memref<8x128xf32, #tpu.memory_space<vmem>>
        %dma_start3A_2537 = arith.constant 0 : i32
        %dma_start3A_2538 = tpu.memref_slice %arg4[%dma_start3A_2532, %dma_start3A_2537, %mul3A_2523] : memref<4x8x1000000xf32, #tpu.memory_space<hbm>> -> memref<1x8x128xf32, #tpu.memory_space<hbm>>
        %dma_start3A_2539 = tpu.memref_squeeze %dma_start3A_2538 : memref<1x8x128xf32, #tpu.memory_space<hbm>> -> memref<8x128xf32, #tpu.memory_space<hbm>>
        %dma_start3A_2540 = arith.constant 0 : i32
        %dma_start3A_2541 = arith.constant 0 : i32
        %dma_start3A_2542 = tpu.memref_slice %arg9[%add3A_2531, %dma_start3A_2540, %dma_start3A_2541] : memref<48x8x128xf32, #tpu.memory_space<vmem>> -> memref<1x8x128xf32, #tpu.memory_space<vmem>>
        %dma_start3A_2543 = tpu.memref_squeeze %dma_start3A_2542 : memref<1x8x128xf32, #tpu.memory_space<vmem>> -> memref<8x128xf32, #tpu.memory_space<vmem>>
        %dma_start3A_2544 = arith.constant 0 : i32
        %dma_start3A_2545 = tpu.memref_slice %arg4[%dma_start3A_2532, %dma_start3A_2544, %mul3A_2523] : memref<4x8x1000000xf32, #tpu.memory_space<hbm>> -> memref<1x8x128xf32, #tpu.memory_space<hbm>>
        %dma_start3A_2546 = tpu.memref_squeeze %dma_start3A_2545 : memref<1x8x128xf32, #tpu.memory_space<hbm>> -> memref<8x128xf32, #tpu.memory_space<hbm>>
        tpu.enqueue_dma source(%dma_start3A_2546 : memref<8x128xf32, #tpu.memory_space<hbm>>) target(%dma_start3A_2543 : memref<8x128xf32, #tpu.memory_space<vmem>>) target_semaphore(%arg12 : memref<!tpu.dma_semaphore, #tpu.memory_space<semaphore_mem>>)
        %mul3A_2547 = arith.constant 128 : i32
        %mul3A_2548 = arith.muli %shift_right_arithmetic3A_2471, %mul3A_2547 : i32
        %mul3A_2549 = arith.constant 4 : i32
        %mul3A_2550 = arith.muli %select_n3A_1831, %mul3A_2549 : i32
        %add3A_2551 = arith.constant 3 : i32
        %add3A_2552 = arith.addi %mul3A_2550, %add3A_2551 : i32
        %mul3A_2553 = arith.constant 4 : i32
        %mul3A_2554 = arith.muli %add3A_2552, %mul3A_2553 : i32
        %add3A_2555 = arith.constant 1 : i32
        %add3A_2556 = arith.addi %mul3A_2554, %add3A_2555 : i32
        %dma_start3A_2557 = arith.constant 1 : i32
        %dma_start3A_2558 = arith.constant 0 : i32
        %dma_start3A_2559 = arith.constant 0 : i32
        %dma_start3A_2560 = tpu.memref_slice %arg10[%add3A_2556, %dma_start3A_2558, %dma_start3A_2559] : memref<48x8x128xf32, #tpu.memory_space<vmem>> -> memref<1x8x128xf32, #tpu.memory_space<vmem>>
        %dma_start3A_2561 = tpu.memref_squeeze %dma_start3A_2560 : memref<1x8x128xf32, #tpu.memory_space<vmem>> -> memref<8x128xf32, #tpu.memory_space<vmem>>
        %dma_start3A_2562 = arith.constant 0 : i32
        %dma_start3A_2563 = tpu.memref_slice %arg5[%dma_start3A_2557, %dma_start3A_2562, %mul3A_2548] : memref<4x8x1000000xf32, #tpu.memory_space<hbm>> -> memref<1x8x128xf32, #tpu.memory_space<hbm>>
        %dma_start3A_2564 = tpu.memref_squeeze %dma_start3A_2563 : memref<1x8x128xf32, #tpu.memory_space<hbm>> -> memref<8x128xf32, #tpu.memory_space<hbm>>
        %dma_start3A_2565 = arith.constant 0 : i32
        %dma_start3A_2566 = arith.constant 0 : i32
        %dma_start3A_2567 = tpu.memref_slice %arg10[%add3A_2556, %dma_start3A_2565, %dma_start3A_2566] : memref<48x8x128xf32, #tpu.memory_space<vmem>> -> memref<1x8x128xf32, #tpu.memory_space<vmem>>
        %dma_start3A_2568 = tpu.memref_squeeze %dma_start3A_2567 : memref<1x8x128xf32, #tpu.memory_space<vmem>> -> memref<8x128xf32, #tpu.memory_space<vmem>>
        %dma_start3A_2569 = arith.constant 0 : i32
        %dma_start3A_2570 = tpu.memref_slice %arg5[%dma_start3A_2557, %dma_start3A_2569, %mul3A_2548] : memref<4x8x1000000xf32, #tpu.memory_space<hbm>> -> memref<1x8x128xf32, #tpu.memory_space<hbm>>
        %dma_start3A_2571 = tpu.memref_squeeze %dma_start3A_2570 : memref<1x8x128xf32, #tpu.memory_space<hbm>> -> memref<8x128xf32, #tpu.memory_space<hbm>>
        tpu.enqueue_dma source(%dma_start3A_2571 : memref<8x128xf32, #tpu.memory_space<hbm>>) target(%dma_start3A_2568 : memref<8x128xf32, #tpu.memory_space<vmem>>) target_semaphore(%arg12 : memref<!tpu.dma_semaphore, #tpu.memory_space<semaphore_mem>>)
        %mul3A_2572 = arith.constant 128 : i32
        %mul3A_2573 = arith.muli %shift_right_arithmetic3A_2467, %mul3A_2572 : i32
        %mul3A_2574 = arith.constant 4 : i32
        %mul3A_2575 = arith.muli %select_n3A_1831, %mul3A_2574 : i32
        %add3A_2576 = arith.constant 3 : i32
        %add3A_2577 = arith.addi %mul3A_2575, %add3A_2576 : i32
        %mul3A_2578 = arith.constant 4 : i32
        %mul3A_2579 = arith.muli %add3A_2577, %mul3A_2578 : i32
        %add3A_2580 = arith.constant 2 : i32
        %add3A_2581 = arith.addi %mul3A_2579, %add3A_2580 : i32
        %dma_start3A_2582 = arith.constant 2 : i32
        %dma_start3A_2583 = arith.constant 0 : i32
        %dma_start3A_2584 = arith.constant 0 : i32
        %dma_start3A_2585 = tpu.memref_slice %arg9[%add3A_2581, %dma_start3A_2583, %dma_start3A_2584] : memref<48x8x128xf32, #tpu.memory_space<vmem>> -> memref<1x8x128xf32, #tpu.memory_space<vmem>>
        %dma_start3A_2586 = tpu.memref_squeeze %dma_start3A_2585 : memref<1x8x128xf32, #tpu.memory_space<vmem>> -> memref<8x128xf32, #tpu.memory_space<vmem>>
        %dma_start3A_2587 = arith.constant 0 : i32
        %dma_start3A_2588 = tpu.memref_slice %arg4[%dma_start3A_2582, %dma_start3A_2587, %mul3A_2573] : memref<4x8x1000000xf32, #tpu.memory_space<hbm>> -> memref<1x8x128xf32, #tpu.memory_space<hbm>>
        %dma_start3A_2589 = tpu.memref_squeeze %dma_start3A_2588 : memref<1x8x128xf32, #tpu.memory_space<hbm>> -> memref<8x128xf32, #tpu.memory_space<hbm>>
        %dma_start3A_2590 = arith.constant 0 : i32
        %dma_start3A_2591 = arith.constant 0 : i32
        %dma_start3A_2592 = tpu.memref_slice %arg9[%add3A_2581, %dma_start3A_2590, %dma_start3A_2591] : memref<48x8x128xf32, #tpu.memory_space<vmem>> -> memref<1x8x128xf32, #tpu.memory_space<vmem>>
        %dma_start3A_2593 = tpu.memref_squeeze %dma_start3A_2592 : memref<1x8x128xf32, #tpu.memory_space<vmem>> -> memref<8x128xf32, #tpu.memory_space<vmem>>
        %dma_start3A_2594 = arith.constant 0 : i32
        %dma_start3A_2595 = tpu.memref_slice %arg4[%dma_start3A_2582, %dma_start3A_2594, %mul3A_2573] : memref<4x8x1000000xf32, #tpu.memory_space<hbm>> -> memref<1x8x128xf32, #tpu.memory_space<hbm>>
        %dma_start3A_2596 = tpu.memref_squeeze %dma_start3A_2595 : memref<1x8x128xf32, #tpu.memory_space<hbm>> -> memref<8x128xf32, #tpu.memory_space<hbm>>
        tpu.enqueue_dma source(%dma_start3A_2596 : memref<8x128xf32, #tpu.memory_space<hbm>>) target(%dma_start3A_2593 : memref<8x128xf32, #tpu.memory_space<vmem>>) target_semaphore(%arg12 : memref<!tpu.dma_semaphore, #tpu.memory_space<semaphore_mem>>)
        %mul3A_2597 = arith.constant 128 : i32
        %mul3A_2598 = arith.muli %shift_right_arithmetic3A_2471, %mul3A_2597 : i32
        %mul3A_2599 = arith.constant 4 : i32
        %mul3A_2600 = arith.muli %select_n3A_1831, %mul3A_2599 : i32
        %add3A_2601 = arith.constant 3 : i32
        %add3A_2602 = arith.addi %mul3A_2600, %add3A_2601 : i32
        %mul3A_2603 = arith.constant 4 : i32
        %mul3A_2604 = arith.muli %add3A_2602, %mul3A_2603 : i32
        %add3A_2605 = arith.constant 2 : i32
        %add3A_2606 = arith.addi %mul3A_2604, %add3A_2605 : i32
        %dma_start3A_2607 = arith.constant 2 : i32
        %dma_start3A_2608 = arith.constant 0 : i32
        %dma_start3A_2609 = arith.constant 0 : i32
        %dma_start3A_2610 = tpu.memref_slice %arg10[%add3A_2606, %dma_start3A_2608, %dma_start3A_2609] : memref<48x8x128xf32, #tpu.memory_space<vmem>> -> memref<1x8x128xf32, #tpu.memory_space<vmem>>
        %dma_start3A_2611 = tpu.memref_squeeze %dma_start3A_2610 : memref<1x8x128xf32, #tpu.memory_space<vmem>> -> memref<8x128xf32, #tpu.memory_space<vmem>>
        %dma_start3A_2612 = arith.constant 0 : i32
        %dma_start3A_2613 = tpu.memref_slice %arg5[%dma_start3A_2607, %dma_start3A_2612, %mul3A_2598] : memref<4x8x1000000xf32, #tpu.memory_space<hbm>> -> memref<1x8x128xf32, #tpu.memory_space<hbm>>
        %dma_start3A_2614 = tpu.memref_squeeze %dma_start3A_2613 : memref<1x8x128xf32, #tpu.memory_space<hbm>> -> memref<8x128xf32, #tpu.memory_space<hbm>>
        %dma_start3A_2615 = arith.constant 0 : i32
        %dma_start3A_2616 = arith.constant 0 : i32
        %dma_start3A_2617 = tpu.memref_slice %arg10[%add3A_2606, %dma_start3A_2615, %dma_start3A_2616] : memref<48x8x128xf32, #tpu.memory_space<vmem>> -> memref<1x8x128xf32, #tpu.memory_space<vmem>>
        %dma_start3A_2618 = tpu.memref_squeeze %dma_start3A_2617 : memref<1x8x128xf32, #tpu.memory_space<vmem>> -> memref<8x128xf32, #tpu.memory_space<vmem>>
        %dma_start3A_2619 = arith.constant 0 : i32
        %dma_start3A_2620 = tpu.memref_slice %arg5[%dma_start3A_2607, %dma_start3A_2619, %mul3A_2598] : memref<4x8x1000000xf32, #tpu.memory_space<hbm>> -> memref<1x8x128xf32, #tpu.memory_space<hbm>>
        %dma_start3A_2621 = tpu.memref_squeeze %dma_start3A_2620 : memref<1x8x128xf32, #tpu.memory_space<hbm>> -> memref<8x128xf32, #tpu.memory_space<hbm>>
        tpu.enqueue_dma source(%dma_start3A_2621 : memref<8x128xf32, #tpu.memory_space<hbm>>) target(%dma_start3A_2618 : memref<8x128xf32, #tpu.memory_space<vmem>>) target_semaphore(%arg12 : memref<!tpu.dma_semaphore, #tpu.memory_space<semaphore_mem>>)
        %mul3A_2622 = arith.constant 128 : i32
        %mul3A_2623 = arith.muli %shift_right_arithmetic3A_2467, %mul3A_2622 : i32
        %mul3A_2624 = arith.constant 4 : i32
        %mul3A_2625 = arith.muli %select_n3A_1831, %mul3A_2624 : i32
        %add3A_2626 = arith.constant 3 : i32
        %add3A_2627 = arith.addi %mul3A_2625, %add3A_2626 : i32
        %mul3A_2628 = arith.constant 4 : i32
        %mul3A_2629 = arith.muli %add3A_2627, %mul3A_2628 : i32
        %add3A_2630 = arith.constant 3 : i32
        %add3A_2631 = arith.addi %mul3A_2629, %add3A_2630 : i32
        %dma_start3A_2632 = arith.constant 3 : i32
        %dma_start3A_2633 = arith.constant 0 : i32
        %dma_start3A_2634 = arith.constant 0 : i32
        %dma_start3A_2635 = tpu.memref_slice %arg9[%add3A_2631, %dma_start3A_2633, %dma_start3A_2634] : memref<48x8x128xf32, #tpu.memory_space<vmem>> -> memref<1x8x128xf32, #tpu.memory_space<vmem>>
        %dma_start3A_2636 = tpu.memref_squeeze %dma_start3A_2635 : memref<1x8x128xf32, #tpu.memory_space<vmem>> -> memref<8x128xf32, #tpu.memory_space<vmem>>
        %dma_start3A_2637 = arith.constant 0 : i32
        %dma_start3A_2638 = tpu.memref_slice %arg4[%dma_start3A_2632, %dma_start3A_2637, %mul3A_2623] : memref<4x8x1000000xf32, #tpu.memory_space<hbm>> -> memref<1x8x128xf32, #tpu.memory_space<hbm>>
        %dma_start3A_2639 = tpu.memref_squeeze %dma_start3A_2638 : memref<1x8x128xf32, #tpu.memory_space<hbm>> -> memref<8x128xf32, #tpu.memory_space<hbm>>
        %dma_start3A_2640 = arith.constant 0 : i32
        %dma_start3A_2641 = arith.constant 0 : i32
        %dma_start3A_2642 = tpu.memref_slice %arg9[%add3A_2631, %dma_start3A_2640, %dma_start3A_2641] : memref<48x8x128xf32, #tpu.memory_space<vmem>> -> memref<1x8x128xf32, #tpu.memory_space<vmem>>
        %dma_start3A_2643 = tpu.memref_squeeze %dma_start3A_2642 : memref<1x8x128xf32, #tpu.memory_space<vmem>> -> memref<8x128xf32, #tpu.memory_space<vmem>>
        %dma_start3A_2644 = arith.constant 0 : i32
        %dma_start3A_2645 = tpu.memref_slice %arg4[%dma_start3A_2632, %dma_start3A_2644, %mul3A_2623] : memref<4x8x1000000xf32, #tpu.memory_space<hbm>> -> memref<1x8x128xf32, #tpu.memory_space<hbm>>
        %dma_start3A_2646 = tpu.memref_squeeze %dma_start3A_2645 : memref<1x8x128xf32, #tpu.memory_space<hbm>> -> memref<8x128xf32, #tpu.memory_space<hbm>>
        tpu.enqueue_dma source(%dma_start3A_2646 : memref<8x128xf32, #tpu.memory_space<hbm>>) target(%dma_start3A_2643 : memref<8x128xf32, #tpu.memory_space<vmem>>) target_semaphore(%arg12 : memref<!tpu.dma_semaphore, #tpu.memory_space<semaphore_mem>>)
        %mul3A_2647 = arith.constant 128 : i32
        %mul3A_2648 = arith.muli %shift_right_arithmetic3A_2471, %mul3A_2647 : i32
        %mul3A_2649 = arith.constant 4 : i32
        %mul3A_2650 = arith.muli %select_n3A_1831, %mul3A_2649 : i32
        %add3A_2651 = arith.constant 3 : i32
        %add3A_2652 = arith.addi %mul3A_2650, %add3A_2651 : i32
        %mul3A_2653 = arith.constant 4 : i32
        %mul3A_2654 = arith.muli %add3A_2652, %mul3A_2653 : i32
        %add3A_2655 = arith.constant 3 : i32
        %add3A_2656 = arith.addi %mul3A_2654, %add3A_2655 : i32
        %dma_start3A_2657 = arith.constant 3 : i32
        %dma_start3A_2658 = arith.constant 0 : i32
        %dma_start3A_2659 = arith.constant 0 : i32
        %dma_start3A_2660 = tpu.memref_slice %arg10[%add3A_2656, %dma_start3A_2658, %dma_start3A_2659] : memref<48x8x128xf32, #tpu.memory_space<vmem>> -> memref<1x8x128xf32, #tpu.memory_space<vmem>>
        %dma_start3A_2661 = tpu.memref_squeeze %dma_start3A_2660 : memref<1x8x128xf32, #tpu.memory_space<vmem>> -> memref<8x128xf32, #tpu.memory_space<vmem>>
        %dma_start3A_2662 = arith.constant 0 : i32
        %dma_start3A_2663 = tpu.memref_slice %arg5[%dma_start3A_2657, %dma_start3A_2662, %mul3A_2648] : memref<4x8x1000000xf32, #tpu.memory_space<hbm>> -> memref<1x8x128xf32, #tpu.memory_space<hbm>>
        %dma_start3A_2664 = tpu.memref_squeeze %dma_start3A_2663 : memref<1x8x128xf32, #tpu.memory_space<hbm>> -> memref<8x128xf32, #tpu.memory_space<hbm>>
        %dma_start3A_2665 = arith.constant 0 : i32
        %dma_start3A_2666 = arith.constant 0 : i32
        %dma_start3A_2667 = tpu.memref_slice %arg10[%add3A_2656, %dma_start3A_2665, %dma_start3A_2666] : memref<48x8x128xf32, #tpu.memory_space<vmem>> -> memref<1x8x128xf32, #tpu.memory_space<vmem>>
        %dma_start3A_2668 = tpu.memref_squeeze %dma_start3A_2667 : memref<1x8x128xf32, #tpu.memory_space<vmem>> -> memref<8x128xf32, #tpu.memory_space<vmem>>
        %dma_start3A_2669 = arith.constant 0 : i32
        %dma_start3A_2670 = tpu.memref_slice %arg5[%dma_start3A_2657, %dma_start3A_2669, %mul3A_2648] : memref<4x8x1000000xf32, #tpu.memory_space<hbm>> -> memref<1x8x128xf32, #tpu.memory_space<hbm>>
        %dma_start3A_2671 = tpu.memref_squeeze %dma_start3A_2670 : memref<1x8x128xf32, #tpu.memory_space<hbm>> -> memref<8x128xf32, #tpu.memory_space<hbm>>
        tpu.enqueue_dma source(%dma_start3A_2671 : memref<8x128xf32, #tpu.memory_space<hbm>>) target(%dma_start3A_2668 : memref<8x128xf32, #tpu.memory_space<vmem>>) target_semaphore(%arg12 : memref<!tpu.dma_semaphore, #tpu.memory_space<semaphore_mem>>)
      } else {
      }
      %dma_wait3A = arith.constant 0 : i32
      %dma_wait3A_1242 = arith.constant 0 : i32
      %dma_wait3A_1243 = arith.constant 0 : i32
      %dma_wait3A_1244 = tpu.memref_slice %arg9[%dma_wait3A, %dma_wait3A_1242, %dma_wait3A_1243] : memref<48x8x128xf32, #tpu.memory_space<vmem>> -> memref<4x8x128xf32, #tpu.memory_space<vmem>>
      %dma_wait3A_1245 = arith.constant 0 : i32
      %dma_wait3A_1246 = arith.constant 0 : i32
      %dma_wait3A_1247 = arith.constant 0 : i32
      %dma_wait3A_1248 = tpu.memref_slice %arg4[%dma_wait3A_1245, %dma_wait3A_1246, %dma_wait3A_1247] : memref<4x8x1000000xf32, #tpu.memory_space<hbm>> -> memref<4x8x128xf32, #tpu.memory_space<hbm>>
      %dma_wait3A_1249 = arith.constant 0 : i32
      %dma_wait3A_1250 = arith.constant 0 : i32
      %dma_wait3A_1251 = arith.constant 0 : i32
      %dma_wait3A_1252 = tpu.memref_slice %arg9[%dma_wait3A_1249, %dma_wait3A_1250, %dma_wait3A_1251] : memref<48x8x128xf32, #tpu.memory_space<vmem>> -> memref<4x8x128xf32, #tpu.memory_space<vmem>>
      %dma_wait3A_1253 = arith.constant 0 : i32
      %dma_wait3A_1254 = arith.constant 0 : i32
      %dma_wait3A_1255 = arith.constant 0 : i32
      %dma_wait3A_1256 = tpu.memref_slice %arg4[%dma_wait3A_1253, %dma_wait3A_1254, %dma_wait3A_1255] : memref<4x8x1000000xf32, #tpu.memory_space<hbm>> -> memref<4x8x128xf32, #tpu.memory_space<hbm>>
      tpu.wait_dma2 semaphore(%arg12 : memref<!tpu.dma_semaphore, #tpu.memory_space<semaphore_mem>>) src(%dma_wait3A_1256 : memref<4x8x128xf32, #tpu.memory_space<hbm>>) dst(%dma_wait3A_1252 : memref<4x8x128xf32, #tpu.memory_space<vmem>>)
      %dma_wait3A_1257 = arith.constant 0 : i32
      %dma_wait3A_1258 = arith.constant 0 : i32
      %dma_wait3A_1259 = arith.constant 0 : i32
      %dma_wait3A_1260 = tpu.memref_slice %arg9[%dma_wait3A_1257, %dma_wait3A_1258, %dma_wait3A_1259] : memref<48x8x128xf32, #tpu.memory_space<vmem>> -> memref<4x8x128xf32, #tpu.memory_space<vmem>>
      %dma_wait3A_1261 = arith.constant 0 : i32
      %dma_wait3A_1262 = arith.constant 0 : i32
      %dma_wait3A_1263 = arith.constant 0 : i32
      %dma_wait3A_1264 = tpu.memref_slice %arg4[%dma_wait3A_1261, %dma_wait3A_1262, %dma_wait3A_1263] : memref<4x8x1000000xf32, #tpu.memory_space<hbm>> -> memref<4x8x128xf32, #tpu.memory_space<hbm>>
      %dma_wait3A_1265 = arith.constant 0 : i32
      %dma_wait3A_1266 = arith.constant 0 : i32
      %dma_wait3A_1267 = arith.constant 0 : i32
      %dma_wait3A_1268 = tpu.memref_slice %arg9[%dma_wait3A_1265, %dma_wait3A_1266, %dma_wait3A_1267] : memref<48x8x128xf32, #tpu.memory_space<vmem>> -> memref<4x8x128xf32, #tpu.memory_space<vmem>>
      %dma_wait3A_1269 = arith.constant 0 : i32
      %dma_wait3A_1270 = arith.constant 0 : i32
      %dma_wait3A_1271 = arith.constant 0 : i32
      %dma_wait3A_1272 = tpu.memref_slice %arg4[%dma_wait3A_1269, %dma_wait3A_1270, %dma_wait3A_1271] : memref<4x8x1000000xf32, #tpu.memory_space<hbm>> -> memref<4x8x128xf32, #tpu.memory_space<hbm>>
      tpu.wait_dma2 semaphore(%arg12 : memref<!tpu.dma_semaphore, #tpu.memory_space<semaphore_mem>>) src(%dma_wait3A_1272 : memref<4x8x128xf32, #tpu.memory_space<hbm>>) dst(%dma_wait3A_1268 : memref<4x8x128xf32, #tpu.memory_space<vmem>>)
      %dma_wait3A_1273 = arith.constant 0 : i32
      %dma_wait3A_1274 = arith.constant 0 : i32
      %dma_wait3A_1275 = arith.constant 0 : i32
      %dma_wait3A_1276 = tpu.memref_slice %arg9[%dma_wait3A_1273, %dma_wait3A_1274, %dma_wait3A_1275] : memref<48x8x128xf32, #tpu.memory_space<vmem>> -> memref<4x8x128xf32, #tpu.memory_space<vmem>>
      %dma_wait3A_1277 = arith.constant 0 : i32
      %dma_wait3A_1278 = arith.constant 0 : i32
      %dma_wait3A_1279 = arith.constant 0 : i32
      %dma_wait3A_1280 = tpu.memref_slice %arg4[%dma_wait3A_1277, %dma_wait3A_1278, %dma_wait3A_1279] : memref<4x8x1000000xf32, #tpu.memory_space<hbm>> -> memref<4x8x128xf32, #tpu.memory_space<hbm>>
      %dma_wait3A_1281 = arith.constant 0 : i32
      %dma_wait3A_1282 = arith.constant 0 : i32
      %dma_wait3A_1283 = arith.constant 0 : i32
      %dma_wait3A_1284 = tpu.memref_slice %arg9[%dma_wait3A_1281, %dma_wait3A_1282, %dma_wait3A_1283] : memref<48x8x128xf32, #tpu.memory_space<vmem>> -> memref<4x8x128xf32, #tpu.memory_space<vmem>>
      %dma_wait3A_1285 = arith.constant 0 : i32
      %dma_wait3A_1286 = arith.constant 0 : i32
      %dma_wait3A_1287 = arith.constant 0 : i32
      %dma_wait3A_1288 = tpu.memref_slice %arg4[%dma_wait3A_1285, %dma_wait3A_1286, %dma_wait3A_1287] : memref<4x8x1000000xf32, #tpu.memory_space<hbm>> -> memref<4x8x128xf32, #tpu.memory_space<hbm>>
      tpu.wait_dma2 semaphore(%arg12 : memref<!tpu.dma_semaphore, #tpu.memory_space<semaphore_mem>>) src(%dma_wait3A_1288 : memref<4x8x128xf32, #tpu.memory_space<hbm>>) dst(%dma_wait3A_1284 : memref<4x8x128xf32, #tpu.memory_space<vmem>>)
      %dma_wait3A_1289 = arith.constant 0 : i32
      %dma_wait3A_1290 = arith.constant 0 : i32
      %dma_wait3A_1291 = arith.constant 0 : i32
      %dma_wait3A_1292 = tpu.memref_slice %arg9[%dma_wait3A_1289, %dma_wait3A_1290, %dma_wait3A_1291] : memref<48x8x128xf32, #tpu.memory_space<vmem>> -> memref<4x8x128xf32, #tpu.memory_space<vmem>>
      %dma_wait3A_1293 = arith.constant 0 : i32
      %dma_wait3A_1294 = arith.constant 0 : i32
      %dma_wait3A_1295 = arith.constant 0 : i32
      %dma_wait3A_1296 = tpu.memref_slice %arg4[%dma_wait3A_1293, %dma_wait3A_1294, %dma_wait3A_1295] : memref<4x8x1000000xf32, #tpu.memory_space<hbm>> -> memref<4x8x128xf32, #tpu.memory_space<hbm>>
      %dma_wait3A_1297 = arith.constant 0 : i32
      %dma_wait3A_1298 = arith.constant 0 : i32
      %dma_wait3A_1299 = arith.constant 0 : i32
      %dma_wait3A_1300 = tpu.memref_slice %arg9[%dma_wait3A_1297, %dma_wait3A_1298, %dma_wait3A_1299] : memref<48x8x128xf32, #tpu.memory_space<vmem>> -> memref<4x8x128xf32, #tpu.memory_space<vmem>>
      %dma_wait3A_1301 = arith.constant 0 : i32
      %dma_wait3A_1302 = arith.constant 0 : i32
      %dma_wait3A_1303 = arith.constant 0 : i32
      %dma_wait3A_1304 = tpu.memref_slice %arg4[%dma_wait3A_1301, %dma_wait3A_1302, %dma_wait3A_1303] : memref<4x8x1000000xf32, #tpu.memory_space<hbm>> -> memref<4x8x128xf32, #tpu.memory_space<hbm>>
      tpu.wait_dma2 semaphore(%arg12 : memref<!tpu.dma_semaphore, #tpu.memory_space<semaphore_mem>>) src(%dma_wait3A_1304 : memref<4x8x128xf32, #tpu.memory_space<hbm>>) dst(%dma_wait3A_1300 : memref<4x8x128xf32, #tpu.memory_space<vmem>>)
      %dma_wait3A_1305 = arith.constant 0 : i32
      %dma_wait3A_1306 = arith.constant 0 : i32
      %dma_wait3A_1307 = arith.constant 0 : i32
      %dma_wait3A_1308 = tpu.memref_slice %arg9[%dma_wait3A_1305, %dma_wait3A_1306, %dma_wait3A_1307] : memref<48x8x128xf32, #tpu.memory_space<vmem>> -> memref<4x8x128xf32, #tpu.memory_space<vmem>>
      %dma_wait3A_1309 = arith.constant 0 : i32
      %dma_wait3A_1310 = arith.constant 0 : i32
      %dma_wait3A_1311 = arith.constant 0 : i32
      %dma_wait3A_1312 = tpu.memref_slice %arg4[%dma_wait3A_1309, %dma_wait3A_1310, %dma_wait3A_1311] : memref<4x8x1000000xf32, #tpu.memory_space<hbm>> -> memref<4x8x128xf32, #tpu.memory_space<hbm>>
      %dma_wait3A_1313 = arith.constant 0 : i32
      %dma_wait3A_1314 = arith.constant 0 : i32
      %dma_wait3A_1315 = arith.constant 0 : i32
      %dma_wait3A_1316 = tpu.memref_slice %arg9[%dma_wait3A_1313, %dma_wait3A_1314, %dma_wait3A_1315] : memref<48x8x128xf32, #tpu.memory_space<vmem>> -> memref<4x8x128xf32, #tpu.memory_space<vmem>>
      %dma_wait3A_1317 = arith.constant 0 : i32
      %dma_wait3A_1318 = arith.constant 0 : i32
      %dma_wait3A_1319 = arith.constant 0 : i32
      %dma_wait3A_1320 = tpu.memref_slice %arg4[%dma_wait3A_1317, %dma_wait3A_1318, %dma_wait3A_1319] : memref<4x8x1000000xf32, #tpu.memory_space<hbm>> -> memref<4x8x128xf32, #tpu.memory_space<hbm>>
      tpu.wait_dma2 semaphore(%arg12 : memref<!tpu.dma_semaphore, #tpu.memory_space<semaphore_mem>>) src(%dma_wait3A_1320 : memref<4x8x128xf32, #tpu.memory_space<hbm>>) dst(%dma_wait3A_1316 : memref<4x8x128xf32, #tpu.memory_space<vmem>>)
      %dma_wait3A_1321 = arith.constant 0 : i32
      %dma_wait3A_1322 = arith.constant 0 : i32
      %dma_wait3A_1323 = arith.constant 0 : i32
      %dma_wait3A_1324 = tpu.memref_slice %arg9[%dma_wait3A_1321, %dma_wait3A_1322, %dma_wait3A_1323] : memref<48x8x128xf32, #tpu.memory_space<vmem>> -> memref<4x8x128xf32, #tpu.memory_space<vmem>>
      %dma_wait3A_1325 = arith.constant 0 : i32
      %dma_wait3A_1326 = arith.constant 0 : i32
      %dma_wait3A_1327 = arith.constant 0 : i32
      %dma_wait3A_1328 = tpu.memref_slice %arg4[%dma_wait3A_1325, %dma_wait3A_1326, %dma_wait3A_1327] : memref<4x8x1000000xf32, #tpu.memory_space<hbm>> -> memref<4x8x128xf32, #tpu.memory_space<hbm>>
      %dma_wait3A_1329 = arith.constant 0 : i32
      %dma_wait3A_1330 = arith.constant 0 : i32
      %dma_wait3A_1331 = arith.constant 0 : i32
      %dma_wait3A_1332 = tpu.memref_slice %arg9[%dma_wait3A_1329, %dma_wait3A_1330, %dma_wait3A_1331] : memref<48x8x128xf32, #tpu.memory_space<vmem>> -> memref<4x8x128xf32, #tpu.memory_space<vmem>>
      %dma_wait3A_1333 = arith.constant 0 : i32
      %dma_wait3A_1334 = arith.constant 0 : i32
      %dma_wait3A_1335 = arith.constant 0 : i32
      %dma_wait3A_1336 = tpu.memref_slice %arg4[%dma_wait3A_1333, %dma_wait3A_1334, %dma_wait3A_1335] : memref<4x8x1000000xf32, #tpu.memory_space<hbm>> -> memref<4x8x128xf32, #tpu.memory_space<hbm>>
      tpu.wait_dma2 semaphore(%arg12 : memref<!tpu.dma_semaphore, #tpu.memory_space<semaphore_mem>>) src(%dma_wait3A_1336 : memref<4x8x128xf32, #tpu.memory_space<hbm>>) dst(%dma_wait3A_1332 : memref<4x8x128xf32, #tpu.memory_space<vmem>>)
      %dma_wait3A_1337 = arith.constant 0 : i32
      %dma_wait3A_1338 = arith.constant 0 : i32
      %dma_wait3A_1339 = arith.constant 0 : i32
      %dma_wait3A_1340 = tpu.memref_slice %arg9[%dma_wait3A_1337, %dma_wait3A_1338, %dma_wait3A_1339] : memref<48x8x128xf32, #tpu.memory_space<vmem>> -> memref<4x8x128xf32, #tpu.memory_space<vmem>>
      %dma_wait3A_1341 = arith.constant 0 : i32
      %dma_wait3A_1342 = arith.constant 0 : i32
      %dma_wait3A_1343 = arith.constant 0 : i32
      %dma_wait3A_1344 = tpu.memref_slice %arg4[%dma_wait3A_1341, %dma_wait3A_1342, %dma_wait3A_1343] : memref<4x8x1000000xf32, #tpu.memory_space<hbm>> -> memref<4x8x128xf32, #tpu.memory_space<hbm>>
      %dma_wait3A_1345 = arith.constant 0 : i32
      %dma_wait3A_1346 = arith.constant 0 : i32
      %dma_wait3A_1347 = arith.constant 0 : i32
      %dma_wait3A_1348 = tpu.memref_slice %arg9[%dma_wait3A_1345, %dma_wait3A_1346, %dma_wait3A_1347] : memref<48x8x128xf32, #tpu.memory_space<vmem>> -> memref<4x8x128xf32, #tpu.memory_space<vmem>>
      %dma_wait3A_1349 = arith.constant 0 : i32
      %dma_wait3A_1350 = arith.constant 0 : i32
      %dma_wait3A_1351 = arith.constant 0 : i32
      %dma_wait3A_1352 = tpu.memref_slice %arg4[%dma_wait3A_1349, %dma_wait3A_1350, %dma_wait3A_1351] : memref<4x8x1000000xf32, #tpu.memory_space<hbm>> -> memref<4x8x128xf32, #tpu.memory_space<hbm>>
      tpu.wait_dma2 semaphore(%arg12 : memref<!tpu.dma_semaphore, #tpu.memory_space<semaphore_mem>>) src(%dma_wait3A_1352 : memref<4x8x128xf32, #tpu.memory_space<hbm>>) dst(%dma_wait3A_1348 : memref<4x8x128xf32, #tpu.memory_space<vmem>>)
      %dma_wait3A_1353 = arith.constant 0 : i32
      %dma_wait3A_1354 = arith.constant 0 : i32
      %dma_wait3A_1355 = arith.constant 0 : i32
      %dma_wait3A_1356 = tpu.memref_slice %arg9[%dma_wait3A_1353, %dma_wait3A_1354, %dma_wait3A_1355] : memref<48x8x128xf32, #tpu.memory_space<vmem>> -> memref<4x8x128xf32, #tpu.memory_space<vmem>>
      %dma_wait3A_1357 = arith.constant 0 : i32
      %dma_wait3A_1358 = arith.constant 0 : i32
      %dma_wait3A_1359 = arith.constant 0 : i32
      %dma_wait3A_1360 = tpu.memref_slice %arg4[%dma_wait3A_1357, %dma_wait3A_1358, %dma_wait3A_1359] : memref<4x8x1000000xf32, #tpu.memory_space<hbm>> -> memref<4x8x128xf32, #tpu.memory_space<hbm>>
      %dma_wait3A_1361 = arith.constant 0 : i32
      %dma_wait3A_1362 = arith.constant 0 : i32
      %dma_wait3A_1363 = arith.constant 0 : i32
      %dma_wait3A_1364 = tpu.memref_slice %arg9[%dma_wait3A_1361, %dma_wait3A_1362, %dma_wait3A_1363] : memref<48x8x128xf32, #tpu.memory_space<vmem>> -> memref<4x8x128xf32, #tpu.memory_space<vmem>>
      %dma_wait3A_1365 = arith.constant 0 : i32
      %dma_wait3A_1366 = arith.constant 0 : i32
      %dma_wait3A_1367 = arith.constant 0 : i32
      %dma_wait3A_1368 = tpu.memref_slice %arg4[%dma_wait3A_1365, %dma_wait3A_1366, %dma_wait3A_1367] : memref<4x8x1000000xf32, #tpu.memory_space<hbm>> -> memref<4x8x128xf32, #tpu.memory_space<hbm>>
      tpu.wait_dma2 semaphore(%arg12 : memref<!tpu.dma_semaphore, #tpu.memory_space<semaphore_mem>>) src(%dma_wait3A_1368 : memref<4x8x128xf32, #tpu.memory_space<hbm>>) dst(%dma_wait3A_1364 : memref<4x8x128xf32, #tpu.memory_space<vmem>>)
      %jit3A = arith.constant 3 : i32
      %eq3A = arith.constant 0 : i32
      %eq3A_1369 = arith.cmpi eq, %jit3A, %eq3A : i32
      %jit3A_1370 = arith.constant 1 : i32
      %select_n3A = arith.select %eq3A_1369, %jit3A_1370, %jit3A : i32
      %rem3A = arith.remsi %scan3A_1235, %select_n3A : i32
      %ne3A = arith.constant 0 : i32
      %ne3A_1371 = arith.cmpi ne, %rem3A, %ne3A : i32
      %lt3A_1372 = arith.constant 0 : i32
      %lt3A_1373 = arith.cmpi slt, %rem3A, %lt3A_1372 : i32
      %lt3A_1374 = arith.constant 0 : i32
      %lt3A_1375 = arith.cmpi slt, %select_n3A, %lt3A_1374 : i32
      %ne3A_1376 = arith.xori %lt3A_1373, %lt3A_1375 : i1
      %and3A = arith.andi %ne3A_1376, %ne3A_1371 : i1
      %add3A_1377 = arith.addi %rem3A, %select_n3A : i32
      %select_n3A_1378 = arith.select %and3A, %add3A_1377, %rem3A : i32
      %and3A_1379 = arith.constant 3 : i32
      %and3A_1380 = arith.andi %scan3A_1235, %and3A_1379 : i32
      %shift_right_arithmetic3A_1381 = arith.constant 2 : i32
      %shift_right_arithmetic3A_1382 = arith.shrsi %scan3A_1235, %shift_right_arithmetic3A_1381 : i32
      %mul3A_1383 = arith.constant 16 : i32
      %mul3A_1384 = arith.muli %shift_right_arithmetic3A_1382, %mul3A_1383 : i32
      %get3A_1385 = arith.index_cast %mul3A_1384 : i32 to index
      %get3A_1386 = tpu.vector_load %arg7[%get3A_1385] {strides = array<i32>} : memref<528xi32, #tpu.memory_space<vmem>>, vector<16xi32>,
      %mul3A_1387 = arith.constant 16 : i32
      %mul3A_1388 = arith.muli %shift_right_arithmetic3A_1382, %mul3A_1387 : i32
      %get3A_1389 = arith.index_cast %mul3A_1388 : i32 to index
      %get3A_1390 = tpu.vector_load %arg8[%get3A_1389] {strides = array<i32>} : memref<528xi32, #tpu.memory_space<vmem>>, vector<16xi32>,
      %and3A_1391 = arith.constant 127 : i32
      %and3A_1392 = vector.broadcast %and3A_1391 : i32 to vector<16xi32>
      %and3A_1393 = arith.andi %get3A_1386, %and3A_1392 : vector<16xi32>
      %and3A_1394 = arith.constant 127 : i32
      %and3A_1395 = vector.broadcast %and3A_1394 : i32 to vector<16xi32>
      %and3A_1396 = arith.andi %get3A_1390, %and3A_1395 : vector<16xi32>
      %shift_right_arithmetic3A_1397 = arith.constant 2 : i32
      %shift_right_arithmetic3A_1398 = vector.broadcast %shift_right_arithmetic3A_1397 : i32 to vector<16xi32>
      %shift_right_arithmetic3A_1399 = arith.shrsi %iota3A, %shift_right_arithmetic3A_1398 : vector<16xi32>
      %eq3A_1400 = vector.broadcast %and3A_1380 : i32 to vector<16xi32>
      %eq3A_1401 = arith.cmpi eq, %shift_right_arithmetic3A_1399, %eq3A_1400 : vector<16xi32>
      %mul3A_1402 = arith.constant 4 : i32
      %mul3A_1403 = arith.muli %select_n3A_1378, %mul3A_1402 : i32
      %mul3A_1404 = arith.constant 4 : i32
      %mul3A_1405 = arith.muli %and3A_1380, %mul3A_1404 : i32
      %sub3A_1406 = vector.broadcast %mul3A_1405 : i32 to vector<16xi32>
      %sub3A_1407 = arith.subi %iota3A, %sub3A_1406 : vector<16xi32>
      %jit3A_1408 = arith.constant 0 : i32
      %jit3A_1409 = arith.constant 3 : i32
      %max3A = vector.broadcast %jit3A_1408 : i32 to vector<16xi32>
      %max3A_1410 = arith.maxsi %max3A, %sub3A_1407 : vector<16xi32>
      %min3A = vector.broadcast %jit3A_1409 : i32 to vector<16xi32>
      %min3A_1411 = arith.minsi %min3A, %max3A_1410 : vector<16xi32>
      %add3A_1412 = vector.broadcast %mul3A_1403 : i32 to vector<16xi32>
      %add3A_1413 = arith.addi %add3A_1412, %min3A_1411 : vector<16xi32>
      %mul3A_1414 = arith.constant 4 : i32
      %mul3A_1415 = vector.broadcast %mul3A_1414 : i32 to vector<16xi32>
      %mul3A_1416 = arith.muli %add3A_1413, %mul3A_1415 : vector<16xi32>
      %broadcast_in_dim3A_1417 = arith.constant 0.000000e+00 : f32
      %broadcast_in_dim3A_1418 = vector.broadcast %broadcast_in_dim3A_1417 : f32 to vector<16xf32>
      %broadcast_in_dim3A_1419 = arith.constant 0 : i32
      %broadcast_in_dim3A_1420 = vector.broadcast %broadcast_in_dim3A_1419 : i32 to vector<16xi32>
      %add3A_1421 = arith.constant 0 : i32
      %add3A_1422 = vector.broadcast %add3A_1421 : i32 to vector<16xi32>
      %add3A_1423 = arith.addi %mul3A_1416, %add3A_1422 : vector<16xi32>
      %gather3A = tpu.vector_load_idx %arg9[%add3A_1423, %broadcast_in_dim3A_1420, %and3A_1393] : memref<48x8x128xf32, #tpu.memory_space<vmem>>[vector<16xi32>, vector<16xi32>, vector<16xi32>], vector<16xf32>,
      %add3A_1424 = arith.constant 0 : i32
      %add3A_1425 = vector.broadcast %add3A_1424 : i32 to vector<16xi32>
      %add3A_1426 = arith.addi %mul3A_1416, %add3A_1425 : vector<16xi32>
      %gather3A_1427 = tpu.vector_load_idx %arg10[%add3A_1426, %broadcast_in_dim3A_1420, %and3A_1396] : memref<48x8x128xf32, #tpu.memory_space<vmem>>[vector<16xi32>, vector<16xi32>, vector<16xi32>], vector<16xf32>,
      %mul3A_1428 = arith.mulf %gather3A, %gather3A_1427 : vector<16xf32>
      %add3A_1429 = arith.addf %broadcast_in_dim3A_1418, %mul3A_1428 : vector<16xf32>
      %broadcast_in_dim3A_1430 = arith.constant 1 : i32
      %broadcast_in_dim3A_1431 = vector.broadcast %broadcast_in_dim3A_1430 : i32 to vector<16xi32>
      %add3A_1432 = arith.constant 0 : i32
      %add3A_1433 = vector.broadcast %add3A_1432 : i32 to vector<16xi32>
      %add3A_1434 = arith.addi %mul3A_1416, %add3A_1433 : vector<16xi32>
      %gather3A_1435 = tpu.vector_load_idx %arg9[%add3A_1434, %broadcast_in_dim3A_1431, %and3A_1393] : memref<48x8x128xf32, #tpu.memory_space<vmem>>[vector<16xi32>, vector<16xi32>, vector<16xi32>], vector<16xf32>,
      %add3A_1436 = arith.constant 0 : i32
      %add3A_1437 = vector.broadcast %add3A_1436 : i32 to vector<16xi32>
      %add3A_1438 = arith.addi %mul3A_1416, %add3A_1437 : vector<16xi32>
      %gather3A_1439 = tpu.vector_load_idx %arg10[%add3A_1438, %broadcast_in_dim3A_1431, %and3A_1396] : memref<48x8x128xf32, #tpu.memory_space<vmem>>[vector<16xi32>, vector<16xi32>, vector<16xi32>], vector<16xf32>,
      %mul3A_1440 = arith.mulf %gather3A_1435, %gather3A_1439 : vector<16xf32>
      %add3A_1441 = arith.addf %add3A_1429, %mul3A_1440 : vector<16xf32>
      %broadcast_in_dim3A_1442 = arith.constant 2 : i32
      %broadcast_in_dim3A_1443 = vector.broadcast %broadcast_in_dim3A_1442 : i32 to vector<16xi32>
      %add3A_1444 = arith.constant 0 : i32
      %add3A_1445 = vector.broadcast %add3A_1444 : i32 to vector<16xi32>
      %add3A_1446 = arith.addi %mul3A_1416, %add3A_1445 : vector<16xi32>
      %gather3A_1447 = tpu.vector_load_idx %arg9[%add3A_1446, %broadcast_in_dim3A_1443, %and3A_1393] : memref<48x8x128xf32, #tpu.memory_space<vmem>>[vector<16xi32>, vector<16xi32>, vector<16xi32>], vector<16xf32>,
      %add3A_1448 = arith.constant 0 : i32
      %add3A_1449 = vector.broadcast %add3A_1448 : i32 to vector<16xi32>
      %add3A_1450 = arith.addi %mul3A_1416, %add3A_1449 : vector<16xi32>
      %gather3A_1451 = tpu.vector_load_idx %arg10[%add3A_1450, %broadcast_in_dim3A_1443, %and3A_1396] : memref<48x8x128xf32, #tpu.memory_space<vmem>>[vector<16xi32>, vector<16xi32>, vector<16xi32>], vector<16xf32>,
      %mul3A_1452 = arith.mulf %gather3A_1447, %gather3A_1451 : vector<16xf32>
      %add3A_1453 = arith.addf %add3A_1441, %mul3A_1452 : vector<16xf32>
      %broadcast_in_dim3A_1454 = arith.constant 3 : i32
      %broadcast_in_dim3A_1455 = vector.broadcast %broadcast_in_dim3A_1454 : i32 to vector<16xi32>
      %add3A_1456 = arith.constant 0 : i32
      %add3A_1457 = vector.broadcast %add3A_1456 : i32 to vector<16xi32>
      %add3A_1458 = arith.addi %mul3A_1416, %add3A_1457 : vector<16xi32>
      %gather3A_1459 = tpu.vector_load_idx %arg9[%add3A_1458, %broadcast_in_dim3A_1455, %and3A_1393] : memref<48x8x128xf32, #tpu.memory_space<vmem>>[vector<16xi32>, vector<16xi32>, vector<16xi32>], vector<16xf32>,
      %add3A_1460 = arith.constant 0 : i32
      %add3A_1461 = vector.broadcast %add3A_1460 : i32 to vector<16xi32>
      %add3A_1462 = arith.addi %mul3A_1416, %add3A_1461 : vector<16xi32>
      %gather3A_1463 = tpu.vector_load_idx %arg10[%add3A_1462, %broadcast_in_dim3A_1455, %and3A_1396] : memref<48x8x128xf32, #tpu.memory_space<vmem>>[vector<16xi32>, vector<16xi32>, vector<16xi32>], vector<16xf32>,
      %mul3A_1464 = arith.mulf %gather3A_1459, %gather3A_1463 : vector<16xf32>
      %add3A_1465 = arith.addf %add3A_1453, %mul3A_1464 : vector<16xf32>
      %broadcast_in_dim3A_1466 = arith.constant 4 : i32
      %broadcast_in_dim3A_1467 = vector.broadcast %broadcast_in_dim3A_1466 : i32 to vector<16xi32>
      %add3A_1468 = arith.constant 0 : i32
      %add3A_1469 = vector.broadcast %add3A_1468 : i32 to vector<16xi32>
      %add3A_1470 = arith.addi %mul3A_1416, %add3A_1469 : vector<16xi32>
      %gather3A_1471 = tpu.vector_load_idx %arg9[%add3A_1470, %broadcast_in_dim3A_1467, %and3A_1393] : memref<48x8x128xf32, #tpu.memory_space<vmem>>[vector<16xi32>, vector<16xi32>, vector<16xi32>], vector<16xf32>,
      %add3A_1472 = arith.constant 0 : i32
      %add3A_1473 = vector.broadcast %add3A_1472 : i32 to vector<16xi32>
      %add3A_1474 = arith.addi %mul3A_1416, %add3A_1473 : vector<16xi32>
      %gather3A_1475 = tpu.vector_load_idx %arg10[%add3A_1474, %broadcast_in_dim3A_1467, %and3A_1396] : memref<48x8x128xf32, #tpu.memory_space<vmem>>[vector<16xi32>, vector<16xi32>, vector<16xi32>], vector<16xf32>,
      %mul3A_1476 = arith.mulf %gather3A_1471, %gather3A_1475 : vector<16xf32>
      %add3A_1477 = arith.addf %add3A_1465, %mul3A_1476 : vector<16xf32>
      %broadcast_in_dim3A_1478 = arith.constant 5 : i32
      %broadcast_in_dim3A_1479 = vector.broadcast %broadcast_in_dim3A_1478 : i32 to vector<16xi32>
      %add3A_1480 = arith.constant 0 : i32
      %add3A_1481 = vector.broadcast %add3A_1480 : i32 to vector<16xi32>
      %add3A_1482 = arith.addi %mul3A_1416, %add3A_1481 : vector<16xi32>
      %gather3A_1483 = tpu.vector_load_idx %arg9[%add3A_1482, %broadcast_in_dim3A_1479, %and3A_1393] : memref<48x8x128xf32, #tpu.memory_space<vmem>>[vector<16xi32>, vector<16xi32>, vector<16xi32>], vector<16xf32>,
      %add3A_1484 = arith.constant 0 : i32
      %add3A_1485 = vector.broadcast %add3A_1484 : i32 to vector<16xi32>
      %add3A_1486 = arith.addi %mul3A_1416, %add3A_1485 : vector<16xi32>
      %gather3A_1487 = tpu.vector_load_idx %arg10[%add3A_1486, %broadcast_in_dim3A_1479, %and3A_1396] : memref<48x8x128xf32, #tpu.memory_space<vmem>>[vector<16xi32>, vector<16xi32>, vector<16xi32>], vector<16xf32>,
      %mul3A_1488 = arith.mulf %gather3A_1483, %gather3A_1487 : vector<16xf32>
      %add3A_1489 = arith.addf %add3A_1477, %mul3A_1488 : vector<16xf32>
      %broadcast_in_dim3A_1490 = arith.constant 6 : i32
      %broadcast_in_dim3A_1491 = vector.broadcast %broadcast_in_dim3A_1490 : i32 to vector<16xi32>
      %add3A_1492 = arith.constant 0 : i32
      %add3A_1493 = vector.broadcast %add3A_1492 : i32 to vector<16xi32>
      %add3A_1494 = arith.addi %mul3A_1416, %add3A_1493 : vector<16xi32>
      %gather3A_1495 = tpu.vector_load_idx %arg9[%add3A_1494, %broadcast_in_dim3A_1491, %and3A_1393] : memref<48x8x128xf32, #tpu.memory_space<vmem>>[vector<16xi32>, vector<16xi32>, vector<16xi32>], vector<16xf32>,
      %add3A_1496 = arith.constant 0 : i32
      %add3A_1497 = vector.broadcast %add3A_1496 : i32 to vector<16xi32>
      %add3A_1498 = arith.addi %mul3A_1416, %add3A_1497 : vector<16xi32>
      %gather3A_1499 = tpu.vector_load_idx %arg10[%add3A_1498, %broadcast_in_dim3A_1491, %and3A_1396] : memref<48x8x128xf32, #tpu.memory_space<vmem>>[vector<16xi32>, vector<16xi32>, vector<16xi32>], vector<16xf32>,
      %mul3A_1500 = arith.mulf %gather3A_1495, %gather3A_1499 : vector<16xf32>
      %add3A_1501 = arith.addf %add3A_1489, %mul3A_1500 : vector<16xf32>
      %broadcast_in_dim3A_1502 = arith.constant 7 : i32
      %broadcast_in_dim3A_1503 = vector.broadcast %broadcast_in_dim3A_1502 : i32 to vector<16xi32>
      %add3A_1504 = arith.constant 0 : i32
      %add3A_1505 = vector.broadcast %add3A_1504 : i32 to vector<16xi32>
      %add3A_1506 = arith.addi %mul3A_1416, %add3A_1505 : vector<16xi32>
      %gather3A_1507 = tpu.vector_load_idx %arg9[%add3A_1506, %broadcast_in_dim3A_1503, %and3A_1393] : memref<48x8x128xf32, #tpu.memory_space<vmem>>[vector<16xi32>, vector<16xi32>, vector<16xi32>], vector<16xf32>,
      %add3A_1508 = arith.constant 0 : i32
      %add3A_1509 = vector.broadcast %add3A_1508 : i32 to vector<16xi32>
      %add3A_1510 = arith.addi %mul3A_1416, %add3A_1509 : vector<16xi32>
      %gather3A_1511 = tpu.vector_load_idx %arg10[%add3A_1510, %broadcast_in_dim3A_1503, %and3A_1396] : memref<48x8x128xf32, #tpu.memory_space<vmem>>[vector<16xi32>, vector<16xi32>, vector<16xi32>], vector<16xf32>,
      %mul3A_1512 = arith.mulf %gather3A_1507, %gather3A_1511 : vector<16xf32>
      %add3A_1513 = arith.addf %add3A_1501, %mul3A_1512 : vector<16xf32>
      %broadcast_in_dim3A_1514 = arith.constant 0 : i32
      %broadcast_in_dim3A_1515 = vector.broadcast %broadcast_in_dim3A_1514 : i32 to vector<16xi32>
      %add3A_1516 = arith.constant 1 : i32
      %add3A_1517 = vector.broadcast %add3A_1516 : i32 to vector<16xi32>
      %add3A_1518 = arith.addi %mul3A_1416, %add3A_1517 : vector<16xi32>
      %gather3A_1519 = tpu.vector_load_idx %arg9[%add3A_1518, %broadcast_in_dim3A_1515, %and3A_1393] : memref<48x8x128xf32, #tpu.memory_space<vmem>>[vector<16xi32>, vector<16xi32>, vector<16xi32>], vector<16xf32>,
      %add3A_1520 = arith.constant 1 : i32
      %add3A_1521 = vector.broadcast %add3A_1520 : i32 to vector<16xi32>
      %add3A_1522 = arith.addi %mul3A_1416, %add3A_1521 : vector<16xi32>
      %gather3A_1523 = tpu.vector_load_idx %arg10[%add3A_1522, %broadcast_in_dim3A_1515, %and3A_1396] : memref<48x8x128xf32, #tpu.memory_space<vmem>>[vector<16xi32>, vector<16xi32>, vector<16xi32>], vector<16xf32>,
      %mul3A_1524 = arith.mulf %gather3A_1519, %gather3A_1523 : vector<16xf32>
      %add3A_1525 = arith.addf %add3A_1513, %mul3A_1524 : vector<16xf32>
      %broadcast_in_dim3A_1526 = arith.constant 1 : i32
      %broadcast_in_dim3A_1527 = vector.broadcast %broadcast_in_dim3A_1526 : i32 to vector<16xi32>
      %add3A_1528 = arith.constant 1 : i32
      %add3A_1529 = vector.broadcast %add3A_1528 : i32 to vector<16xi32>
      %add3A_1530 = arith.addi %mul3A_1416, %add3A_1529 : vector<16xi32>
      %gather3A_1531 = tpu.vector_load_idx %arg9[%add3A_1530, %broadcast_in_dim3A_1527, %and3A_1393] : memref<48x8x128xf32, #tpu.memory_space<vmem>>[vector<16xi32>, vector<16xi32>, vector<16xi32>], vector<16xf32>,
      %add3A_1532 = arith.constant 1 : i32
      %add3A_1533 = vector.broadcast %add3A_1532 : i32 to vector<16xi32>
      %add3A_1534 = arith.addi %mul3A_1416, %add3A_1533 : vector<16xi32>
      %gather3A_1535 = tpu.vector_load_idx %arg10[%add3A_1534, %broadcast_in_dim3A_1527, %and3A_1396] : memref<48x8x128xf32, #tpu.memory_space<vmem>>[vector<16xi32>, vector<16xi32>, vector<16xi32>], vector<16xf32>,
      %mul3A_1536 = arith.mulf %gather3A_1531, %gather3A_1535 : vector<16xf32>
      %add3A_1537 = arith.addf %add3A_1525, %mul3A_1536 : vector<16xf32>
      %broadcast_in_dim3A_1538 = arith.constant 2 : i32
      %broadcast_in_dim3A_1539 = vector.broadcast %broadcast_in_dim3A_1538 : i32 to vector<16xi32>
      %add3A_1540 = arith.constant 1 : i32
      %add3A_1541 = vector.broadcast %add3A_1540 : i32 to vector<16xi32>
      %add3A_1542 = arith.addi %mul3A_1416, %add3A_1541 : vector<16xi32>
      %gather3A_1543 = tpu.vector_load_idx %arg9[%add3A_1542, %broadcast_in_dim3A_1539, %and3A_1393] : memref<48x8x128xf32, #tpu.memory_space<vmem>>[vector<16xi32>, vector<16xi32>, vector<16xi32>], vector<16xf32>,
      %add3A_1544 = arith.constant 1 : i32
      %add3A_1545 = vector.broadcast %add3A_1544 : i32 to vector<16xi32>
      %add3A_1546 = arith.addi %mul3A_1416, %add3A_1545 : vector<16xi32>
      %gather3A_1547 = tpu.vector_load_idx %arg10[%add3A_1546, %broadcast_in_dim3A_1539, %and3A_1396] : memref<48x8x128xf32, #tpu.memory_space<vmem>>[vector<16xi32>, vector<16xi32>, vector<16xi32>], vector<16xf32>,
      %mul3A_1548 = arith.mulf %gather3A_1543, %gather3A_1547 : vector<16xf32>
      %add3A_1549 = arith.addf %add3A_1537, %mul3A_1548 : vector<16xf32>
      %broadcast_in_dim3A_1550 = arith.constant 3 : i32
      %broadcast_in_dim3A_1551 = vector.broadcast %broadcast_in_dim3A_1550 : i32 to vector<16xi32>
      %add3A_1552 = arith.constant 1 : i32
      %add3A_1553 = vector.broadcast %add3A_1552 : i32 to vector<16xi32>
      %add3A_1554 = arith.addi %mul3A_1416, %add3A_1553 : vector<16xi32>
      %gather3A_1555 = tpu.vector_load_idx %arg9[%add3A_1554, %broadcast_in_dim3A_1551, %and3A_1393] : memref<48x8x128xf32, #tpu.memory_space<vmem>>[vector<16xi32>, vector<16xi32>, vector<16xi32>], vector<16xf32>,
      %add3A_1556 = arith.constant 1 : i32
      %add3A_1557 = vector.broadcast %add3A_1556 : i32 to vector<16xi32>
      %add3A_1558 = arith.addi %mul3A_1416, %add3A_1557 : vector<16xi32>
      %gather3A_1559 = tpu.vector_load_idx %arg10[%add3A_1558, %broadcast_in_dim3A_1551, %and3A_1396] : memref<48x8x128xf32, #tpu.memory_space<vmem>>[vector<16xi32>, vector<16xi32>, vector<16xi32>], vector<16xf32>,
      %mul3A_1560 = arith.mulf %gather3A_1555, %gather3A_1559 : vector<16xf32>
      %add3A_1561 = arith.addf %add3A_1549, %mul3A_1560 : vector<16xf32>
      %broadcast_in_dim3A_1562 = arith.constant 4 : i32
      %broadcast_in_dim3A_1563 = vector.broadcast %broadcast_in_dim3A_1562 : i32 to vector<16xi32>
      %add3A_1564 = arith.constant 1 : i32
      %add3A_1565 = vector.broadcast %add3A_1564 : i32 to vector<16xi32>
      %add3A_1566 = arith.addi %mul3A_1416, %add3A_1565 : vector<16xi32>
      %gather3A_1567 = tpu.vector_load_idx %arg9[%add3A_1566, %broadcast_in_dim3A_1563, %and3A_1393] : memref<48x8x128xf32, #tpu.memory_space<vmem>>[vector<16xi32>, vector<16xi32>, vector<16xi32>], vector<16xf32>,
      %add3A_1568 = arith.constant 1 : i32
      %add3A_1569 = vector.broadcast %add3A_1568 : i32 to vector<16xi32>
      %add3A_1570 = arith.addi %mul3A_1416, %add3A_1569 : vector<16xi32>
      %gather3A_1571 = tpu.vector_load_idx %arg10[%add3A_1570, %broadcast_in_dim3A_1563, %and3A_1396] : memref<48x8x128xf32, #tpu.memory_space<vmem>>[vector<16xi32>, vector<16xi32>, vector<16xi32>], vector<16xf32>,
      %mul3A_1572 = arith.mulf %gather3A_1567, %gather3A_1571 : vector<16xf32>
      %add3A_1573 = arith.addf %add3A_1561, %mul3A_1572 : vector<16xf32>
      %broadcast_in_dim3A_1574 = arith.constant 5 : i32
      %broadcast_in_dim3A_1575 = vector.broadcast %broadcast_in_dim3A_1574 : i32 to vector<16xi32>
      %add3A_1576 = arith.constant 1 : i32
      %add3A_1577 = vector.broadcast %add3A_1576 : i32 to vector<16xi32>
      %add3A_1578 = arith.addi %mul3A_1416, %add3A_1577 : vector<16xi32>
      %gather3A_1579 = tpu.vector_load_idx %arg9[%add3A_1578, %broadcast_in_dim3A_1575, %and3A_1393] : memref<48x8x128xf32, #tpu.memory_space<vmem>>[vector<16xi32>, vector<16xi32>, vector<16xi32>], vector<16xf32>,
      %add3A_1580 = arith.constant 1 : i32
      %add3A_1581 = vector.broadcast %add3A_1580 : i32 to vector<16xi32>
      %add3A_1582 = arith.addi %mul3A_1416, %add3A_1581 : vector<16xi32>
      %gather3A_1583 = tpu.vector_load_idx %arg10[%add3A_1582, %broadcast_in_dim3A_1575, %and3A_1396] : memref<48x8x128xf32, #tpu.memory_space<vmem>>[vector<16xi32>, vector<16xi32>, vector<16xi32>], vector<16xf32>,
      %mul3A_1584 = arith.mulf %gather3A_1579, %gather3A_1583 : vector<16xf32>
      %add3A_1585 = arith.addf %add3A_1573, %mul3A_1584 : vector<16xf32>
      %broadcast_in_dim3A_1586 = arith.constant 6 : i32
      %broadcast_in_dim3A_1587 = vector.broadcast %broadcast_in_dim3A_1586 : i32 to vector<16xi32>
      %add3A_1588 = arith.constant 1 : i32
      %add3A_1589 = vector.broadcast %add3A_1588 : i32 to vector<16xi32>
      %add3A_1590 = arith.addi %mul3A_1416, %add3A_1589 : vector<16xi32>
      %gather3A_1591 = tpu.vector_load_idx %arg9[%add3A_1590, %broadcast_in_dim3A_1587, %and3A_1393] : memref<48x8x128xf32, #tpu.memory_space<vmem>>[vector<16xi32>, vector<16xi32>, vector<16xi32>], vector<16xf32>,
      %add3A_1592 = arith.constant 1 : i32
      %add3A_1593 = vector.broadcast %add3A_1592 : i32 to vector<16xi32>
      %add3A_1594 = arith.addi %mul3A_1416, %add3A_1593 : vector<16xi32>
      %gather3A_1595 = tpu.vector_load_idx %arg10[%add3A_1594, %broadcast_in_dim3A_1587, %and3A_1396] : memref<48x8x128xf32, #tpu.memory_space<vmem>>[vector<16xi32>, vector<16xi32>, vector<16xi32>], vector<16xf32>,
      %mul3A_1596 = arith.mulf %gather3A_1591, %gather3A_1595 : vector<16xf32>
      %add3A_1597 = arith.addf %add3A_1585, %mul3A_1596 : vector<16xf32>
      %broadcast_in_dim3A_1598 = arith.constant 7 : i32
      %broadcast_in_dim3A_1599 = vector.broadcast %broadcast_in_dim3A_1598 : i32 to vector<16xi32>
      %add3A_1600 = arith.constant 1 : i32
      %add3A_1601 = vector.broadcast %add3A_1600 : i32 to vector<16xi32>
      %add3A_1602 = arith.addi %mul3A_1416, %add3A_1601 : vector<16xi32>
      %gather3A_1603 = tpu.vector_load_idx %arg9[%add3A_1602, %broadcast_in_dim3A_1599, %and3A_1393] : memref<48x8x128xf32, #tpu.memory_space<vmem>>[vector<16xi32>, vector<16xi32>, vector<16xi32>], vector<16xf32>,
      %add3A_1604 = arith.constant 1 : i32
      %add3A_1605 = vector.broadcast %add3A_1604 : i32 to vector<16xi32>
      %add3A_1606 = arith.addi %mul3A_1416, %add3A_1605 : vector<16xi32>
      %gather3A_1607 = tpu.vector_load_idx %arg10[%add3A_1606, %broadcast_in_dim3A_1599, %and3A_1396] : memref<48x8x128xf32, #tpu.memory_space<vmem>>[vector<16xi32>, vector<16xi32>, vector<16xi32>], vector<16xf32>,
      %mul3A_1608 = arith.mulf %gather3A_1603, %gather3A_1607 : vector<16xf32>
      %add3A_1609 = arith.addf %add3A_1597, %mul3A_1608 : vector<16xf32>
      %broadcast_in_dim3A_1610 = arith.constant 0 : i32
      %broadcast_in_dim3A_1611 = vector.broadcast %broadcast_in_dim3A_1610 : i32 to vector<16xi32>
      %add3A_1612 = arith.constant 2 : i32
      %add3A_1613 = vector.broadcast %add3A_1612 : i32 to vector<16xi32>
      %add3A_1614 = arith.addi %mul3A_1416, %add3A_1613 : vector<16xi32>
      %gather3A_1615 = tpu.vector_load_idx %arg9[%add3A_1614, %broadcast_in_dim3A_1611, %and3A_1393] : memref<48x8x128xf32, #tpu.memory_space<vmem>>[vector<16xi32>, vector<16xi32>, vector<16xi32>], vector<16xf32>,
      %add3A_1616 = arith.constant 2 : i32
      %add3A_1617 = vector.broadcast %add3A_1616 : i32 to vector<16xi32>
      %add3A_1618 = arith.addi %mul3A_1416, %add3A_1617 : vector<16xi32>
      %gather3A_1619 = tpu.vector_load_idx %arg10[%add3A_1618, %broadcast_in_dim3A_1611, %and3A_1396] : memref<48x8x128xf32, #tpu.memory_space<vmem>>[vector<16xi32>, vector<16xi32>, vector<16xi32>], vector<16xf32>,
      %mul3A_1620 = arith.mulf %gather3A_1615, %gather3A_1619 : vector<16xf32>
      %add3A_1621 = arith.addf %add3A_1609, %mul3A_1620 : vector<16xf32>
      %broadcast_in_dim3A_1622 = arith.constant 1 : i32
      %broadcast_in_dim3A_1623 = vector.broadcast %broadcast_in_dim3A_1622 : i32 to vector<16xi32>
      %add3A_1624 = arith.constant 2 : i32
      %add3A_1625 = vector.broadcast %add3A_1624 : i32 to vector<16xi32>
      %add3A_1626 = arith.addi %mul3A_1416, %add3A_1625 : vector<16xi32>
      %gather3A_1627 = tpu.vector_load_idx %arg9[%add3A_1626, %broadcast_in_dim3A_1623, %and3A_1393] : memref<48x8x128xf32, #tpu.memory_space<vmem>>[vector<16xi32>, vector<16xi32>, vector<16xi32>], vector<16xf32>,
      %add3A_1628 = arith.constant 2 : i32
      %add3A_1629 = vector.broadcast %add3A_1628 : i32 to vector<16xi32>
      %add3A_1630 = arith.addi %mul3A_1416, %add3A_1629 : vector<16xi32>
      %gather3A_1631 = tpu.vector_load_idx %arg10[%add3A_1630, %broadcast_in_dim3A_1623, %and3A_1396] : memref<48x8x128xf32, #tpu.memory_space<vmem>>[vector<16xi32>, vector<16xi32>, vector<16xi32>], vector<16xf32>,
      %mul3A_1632 = arith.mulf %gather3A_1627, %gather3A_1631 : vector<16xf32>
      %add3A_1633 = arith.addf %add3A_1621, %mul3A_1632 : vector<16xf32>
      %broadcast_in_dim3A_1634 = arith.constant 2 : i32
      %broadcast_in_dim3A_1635 = vector.broadcast %broadcast_in_dim3A_1634 : i32 to vector<16xi32>
      %add3A_1636 = arith.constant 2 : i32
      %add3A_1637 = vector.broadcast %add3A_1636 : i32 to vector<16xi32>
      %add3A_1638 = arith.addi %mul3A_1416, %add3A_1637 : vector<16xi32>
      %gather3A_1639 = tpu.vector_load_idx %arg9[%add3A_1638, %broadcast_in_dim3A_1635, %and3A_1393] : memref<48x8x128xf32, #tpu.memory_space<vmem>>[vector<16xi32>, vector<16xi32>, vector<16xi32>], vector<16xf32>,
      %add3A_1640 = arith.constant 2 : i32
      %add3A_1641 = vector.broadcast %add3A_1640 : i32 to vector<16xi32>
      %add3A_1642 = arith.addi %mul3A_1416, %add3A_1641 : vector<16xi32>
      %gather3A_1643 = tpu.vector_load_idx %arg10[%add3A_1642, %broadcast_in_dim3A_1635, %and3A_1396] : memref<48x8x128xf32, #tpu.memory_space<vmem>>[vector<16xi32>, vector<16xi32>, vector<16xi32>], vector<16xf32>,
      %mul3A_1644 = arith.mulf %gather3A_1639, %gather3A_1643 : vector<16xf32>
      %add3A_1645 = arith.addf %add3A_1633, %mul3A_1644 : vector<16xf32>
      %broadcast_in_dim3A_1646 = arith.constant 3 : i32
      %broadcast_in_dim3A_1647 = vector.broadcast %broadcast_in_dim3A_1646 : i32 to vector<16xi32>
      %add3A_1648 = arith.constant 2 : i32
      %add3A_1649 = vector.broadcast %add3A_1648 : i32 to vector<16xi32>
      %add3A_1650 = arith.addi %mul3A_1416, %add3A_1649 : vector<16xi32>
      %gather3A_1651 = tpu.vector_load_idx %arg9[%add3A_1650, %broadcast_in_dim3A_1647, %and3A_1393] : memref<48x8x128xf32, #tpu.memory_space<vmem>>[vector<16xi32>, vector<16xi32>, vector<16xi32>], vector<16xf32>,
      %add3A_1652 = arith.constant 2 : i32
      %add3A_1653 = vector.broadcast %add3A_1652 : i32 to vector<16xi32>
      %add3A_1654 = arith.addi %mul3A_1416, %add3A_1653 : vector<16xi32>
      %gather3A_1655 = tpu.vector_load_idx %arg10[%add3A_1654, %broadcast_in_dim3A_1647, %and3A_1396] : memref<48x8x128xf32, #tpu.memory_space<vmem>>[vector<16xi32>, vector<16xi32>, vector<16xi32>], vector<16xf32>,
      %mul3A_1656 = arith.mulf %gather3A_1651, %gather3A_1655 : vector<16xf32>
      %add3A_1657 = arith.addf %add3A_1645, %mul3A_1656 : vector<16xf32>
      %broadcast_in_dim3A_1658 = arith.constant 4 : i32
      %broadcast_in_dim3A_1659 = vector.broadcast %broadcast_in_dim3A_1658 : i32 to vector<16xi32>
      %add3A_1660 = arith.constant 2 : i32
      %add3A_1661 = vector.broadcast %add3A_1660 : i32 to vector<16xi32>
      %add3A_1662 = arith.addi %mul3A_1416, %add3A_1661 : vector<16xi32>
      %gather3A_1663 = tpu.vector_load_idx %arg9[%add3A_1662, %broadcast_in_dim3A_1659, %and3A_1393] : memref<48x8x128xf32, #tpu.memory_space<vmem>>[vector<16xi32>, vector<16xi32>, vector<16xi32>], vector<16xf32>,
      %add3A_1664 = arith.constant 2 : i32
      %add3A_1665 = vector.broadcast %add3A_1664 : i32 to vector<16xi32>
      %add3A_1666 = arith.addi %mul3A_1416, %add3A_1665 : vector<16xi32>
      %gather3A_1667 = tpu.vector_load_idx %arg10[%add3A_1666, %broadcast_in_dim3A_1659, %and3A_1396] : memref<48x8x128xf32, #tpu.memory_space<vmem>>[vector<16xi32>, vector<16xi32>, vector<16xi32>], vector<16xf32>,
      %mul3A_1668 = arith.mulf %gather3A_1663, %gather3A_1667 : vector<16xf32>
      %add3A_1669 = arith.addf %add3A_1657, %mul3A_1668 : vector<16xf32>
      %broadcast_in_dim3A_1670 = arith.constant 5 : i32
      %broadcast_in_dim3A_1671 = vector.broadcast %broadcast_in_dim3A_1670 : i32 to vector<16xi32>
      %add3A_1672 = arith.constant 2 : i32
      %add3A_1673 = vector.broadcast %add3A_1672 : i32 to vector<16xi32>
      %add3A_1674 = arith.addi %mul3A_1416, %add3A_1673 : vector<16xi32>
      %gather3A_1675 = tpu.vector_load_idx %arg9[%add3A_1674, %broadcast_in_dim3A_1671, %and3A_1393] : memref<48x8x128xf32, #tpu.memory_space<vmem>>[vector<16xi32>, vector<16xi32>, vector<16xi32>], vector<16xf32>,
      %add3A_1676 = arith.constant 2 : i32
      %add3A_1677 = vector.broadcast %add3A_1676 : i32 to vector<16xi32>
      %add3A_1678 = arith.addi %mul3A_1416, %add3A_1677 : vector<16xi32>
      %gather3A_1679 = tpu.vector_load_idx %arg10[%add3A_1678, %broadcast_in_dim3A_1671, %and3A_1396] : memref<48x8x128xf32, #tpu.memory_space<vmem>>[vector<16xi32>, vector<16xi32>, vector<16xi32>], vector<16xf32>,
      %mul3A_1680 = arith.mulf %gather3A_1675, %gather3A_1679 : vector<16xf32>
      %add3A_1681 = arith.addf %add3A_1669, %mul3A_1680 : vector<16xf32>
      %broadcast_in_dim3A_1682 = arith.constant 6 : i32
      %broadcast_in_dim3A_1683 = vector.broadcast %broadcast_in_dim3A_1682 : i32 to vector<16xi32>
      %add3A_1684 = arith.constant 2 : i32
      %add3A_1685 = vector.broadcast %add3A_1684 : i32 to vector<16xi32>
      %add3A_1686 = arith.addi %mul3A_1416, %add3A_1685 : vector<16xi32>
      %gather3A_1687 = tpu.vector_load_idx %arg9[%add3A_1686, %broadcast_in_dim3A_1683, %and3A_1393] : memref<48x8x128xf32, #tpu.memory_space<vmem>>[vector<16xi32>, vector<16xi32>, vector<16xi32>], vector<16xf32>,
      %add3A_1688 = arith.constant 2 : i32
      %add3A_1689 = vector.broadcast %add3A_1688 : i32 to vector<16xi32>
      %add3A_1690 = arith.addi %mul3A_1416, %add3A_1689 : vector<16xi32>
      %gather3A_1691 = tpu.vector_load_idx %arg10[%add3A_1690, %broadcast_in_dim3A_1683, %and3A_1396] : memref<48x8x128xf32, #tpu.memory_space<vmem>>[vector<16xi32>, vector<16xi32>, vector<16xi32>], vector<16xf32>,
      %mul3A_1692 = arith.mulf %gather3A_1687, %gather3A_1691 : vector<16xf32>
      %add3A_1693 = arith.addf %add3A_1681, %mul3A_1692 : vector<16xf32>
      %broadcast_in_dim3A_1694 = arith.constant 7 : i32
      %broadcast_in_dim3A_1695 = vector.broadcast %broadcast_in_dim3A_1694 : i32 to vector<16xi32>
      %add3A_1696 = arith.constant 2 : i32
      %add3A_1697 = vector.broadcast %add3A_1696 : i32 to vector<16xi32>
      %add3A_1698 = arith.addi %mul3A_1416, %add3A_1697 : vector<16xi32>
      %gather3A_1699 = tpu.vector_load_idx %arg9[%add3A_1698, %broadcast_in_dim3A_1695, %and3A_1393] : memref<48x8x128xf32, #tpu.memory_space<vmem>>[vector<16xi32>, vector<16xi32>, vector<16xi32>], vector<16xf32>,
      %add3A_1700 = arith.constant 2 : i32
      %add3A_1701 = vector.broadcast %add3A_1700 : i32 to vector<16xi32>
      %add3A_1702 = arith.addi %mul3A_1416, %add3A_1701 : vector<16xi32>
      %gather3A_1703 = tpu.vector_load_idx %arg10[%add3A_1702, %broadcast_in_dim3A_1695, %and3A_1396] : memref<48x8x128xf32, #tpu.memory_space<vmem>>[vector<16xi32>, vector<16xi32>, vector<16xi32>], vector<16xf32>,
      %mul3A_1704 = arith.mulf %gather3A_1699, %gather3A_1703 : vector<16xf32>
      %add3A_1705 = arith.addf %add3A_1693, %mul3A_1704 : vector<16xf32>
      %broadcast_in_dim3A_1706 = arith.constant 0 : i32
      %broadcast_in_dim3A_1707 = vector.broadcast %broadcast_in_dim3A_1706 : i32 to vector<16xi32>
      %add3A_1708 = arith.constant 3 : i32
      %add3A_1709 = vector.broadcast %add3A_1708 : i32 to vector<16xi32>
      %add3A_1710 = arith.addi %mul3A_1416, %add3A_1709 : vector<16xi32>
      %gather3A_1711 = tpu.vector_load_idx %arg9[%add3A_1710, %broadcast_in_dim3A_1707, %and3A_1393] : memref<48x8x128xf32, #tpu.memory_space<vmem>>[vector<16xi32>, vector<16xi32>, vector<16xi32>], vector<16xf32>,
      %add3A_1712 = arith.constant 3 : i32
      %add3A_1713 = vector.broadcast %add3A_1712 : i32 to vector<16xi32>
      %add3A_1714 = arith.addi %mul3A_1416, %add3A_1713 : vector<16xi32>
      %gather3A_1715 = tpu.vector_load_idx %arg10[%add3A_1714, %broadcast_in_dim3A_1707, %and3A_1396] : memref<48x8x128xf32, #tpu.memory_space<vmem>>[vector<16xi32>, vector<16xi32>, vector<16xi32>], vector<16xf32>,
      %mul3A_1716 = arith.mulf %gather3A_1711, %gather3A_1715 : vector<16xf32>
      %add3A_1717 = arith.addf %add3A_1705, %mul3A_1716 : vector<16xf32>
      %broadcast_in_dim3A_1718 = arith.constant 1 : i32
      %broadcast_in_dim3A_1719 = vector.broadcast %broadcast_in_dim3A_1718 : i32 to vector<16xi32>
      %add3A_1720 = arith.constant 3 : i32
      %add3A_1721 = vector.broadcast %add3A_1720 : i32 to vector<16xi32>
      %add3A_1722 = arith.addi %mul3A_1416, %add3A_1721 : vector<16xi32>
      %gather3A_1723 = tpu.vector_load_idx %arg9[%add3A_1722, %broadcast_in_dim3A_1719, %and3A_1393] : memref<48x8x128xf32, #tpu.memory_space<vmem>>[vector<16xi32>, vector<16xi32>, vector<16xi32>], vector<16xf32>,
      %add3A_1724 = arith.constant 3 : i32
      %add3A_1725 = vector.broadcast %add3A_1724 : i32 to vector<16xi32>
      %add3A_1726 = arith.addi %mul3A_1416, %add3A_1725 : vector<16xi32>
      %gather3A_1727 = tpu.vector_load_idx %arg10[%add3A_1726, %broadcast_in_dim3A_1719, %and3A_1396] : memref<48x8x128xf32, #tpu.memory_space<vmem>>[vector<16xi32>, vector<16xi32>, vector<16xi32>], vector<16xf32>,
      %mul3A_1728 = arith.mulf %gather3A_1723, %gather3A_1727 : vector<16xf32>
      %add3A_1729 = arith.addf %add3A_1717, %mul3A_1728 : vector<16xf32>
      %broadcast_in_dim3A_1730 = arith.constant 2 : i32
      %broadcast_in_dim3A_1731 = vector.broadcast %broadcast_in_dim3A_1730 : i32 to vector<16xi32>
      %add3A_1732 = arith.constant 3 : i32
      %add3A_1733 = vector.broadcast %add3A_1732 : i32 to vector<16xi32>
      %add3A_1734 = arith.addi %mul3A_1416, %add3A_1733 : vector<16xi32>
      %gather3A_1735 = tpu.vector_load_idx %arg9[%add3A_1734, %broadcast_in_dim3A_1731, %and3A_1393] : memref<48x8x128xf32, #tpu.memory_space<vmem>>[vector<16xi32>, vector<16xi32>, vector<16xi32>], vector<16xf32>,
      %add3A_1736 = arith.constant 3 : i32
      %add3A_1737 = vector.broadcast %add3A_1736 : i32 to vector<16xi32>
      %add3A_1738 = arith.addi %mul3A_1416, %add3A_1737 : vector<16xi32>
      %gather3A_1739 = tpu.vector_load_idx %arg10[%add3A_1738, %broadcast_in_dim3A_1731, %and3A_1396] : memref<48x8x128xf32, #tpu.memory_space<vmem>>[vector<16xi32>, vector<16xi32>, vector<16xi32>], vector<16xf32>,
      %mul3A_1740 = arith.mulf %gather3A_1735, %gather3A_1739 : vector<16xf32>
      %add3A_1741 = arith.addf %add3A_1729, %mul3A_1740 : vector<16xf32>
      %broadcast_in_dim3A_1742 = arith.constant 3 : i32
      %broadcast_in_dim3A_1743 = vector.broadcast %broadcast_in_dim3A_1742 : i32 to vector<16xi32>
      %add3A_1744 = arith.constant 3 : i32
      %add3A_1745 = vector.broadcast %add3A_1744 : i32 to vector<16xi32>
      %add3A_1746 = arith.addi %mul3A_1416, %add3A_1745 : vector<16xi32>
      %gather3A_1747 = tpu.vector_load_idx %arg9[%add3A_1746, %broadcast_in_dim3A_1743, %and3A_1393] : memref<48x8x128xf32, #tpu.memory_space<vmem>>[vector<16xi32>, vector<16xi32>, vector<16xi32>], vector<16xf32>,
      %add3A_1748 = arith.constant 3 : i32
      %add3A_1749 = vector.broadcast %add3A_1748 : i32 to vector<16xi32>
      %add3A_1750 = arith.addi %mul3A_1416, %add3A_1749 : vector<16xi32>
      %gather3A_1751 = tpu.vector_load_idx %arg10[%add3A_1750, %broadcast_in_dim3A_1743, %and3A_1396] : memref<48x8x128xf32, #tpu.memory_space<vmem>>[vector<16xi32>, vector<16xi32>, vector<16xi32>], vector<16xf32>,
      %mul3A_1752 = arith.mulf %gather3A_1747, %gather3A_1751 : vector<16xf32>
      %add3A_1753 = arith.addf %add3A_1741, %mul3A_1752 : vector<16xf32>
      %broadcast_in_dim3A_1754 = arith.constant 4 : i32
      %broadcast_in_dim3A_1755 = vector.broadcast %broadcast_in_dim3A_1754 : i32 to vector<16xi32>
      %add3A_1756 = arith.constant 3 : i32
      %add3A_1757 = vector.broadcast %add3A_1756 : i32 to vector<16xi32>
      %add3A_1758 = arith.addi %mul3A_1416, %add3A_1757 : vector<16xi32>
      %gather3A_1759 = tpu.vector_load_idx %arg9[%add3A_1758, %broadcast_in_dim3A_1755, %and3A_1393] : memref<48x8x128xf32, #tpu.memory_space<vmem>>[vector<16xi32>, vector<16xi32>, vector<16xi32>], vector<16xf32>,
      %add3A_1760 = arith.constant 3 : i32
      %add3A_1761 = vector.broadcast %add3A_1760 : i32 to vector<16xi32>
      %add3A_1762 = arith.addi %mul3A_1416, %add3A_1761 : vector<16xi32>
      %gather3A_1763 = tpu.vector_load_idx %arg10[%add3A_1762, %broadcast_in_dim3A_1755, %and3A_1396] : memref<48x8x128xf32, #tpu.memory_space<vmem>>[vector<16xi32>, vector<16xi32>, vector<16xi32>], vector<16xf32>,
      %mul3A_1764 = arith.mulf %gather3A_1759, %gather3A_1763 : vector<16xf32>
      %add3A_1765 = arith.addf %add3A_1753, %mul3A_1764 : vector<16xf32>
      %broadcast_in_dim3A_1766 = arith.constant 5 : i32
      %broadcast_in_dim3A_1767 = vector.broadcast %broadcast_in_dim3A_1766 : i32 to vector<16xi32>
      %add3A_1768 = arith.constant 3 : i32
      %add3A_1769 = vector.broadcast %add3A_1768 : i32 to vector<16xi32>
      %add3A_1770 = arith.addi %mul3A_1416, %add3A_1769 : vector<16xi32>
      %gather3A_1771 = tpu.vector_load_idx %arg9[%add3A_1770, %broadcast_in_dim3A_1767, %and3A_1393] : memref<48x8x128xf32, #tpu.memory_space<vmem>>[vector<16xi32>, vector<16xi32>, vector<16xi32>], vector<16xf32>,
      %add3A_1772 = arith.constant 3 : i32
      %add3A_1773 = vector.broadcast %add3A_1772 : i32 to vector<16xi32>
      %add3A_1774 = arith.addi %mul3A_1416, %add3A_1773 : vector<16xi32>
      %gather3A_1775 = tpu.vector_load_idx %arg10[%add3A_1774, %broadcast_in_dim3A_1767, %and3A_1396] : memref<48x8x128xf32, #tpu.memory_space<vmem>>[vector<16xi32>, vector<16xi32>, vector<16xi32>], vector<16xf32>,
      %mul3A_1776 = arith.mulf %gather3A_1771, %gather3A_1775 : vector<16xf32>
      %add3A_1777 = arith.addf %add3A_1765, %mul3A_1776 : vector<16xf32>
      %broadcast_in_dim3A_1778 = arith.constant 6 : i32
      %broadcast_in_dim3A_1779 = vector.broadcast %broadcast_in_dim3A_1778 : i32 to vector<16xi32>
      %add3A_1780 = arith.constant 3 : i32
      %add3A_1781 = vector.broadcast %add3A_1780 : i32 to vector<16xi32>
      %add3A_1782 = arith.addi %mul3A_1416, %add3A_1781 : vector<16xi32>
      %gather3A_1783 = tpu.vector_load_idx %arg9[%add3A_1782, %broadcast_in_dim3A_1779, %and3A_1393] : memref<48x8x128xf32, #tpu.memory_space<vmem>>[vector<16xi32>, vector<16xi32>, vector<16xi32>], vector<16xf32>,
      %add3A_1784 = arith.constant 3 : i32
      %add3A_1785 = vector.broadcast %add3A_1784 : i32 to vector<16xi32>
      %add3A_1786 = arith.addi %mul3A_1416, %add3A_1785 : vector<16xi32>
      %gather3A_1787 = tpu.vector_load_idx %arg10[%add3A_1786, %broadcast_in_dim3A_1779, %and3A_1396] : memref<48x8x128xf32, #tpu.memory_space<vmem>>[vector<16xi32>, vector<16xi32>, vector<16xi32>], vector<16xf32>,
      %mul3A_1788 = arith.mulf %gather3A_1783, %gather3A_1787 : vector<16xf32>
      %add3A_1789 = arith.addf %add3A_1777, %mul3A_1788 : vector<16xf32>
      %broadcast_in_dim3A_1790 = arith.constant 7 : i32
      %broadcast_in_dim3A_1791 = vector.broadcast %broadcast_in_dim3A_1790 : i32 to vector<16xi32>
      %add3A_1792 = arith.constant 3 : i32
      %add3A_1793 = vector.broadcast %add3A_1792 : i32 to vector<16xi32>
      %add3A_1794 = arith.addi %mul3A_1416, %add3A_1793 : vector<16xi32>
      %gather3A_1795 = tpu.vector_load_idx %arg9[%add3A_1794, %broadcast_in_dim3A_1791, %and3A_1393] : memref<48x8x128xf32, #tpu.memory_space<vmem>>[vector<16xi32>, vector<16xi32>, vector<16xi32>], vector<16xf32>,
      %add3A_1796 = arith.constant 3 : i32
      %add3A_1797 = vector.broadcast %add3A_1796 : i32 to vector<16xi32>
      %add3A_1798 = arith.addi %mul3A_1416, %add3A_1797 : vector<16xi32>
      %gather3A_1799 = tpu.vector_load_idx %arg10[%add3A_1798, %broadcast_in_dim3A_1791, %and3A_1396] : memref<48x8x128xf32, #tpu.memory_space<vmem>>[vector<16xi32>, vector<16xi32>, vector<16xi32>], vector<16xf32>,
      %mul3A_1800 = arith.mulf %gather3A_1795, %gather3A_1799 : vector<16xf32>
      %add3A_1801 = arith.addf %add3A_1789, %mul3A_1800 : vector<16xf32>
      %select_n3A_1802 = arith.select %eq3A_1401, %add3A_1801, %scan3A_1236 : vector<16xi1>, vector<16xf32>
      %eq3A_1803 = arith.constant 3 : i32
      %eq3A_1804 = arith.cmpi eq, %and3A_1380, %eq3A_1803 : i32
      %convert_element_type3A_1805 = arith.extui %eq3A_1804 : i1 to i32
      %cond3A_1806 = arith.constant 0 : i32
      %cond3A_1807 = arith.cmpi ne, %convert_element_type3A_1805, %cond3A_1806 : i32
      scf.if %cond3A_1807 {
        %neg3A = arith.constant 0.000000e+00 : f32
        %neg3A_1808 = vector.broadcast %neg3A : f32 to vector<16xf32>
        %neg3A_1809 = arith.subf %neg3A_1808, %select_n3A_1802 : vector<16xf32>
        %exp3A = math.exp %neg3A_1809 : vector<16xf32>
        %add3A_1810 = arith.constant 1.000000e+00 : f32
        %add3A_1811 = vector.broadcast %add3A_1810 : f32 to vector<16xf32>
        %add3A_1812 = arith.addf %add3A_1811, %exp3A : vector<16xf32>
        %div3A = arith.constant 1.000000e+00 : f32
        %div3A_1813 = vector.broadcast %div3A : f32 to vector<16xf32>
        %div3A_1814 = arith.divf %div3A_1813, %add3A_1812 : vector<16xf32>
        %mul3A_1815 = arith.constant 16 : i32
        %mul3A_1816 = arith.muli %shift_right_arithmetic3A_1382, %mul3A_1815 : i32
        %swap3A_1817 = arith.index_cast %mul3A_1816 : i32 to index
        %swap3A_1818 = tpu.vector_load %arg11[%swap3A_1817] {strides = array<i32>} : memref<512xf32, #tpu.memory_space<vmem>>, vector<16xf32>,
        tpu.vector_store %arg11[%swap3A_1817], %div3A_1814 {strides = array<i32>} : memref<512xf32, #tpu.memory_space<vmem>>, vector<16xf32>,
      } else {
      }
      scf.yield %select_n3A_1802 : vector<16xf32>
    }
    %scan3A_1234 = arith.constant 128 : i32
    "tpu.region"() ({
      %run_scoped3A = tpu.sem_alloc : memref<!tpu.dma_semaphore, #tpu.memory_space<semaphore_mem>>
      %dma_start3A_1235 = tpu.memref_slice %arg6[%mul3A_2] : memref<16384xf32, #tpu.memory_space<hbm>> -> memref<512xf32, #tpu.memory_space<hbm>>
      %dma_start3A_1236 = tpu.memref_slice %arg6[%mul3A_2] : memref<16384xf32, #tpu.memory_space<hbm>> -> memref<512xf32, #tpu.memory_space<hbm>>
      tpu.enqueue_dma source(%arg11 : memref<512xf32, #tpu.memory_space<vmem>>) target(%dma_start3A_1236 : memref<512xf32, #tpu.memory_space<hbm>>) target_semaphore(%run_scoped3A : memref<!tpu.dma_semaphore, #tpu.memory_space<semaphore_mem>>)
      %dma_wait3A = tpu.memref_slice %arg6[%mul3A_2] : memref<16384xf32, #tpu.memory_space<hbm>> -> memref<512xf32, #tpu.memory_space<hbm>>
      %dma_wait3A_1237 = tpu.memref_slice %arg6[%mul3A_2] : memref<16384xf32, #tpu.memory_space<hbm>> -> memref<512xf32, #tpu.memory_space<hbm>>
      tpu.wait_dma2 semaphore(%run_scoped3A : memref<!tpu.dma_semaphore, #tpu.memory_space<semaphore_mem>>) src(%arg11 : memref<512xf32, #tpu.memory_space<vmem>>) dst(%dma_wait3A_1237 : memref<512xf32, #tpu.memory_space<hbm>>)
      tpu.yield
    }) : () -> ()
    return
  }
}

</mosaic_0001>

<sc_bundles>
// kernel: kernel.3.cloned.1.call-start
scs
__scs_entry_jumppad:
0x0: {  	(pc) =	sbr.rel $0x88, $3  }
0x1: {  	(tag) =	ssettag $0x0;
	lr =	simm.s32 $0x1  }
0x2: {  	[smem:$0x3F9D] =	sst lr;
	_ =	strace $0xD0000000  }
0x3: {  	_ = 	snop  }
0x4: {  	_ = 	snop  }
0x5: {  	_ = 	snop  }
0x6: {  	_ = 	snop  }
0x7: {  	_ = 	snop  }
__scs_overlays_trampoline_lowered:
0x8: {  	[smem:$0x3FAC] =	sst s0  }
0x9: {  	[smem:$0x3FAD] =	sst s1  }
0xa: {  	[smem:$0x3FAE] =	sst s2  }
0xb: {  	[smem:$0x3FAF] =	sst s3  }
0xc: {  	[smem:$0x3FB0] =	sst s4  }
0xd: {  	[smem:$0x3FB1] =	sst s5  }
0xe: {  	[smem:$0x3FB2] =	sst s6  }
0xf: {  	[smem:$0x3FB3] =	sst s7  }
0x10: {  	[smem:$0x3FB4] =	sst s8  }
0x11: {  	[smem:$0x3FB5] =	sst s9;
	s0 =	simm.s32 @!p0 $0x0  }
0x12: {  	s1 =	sld [smem:$0x3F9B];
	s0 =	simm.s32 @p0 $0x1  }
0x13: {  	[smem:$0x3FB6] =	sst s0;
	s0 =	simm.s32 @!p1 $0x0  }
0x14: {  	s2 =	sld [smem:$0x3F9A];
	s0 =	simm.s32 @p1 $0x1  }
0x15: {  	[smem:$0x3FB7] =	sst s0;
	s0 =	simm.s32 @!p2 $0x0  }
0x16: {  	s3 =	sld [smem:$0x3FDB];
	s0 =	simm.s32 @p2 $0x1  }
0x17: {  	s4 =	simm.s32 $0x1BF5;
	[smem:$0x3FB9] =	sst s0  }
0x18: {  	s0 =	sld [smem:$0x3F9C];
	_ =	swait.ge [sflag:s4], $0x0  }
0x19: {  	s7 =	sld [smem:$0x3F9D]  }
0x1a: {  	s8 =	sadd.s32 $0xFFFFE003, lr  }
0x1b: {  	s9 =	sadd.s32 $0xFFFFFEF7, lr;
	s5 =	simm.s32 $0xFFFFFFFF;
	p2 =	slt.u32 s8, $0xFFFFF086  }
0x1c: {  	p1 =	slt.u32 s9, $0xF7A;
	s5 =	simm.s32 @!p2 $0x0  }
0x1d: {  	s5 =	simm.s32 @p1 $0x1;
	p0 =	seq.s32 s7, s2  }
0x1e: {  	s7 =	smul.u32 @!p0 $0xF7A, s2;
	p2 =	seq.s32 @!p0 s5, $0x0  }
0x1f: {  	s9 =	smul.u32 $0xF7A, s1;
	s8 =	simm.s32 @!p0 $0x1BF5;
	p2 =	por !p2, p0  }
0x20: {  	[sflag:s8] =	ssyncset.s32 @!p0 $0xFFFFF086;
	s6 =	sadd.s32 @!p0 s3, s7;
	s7 =	simm.s32 @!p0 $0x108  }
0x21: {  	s3 =	sadd.s32 s3, s9;
	s6 =	sadd.s32 @!p0 $0x88, s6;
	s7 =	simm.s32 @p2 $0x1082  }
0x22: {  	[simem:s7], [sflag:s8] =	dma.local @!p0 [hbm:s6], $0xF7A  }
0x23: {  	s9 =	sor.u32 $0xD0000000, s2;
	s6 =	simm.s32 $0x108;
	_ =	swait.ge @!p0 [sflag:s8], $0x0  }
0x24: {  	s3 =	sadd.s32 $0x88, s3;
	s6 =	simm.s32 @!p1 $0x1082;
	[sflag:s4] =	ssyncset.s32 $0xFFFFF086  }
0x25: {  	[simem:s6], [sflag:s4] =	dma.local [hbm:s3], $0xF7A  }
0x26: {  	[smem:$0x3F9D] =	sst s1;
	(tag) =	ssettag s2;
	_ =	strace s9  }
0x27: {  	s1 =	sld [smem:$0x3FAD]  }
0x28: {  	s2 =	sld [smem:$0x3FAE]  }
0x29: {  	s4 =	sld [smem:$0x3FB0]  }
0x2a: {  	p0 =	seq.s32 s5, $0x0;
	s5 =	sld [smem:$0x3FB1]  }
0x2b: {  	s6 =	sld [smem:$0x3FB2]  }
0x2c: {  	s7 =	sld [smem:$0x3FB3]  }
0x2d: {  	s3 =	simm.s32 $0x108;
	s8 =	sld [smem:$0x3FB4]  }
0x2e: {  	s3 =	simm.s32 @!p0 $0x1082;
	s9 =	sld [smem:$0x3FB5]  }
0x2f: {  	lr =	sadd.s32 s0, s3;
	s0 =	sld [smem:$0x3FAC]  }
0x30: {  	s3 =	sld [smem:$0x3FAF]  }
0x31: {  	[smem:$0x3FB8] =	sst s10  }
0x32: {  	s10 =	sld [smem:$0x3FB6];
	_ =	sdelay $0x3  }
0x33: {  	p0 =	seq.s32 s10, $0x1;
	s10 =	sld [smem:$0x3FB8];
	_ =	sdelay $0x3  }
0x34: {  	[smem:$0x3FB8] =	sst s10  }
0x35: {  	s10 =	sld [smem:$0x3FB7];
	_ =	sdelay $0x3  }
0x36: {  	p1 =	seq.s32 s10, $0x1;
	s10 =	sld [smem:$0x3FB8];
	_ =	sdelay $0x3  }
0x37: {  	[smem:$0x3FB8] =	sst s10  }
0x38: {  	s10 =	sld [smem:$0x3FB9]  }
0x39: {  	_ = 	snop;
	(pc) =	sbr.ind lr, $3  }
0x3a: {  	_ = 	snop  }
0x3b: {  	_ = 	snop  }
0x3c: {  	p2 =	seq.s32 s10, $0x1;
	s10 =	sld [smem:$0x3FB8]  }
0x3d: {  	_ =	shalt  }
0x3e: {  	_ =	shalt  }
0x3f: {  	_ =	shalt  }
0x40: {  	_ =	shalt  }
0x41: {  	_ =	shalt  }
0x42: {  	_ =	shalt  }
0x43: {  	_ =	shalt  }
0x44: {  	_ =	shalt  }
0x45: {  	_ =	shalt  }
0x46: {  	_ =	shalt  }
0x47: {  	_ =	shalt  }
0x48: {  	_ =	shalt  }
0x49: {  	_ =	shalt  }
0x4a: {  	_ =	shalt  }
0x4b: {  	_ =	shalt  }
0x4c: {  	_ =	shalt  }
0x4d: {  	_ =	shalt  }
0x4e: {  	_ =	shalt  }
0x4f: {  	_ =	shalt  }
0x50: {  	_ =	shalt  }
0x51: {  	_ =	shalt  }
0x52: {  	_ =	shalt  }
0x53: {  	_ =	shalt  }
0x54: {  	_ =	shalt  }
0x55: {  	_ =	shalt  }
0x56: {  	_ =	shalt  }
0x57: {  	_ =	shalt  }
0x58: {  	_ =	shalt  }
0x59: {  	_ =	shalt  }
0x5a: {  	_ =	shalt  }
0x5b: {  	_ =	shalt  }
0x5c: {  	_ =	shalt  }
0x5d: {  	_ =	shalt  }
0x5e: {  	_ =	shalt  }
0x5f: {  	_ =	shalt  }
0x60: {  	_ =	shalt  }
0x61: {  	_ =	shalt  }
0x62: {  	_ =	shalt  }
0x63: {  	_ =	shalt  }
0x64: {  	_ =	shalt  }
0x65: {  	_ =	shalt  }
0x66: {  	_ =	shalt  }
0x67: {  	_ =	shalt  }
0x68: {  	_ =	shalt  }
0x69: {  	_ =	shalt  }
0x6a: {  	_ =	shalt  }
0x6b: {  	_ =	shalt  }
0x6c: {  	_ =	shalt  }
0x6d: {  	_ =	shalt  }
0x6e: {  	_ =	shalt  }
0x6f: {  	_ =	shalt  }
0x70: {  	_ =	shalt  }
0x71: {  	_ =	shalt  }
0x72: {  	_ =	shalt  }
0x73: {  	_ =	shalt  }
0x74: {  	_ =	shalt  }
0x75: {  	_ =	shalt  }
0x76: {  	_ =	shalt  }
0x77: {  	_ =	shalt  }
0x78: {  	_ =	shalt  }
0x79: {  	_ =	shalt  }
0x7a: {  	_ =	shalt  }
0x7b: {  	_ =	shalt  }
0x7c: {  	_ =	shalt  }
0x7d: {  	_ =	shalt  }
0x7e: {  	_ =	shalt  }
0x7f: {  	_ =	shalt  }
0x80: {  	_ =	shalt  }
0x81: {  	_ =	shalt  }
0x82: {  	_ =	shalt  }
0x83: {  	_ =	shalt  }
0x84: {  	_ =	shalt  }
0x85: {  	_ =	shalt  }
0x86: {  	_ =	shalt  }
0x87: {  	_ =	shalt  }
.Lfunc_end0:
.L_simem_size_0:
called_computation_lowered:
.L_overlay_start_0:
0x88: {  	s2 =	sld [smem:$0x3FD9]  }
0x89: {  	s3 =	sld [smem:$0x3FFE];
	_ =	sdelay $0x1  }
0x8a: {  	s1 =	srdreg.scid  }
0x8b: {  	s0 =	sand.u32 $0x1, s1  }
0x8c: {  	s18 =	sshll.u32 s0, $0xA;
	s2 =	sadd.s32 s3, s2  }
0x8d: {  	s2 =	sadd.s32 s2, s18  }
0x8e: {  	[smem:$0x3FC4] =	sst s2  }
0x8f: {  	_ = 	snop  }
0x90: {  	s2 =	sld [smem:$0x3FC9]  }
0x91: {  	s19 =	sld [smem:$0x3FC8]  }
0x92: {  	s4 =	sld [smem:$0x3FC7]  }
0x93: {  	s5 =	sld [smem:$0x3FC6]  }
0x94: {  	s6 =	sld [smem:$0x3FD0];
	(tm) =	ssettm $0x1  }
0x95: {  	s7 =	sld [smem:$0x3FFB];
	_ =	sdelay $0x3  }
0x96: {  	_ =	strace s7  }
0x97: {  	s7 =	sld [smem:$0x3FFC];
	_ =	sdelay $0x3  }
0x98: {  	_ =	strace s7  }
0x99: {  	s7 =	sld [smem:$0x3FFD];
	_ =	sdelay $0x3  }
0x9a: {  	_ =	strace s7  }
0x9b: {  	_ =	strace $0x8FFFFFFF  }
0x9c: {  	s20 =	sld [smem:$0x3FDB];
	_ =	sdelay $0x1  }
0x9d: {  	s8 =	simm.s32 $_scs_section_size  }
0x9e: {  	s9 =	simm.s32 $_size__tile_overlayer_lowered;
	s10 =	simm.s32 $_tile_overlayer_lowered  }
0x9f: {  	s23 =	simm.s32 $0x1BFF;
	s22 =	sshll.u32 s10, $0x1;
	s7 =	sadd.s32 s8, s20  }
0xa0: {  	s11 =	simm.s32 $0x0;
	s21 =	sshll.u32 s9, $0x1;
	s9 =	sadd.s32 s22, s7  }
0xa1: {  	[timem:s11], [sflag:s23] =	dma.local [hbm:s9], s21  }
0xa2: {  	_ =	swait.ge [sflag:s23], s21  }
0xa3: {  	s8 =	ssub.s32 $0x0, s21;
	[sflag:s23] =	ssyncset.done $0x0  }
0xa4: {  	[sflag:s23] =	ssyncadd.s32 s8;
	_ =	sdelay $0x1  }
0xa5: {  	s24 =	simm.s32 $0x1B8B  }
0xa6: {  	_ =	swait.ge [sflag:s24], $0x1  }
0xa7: {  	[sflag:s24] =	ssyncset.done $0x0  }
0xa8: {  	s25 =	simm.s32 $0x1B8E;
	[sflag:s24] =	ssyncadd.s32 $0xFFFFFFFF  }
0xa9: {  	s26 =	simm.s32 $execute0_lowered;
	[smem:$0x3FD2] =	sst s25  }
0xaa: {  	s8 =	sshll.u32 s26, $0x1;
	_ =	strace $0x80000046;
	[dreg:$0x1] =	wrdreg $0xFFFFFFFF  }
0xab: {  	s28 =	simm.s32 $_size_execute0_lowered;
	s7 =	sadd.s32 s7, s8;
	[dreg:$0x0] =	wrdreg $0x0  }
0xac: {  	s8 =	sshll.u32 s28, $0x1;
	[dreg:$0x2] =	wrdreg s7  }
0xad: {  	[dreg:$0x3] =	wrdreg s8  }
0xae: {  	[dreg:$0x4] =	wrdreg $0xC0  }
0xaf: {  	_ =	task [dreg:s11], $0x5FFFF  }
0xb0: {  	[dreg:$0x1] =	wrdreg $0xFFFFFFFF  }
0xb1: {  	[dreg:$0x0] =	wrdreg $0x60  }
0xb2: {  	[dreg:$0x2] =	wrdreg s2  }
0xb3: {  	[dreg:$0x3] =	wrdreg s19  }
0xb4: {  	[dreg:$0x4] =	wrdreg s4  }
0xb5: {  	[dreg:$0x5] =	wrdreg s5  }
0xb6: {  	[dreg:$0x6] =	wrdreg s6  }
0xb7: {  	[dreg:$0x7] =	wrdreg $0x9  }
0xb8: {  	_ =	task.clear_ibuf [dreg:s11], $0x8FFFF;
	_ =	strace $0x90000046  }
0xb9: {  	s29 =	simm.s32 $0x9;
	_ =	strace $0x80000048  }
0xba: {  	_ =	swait.ge [sflag:s29], $0x1  }
0xbb: {  	[sflag:s29] =	ssyncadd.s32 $0xFFFFFFFF  }
0xbc: {  	_ =	strace $0x90000048  }
0xbd: {  	_ =	sfence  }
0xbe: {  	s30 =	sld [smem:$0x0];
	_ =	sdelay $0x2  }
0xbf: {  	s31 =	sshll.u32 s1, $0xD;
	s1 =	sshrl.u32 s1, $0x2  }
0xc0: {  	s3 =	sand.u32 $0x4000, s31;
	s1 =	sadd.s32 s1, s30  }
0xc1: {  	s0 =	sor.u32 s3, s0;
	s1 =	sshll.u32 s1, $0x11  }
0xc2: {  	s0 =	sor.u32 s1, s0  }
0xc3: {  	s0 =	sadd.s32 $0x8F2B, s0  }
0xc4: {  	[sflag:s0] =	ssyncadd.remote.s32 $0x1  }
0xc5: {  	_ =	sfence.sel $0xFFFF  }
0xc6: {  	[dreg:$0x0] =	wrdreg $0xFFFFFFFF;
	(pc) =	sbr.abs _section_cstart, $3  }
0xc7: {  	[dreg:$0x1] =	wrdreg $0xFFFFFFFF  }
0xc8: {  	_ =	task.clear_ibuf [dreg:s11], $0x2FFFF;
	_ =	strace $0x9FFFFFFF  }
0xc9: {  	(tm) =	ssettm $0x7FFFFFFF  }
tec
execute0_lowered:
.L_overlay_start_1:
0x0: {  	(tag) =	ssettag $0x1  }
0x1: {  	s0 =	rddreg [dreg:$0x0]  }
0x2: {  	s3 =	rddreg [dreg:$0x1]  }
0x3: {  	s1 =	rddreg [dreg:$0x2]  }
0x4: {  	s2 =	rddreg [dreg:$0x3]  }
0x5: {  	s7 =	rddreg [dreg:$0x4];
	s5 =	srdreg.scid;
	s4 =	simm.s32 $0x0  }
0x6: {  	s8 =	stileid.u32;
	s11 =	simm.s32 $0x500;
	s12 =	simm.s32 $0xC500  }
0x7: {  	s24 =	simm.s32 $0x13100;
	s25 =	simm.s32 $0x7500;
	s26 =	simm.s32 $0x13500  }
0x8: {  	s28 =	simm.s32 $0x7900;
	s29 =	simm.s32 $0x13900;
	s30 =	simm.s32 $0x7D00  }
0x9: {  	s31 =	simm.s32 $0x13D00;
	s10 =	simm.s32 $0x1;
	s13 =	simm.s32 $0x18500  }
0xa: {  	s14 =	simm.s32 $0x0;
	s5 =	sand.u32 $0x1, s5;
	s8 =	sshll.u32 s8, $0x7  }
.Ltmp0:
0xb: {  	s6 =	ssub.s32 $0x2, s5;
	s5 =	sshll.u32 s5, $0x6;
	(pc) =	sbr.rel .LBB2_1-.Ltmp0, $4  }
0xc: {  	[smem:$0x7FF] =	sst s4;
	s9 =	sshrl.u32 s6, $0x1;
	s8 =	sor.u32 s5, s8  }
0xd: {  	_ =	strace $0x80000047;
	s9 =	ssub.s32 s6, s9;
	s5 =	sadd.s32 s0, s8  }
0xe: {  	v0 =	vlaneseq.u32;
	s6 =	sadd.s32 s3, s8;
	s7 =	sadd.s32 s7, s8;
	s0 =	simm.s32 $0x8100  }
0xf: {  	v1 =	vimm.s32 $0x0;
	v2 =	vshrl.u32 v0, $0x2;
	s3 =	simm.s32 $0x14100;
	s8 =	smax.u32 s9, $0x1;
	s9 =	simm.s32 $0x2  }
.LBB2_5:
0x10: {  	s14 =	sadd.s32 $0x1, s14  }
0x11: {  	p0 =	sne.s32 s14, s8  }
.Ltmp1:
0x12: {  	_ = 	snop;
	(pc) =	sbr.rel @!p0 .LBB2_6-.Ltmp1, $4  }
0x13: {  	[hbm4b:s7+s4] =	stream.linear.scatter [tilespmem:s13], [sflag:$0x2], $0x200, $0x38;
	[tilespmem:$0x18700] =	vst v63  }
0x14: {  	_ =	swait.ge [sflag:s9], $0x200  }
0x15: {  	[sflag:s9] =	ssyncset.done $0x0  }
0x16: {  	[sflag:s9] =	ssyncadd.s32 $0xFFFFFE00  }
.LBB2_1:
0x17: {  	[tilespmem:s4], [sflag:$0x2] =	stream.linear.gather [hbm4b:s5+s4], $0x200, $0x38;
	[tilespmem:$0x18700] =	vst v63  }
0x18: {  	_ =	swait.ge [sflag:s9], $0x200  }
0x19: {  	[sflag:s9] =	ssyncset.done $0x0  }
0x1a: {  	s15 =	simm.s32 $0x280;
	[sflag:s9] =	ssyncadd.s32 $0xFFFFFE00  }
0x1b: {  	[tilespmem:s15], [sflag:$0x2] =	stream.linear.gather [hbm4b:s6+s4], $0x200, $0x38;
	[tilespmem:$0x18700] =	vst v63  }
0x1c: {  	_ =	swait.ge [sflag:s9], $0x200  }
0x1d: {  	[sflag:s9] =	ssyncset.done $0x0  }
0x1e: {  	[sflag:s9] =	ssyncadd.s32 $0xFFFFFE00  }
0x1f: {  	v3 =	vld [tilespmem:$0x0]  }
0x20: {  	v4 =	vld [tilespmem:$0x280];
	_ =	sdelay $0x3  }
0x21: {  	(v2sf) =	vpush v3, $0x0  }
0x22: {  	(v2sf) =	vpush v4, $0x0;
	_ =	sdelay $0xd  }
0x23: {  	s21 =	spop (v2sf)  }
0x24: {  	[tilespmem:$0x200] =	vst v1;
	(v2sf) =	vpush v3, $0x1;
	s15 =	sand.u32 $0xFFFFF80, s21;
	s16 =	spop (v2sf)  }
0x25: {  	[tilespmem:$0x480] =	vst v1;
	(v2sf) =	vpush v4, $0x1;
	s15 =	sadd.s32 s1, s15;
	s16 =	sand.u32 $0xFFFFF80, s16  }
0x26: {  	[tilespmem:s11], [sflag:$0x1] =	stream.linear.gather [hbm4b:s15+s4], $0x400, $0x38;
	[tilespmem:$0x18700] =	vst v63  }
0x27: {  	s16 =	sadd.s32 s2, s16  }
0x28: {  	[tilespmem:s12], [sflag:$0x1] =	stream.linear.gather [hbm4b:s16+s4], $0x400, $0x38;
	[tilespmem:$0x18700] =	vst v63  }
0x29: {  	s18 =	simm.s32 $0x900;
	s17 =	sadd.s32 $0xF4280, s15  }
0x2a: {  	[tilespmem:s18], [sflag:$0x1] =	stream.linear.gather [hbm4b:s17+s4], $0x400, $0x38;
	[tilespmem:$0x18700] =	vst v63  }
0x2b: {  	s23 =	simm.s32 $0xC900;
	s22 =	sadd.s32 $0xF4280, s16  }
0x2c: {  	[tilespmem:s23], [sflag:$0x1] =	stream.linear.gather [hbm4b:s22+s4], $0x400, $0x38;
	[tilespmem:$0x18700] =	vst v63  }
0x2d: {  	s20 =	simm.s32 $0xD00;
	s19 =	sadd.s32 $0x1E8500, s15  }
0x2e: {  	[tilespmem:s20], [sflag:$0x1] =	stream.linear.gather [hbm4b:s19+s4], $0x400, $0x38;
	[tilespmem:$0x18700] =	vst v63  }
0x2f: {  	s21 =	sadd.s32 $0x1E8500, s16;
	s22 =	simm.s32 $0xCD00  }
0x30: {  	[tilespmem:s22], [sflag:$0x1] =	stream.linear.gather [hbm4b:s21+s4], $0x400, $0x38;
	[tilespmem:$0x18700] =	vst v63  }
0x31: {  	s15 =	sadd.s32 $0x2DC780, s15;
	s23 =	simm.s32 $0x1100  }
0x32: {  	[tilespmem:s23], [sflag:$0x1] =	stream.linear.gather [hbm4b:s15+s4], $0x400, $0x38;
	[tilespmem:$0x18700] =	vst v63  }
0x33: {  	s16 =	sadd.s32 $0x2DC780, s16;
	s18 =	spop (v2sf);
	(v2sf) =	vpush v3, $0x2  }
0x34: {  	s17 =	simm.s32 $0xD100;
	s15 =	sand.u32 $0xFFFFF80, s18;
	s19 =	spop (v2sf)  }
0x35: {  	(v2sf) =	vpush v4, $0x2;
	[tilespmem:s17], [sflag:$0x1] =	stream.linear.gather [hbm4b:s16+s4], $0x400, $0x38;
	[tilespmem:$0x18700] =	vst v63  }
0x36: {  	s20 =	simm.s32 $0x1500;
	s15 =	sadd.s32 s1, s15;
	s16 =	sand.u32 $0xFFFFF80, s19  }
0x37: {  	[tilespmem:s20], [sflag:$0x1] =	stream.linear.gather [hbm4b:s15+s4], $0x400, $0x38;
	[tilespmem:$0x18700] =	vst v63  }
0x38: {  	s21 =	simm.s32 $0xD500;
	s16 =	sadd.s32 s2, s16  }
0x39: {  	[tilespmem:s21], [sflag:$0x1] =	stream.linear.gather [hbm4b:s16+s4], $0x400, $0x38;
	[tilespmem:$0x18700] =	vst v63  }
0x3a: {  	s23 =	simm.s32 $0x1900;
	s22 =	sadd.s32 $0xF4280, s15  }
0x3b: {  	[tilespmem:s23], [sflag:$0x1] =	stream.linear.gather [hbm4b:s22+s4], $0x400, $0x38;
	[tilespmem:$0x18700] =	vst v63  }
0x3c: {  	s19 =	simm.s32 $0xD900;
	s18 =	sadd.s32 $0xF4280, s16;
	s20 =	sadd.s32 $0x1E8500, s15  }
0x3d: {  	[tilespmem:s19], [sflag:$0x1] =	stream.linear.gather [hbm4b:s18+s4], $0x400, $0x38;
	[tilespmem:$0x18700] =	vst v63  }
0x3e: {  	s15 =	sadd.s32 $0x2DC780, s15;
	s21 =	simm.s32 $0x1D00  }
0x3f: {  	[tilespmem:s21], [sflag:$0x1] =	stream.linear.gather [hbm4b:s20+s4], $0x400, $0x38;
	[tilespmem:$0x18700] =	vst v63  }
0x40: {  	s22 =	sadd.s32 $0x1E8500, s16;
	s23 =	simm.s32 $0xDD00  }
0x41: {  	[tilespmem:s23], [sflag:$0x1] =	stream.linear.gather [hbm4b:s22+s4], $0x400, $0x38;
	[tilespmem:$0x18700] =	vst v63  }
0x42: {  	s19 =	simm.s32 $0x2100;
	s20 =	sadd.s32 $0x2DC780, s16;
	s22 =	spop (v2sf)  }
0x43: {  	(v2sf) =	vpush v3, $0x3;
	[tilespmem:s19], [sflag:$0x1] =	stream.linear.gather [hbm4b:s15+s4], $0x400, $0x38;
	[tilespmem:$0x18700] =	vst v63  }
0x44: {  	s21 =	simm.s32 $0xE100;
	s15 =	sand.u32 $0xFFFFF80, s22;
	s23 =	spop (v2sf)  }
0x45: {  	(v2sf) =	vpush v4, $0x3;
	[tilespmem:s21], [sflag:$0x1] =	stream.linear.gather [hbm4b:s20+s4], $0x400, $0x38;
	[tilespmem:$0x18700] =	vst v63  }
0x46: {  	s18 =	simm.s32 $0x2500;
	s15 =	sadd.s32 s1, s15;
	s16 =	sand.u32 $0xFFFFF80, s23  }
0x47: {  	[tilespmem:s18], [sflag:$0x1] =	stream.linear.gather [hbm4b:s15+s4], $0x400, $0x38;
	[tilespmem:$0x18700] =	vst v63  }
0x48: {  	s19 =	simm.s32 $0xE500;
	s16 =	sadd.s32 s2, s16  }
0x49: {  	[tilespmem:s19], [sflag:$0x1] =	stream.linear.gather [hbm4b:s16+s4], $0x400, $0x38;
	[tilespmem:$0x18700] =	vst v63  }
0x4a: {  	s20 =	sadd.s32 $0xF4280, s15;
	s21 =	simm.s32 $0x2900  }
0x4b: {  	[tilespmem:s21], [sflag:$0x1] =	stream.linear.gather [hbm4b:s20+s4], $0x400, $0x38;
	[tilespmem:$0x18700] =	vst v63  }
0x4c: {  	s23 =	simm.s32 $0xE900;
	s22 =	sadd.s32 $0xF4280, s16  }
0x4d: {  	[tilespmem:s23], [sflag:$0x1] =	stream.linear.gather [hbm4b:s22+s4], $0x400, $0x38;
	[tilespmem:$0x18700] =	vst v63  }
0x4e: {  	s19 =	sadd.s32 $0x1E8500, s15;
	s20 =	simm.s32 $0x2D00  }
0x4f: {  	[tilespmem:s20], [sflag:$0x1] =	stream.linear.gather [hbm4b:s19+s4], $0x400, $0x38;
	[tilespmem:$0x18700] =	vst v63  }
0x50: {  	s17 =	simm.s32 $0xF100;
	s21 =	sadd.s32 $0x1E8500, s16;
	s22 =	simm.s32 $0xED00  }
0x51: {  	[tilespmem:s22], [sflag:$0x1] =	stream.linear.gather [hbm4b:s21+s4], $0x400, $0x38;
	[tilespmem:$0x18700] =	vst v63  }
0x52: {  	s15 =	sadd.s32 $0x2DC780, s15;
	s23 =	simm.s32 $0x3100;
	s18 =	spop (v2sf)  }
0x53: {  	[tilespmem:s23], [sflag:$0x1] =	stream.linear.gather [hbm4b:s15+s4], $0x400, $0x38;
	[tilespmem:$0x18700] =	vst v63  }
0x54: {  	s16 =	sadd.s32 $0x2DC780, s16;
	s19 =	spop (v2sf);
	s15 =	sand.u32 $0xFFFFF80, s18  }
0x55: {  	[tilespmem:s17], [sflag:$0x1] =	stream.linear.gather [hbm4b:s16+s4], $0x400, $0x38;
	[tilespmem:$0x18700] =	vst v63  }
0x56: {  	s20 =	simm.s32 $0x3500;
	s15 =	sadd.s32 s1, s15;
	s16 =	sand.u32 $0xFFFFF80, s19  }
0x57: {  	[tilespmem:s20], [sflag:$0x1] =	stream.linear.gather [hbm4b:s15+s4], $0x400, $0x38;
	[tilespmem:$0x18700] =	vst v63  }
0x58: {  	s21 =	simm.s32 $0xF500;
	s16 =	sadd.s32 s2, s16  }
0x59: {  	[tilespmem:s21], [sflag:$0x1] =	stream.linear.gather [hbm4b:s16+s4], $0x400, $0x38;
	[tilespmem:$0x18700] =	vst v63  }
0x5a: {  	s23 =	simm.s32 $0x3900;
	s22 =	sadd.s32 $0xF4280, s15  }
0x5b: {  	[tilespmem:s23], [sflag:$0x1] =	stream.linear.gather [hbm4b:s22+s4], $0x400, $0x38;
	[tilespmem:$0x18700] =	vst v63  }
0x5c: {  	s19 =	simm.s32 $0xF900;
	s18 =	sadd.s32 $0xF4280, s16  }
0x5d: {  	[tilespmem:s19], [sflag:$0x1] =	stream.linear.gather [hbm4b:s18+s4], $0x400, $0x38;
	[tilespmem:$0x18700] =	vst v63  }
0x5e: {  	s20 =	sadd.s32 $0x1E8500, s15;
	s21 =	simm.s32 $0x3D00  }
0x5f: {  	[tilespmem:s21], [sflag:$0x1] =	stream.linear.gather [hbm4b:s20+s4], $0x400, $0x38;
	[tilespmem:$0x18700] =	vst v63  }
0x60: {  	s22 =	sadd.s32 $0x1E8500, s16;
	s23 =	simm.s32 $0xFD00  }
0x61: {  	[tilespmem:s23], [sflag:$0x1] =	stream.linear.gather [hbm4b:s22+s4], $0x400, $0x38;
	[tilespmem:$0x18700] =	vst v63  }
0x62: {  	s15 =	sadd.s32 $0x2DC780, s15;
	s19 =	simm.s32 $0x4100  }
0x63: {  	[tilespmem:s19], [sflag:$0x1] =	stream.linear.gather [hbm4b:s15+s4], $0x400, $0x38;
	[tilespmem:$0x18700] =	vst v63  }
0x64: {  	s20 =	sadd.s32 $0x2DC780, s16;
	s21 =	simm.s32 $0x10100  }
0x65: {  	[tilespmem:s21], [sflag:$0x1] =	stream.linear.gather [hbm4b:s20+s4], $0x400, $0x38;
	[tilespmem:$0x18700] =	vst v63  }
0x66: {  	v3 =	vld [tilespmem:$0x4]  }
0x67: {  	v4 =	vld [tilespmem:$0x284];
	_ =	sdelay $0x3  }
0x68: {  	(v2sf) =	vpush v3, $0x0  }
0x69: {  	(v2sf) =	vpush v4, $0x0;
	_ =	sdelay $0xd  }
0x6a: {  	s22 =	spop (v2sf)  }
0x6b: {  	(v2sf) =	vpush v3, $0x1;
	s15 =	sand.u32 $0xFFFFF80, s22;
	s23 =	spop (v2sf)  }
0x6c: {  	s18 =	simm.s32 $0x4500;
	(v2sf) =	vpush v4, $0x1;
	s15 =	sadd.s32 s1, s15;
	s16 =	sand.u32 $0xFFFFF80, s23  }
0x6d: {  	[tilespmem:s18], [sflag:$0x1] =	stream.linear.gather [hbm4b:s15+s4], $0x400, $0x38;
	[tilespmem:$0x18700] =	vst v63  }
0x6e: {  	s19 =	simm.s32 $0x10500;
	s16 =	sadd.s32 s2, s16  }
0x6f: {  	[tilespmem:s19], [sflag:$0x1] =	stream.linear.gather [hbm4b:s16+s4], $0x400, $0x38;
	[tilespmem:$0x18700] =	vst v63  }
0x70: {  	s21 =	simm.s32 $0x4900;
	s20 =	sadd.s32 $0xF4280, s15  }
0x71: {  	[tilespmem:s21], [sflag:$0x1] =	stream.linear.gather [hbm4b:s20+s4], $0x400, $0x38;
	[tilespmem:$0x18700] =	vst v63  }
0x72: {  	s23 =	simm.s32 $0x10900;
	s22 =	sadd.s32 $0xF4280, s16  }
0x73: {  	[tilespmem:s23], [sflag:$0x1] =	stream.linear.gather [hbm4b:s22+s4], $0x400, $0x38;
	[tilespmem:$0x18700] =	vst v63  }
0x74: {  	s19 =	sadd.s32 $0x1E8500, s15;
	s20 =	simm.s32 $0x4D00  }
0x75: {  	[tilespmem:s20], [sflag:$0x1] =	stream.linear.gather [hbm4b:s19+s4], $0x400, $0x38;
	[tilespmem:$0x18700] =	vst v63  }
0x76: {  	s21 =	sadd.s32 $0x1E8500, s16;
	s22 =	simm.s32 $0x10D00  }
0x77: {  	[tilespmem:s22], [sflag:$0x1] =	stream.linear.gather [hbm4b:s21+s4], $0x400, $0x38;
	[tilespmem:$0x18700] =	vst v63  }
0x78: {  	s15 =	sadd.s32 $0x2DC780, s15;
	s23 =	simm.s32 $0x5100  }
0x79: {  	[tilespmem:s23], [sflag:$0x1] =	stream.linear.gather [hbm4b:s15+s4], $0x400, $0x38;
	[tilespmem:$0x18700] =	vst v63  }
0x7a: {  	s17 =	simm.s32 $0x11100;
	s18 =	spop (v2sf);
	(v2sf) =	vpush v3, $0x2  }
0x7b: {  	s16 =	sadd.s32 $0x2DC780, s16;
	s15 =	sand.u32 $0xFFFFF80, s18;
	s19 =	spop (v2sf)  }
0x7c: {  	(v2sf) =	vpush v4, $0x2;
	[tilespmem:s17], [sflag:$0x1] =	stream.linear.gather [hbm4b:s16+s4], $0x400, $0x38;
	[tilespmem:$0x18700] =	vst v63  }
0x7d: {  	s20 =	simm.s32 $0x5500;
	s15 =	sadd.s32 s1, s15;
	s16 =	sand.u32 $0xFFFFF80, s19  }
0x7e: {  	[tilespmem:s20], [sflag:$0x1] =	stream.linear.gather [hbm4b:s15+s4], $0x400, $0x38;
	[tilespmem:$0x18700] =	vst v63  }
0x7f: {  	s21 =	simm.s32 $0x11500;
	s16 =	sadd.s32 s2, s16  }
0x80: {  	[tilespmem:s21], [sflag:$0x1] =	stream.linear.gather [hbm4b:s16+s4], $0x400, $0x38;
	[tilespmem:$0x18700] =	vst v63  }
0x81: {  	s23 =	simm.s32 $0x5900;
	s22 =	sadd.s32 $0xF4280, s15  }
0x82: {  	[tilespmem:s23], [sflag:$0x1] =	stream.linear.gather [hbm4b:s22+s4], $0x400, $0x38;
	[tilespmem:$0x18700] =	vst v63  }
0x83: {  	s19 =	simm.s32 $0x11900;
	s18 =	sadd.s32 $0xF4280, s16;
	s20 =	sadd.s32 $0x1E8500, s15  }
0x84: {  	[tilespmem:s19], [sflag:$0x1] =	stream.linear.gather [hbm4b:s18+s4], $0x400, $0x38;
	[tilespmem:$0x18700] =	vst v63  }
0x85: {  	s15 =	sadd.s32 $0x2DC780, s15;
	s21 =	simm.s32 $0x5D00  }
0x86: {  	[tilespmem:s21], [sflag:$0x1] =	stream.linear.gather [hbm4b:s20+s4], $0x400, $0x38;
	[tilespmem:$0x18700] =	vst v63  }
0x87: {  	s22 =	sadd.s32 $0x1E8500, s16;
	s23 =	simm.s32 $0x11D00  }
0x88: {  	[tilespmem:s23], [sflag:$0x1] =	stream.linear.gather [hbm4b:s22+s4], $0x400, $0x38;
	[tilespmem:$0x18700] =	vst v63  }
0x89: {  	s19 =	simm.s32 $0x6100;
	s20 =	sadd.s32 $0x2DC780, s16;
	s22 =	spop (v2sf)  }
0x8a: {  	(v2sf) =	vpush v3, $0x3;
	[tilespmem:s19], [sflag:$0x1] =	stream.linear.gather [hbm4b:s15+s4], $0x400, $0x38;
	[tilespmem:$0x18700] =	vst v63  }
0x8b: {  	s21 =	simm.s32 $0x12100;
	s15 =	sand.u32 $0xFFFFF80, s22;
	s23 =	spop (v2sf)  }
0x8c: {  	(v2sf) =	vpush v4, $0x3;
	[tilespmem:s21], [sflag:$0x1] =	stream.linear.gather [hbm4b:s20+s4], $0x400, $0x38;
	[tilespmem:$0x18700] =	vst v63  }
0x8d: {  	s18 =	simm.s32 $0x6500;
	s15 =	sadd.s32 s1, s15;
	s16 =	sand.u32 $0xFFFFF80, s23  }
0x8e: {  	[tilespmem:s18], [sflag:$0x1] =	stream.linear.gather [hbm4b:s15+s4], $0x400, $0x38;
	[tilespmem:$0x18700] =	vst v63  }
0x8f: {  	s19 =	simm.s32 $0x12500;
	s16 =	sadd.s32 s2, s16  }
0x90: {  	[tilespmem:s19], [sflag:$0x1] =	stream.linear.gather [hbm4b:s16+s4], $0x400, $0x38;
	[tilespmem:$0x18700] =	vst v63  }
0x91: {  	s20 =	sadd.s32 $0xF4280, s15;
	s21 =	simm.s32 $0x6900  }
0x92: {  	[tilespmem:s21], [sflag:$0x1] =	stream.linear.gather [hbm4b:s20+s4], $0x400, $0x38;
	[tilespmem:$0x18700] =	vst v63  }
0x93: {  	s23 =	simm.s32 $0x12900;
	s22 =	sadd.s32 $0xF4280, s16  }
0x94: {  	[tilespmem:s23], [sflag:$0x1] =	stream.linear.gather [hbm4b:s22+s4], $0x400, $0x38;
	[tilespmem:$0x18700] =	vst v63  }
0x95: {  	s19 =	sadd.s32 $0x1E8500, s15;
	s20 =	simm.s32 $0x6D00  }
0x96: {  	[tilespmem:s20], [sflag:$0x1] =	stream.linear.gather [hbm4b:s19+s4], $0x400, $0x38;
	[tilespmem:$0x18700] =	vst v63  }
0x97: {  	s21 =	sadd.s32 $0x1E8500, s16;
	s22 =	simm.s32 $0x12D00  }
0x98: {  	[tilespmem:s22], [sflag:$0x1] =	stream.linear.gather [hbm4b:s21+s4], $0x400, $0x38;
	[tilespmem:$0x18700] =	vst v63  }
0x99: {  	s15 =	sadd.s32 $0x2DC780, s15;
	s23 =	simm.s32 $0x7100;
	s17 =	spop (v2sf)  }
0x9a: {  	[tilespmem:s23], [sflag:$0x1] =	stream.linear.gather [hbm4b:s15+s4], $0x400, $0x38;
	[tilespmem:$0x18700] =	vst v63  }
0x9b: {  	s16 =	sadd.s32 $0x2DC780, s16;
	s18 =	spop (v2sf);
	s15 =	sand.u32 $0xFFFFF80, s17  }
0x9c: {  	[tilespmem:s24], [sflag:$0x1] =	stream.linear.gather [hbm4b:s16+s4], $0x400, $0x38;
	[tilespmem:$0x18700] =	vst v63  }
0x9d: {  	s15 =	sadd.s32 s1, s15;
	s16 =	sand.u32 $0xFFFFF80, s18  }
0x9e: {  	[tilespmem:s25], [sflag:$0x1] =	stream.linear.gather [hbm4b:s15+s4], $0x400, $0x38;
	[tilespmem:$0x18700] =	vst v63  }
0x9f: {  	s16 =	sadd.s32 s2, s16  }
0xa0: {  	[tilespmem:s26], [sflag:$0x1] =	stream.linear.gather [hbm4b:s16+s4], $0x400, $0x38;
	[tilespmem:$0x18700] =	vst v63  }
0xa1: {  	s19 =	sadd.s32 $0xF4280, s15  }
0xa2: {  	[tilespmem:s28], [sflag:$0x1] =	stream.linear.gather [hbm4b:s19+s4], $0x400, $0x38;
	[tilespmem:$0x18700] =	vst v63  }
0xa3: {  	s20 =	sadd.s32 $0xF4280, s16  }
0xa4: {  	[tilespmem:s29], [sflag:$0x1] =	stream.linear.gather [hbm4b:s20+s4], $0x400, $0x38;
	[tilespmem:$0x18700] =	vst v63  }
0xa5: {  	s21 =	sadd.s32 $0x1E8500, s15  }
0xa6: {  	[tilespmem:s30], [sflag:$0x1] =	stream.linear.gather [hbm4b:s21+s4], $0x400, $0x38;
	[tilespmem:$0x18700] =	vst v63  }
0xa7: {  	s22 =	sadd.s32 $0x1E8500, s16  }
0xa8: {  	[tilespmem:s31], [sflag:$0x1] =	stream.linear.gather [hbm4b:s22+s4], $0x400, $0x38;
	[tilespmem:$0x18700] =	vst v63  }
.Ltmp2:
0xa9: {  	_ = 	snop;
	(pc) =	sbr.rel .LBB2_2-.Ltmp2, $4  }
0xaa: {  	s17 =	simm.s32 $0x0;
	s18 =	simm.s32 $0x0;
	s15 =	sadd.s32 $0x2DC780, s15  }
0xab: {  	[tilespmem:s0], [sflag:$0x1] =	stream.linear.gather [hbm4b:s15+s4], $0x400, $0x38;
	[tilespmem:$0x18700] =	vst v63  }
0xac: {  	s23 =	sadd.s32 $0x2DC780, s16;
	s16 =	simm.s32 $0x288;
	s15 =	simm.s32 $0x8  }
0xad: {  	v3 =	vimm.f32 $0.0e+00;
	[tilespmem:s3], [sflag:$0x1] =	stream.linear.gather [hbm4b:s23+s4], $0x400, $0x38;
	[tilespmem:$0x18700] =	vst v63  }
.LBB2_4:
0xae: {  	_ =	swait.ge [sflag:s10], $0x1000  }
0xaf: {  	[sflag:s10] =	ssyncset.done $0x0  }
0xb0: {  	[sflag:s10] =	ssyncadd.s32 $0xFFFFF000  }
0xb1: {  	_ =	swait.ge [sflag:s10], $0x1000  }
0xb2: {  	[sflag:s10] =	ssyncset.done $0x0  }
0xb3: {  	[sflag:s10] =	ssyncadd.s32 $0xFFFFF000  }
0xb4: {  	_ =	swait.ge [sflag:s10], $0x1000  }
0xb5: {  	[sflag:s10] =	ssyncset.done $0x0  }
0xb6: {  	[sflag:s10] =	ssyncadd.s32 $0xFFFFF000  }
0xb7: {  	_ =	swait.ge [sflag:s10], $0x1000  }
0xb8: {  	[sflag:s10] =	ssyncset.done $0x0  }
0xb9: {  	[sflag:s10] =	ssyncadd.s32 $0xFFFFF000  }
0xba: {  	_ =	swait.ge [sflag:s10], $0x1000  }
0xbb: {  	[sflag:s10] =	ssyncset.done $0x0  }
0xbc: {  	[sflag:s10] =	ssyncadd.s32 $0xFFFFF000  }
0xbd: {  	_ =	swait.ge [sflag:s10], $0x1000  }
0xbe: {  	[sflag:s10] =	ssyncset.done $0x0  }
0xbf: {  	[sflag:s10] =	ssyncadd.s32 $0xFFFFF000  }
0xc0: {  	_ =	swait.ge [sflag:s10], $0x1000  }
0xc1: {  	[sflag:s10] =	ssyncset.done $0x0  }
0xc2: {  	s19 =	smul.u32 $0xAB, s18;
	[sflag:s10] =	ssyncadd.s32 $0xFFFFF000  }
0xc3: {  	s20 =	sand.u32 $0x3, s18;
	_ =	swait.ge [sflag:s10], $0x1000  }
0xc4: {  	s21 =	sshll.u32 s20, $0x2;
	s19 =	sshrl.u32 s19, $0x9;
	[sflag:s10] =	ssyncset.done $0x0  }
0xc5: {  	v4 =	vmov s21;
	s22 =	smul.u32 $0x3, s19;
	s19 =	sand.u32 $0x1F0, s17;
	[sflag:s10] =	ssyncadd.s32 $0xFFFFF000  }
0xc6: {  	v4 =	vsub.s32 v0, v4;
	v5 =	vld [tilespmem:s19+$0x0]  }
0xc7: {  	vm0 =	vgt.s32 v4, $0x0;
	s23 =	ssub.s32 s18, s22;
	v7 =	vld [tilespmem:s19+$0x280]  }
0xc8: {  	v4 =	vnsel vm0, $0x0, v4;
	s21 =	sshll.u32 s23, $0x2  }
0xc9: {  	v4 =	vmin.u32 v4, $0x3;
	s21 =	sand.u32 $0xFC, s21  }
0xca: {  	v4 =	vor.u32 s21, v4  }
0xcb: {  	v6 =	vshll.u32 v4, $0xC;
	v5 =	vand.u32 $0x7F, v5  }
0xcc: {  	v4 =	vand.u32 $0x7F, v7;
	v23 =	vor.u32 v6, v5  }
0xcd: {  	v9 =	vor.u32 $0x80, v6;
	v8 =	vor.u32 v6, v4  }
0xce: {  	v10 =	vor.u32 v9, v5  }
0xcf: {  	v11 =	vor.u32 $0x100, v6;
	v9 =	vor.u32 v9, v4  }
0xd0: {  	v12 =	vor.u32 v11, v5  }
0xd1: {  	v13 =	vor.u32 $0x180, v6;
	v11 =	vor.u32 v11, v4;
	v7 =	vld.idx.msk [tilespmem:v23+s11+$0x0], $0xffff  }
0xd2: {  	v14 =	vor.u32 v13, v5;
	v8 =	vld.idx.msk [tilespmem:v8+s12+$0x0], $0xffff  }
0xd3: {  	v15 =	vor.u32 $0x200, v6;
	v13 =	vor.u32 v13, v4;
	v10 =	vld.idx.msk [tilespmem:v10+s11+$0x0], $0xffff  }
0xd4: {  	v16 =	vor.u32 v15, v5;
	v9 =	vld.idx.msk [tilespmem:v9+s12+$0x0], $0xffff  }
0xd5: {  	v17 =	vor.u32 $0x280, v6;
	v15 =	vor.u32 v15, v4;
	v12 =	vld.idx.msk [tilespmem:v12+s11+$0x0], $0xffff  }
0xd6: {  	v25 =	vor.u32 v17, v5;
	v11 =	vld.idx.msk [tilespmem:v11+s12+$0x0], $0xffff  }
0xd7: {  	v18 =	vor.u32 $0x300, v6;
	v19 =	vor.u32 $0x380, v6;
	v17 =	vor.u32 v17, v4;
	v24 =	vld.idx.msk [tilespmem:v14+s11+$0x0], $0xffff  }
0xd8: {  	v26 =	vor.u32 v18, v5;
	v18 =	vor.u32 v18, v4;
	v13 =	vld.idx.msk [tilespmem:v13+s12+$0x0], $0xffff;
	v7 =	vmul.f32 v8, v7  }
0xd9: {  	v30 =	vor.u32 v19, v4;
	v16 =	vld.idx.msk [tilespmem:v16+s11+$0x0], $0xffff  }
0xda: {  	v31 =	vor.u32 $0x400, v6;
	v28 =	vld.idx.msk [tilespmem:v15+s12+$0x0], $0xffff;
	v9 =	vmul.f32 v9, v10;
	v7 =	vadd.f32 $0.0e+00, v7  }
0xdb: {  	v33 =	vor.u32 v31, v5;
	v14 =	vld.idx.msk [tilespmem:v25+s11+$0x0], $0xffff  }
0xdc: {  	v29 =	vor.u32 v19, v5;
	v32 =	vld.idx.msk [tilespmem:v17+s12+$0x0], $0xffff;
	v27 =	vmul.f32 v11, v12;
	v7 =	vadd.f32 v9, v7  }
0xdd: {  	v35 =	vor.u32 $0x480, v6;
	v39 =	vor.u32 $0x500, v6;
	v34 =	vor.u32 v31, v4;
	v36 =	vld.idx.msk [tilespmem:v18+s12+$0x0], $0xffff  }
0xde: {  	v37 =	vor.u32 v35, v5;
	v15 =	vld.idx.msk [tilespmem:v30+s12+$0x0], $0xffff;
	v8 =	vmul.f32 v13, v24;
	v7 =	vadd.f32 v27, v7  }
0xdf: {  	v59 =	vor.u32 $0x780, v6;
	v20 =	vor.u32 v39, v5;
	v10 =	vld.idx.msk [tilespmem:v26+s11+$0x0], $0xffff  }
0xe0: {  	v38 =	vor.u32 v35, v4;
	v40 =	vld.idx.msk [tilespmem:v33+s11+$0x0], $0xffff;
	v11 =	vmul.f32 v28, v16;
	v7 =	vadd.f32 v8, v7  }
0xe1: {  	v43 =	vor.u32 $0x580, v6;
	v62 =	vor.u32 v59, v5;
	v12 =	vld.idx.msk [tilespmem:v29+s11+$0x0], $0xffff  }
0xe2: {  	v41 =	vor.u32 v39, v4;
	v42 =	vld.idx.msk [tilespmem:v34+s12+$0x0], $0xffff;
	v9 =	vmul.f32 v32, v14;
	v7 =	vadd.f32 v11, v7  }
0xe3: {  	v46 =	vor.u32 $0x600, v6;
	v44 =	vld.idx.msk [tilespmem:v37+s11+$0x0], $0xffff;
	v17 =	vor.u32 v43, v4  }
0xe4: {  	v45 =	vor.u32 v43, v5;
	v48 =	vld.idx.msk [tilespmem:v20+s11+$0x0], $0xffff;
	v8 =	vmul.f32 v36, v10;
	v7 =	vadd.f32 v9, v7  }
0xe5: {  	v50 =	vor.u32 $0x680, v6;
	v18 =	vor.u32 v46, v4;
	v16 =	vld.idx.msk [tilespmem:v38+s12+$0x0], $0xffff  }
0xe6: {  	v49 =	vor.u32 v46, v5;
	v31 =	vld.idx.msk [tilespmem:v62+s11+$0x0], $0xffff;
	v47 =	vmul.f32 v15, v12;
	v7 =	vadd.f32 v8, v7  }
0xe7: {  	v54 =	vor.u32 $0x700, v6;
	v53 =	vor.u32 v50, v4;
	v13 =	vld.idx.msk [tilespmem:v41+s12+$0x0], $0xffff  }
0xe8: {  	v52 =	vor.u32 v50, v5;
	v51 =	vmul.f32 v42, v40;
	v56 =	vld.idx.msk [tilespmem:v17+s12+$0x0], $0xffff;
	v7 =	vadd.f32 v47, v7  }
0xe9: {  	v57 =	vor.u32 v54, v5;
	v10 =	vld.idx.msk [tilespmem:v45+s11+$0x0], $0xffff  }
0xea: {  	v58 =	vor.u32 v54, v4;
	v61 =	vld.idx.msk [tilespmem:v18+s12+$0x0], $0xffff;
	v55 =	vmul.f32 v16, v44;
	v7 =	vadd.f32 v51, v7  }
0xeb: {  	v63 =	vor.u32 v59, v4;
	v15 =	vld.idx.msk [tilespmem:v49+s11+$0x0], $0xffff  }
0xec: {  	v23 =	vor.u32 $0x800, v6;
	v24 =	vld.idx.msk [tilespmem:v53+s12+$0x0], $0xffff;
	v60 =	vmul.f32 v13, v48;
	v7 =	vadd.f32 v55, v7  }
0xed: {  	v25 =	vor.u32 v23, v5;
	v28 =	vor.u32 $0x880, v6;
	v11 =	vld.idx.msk [tilespmem:v52+s11+$0x0], $0xffff  }
0xee: {  	v26 =	vld.idx.msk [tilespmem:v57+s11+$0x0], $0xffff;
	v27 =	vor.u32 v23, v4;
	v9 =	vmul.f32 v56, v10;
	v7 =	vadd.f32 v60, v7  }
0xef: {  	v34 =	vor.u32 $0x900, v6;
	v17 =	vld.idx.msk [tilespmem:v58+s12+$0x0], $0xffff;
	v29 =	vor.u32 v28, v5  }
0xf0: {  	v33 =	vld.idx.msk [tilespmem:v63+s12+$0x0], $0xffff;
	v32 =	vor.u32 v28, v4;
	v30 =	vmul.f32 v61, v15;
	v7 =	vadd.f32 v9, v7  }
0xf1: {  	v39 =	vor.u32 $0x980, v6;
	v38 =	vor.u32 v34, v4  }
0xf2: {  	v35 =	vld.idx.msk [tilespmem:v25+s11+$0x0], $0xffff;
	v36 =	vor.u32 v34, v5;
	v8 =	vmul.f32 v24, v11;
	v7 =	vadd.f32 v30, v7  }
0xf3: {  	v43 =	vor.u32 $0xA00, v6;
	v42 =	vor.u32 v39, v5;
	v37 =	vld.idx.msk [tilespmem:v27+s12+$0x0], $0xffff  }
0xf4: {  	v18 =	vor.u32 v39, v4;
	v40 =	vmul.f32 v17, v26;
	v41 =	vld.idx.msk [tilespmem:v29+s11+$0x0], $0xffff;
	v7 =	vadd.f32 v8, v7  }
0xf5: {  	v46 =	vor.u32 v43, v4;
	v44 =	vmul.f32 v33, v31;
	v13 =	vld.idx.msk [tilespmem:v32+s12+$0x0], $0xffff  }
0xf6: {  	v49 =	vld.idx.msk [tilespmem:v38+s12+$0x0], $0xffff;
	v45 =	vor.u32 v43, v5;
	v47 =	vor.u32 $0xA80, v6;
	v7 =	vadd.f32 v40, v7  }
0xf7: {  	v53 =	vor.u32 $0xB00, v6;
	v11 =	vld.idx.msk [tilespmem:v36+s11+$0x0], $0xffff;
	v50 =	vor.u32 v47, v5  }
0xf8: {  	v48 =	vmul.f32 v37, v35;
	v52 =	vor.u32 v47, v4;
	v51 =	vld.idx.msk [tilespmem:v42+s11+$0x0], $0xffff;
	v7 =	vadd.f32 v44, v7  }
0xf9: {  	v58 =	vor.u32 $0xB80, v6;
	v57 =	vor.u32 v53, v4;
	v55 =	vld.idx.msk [tilespmem:v18+s12+$0x0], $0xffff  }
0xfa: {  	v59 =	vld.idx.msk [tilespmem:v46+s12+$0x0], $0xffff;
	v56 =	vor.u32 v53, v5;
	v54 =	vmul.f32 v13, v41;
	v7 =	vadd.f32 v48, v7  }
0xfb: {  	v63 =	vor.u32 $0xC00, v6;
	v62 =	vor.u32 v58, v4;
	v12 =	vld.idx.msk [tilespmem:v45+s11+$0x0], $0xffff  }
0xfc: {  	v60 =	vor.u32 v58, v5;
	v61 =	vld.idx.msk [tilespmem:v50+s11+$0x0], $0xffff;
	v9 =	vmul.f32 v49, v11;
	v7 =	vadd.f32 v54, v7  }
0xfd: {  	v29 =	vor.u32 $0xC80, v6;
	v27 =	vor.u32 v63, v4;
	v17 =	vld.idx.msk [tilespmem:v52+s12+$0x0], $0xffff  }
0xfe: {  	v28 =	vld.idx.msk [tilespmem:v57+s12+$0x0], $0xffff;
	v24 =	vor.u32 v63, v5;
	v25 =	vmul.f32 v55, v51;
	v7 =	vadd.f32 v9, v7  }
0xff: {  	v33 =	vor.u32 $0xD00, v6;
	v32 =	vor.u32 v29, v4;
	v26 =	vld.idx.msk [tilespmem:v56+s11+$0x0], $0xffff  }
0x100: {  	v14 =	vld.idx.msk [tilespmem:v62+s12+$0x0], $0xffff;
	v31 =	vor.u32 v29, v5;
	v8 =	vmul.f32 v59, v12;
	v7 =	vadd.f32 v25, v7  }
0x101: {  	v36 =	vor.u32 v33, v5;
	v37 =	vor.u32 $0xD80, v6;
	v30 =	vld.idx.msk [tilespmem:v60+s11+$0x0], $0xffff  }
0x102: {  	v13 =	vld.idx.msk [tilespmem:v27+s12+$0x0], $0xffff;
	v18 =	vor.u32 v33, v4;
	v34 =	vmul.f32 v17, v61;
	v7 =	vadd.f32 v8, v7  }
0x103: {  	v41 =	vor.u32 $0xE00, v6;
	v39 =	vor.u32 v37, v5;
	v35 =	vld.idx.msk [tilespmem:v24+s11+$0x0], $0xffff  }
0x104: {  	v43 =	vld.idx.msk [tilespmem:v32+s12+$0x0], $0xffff;
	v38 =	vmul.f32 v28, v26;
	v40 =	vor.u32 v37, v4;
	v7 =	vadd.f32 v34, v7  }
0x105: {  	v46 =	vor.u32 v41, v4;
	v47 =	vor.u32 $0xE80, v6;
	v12 =	vld.idx.msk [tilespmem:v31+s11+$0x0], $0xffff  }
0x106: {  	v45 =	vld.idx.msk [tilespmem:v36+s11+$0x0], $0xffff;
	v42 =	vmul.f32 v14, v30;
	v44 =	vor.u32 v41, v5;
	v7 =	vadd.f32 v38, v7  }
0x107: {  	v50 =	vor.u32 v47, v5;
	v52 =	vor.u32 $0xF00, v6;
	v49 =	vld.idx.msk [tilespmem:v18+s12+$0x0], $0xffff  }
0x108: {  	v10 =	vld.idx.msk [tilespmem:v39+s11+$0x0], $0xffff;
	v51 =	vor.u32 v47, v4;
	v48 =	vmul.f32 v13, v35;
	v7 =	vadd.f32 v42, v7  }
0x109: {  	v6 =	vor.u32 $0xF80, v6;
	v56 =	vor.u32 v52, v4;
	v53 =	vld.idx.msk [tilespmem:v40+s12+$0x0], $0xffff  }
0x10a: {  	v17 =	vld.idx.msk [tilespmem:v46+s12+$0x0], $0xffff;
	v54 =	vor.u32 v52, v5;
	v9 =	vmul.f32 v43, v12;
	v7 =	vadd.f32 v48, v7  }
0x10b: {  	v4 =	vor.u32 v6, v4;
	v55 =	vld.idx.msk [tilespmem:v44+s11+$0x0], $0xffff  }
0x10c: {  	v58 =	vld.idx.msk [tilespmem:v50+s11+$0x0], $0xffff;
	v57 =	vmul.f32 v49, v45;
	v5 =	vor.u32 v6, v5;
	v7 =	vadd.f32 v9, v7  }
0x10d: {  	v59 =	vld.idx.msk [tilespmem:v51+s12+$0x0], $0xffff  }
0x10e: {  	v61 =	vld.idx.msk [tilespmem:v56+s12+$0x0], $0xffff;
	v8 =	vmul.f32 v53, v10;
	v7 =	vadd.f32 v57, v7  }
0x10f: {  	v60 =	vld.idx.msk [tilespmem:v54+s11+$0x0], $0xffff  }
0x110: {  	v4 =	vld.idx.msk [tilespmem:v4+s12+$0x0], $0xffff;
	v62 =	vmul.f32 v17, v55;
	v7 =	vadd.f32 v8, v7  }
0x111: {  	v5 =	vld.idx.msk [tilespmem:v5+s11+$0x0], $0xffff  }
0x112: {  	v6 =	vmul.f32 v59, v58;
	v7 =	vadd.f32 v62, v7;
	_ =	sdelay $0x1  }
0x113: {  	v63 =	vmul.f32 v61, v60;
	v6 =	vadd.f32 v6, v7;
	_ =	sdelay $0x1  }
0x114: {  	v4 =	vmul.f32 v4, v5;
	v6 =	vadd.f32 v63, v6;
	_ =	sdelay $0x1  }
0x115: {  	v5 =	vmov s20;
	v4 =	vadd.f32 v4, v6  }
0x116: {  	vm15 =	veq.s32 v5, v2  }
0x117: {  	p0 =	sne.s32 s20, $0x3;
	v3 =	vsel vm15, v4, v3  }
0x118: {  	v4 =	vsub.f32 @!p0 $0.0e+00, v3;
	_ =	sdelay $0x1  }
0x119: {  	v4 =	vmul.f32 @!p0 $1.442695020e+00, v4;
	_ =	sdelay $0x1  }
0x11a: {  	(erf) = vpow2.f32 @!p0 v4;
	_ =	sdelay $0x8  }
0x11b: {  	v4 =	vpop @!p0 (erf)  }
0x11c: {  	v4 =	vadd.f32 @!p0 $1.000000000e+00, v4;
	_ =	sdelay $0x1  }
0x11d: {  	(erf) = vrcp.f32 @!p0 v4;
	_ =	sdelay $0x3  }
0x11e: {  	s18 =	sadd.s32 $0x1, s18  }
0x11f: {  	p1 =	sne.s32 s18, $0x80  }
.Ltmp3:
0x120: {  	_ = 	snop;
	(pc) =	sbr.rel @!p1 .LBB2_5-.Ltmp3, $3  }
0x121: {  	_ =	sdelay $0x1  }
0x122: {  	v4 =	vpop @!p0 (erf)  }
0x123: {  	s15 =	sadd.s32 $0x4, s15;
	s16 =	sadd.s32 $0x4, s16;
	s17 =	sadd.s32 $0x4, s17;
	[tilespmem:s19+$0x18500] =	vst @!p0 v4  }
.LBB2_2:
0x124: {  	p0 =	sgt.u32 s18, $0x7D  }
.Ltmp4:
0x125: {  	_ = 	snop;
	(pc) =	sbr.rel @p0 .LBB2_4-.Ltmp4, $1  }
0x126: {  	_ =	sdelay $0x3  }
0x127: {  	v4 =	vld [tilespmem:s15+$0x0]  }
0x128: {  	v5 =	vld [tilespmem:s16+$0x0];
	_ =	sdelay $0x3  }
0x129: {  	(v2sf) =	vpush v4, $0x0  }
0x12a: {  	(v2sf) =	vpush v5, $0x0;
	_ =	sdelay $0x5  }
0x12b: {  	s19 =	sadd.s32 $0x2, s18  }
0x12c: {  	s20 =	smul.u32 $0xAB, s19;
	_ =	sdelay $0x1  }
0x12d: {  	s20 =	sshrl.u32 s20, $0x9  }
0x12e: {  	s20 =	sand.u32 $0x7F, s20  }
0x12f: {  	s20 =	smul.u32 $0x3, s20;
	_ =	sdelay $0x1  }
0x130: {  	s19 =	ssub.s32 s19, s20  }
0x131: {  	s19 =	sand.u32 $0xFF, s19;
	s21 =	spop (v2sf)  }
0x132: {  	s19 =	sshll.u32 s19, $0xE;
	s20 =	sand.u32 $0xFFFFF80, s21;
	s22 =	spop (v2sf)  }
0x133: {  	s21 =	sor.u32 $0x500, s19;
	s20 =	sadd.s32 s1, s20;
	s22 =	sand.u32 $0xFFFFF80, s22  }
0x134: {  	(v2sf) =	vpush v4, $0x1;
	[tilespmem:s21], [sflag:$0x1] =	stream.linear.gather [hbm4b:s20+s4], $0x400, $0x38;
	[tilespmem:$0x18700] =	vst v63  }
0x135: {  	s23 =	sadd.s32 $0xC500, s19;
	s21 =	sadd.s32 s2, s22  }
0x136: {  	(v2sf) =	vpush v5, $0x1;
	[tilespmem:s23], [sflag:$0x1] =	stream.linear.gather [hbm4b:s21+s4], $0x400, $0x38;
	[tilespmem:$0x18700] =	vst v63  }
0x137: {  	s22 =	sor.u32 $0x900, s19;
	s23 =	sadd.s32 $0xF4280, s20  }
0x138: {  	[tilespmem:s22], [sflag:$0x1] =	stream.linear.gather [hbm4b:s23+s4], $0x400, $0x38;
	[tilespmem:$0x18700] =	vst v63  }
0x139: {  	s22 =	sadd.s32 $0xC900, s19;
	s23 =	sadd.s32 $0xF4280, s21  }
0x13a: {  	[tilespmem:s22], [sflag:$0x1] =	stream.linear.gather [hbm4b:s23+s4], $0x400, $0x38;
	[tilespmem:$0x18700] =	vst v63  }
0x13b: {  	s22 =	sor.u32 $0xD00, s19;
	s23 =	sadd.s32 $0x1E8500, s20  }
0x13c: {  	[tilespmem:s22], [sflag:$0x1] =	stream.linear.gather [hbm4b:s23+s4], $0x400, $0x38;
	[tilespmem:$0x18700] =	vst v63  }
0x13d: {  	s22 =	sadd.s32 $0xCD00, s19;
	s23 =	sadd.s32 $0x1E8500, s21  }
0x13e: {  	[tilespmem:s22], [sflag:$0x1] =	stream.linear.gather [hbm4b:s23+s4], $0x400, $0x38;
	[tilespmem:$0x18700] =	vst v63  }
0x13f: {  	s20 =	sadd.s32 $0x2DC780, s20;
	s23 =	sor.u32 $0x1100, s19  }
0x140: {  	[tilespmem:s23], [sflag:$0x1] =	stream.linear.gather [hbm4b:s20+s4], $0x400, $0x38;
	[tilespmem:$0x18700] =	vst v63  }
0x141: {  	s21 =	sadd.s32 $0x2DC780, s21;
	s23 =	sadd.s32 $0xD100, s19  }
0x142: {  	[tilespmem:s23], [sflag:$0x1] =	stream.linear.gather [hbm4b:s21+s4], $0x400, $0x38;
	[tilespmem:$0x18700] =	vst v63  }
0x143: {  	s21 =	spop (v2sf)  }
0x144: {  	s20 =	sand.u32 $0xFFFFF80, s21  }
0x145: {  	s22 =	sor.u32 $0x1500, s19;
	s23 =	spop (v2sf);
	s20 =	sadd.s32 s1, s20  }
0x146: {  	[tilespmem:s22], [sflag:$0x1] =	stream.linear.gather [hbm4b:s20+s4], $0x400, $0x38;
	[tilespmem:$0x18700] =	vst v63  }
0x147: {  	(v2sf) =	vpush v4, $0x2;
	s22 =	sand.u32 $0xFFFFF80, s23  }
0x148: {  	s23 =	sadd.s32 $0xD500, s19;
	s21 =	sadd.s32 s2, s22  }
0x149: {  	(v2sf) =	vpush v5, $0x2;
	[tilespmem:s23], [sflag:$0x1] =	stream.linear.gather [hbm4b:s21+s4], $0x400, $0x38;
	[tilespmem:$0x18700] =	vst v63  }
0x14a: {  	s22 =	sor.u32 $0x1900, s19;
	s23 =	sadd.s32 $0xF4280, s20  }
0x14b: {  	[tilespmem:s22], [sflag:$0x1] =	stream.linear.gather [hbm4b:s23+s4], $0x400, $0x38;
	[tilespmem:$0x18700] =	vst v63  }
0x14c: {  	s22 =	sadd.s32 $0xD900, s19;
	s23 =	sadd.s32 $0xF4280, s21  }
0x14d: {  	[tilespmem:s22], [sflag:$0x1] =	stream.linear.gather [hbm4b:s23+s4], $0x400, $0x38;
	[tilespmem:$0x18700] =	vst v63  }
0x14e: {  	s22 =	sor.u32 $0x1D00, s19;
	s23 =	sadd.s32 $0x1E8500, s20  }
0x14f: {  	[tilespmem:s22], [sflag:$0x1] =	stream.linear.gather [hbm4b:s23+s4], $0x400, $0x38;
	[tilespmem:$0x18700] =	vst v63  }
0x150: {  	s22 =	sadd.s32 $0xDD00, s19;
	s23 =	sadd.s32 $0x1E8500, s21  }
0x151: {  	[tilespmem:s22], [sflag:$0x1] =	stream.linear.gather [hbm4b:s23+s4], $0x400, $0x38;
	[tilespmem:$0x18700] =	vst v63  }
0x152: {  	s20 =	sadd.s32 $0x2DC780, s20;
	s23 =	sor.u32 $0x2100, s19  }
0x153: {  	[tilespmem:s23], [sflag:$0x1] =	stream.linear.gather [hbm4b:s20+s4], $0x400, $0x38;
	[tilespmem:$0x18700] =	vst v63  }
0x154: {  	s21 =	sadd.s32 $0x2DC780, s21;
	s23 =	sadd.s32 $0xE100, s19  }
0x155: {  	[tilespmem:s23], [sflag:$0x1] =	stream.linear.gather [hbm4b:s21+s4], $0x400, $0x38;
	[tilespmem:$0x18700] =	vst v63  }
0x156: {  	s21 =	spop (v2sf)  }
0x157: {  	s20 =	sand.u32 $0xFFFFF80, s21  }
0x158: {  	s22 =	sor.u32 $0x2500, s19;
	(v2sf) =	vpush v4, $0x3;
	s23 =	spop (v2sf);
	s20 =	sadd.s32 s1, s20  }
0x159: {  	[tilespmem:s22], [sflag:$0x1] =	stream.linear.gather [hbm4b:s20+s4], $0x400, $0x38;
	[tilespmem:$0x18700] =	vst v63  }
0x15a: {  	s22 =	sand.u32 $0xFFFFF80, s23  }
0x15b: {  	(v2sf) =	vpush v5, $0x3;
	s23 =	sadd.s32 $0xE500, s19;
	s21 =	sadd.s32 s2, s22  }
0x15c: {  	[tilespmem:s23], [sflag:$0x1] =	stream.linear.gather [hbm4b:s21+s4], $0x400, $0x38;
	[tilespmem:$0x18700] =	vst v63  }
0x15d: {  	s22 =	sor.u32 $0x2900, s19;
	s23 =	sadd.s32 $0xF4280, s20  }
0x15e: {  	[tilespmem:s22], [sflag:$0x1] =	stream.linear.gather [hbm4b:s23+s4], $0x400, $0x38;
	[tilespmem:$0x18700] =	vst v63  }
0x15f: {  	s22 =	sadd.s32 $0xE900, s19;
	s23 =	sadd.s32 $0xF4280, s21  }
0x160: {  	[tilespmem:s22], [sflag:$0x1] =	stream.linear.gather [hbm4b:s23+s4], $0x400, $0x38;
	[tilespmem:$0x18700] =	vst v63  }
0x161: {  	s22 =	sor.u32 $0x2D00, s19;
	s23 =	sadd.s32 $0x1E8500, s20  }
0x162: {  	[tilespmem:s22], [sflag:$0x1] =	stream.linear.gather [hbm4b:s23+s4], $0x400, $0x38;
	[tilespmem:$0x18700] =	vst v63  }
0x163: {  	s22 =	sadd.s32 $0xED00, s19;
	s23 =	sadd.s32 $0x1E8500, s21  }
0x164: {  	[tilespmem:s22], [sflag:$0x1] =	stream.linear.gather [hbm4b:s23+s4], $0x400, $0x38;
	[tilespmem:$0x18700] =	vst v63  }
0x165: {  	s20 =	sadd.s32 $0x2DC780, s20;
	s23 =	sor.u32 $0x3100, s19  }
0x166: {  	[tilespmem:s23], [sflag:$0x1] =	stream.linear.gather [hbm4b:s20+s4], $0x400, $0x38;
	[tilespmem:$0x18700] =	vst v63  }
0x167: {  	s21 =	sadd.s32 $0x2DC780, s21;
	s20 =	spop (v2sf)  }
0x168: {  	s23 =	sadd.s32 $0xF100, s19;
	s20 =	sand.u32 $0xFFFFF80, s20  }
0x169: {  	[tilespmem:s23], [sflag:$0x1] =	stream.linear.gather [hbm4b:s21+s4], $0x400, $0x38;
	[tilespmem:$0x18700] =	vst v63  }
0x16a: {  	s22 =	sor.u32 $0x3500, s19;
	s23 =	spop (v2sf);
	s20 =	sadd.s32 s1, s20  }
0x16b: {  	[tilespmem:s22], [sflag:$0x1] =	stream.linear.gather [hbm4b:s20+s4], $0x400, $0x38;
	[tilespmem:$0x18700] =	vst v63  }
0x16c: {  	s22 =	sand.u32 $0xFFFFF80, s23  }
0x16d: {  	s23 =	sadd.s32 $0xF500, s19;
	s21 =	sadd.s32 s2, s22  }
0x16e: {  	[tilespmem:s23], [sflag:$0x1] =	stream.linear.gather [hbm4b:s21+s4], $0x400, $0x38;
	[tilespmem:$0x18700] =	vst v63  }
0x16f: {  	s22 =	sor.u32 $0x3900, s19;
	s23 =	sadd.s32 $0xF4280, s20  }
0x170: {  	[tilespmem:s22], [sflag:$0x1] =	stream.linear.gather [hbm4b:s23+s4], $0x400, $0x38;
	[tilespmem:$0x18700] =	vst v63  }
0x171: {  	s22 =	sadd.s32 $0xF900, s19;
	s23 =	sadd.s32 $0xF4280, s21  }
0x172: {  	[tilespmem:s22], [sflag:$0x1] =	stream.linear.gather [hbm4b:s23+s4], $0x400, $0x38;
	[tilespmem:$0x18700] =	vst v63  }
0x173: {  	s22 =	sor.u32 $0x3D00, s19;
	s23 =	sadd.s32 $0x1E8500, s20  }
0x174: {  	[tilespmem:s22], [sflag:$0x1] =	stream.linear.gather [hbm4b:s23+s4], $0x400, $0x38;
	[tilespmem:$0x18700] =	vst v63  }
0x175: {  	s22 =	sadd.s32 $0xFD00, s19;
	s23 =	sadd.s32 $0x1E8500, s21  }
0x176: {  	[tilespmem:s22], [sflag:$0x1] =	stream.linear.gather [hbm4b:s23+s4], $0x400, $0x38;
	[tilespmem:$0x18700] =	vst v63  }
.Ltmp5:
0x177: {  	_ = 	snop;
	(pc) =	sbr.rel .LBB2_4-.Ltmp5, $4  }
0x178: {  	s20 =	sadd.s32 $0x2DC780, s20;
	s23 =	sadd.s32 $0x4100, s19  }
0x179: {  	[tilespmem:s23], [sflag:$0x1] =	stream.linear.gather [hbm4b:s20+s4], $0x400, $0x38;
	[tilespmem:$0x18700] =	vst v63  }
0x17a: {  	s19 =	sor.u32 $0x10100, s19;
	s23 =	sadd.s32 $0x2DC780, s21  }
0x17b: {  	[tilespmem:s19], [sflag:$0x1] =	stream.linear.gather [hbm4b:s23+s4], $0x400, $0x38;
	[tilespmem:$0x18700] =	vst v63  }
.LBB2_6:
0x17c: {  	_ =	sfence.sel $0x180000  }
0x17d: {  	[bflag:$0x0] =	sbarrier.arrive $0xFFFF  }
0x17e: {  	_ =	strace $0x90000047  }
0x17f: {  	s0 =	stileid.u32;
	[bflag:$0x2] =	sbarrier.arrive $0xFFFF  }
0x180: {  	p0 =	sne.s32 s0, $0x0;
	s0 =	rddreg [dreg:$0x5]  }
0x181: {  	s0 =	sadd.s32 @!p0 $0x100000, s0  }
0x182: {  	[sflag:s0] =	ssyncadd.tile.s32 @!p0 $0x1;
	_ =	shalt  }
.Lfunc_end2:
_tile_overlayer_lowered:
.L_overlay_start_2:
0x183: {  	(tag) =	ssettag $0x2  }
0x184: {  	s0 =	rddreg [dreg:$0x0];
	s2 =	stileid.u32  }
0x185: {  	s1 =	rddreg [dreg:$0x1];
	p0 =	sne.s32 s2, $0x0  }
0x186: {  	s3 =	rddreg [dreg:$0x2];
	[bflag:$0x3] =	sbarrier.arrive $0xFFFF;
	s2 =	simm.s32 @!p0 $0x1C02  }
0x187: {  	[timem:s3], [sflag:s2] =	dma.local @!p0 [hbm:s0], s1  }
0x188: {  	s0 =	simm.s32 @!p0 $0x2  }
0x189: {  	_ =	swait.ge @!p0 [sflag:s0], s1  }
0x18a: {  	s1 =	ssub.s32 @!p0 $0x0, s1;
	[sflag:s0] =	ssyncset.done @!p0 $0x0  }
0x18b: {  	[sflag:s0] =	ssyncadd.s32 @!p0 s1  }
0x18c: {  	[bflag:$0x3] =	sbarrier.arrive $0xFFFF  }
0x18d: {  	_ =	shalt  }

</sc_bundles>
